<compile_context>
chip_gen: v7x
topology: tpu7x:2x2x1
jax: 0.10.2.dev20260603
libtpu: 0.0.44.dev20260713+nightly
codegen_flags: <defaults>
</compile_context>

<pallas_src>
import functools

import jax
import jax.numpy as jnp
from jax import lax
from jax.experimental import pallas as pl
from jax.experimental.pallas import tpu as pltpu
from jax.experimental.pallas import tpu_sc as plsc

NC = 2
NS = 16
L = 16
CHUNK = 20000
GV = 10
UN = 5
CAP = 16384
NEG = float("-inf")
IMAX = 2**31 - 1


def _topk16_sc(bsz, beam, vocab):
    row = beam * vocab
    total_chunks = row // CHUNK
    totaln = bsz * row
    mesh = plsc.VectorSubcoreMesh(core_axis_name="c", subcore_axis_name="s")

    @functools.partial(
        pl.kernel,
        mesh=mesh,
        compiler_params=pltpu.CompilerParams(
            needs_layout_passes=False, disable_bounds_checks=True),
        out_type=(
            jax.ShapeDtypeStruct((bsz, L), jnp.float32),
            jax.ShapeDtypeStruct((bsz, L), jnp.int32),
        ),
        scratch_types=[
            pltpu.VMEM((4 * CHUNK,), jnp.float32),
            pltpu.VMEM((beam * L,), jnp.float32),
            pltpu.VMEM((CAP,), jnp.float32),
            pltpu.VMEM((CAP,), jnp.int32),
            pltpu.VMEM((L,), jnp.float32),
            pltpu.VMEM((L,), jnp.int32),
            pltpu.SemaphoreType.DMA,
            pltpu.SemaphoreType.DMA,
            pltpu.SemaphoreType.DMA,
            pltpu.SemaphoreType.DMA,
        ],
    )
    def k(lp_hbm, bias_hbm, out_v_hbm, out_i_hbm,
          chunk2, biasv, cand_v, cand_i, obuf_v, obuf_i,
          sem0, sem1, sem2, sem3):
        wid = lax.axis_index("s") * NC + lax.axis_index("c")
        iota = lax.iota(jnp.int32, L)
        neg = jnp.full((L,), NEG, jnp.float32)
        zero_i = jnp.zeros((L,), jnp.int32)
        sems = [sem0, sem1, sem2, sem3]

        pltpu.sync_copy(bias_hbm.at[wid], biasv)

        def init_body(i, _):
            cand_v[pl.ds(i * L, L)] = neg
            return 0
        lax.fori_loop(0, CAP // L, init_body, 0)

        def cp(ci, b):
            start = jnp.minimum(wid * row + ci * CHUNK, totaln - CHUNK)
            return pltpu.async_copy(
                lp_hbm.at[pl.ds(pl.multiple_of(start, 8), CHUNK)],
                chunk2.at[pl.ds(b * CHUNK, CHUNK)], sems[b])

        def wait(b):
            pltpu.make_async_copy(
                lp_hbm.at[pl.ds(0, CHUNK)],
                chunk2.at[pl.ds(b * CHUNK, CHUNK)], sems[b]).wait()

        def chunk_compute(ci, b, m, offv, taus):
            wait(b)
            boff = pl.multiple_of((ci // (vocab // CHUNK)) * L, 8)
            bvec = biasv[pl.ds(boff, L)]

            def group_body(g, carry, b=b, bvec=bvec):
                m, offv, taus = carry
                gb = pl.multiple_of(b * CHUNK + g * (GV * L), 8)

                @plsc.parallel_loop(0, GV // UN, unroll=GV // UN,
                                    carry=(neg, neg, neg, neg))
                def scan_accs(t, accs, gb=gb):
                    base = pl.multiple_of(gb + t * (UN * L), 8)
                    accs = list(accs)
                    for u in range(UN):
                        accs[u % 4] = jnp.maximum(
                            accs[u % 4], chunk2[pl.ds(base + u * L, L)])
                    return tuple(accs)
                a0, a1, a2, a3 = scan_accs
                acc = jnp.maximum(jnp.maximum(a0, a1), jnp.maximum(a2, a3))
                m = jnp.maximum(m, acc + bvec)
                cnt = plsc.all_reduce_population_count(
                    acc >= (taus - bvec))[0]

                def do_filter(args, gb=gb, bvec=bvec, m=m, g=g):
                    off, _ = args
                    taus = jnp.full((L,), -jnp.max(-m), jnp.float32)
                    fb = ci * CHUNK + g * (GV * L)
                    idxv0 = jnp.full((L,), fb, jnp.int32) + iota

                    def fbdy(t, carry, gb=gb, bvec=bvec, taus=taus):
                        off, idxv = carry
                        base = pl.multiple_of(gb + t * (UN * L), 8)
                        for u in range(UN):
                            v = chunk2[pl.ds(base + u * L, L)] + bvec
                            anyb = plsc.all_reduce_population_count(
                                v >= taus) > 0
                            pos = jnp.minimum(off + iota, CAP - 1)
                            plsc.store_scatter(cand_v, [pos], v, mask=anyb)
                            plsc.store_scatter(cand_i, [pos], idxv, mask=anyb)
                            off = off + jnp.where(anyb, L, 0)
                            idxv = idxv + L
                        return (off, idxv)
                    off, _ = lax.fori_loop(0, GV // UN, fbdy, (off, idxv0))
                    return (off, taus)

                offv, taus = lax.cond(
                    cnt > 0, do_filter, lambda a: a, (offv, taus))
                return (m, offv, taus)

            return lax.fori_loop(
                0, CHUNK // (GV * L), group_body, (m, offv, taus))

        for w in range(3):
            cp(w, w)

        def quad_body(p, carry):
            m, offv, taus = carry
            for b in range(4):
                ci = 4 * p + b
                cp(ci + 3, (b + 3) % 4)
                m, offv, taus = chunk_compute(ci, b, m, offv, taus)
            return (m, offv, taus)
        m, offv, _ = lax.fori_loop(
            0, total_chunks // 4, quad_body,
            (neg, zero_i, neg))
        for w in range(3):
            wait(w)

        taus = jnp.full((L,), -jnp.max(-m), jnp.float32)
        nv = jnp.minimum((jnp.max(offv) + L - 1) // L, CAP // L)

        def comp_body(i, o2):
            v = cand_v[pl.ds(i * L, L)]
            ix = cand_i[pl.ds(i * L, L)]
            msk = v >= taus
            rank = jnp.cumsum(msk.astype(jnp.int32))
            pos = jnp.clip(o2 + rank - 1, 0, CAP - 1)
            plsc.store_scatter(cand_v, [pos], v, mask=msk)
            plsc.store_scatter(cand_i, [pos], ix, mask=msk)
            return o2 + plsc.all_reduce_population_count(msk)
        off2 = lax.fori_loop(0, nv, comp_body, zero_i)
        n2 = jnp.max(off2)
        nv2 = jnp.minimum((n2 + L - 1) // L, CAP // L)
        pm = (off2 + iota) < jnp.full((L,), nv2 * L, jnp.int32)
        ppos = jnp.minimum(off2 + iota, CAP - 1)
        plsc.store_scatter(cand_v, [ppos], neg, mask=pm)

        sel_v = neg
        sel_i = zero_i
        for t in range(L):
            def p1(i, mm):
                return jnp.maximum(mm, cand_v[pl.ds(i * L, L)])
            ss = jnp.full((L,), jnp.max(lax.fori_loop(0, nv2, p1, neg)),
                          jnp.float32)

            def p2(i, ii):
                v = cand_v[pl.ds(i * L, L)]
                ix = cand_i[pl.ds(i * L, L)]
                return jnp.minimum(ii, jnp.where(v == ss, ix, IMAX))
            imaxv = jnp.full((L,), IMAX, jnp.int32)
            isplat = jnp.full((L,), -jnp.max(-lax.fori_loop(0, nv2, p2, imaxv)),
                              jnp.int32)

            def p3(i, _):
                v = cand_v[pl.ds(i * L, L)]
                ix = cand_i[pl.ds(i * L, L)]
                cand_v[pl.ds(i * L, L)] = jnp.where(ix == isplat, neg, v)
                return 0
            lax.fori_loop(0, nv2, p3, 0)

            sel_v = jnp.where(iota == t, ss, sel_v)
            sel_i = jnp.where(iota == t, isplat, sel_i)

        obuf_v[...] = sel_v
        obuf_i[...] = sel_i
        pltpu.sync_copy(obuf_v, out_v_hbm.at[wid])
        pltpu.sync_copy(obuf_i, out_i_hbm.at[wid])

    return k


def kernel(lprobs, scores, step):
    bsz, beam, vocab = lprobs.shape
    bias = lax.dynamic_index_in_dim(scores, step - 1, axis=2, keepdims=False)
    bias_bcast = jnp.broadcast_to(
        bias[:, :, None], (bsz, beam, L)).reshape(bsz, beam * L)
    lp_flat = lprobs.reshape(bsz * beam * vocab)
    out_v, out_i = _topk16_sc(bsz, beam, vocab)(lp_flat, bias_bcast)
    return out_v, out_i % vocab, out_i // vocab

# --- scband reference (transcript-rebuilt; emitter-appended) ---
"""Pipeline reference for scband-sequence-generator-52278341927009 (READ-ONLY COPY).

The authoritative reference and input builder live on the scoring server;
editing this copy changes nothing except your own understanding.
"""

import jax, jax.numpy as jnp
import numpy as np

MC = 512


def setup_inputs(seed: int = 0) -> dict:
    key = jax.random.key(seed)
    k1, k2 = jax.random.split(key)
    lprobs = jax.random.normal(k1, (32, 8, 100000), dtype=jnp.float32)
    scores = jax.random.normal(k2, (32, 8, 200), dtype=jnp.float32)
    return {"lprobs": lprobs, "scores": scores, "step": 5}


def reference(lprobs, scores, step):
    bsz, beam_size, vocab_size = lprobs.shape
    # BeamSearch.step with step > 0: add cumulative beam scores
    lprobs = lprobs + scores[:, :, step - 1][:, :, None]
    # mc masking: keep only top-mc lprobs per (batch, beam), mask rest to -inf
    keep_lprobs, keep_idx = jax.lax.top_k(lprobs, MC)
    masked_lprobs = jnp.full(lprobs.shape, -jnp.inf, dtype=lprobs.dtype)
    b_idx = jnp.arange(bsz)[:, None, None]
    bm_idx = jnp.arange(beam_size)[None, :, None]
    masked_lprobs = masked_lprobs.at[b_idx, bm_idx, keep_idx].set(keep_lprobs)
    # top-2*beam over flattened (beam * vocab) candidates
    flat = masked_lprobs.reshape(bsz, beam_size * vocab_size)
    k = min(beam_size * 2, flat.shape[1] - 1)
    scores_buf, indices_buf = jax.lax.top_k(flat, k)
    beams_buf = indices_buf // vocab_size
    indices_buf = indices_buf % vocab_size
    return scores_buf, indices_buf, beams_buf

if __name__ == "__main__":
    import jax
    _d = setup_inputs()
    print(jax.jit(kernel)(*tuple(_d.values())))

</pallas_src>

<mosaic_0001>
#map = affine_map<(d0, d1) -> (0)>
#map1 = affine_map<(d0, d1) -> (0, 0)>
module attributes {stable_mosaic.version = 14 : i64} {
  func.func @k(%arg0: i32, %arg1: i32, %arg2: memref<25600000xf32, #tpu.memory_space<hbm>>, %arg3: memref<32x128xf32, #tpu.memory_space<hbm>>, %arg4: memref<32x16xf32, #tpu.memory_space<hbm>>, %arg5: memref<32x16xi32, #tpu.memory_space<hbm>>, %arg6: memref<80000xf32, #tpu.memory_space<vmem>>, %arg7: memref<128xf32, #tpu.memory_space<vmem>>, %arg8: memref<16384xf32, #tpu.memory_space<vmem>>, %arg9: memref<16384xi32, #tpu.memory_space<vmem>>, %arg10: memref<16xf32, #tpu.memory_space<vmem>>, %arg11: memref<16xi32, #tpu.memory_space<vmem>>, %arg12: memref<!tpu.dma_semaphore, #tpu.memory_space<semaphore_mem>>, %arg13: memref<!tpu.dma_semaphore, #tpu.memory_space<semaphore_mem>>, %arg14: memref<!tpu.dma_semaphore, #tpu.memory_space<semaphore_mem>>, %arg15: memref<!tpu.dma_semaphore, #tpu.memory_space<semaphore_mem>>) attributes {dimension_semantics = [#tpu.dimension_semantics<core_parallel>, #tpu.dimension_semantics<subcore_parallel>], iteration_bounds = array<i64: 2, 16>, scalar_prefetch = 0 : i64, scratch_operands = 10 : i64, tpu.core_type = #tpu.core_type<sc_vector_subcore>, window_params = [{transform_indices = #map}, {transform_indices = #map1}, {transform_indices = #map1}, {transform_indices = #map1}]} {
    %mul3A = arith.constant 2 : i32
    %mul3A_0 = arith.muli %arg1, %mul3A : i32
    %add3A = arith.addi %mul3A_0, %arg0 : i32
    %iota3A = tpu.iota {dimensions = array<i32: 0>} : vector<16xi32>
    %broadcast_in_dim3A = arith.constant 0xFF800000 : f32
    %broadcast_in_dim3A_1 = vector.broadcast %broadcast_in_dim3A : f32 to vector<16xf32>
    %broadcast_in_dim3A_2 = arith.constant 0 : i32
    %broadcast_in_dim3A_3 = vector.broadcast %broadcast_in_dim3A_2 : i32 to vector<16xi32>
    "tpu.region"() ({
      %run_scoped3A = tpu.sem_alloc : memref<!tpu.dma_semaphore, #tpu.memory_space<semaphore_mem>>
      %dma_start3A_1179 = arith.constant 0 : i32
      %dma_start3A_1180 = tpu.memref_slice %arg3[%add3A, %dma_start3A_1179] : memref<32x128xf32, #tpu.memory_space<hbm>> -> memref<1x128xf32, #tpu.memory_space<hbm>>
      %dma_start3A_1181 = tpu.memref_squeeze %dma_start3A_1180 : memref<1x128xf32, #tpu.memory_space<hbm>> -> memref<128xf32, #tpu.memory_space<hbm>>
      %dma_start3A_1182 = arith.constant 0 : i32
      %dma_start3A_1183 = tpu.memref_slice %arg3[%add3A, %dma_start3A_1182] : memref<32x128xf32, #tpu.memory_space<hbm>> -> memref<1x128xf32, #tpu.memory_space<hbm>>
      %dma_start3A_1184 = tpu.memref_squeeze %dma_start3A_1183 : memref<1x128xf32, #tpu.memory_space<hbm>> -> memref<128xf32, #tpu.memory_space<hbm>>
      tpu.enqueue_dma source(%dma_start3A_1184 : memref<128xf32, #tpu.memory_space<hbm>>) target(%arg7 : memref<128xf32, #tpu.memory_space<vmem>>) target_semaphore(%run_scoped3A : memref<!tpu.dma_semaphore, #tpu.memory_space<semaphore_mem>>)
      %dma_wait3A_1185 = arith.constant 0 : i32
      %dma_wait3A_1186 = tpu.memref_slice %arg3[%add3A, %dma_wait3A_1185] : memref<32x128xf32, #tpu.memory_space<hbm>> -> memref<1x128xf32, #tpu.memory_space<hbm>>
      %dma_wait3A_1187 = tpu.memref_squeeze %dma_wait3A_1186 : memref<1x128xf32, #tpu.memory_space<hbm>> -> memref<128xf32, #tpu.memory_space<hbm>>
      %dma_wait3A_1188 = arith.constant 0 : i32
      %dma_wait3A_1189 = tpu.memref_slice %arg3[%add3A, %dma_wait3A_1188] : memref<32x128xf32, #tpu.memory_space<hbm>> -> memref<1x128xf32, #tpu.memory_space<hbm>>
      %dma_wait3A_1190 = tpu.memref_squeeze %dma_wait3A_1189 : memref<1x128xf32, #tpu.memory_space<hbm>> -> memref<128xf32, #tpu.memory_space<hbm>>
      tpu.wait_dma2 semaphore(%run_scoped3A : memref<!tpu.dma_semaphore, #tpu.memory_space<semaphore_mem>>) src(%dma_wait3A_1190 : memref<128xf32, #tpu.memory_space<hbm>>) dst(%arg7 : memref<128xf32, #tpu.memory_space<vmem>>)
      tpu.yield
    }) : () -> ()
    %scan3A = arith.constant 0 : i32
    %scan3A_4 = arith.constant 0 : i32
    %scan3A_5 = arith.constant 1024 : i32
    %scan3A_6 = arith.addi %scan3A_4, %scan3A_5 : i32
    %scan3A_7 = arith.constant 1 : i32
    %scan3A_8 = scf.for %scan3A_1179 = %scan3A_4 to %scan3A_6 step %scan3A_7 iter_args(%scan3A_1180 = %scan3A) -> (i32)  : i32 {
      %mul3A_1181 = arith.constant 16 : i32
      %mul3A_1182 = arith.muli %scan3A_1179, %mul3A_1181 : i32
      %swap3A_1183 = arith.index_cast %mul3A_1182 : i32 to index
      %swap3A_1184 = tpu.vector_load %arg8[%swap3A_1183] {strides = array<i32>} : memref<16384xf32, #tpu.memory_space<vmem>>, vector<16xf32>,
      tpu.vector_store %arg8[%swap3A_1183], %broadcast_in_dim3A_1 {strides = array<i32>} : memref<16384xf32, #tpu.memory_space<vmem>>, vector<16xf32>,
      %scan3A_1185 = arith.constant 0 : i32
      scf.yield %scan3A_1185 : i32
    }
    %scan3A_9 = arith.constant 1024 : i32
    %mul3A_10 = arith.constant 800000 : i32
    %mul3A_11 = arith.muli %add3A, %mul3A_10 : i32
    %add3A_12 = arith.constant 0 : i32
    %add3A_13 = arith.addi %mul3A_11, %add3A_12 : i32
    %min3A = arith.constant 25580000 : i32
    %min3A_14 = arith.minsi %add3A_13, %min3A : i32
    %multiple_of3A = tpu.assume_multiple %min3A_14, 8 : i32
    %dma_start3A = arith.constant 0 : i32
    %dma_start3A_15 = tpu.memref_slice %arg6[%dma_start3A] : memref<80000xf32, #tpu.memory_space<vmem>> -> memref<20000xf32, #tpu.memory_space<vmem>>
    %dma_start3A_16 = tpu.memref_slice %arg2[%multiple_of3A] : memref<25600000xf32, #tpu.memory_space<hbm>> -> memref<20000xf32, #tpu.memory_space<hbm>>
    %dma_start3A_17 = arith.constant 0 : i32
    %dma_start3A_18 = tpu.memref_slice %arg6[%dma_start3A_17] : memref<80000xf32, #tpu.memory_space<vmem>> -> memref<20000xf32, #tpu.memory_space<vmem>>
    %dma_start3A_19 = tpu.memref_slice %arg2[%multiple_of3A] : memref<25600000xf32, #tpu.memory_space<hbm>> -> memref<20000xf32, #tpu.memory_space<hbm>>
    tpu.enqueue_dma source(%dma_start3A_19 : memref<20000xf32, #tpu.memory_space<hbm>>) target(%dma_start3A_18 : memref<20000xf32, #tpu.memory_space<vmem>>) target_semaphore(%arg12 : memref<!tpu.dma_semaphore, #tpu.memory_space<semaphore_mem>>)
    %mul3A_20 = arith.constant 800000 : i32
    %mul3A_21 = arith.muli %add3A, %mul3A_20 : i32
    %add3A_22 = arith.constant 20000 : i32
    %add3A_23 = arith.addi %mul3A_21, %add3A_22 : i32
    %min3A_24 = arith.constant 25580000 : i32
    %min3A_25 = arith.minsi %add3A_23, %min3A_24 : i32
    %multiple_of3A_26 = tpu.assume_multiple %min3A_25, 8 : i32
    %dma_start3A_27 = arith.constant 20000 : i32
    %dma_start3A_28 = tpu.memref_slice %arg6[%dma_start3A_27] : memref<80000xf32, #tpu.memory_space<vmem>> -> memref<20000xf32, #tpu.memory_space<vmem>>
    %dma_start3A_29 = tpu.memref_slice %arg2[%multiple_of3A_26] : memref<25600000xf32, #tpu.memory_space<hbm>> -> memref<20000xf32, #tpu.memory_space<hbm>>
    %dma_start3A_30 = arith.constant 20000 : i32
    %dma_start3A_31 = tpu.memref_slice %arg6[%dma_start3A_30] : memref<80000xf32, #tpu.memory_space<vmem>> -> memref<20000xf32, #tpu.memory_space<vmem>>
    %dma_start3A_32 = tpu.memref_slice %arg2[%multiple_of3A_26] : memref<25600000xf32, #tpu.memory_space<hbm>> -> memref<20000xf32, #tpu.memory_space<hbm>>
    tpu.enqueue_dma source(%dma_start3A_32 : memref<20000xf32, #tpu.memory_space<hbm>>) target(%dma_start3A_31 : memref<20000xf32, #tpu.memory_space<vmem>>) target_semaphore(%arg13 : memref<!tpu.dma_semaphore, #tpu.memory_space<semaphore_mem>>)
    %mul3A_33 = arith.constant 800000 : i32
    %mul3A_34 = arith.muli %add3A, %mul3A_33 : i32
    %add3A_35 = arith.constant 40000 : i32
    %add3A_36 = arith.addi %mul3A_34, %add3A_35 : i32
    %min3A_37 = arith.constant 25580000 : i32
    %min3A_38 = arith.minsi %add3A_36, %min3A_37 : i32
    %multiple_of3A_39 = tpu.assume_multiple %min3A_38, 8 : i32
    %dma_start3A_40 = arith.constant 40000 : i32
    %dma_start3A_41 = tpu.memref_slice %arg6[%dma_start3A_40] : memref<80000xf32, #tpu.memory_space<vmem>> -> memref<20000xf32, #tpu.memory_space<vmem>>
    %dma_start3A_42 = tpu.memref_slice %arg2[%multiple_of3A_39] : memref<25600000xf32, #tpu.memory_space<hbm>> -> memref<20000xf32, #tpu.memory_space<hbm>>
    %dma_start3A_43 = arith.constant 40000 : i32
    %dma_start3A_44 = tpu.memref_slice %arg6[%dma_start3A_43] : memref<80000xf32, #tpu.memory_space<vmem>> -> memref<20000xf32, #tpu.memory_space<vmem>>
    %dma_start3A_45 = tpu.memref_slice %arg2[%multiple_of3A_39] : memref<25600000xf32, #tpu.memory_space<hbm>> -> memref<20000xf32, #tpu.memory_space<hbm>>
    tpu.enqueue_dma source(%dma_start3A_45 : memref<20000xf32, #tpu.memory_space<hbm>>) target(%dma_start3A_44 : memref<20000xf32, #tpu.memory_space<vmem>>) target_semaphore(%arg14 : memref<!tpu.dma_semaphore, #tpu.memory_space<semaphore_mem>>)
    %scan3A_46 = arith.constant 0 : i32
    %scan3A_47 = arith.constant 10 : i32
    %scan3A_48 = arith.addi %scan3A_46, %scan3A_47 : i32
    %scan3A_49 = arith.constant 1 : i32
    %scan3A_50:3 = scf.for %scan3A_1179 = %scan3A_46 to %scan3A_48 step %scan3A_49 iter_args(%scan3A_1180 = %broadcast_in_dim3A_1, %scan3A_1181 = %broadcast_in_dim3A_3, %scan3A_1182 = %broadcast_in_dim3A_1) -> (vector<16xf32>, vector<16xi32>, vector<16xf32>)  : i32 {
      %mul3A_1183 = arith.constant 4 : i32
      %mul3A_1184 = arith.muli %mul3A_1183, %scan3A_1179 : i32
      %add3A_1185 = arith.constant 0 : i32
      %add3A_1186 = arith.addi %mul3A_1184, %add3A_1185 : i32
      %add3A_1187 = arith.constant 3 : i32
      %add3A_1188 = arith.addi %add3A_1186, %add3A_1187 : i32
      %mul3A_1189 = arith.constant 800000 : i32
      %mul3A_1190 = arith.muli %add3A, %mul3A_1189 : i32
      %mul3A_1191 = arith.constant 20000 : i32
      %mul3A_1192 = arith.muli %add3A_1188, %mul3A_1191 : i32
      %add3A_1193 = arith.addi %mul3A_1190, %mul3A_1192 : i32
      %min3A_1194 = arith.constant 25580000 : i32
      %min3A_1195 = arith.minsi %add3A_1193, %min3A_1194 : i32
      %multiple_of3A_1196 = tpu.assume_multiple %min3A_1195, 8 : i32
      %dma_start3A_1197 = arith.constant 60000 : i32
      %dma_start3A_1198 = tpu.memref_slice %arg6[%dma_start3A_1197] : memref<80000xf32, #tpu.memory_space<vmem>> -> memref<20000xf32, #tpu.memory_space<vmem>>
      %dma_start3A_1199 = tpu.memref_slice %arg2[%multiple_of3A_1196] : memref<25600000xf32, #tpu.memory_space<hbm>> -> memref<20000xf32, #tpu.memory_space<hbm>>
      %dma_start3A_1200 = arith.constant 60000 : i32
      %dma_start3A_1201 = tpu.memref_slice %arg6[%dma_start3A_1200] : memref<80000xf32, #tpu.memory_space<vmem>> -> memref<20000xf32, #tpu.memory_space<vmem>>
      %dma_start3A_1202 = tpu.memref_slice %arg2[%multiple_of3A_1196] : memref<25600000xf32, #tpu.memory_space<hbm>> -> memref<20000xf32, #tpu.memory_space<hbm>>
      tpu.enqueue_dma source(%dma_start3A_1202 : memref<20000xf32, #tpu.memory_space<hbm>>) target(%dma_start3A_1201 : memref<20000xf32, #tpu.memory_space<vmem>>) target_semaphore(%arg15 : memref<!tpu.dma_semaphore, #tpu.memory_space<semaphore_mem>>)
      %dma_wait3A_1203 = arith.constant 0 : i32
      %dma_wait3A_1204 = tpu.memref_slice %arg6[%dma_wait3A_1203] : memref<80000xf32, #tpu.memory_space<vmem>> -> memref<20000xf32, #tpu.memory_space<vmem>>
      %dma_wait3A_1205 = arith.constant 0 : i32
      %dma_wait3A_1206 = tpu.memref_slice %arg2[%dma_wait3A_1205] : memref<25600000xf32, #tpu.memory_space<hbm>> -> memref<20000xf32, #tpu.memory_space<hbm>>
      %dma_wait3A_1207 = arith.constant 0 : i32
      %dma_wait3A_1208 = tpu.memref_slice %arg6[%dma_wait3A_1207] : memref<80000xf32, #tpu.memory_space<vmem>> -> memref<20000xf32, #tpu.memory_space<vmem>>
      %dma_wait3A_1209 = arith.constant 0 : i32
      %dma_wait3A_1210 = tpu.memref_slice %arg2[%dma_wait3A_1209] : memref<25600000xf32, #tpu.memory_space<hbm>> -> memref<20000xf32, #tpu.memory_space<hbm>>
      tpu.wait_dma2 semaphore(%arg12 : memref<!tpu.dma_semaphore, #tpu.memory_space<semaphore_mem>>) src(%dma_wait3A_1210 : memref<20000xf32, #tpu.memory_space<hbm>>) dst(%dma_wait3A_1208 : memref<20000xf32, #tpu.memory_space<vmem>>)
      %jit3A_1211 = arith.constant 5 : i32
      %div3A_1212 = arith.divsi %add3A_1186, %jit3A_1211 : i32
      %sign3A_1213 = arith.constant 0 : i32
      %sign3A_1214 = arith.cmpi sgt, %add3A_1186, %sign3A_1213 : i32
      %sign3A_1215 = arith.extui %sign3A_1214 : i1 to i32
      %sign3A_1216 = arith.constant 0 : i32
      %sign3A_1217 = arith.cmpi slt, %add3A_1186, %sign3A_1216 : i32
      %sign3A_1218 = arith.extui %sign3A_1217 : i1 to i32
      %sign3A_1219 = arith.subi %sign3A_1215, %sign3A_1218 : i32
      %sign3A_1220 = arith.constant 0 : i32
      %sign3A_1221 = arith.cmpi sgt, %jit3A_1211, %sign3A_1220 : i32
      %sign3A_1222 = arith.extui %sign3A_1221 : i1 to i32
      %sign3A_1223 = arith.constant 0 : i32
      %sign3A_1224 = arith.cmpi slt, %jit3A_1211, %sign3A_1223 : i32
      %sign3A_1225 = arith.extui %sign3A_1224 : i1 to i32
      %sign3A_1226 = arith.subi %sign3A_1222, %sign3A_1225 : i32
      %ne3A_1227 = arith.cmpi ne, %sign3A_1219, %sign3A_1226 : i32
      %rem3A_1228 = arith.remsi %add3A_1186, %jit3A_1211 : i32
      %ne3A_1229 = arith.constant 0 : i32
      %ne3A_1230 = arith.cmpi ne, %rem3A_1228, %ne3A_1229 : i32
      %and3A_1231 = arith.andi %ne3A_1227, %ne3A_1230 : i1
      %sub3A_1232 = arith.constant 1 : i32
      %sub3A_1233 = arith.subi %div3A_1212, %sub3A_1232 : i32
      %select_n3A_1234 = arith.select %and3A_1231, %sub3A_1233, %div3A_1212 : i32
      %mul3A_1235 = arith.constant 16 : i32
      %mul3A_1236 = arith.muli %select_n3A_1234, %mul3A_1235 : i32
      %multiple_of3A_1237 = tpu.assume_multiple %mul3A_1236, 8 : i32
      %get3A = arith.index_cast %multiple_of3A_1237 : i32 to index
      %get3A_1238 = tpu.vector_load %arg7[%get3A] {strides = array<i32>} : memref<128xf32, #tpu.memory_space<vmem>>, vector<16xf32>,
      %scan3A_1239 = arith.constant 0 : i32
      %scan3A_1240 = arith.constant 125 : i32
      %scan3A_1241 = arith.addi %scan3A_1239, %scan3A_1240 : i32
      %scan3A_1242 = arith.constant 1 : i32
      %scan3A_1243:3 = scf.for %scan3A_1434 = %scan3A_1239 to %scan3A_1241 step %scan3A_1242 iter_args(%scan3A_1435 = %scan3A_1180, %scan3A_1436 = %scan3A_1181, %scan3A_1437 = %scan3A_1182) -> (vector<16xf32>, vector<16xi32>, vector<16xf32>)  : i32 {
        %mul3A_1438 = arith.constant 160 : i32
        %mul3A_1439 = arith.muli %scan3A_1434, %mul3A_1438 : i32
        %add3A_1440 = arith.constant 0 : i32
        %add3A_1441 = arith.addi %add3A_1440, %mul3A_1439 : i32
        %multiple_of3A_1442 = tpu.assume_multiple %add3A_1441, 8 : i32
        %parallel_loop3A = arith.constant 0 : i32
        %parallel_loop3A_1443 = arith.constant 2 : i32
        %parallel_loop3A_1444 = arith.constant 1 : i32
        %parallel_loop3A_1445:4 = scf.for %parallel_loop3A_1454 = %parallel_loop3A to %parallel_loop3A_1443 step %parallel_loop3A_1444 iter_args(%parallel_loop3A_1455 = %broadcast_in_dim3A_1, %parallel_loop3A_1456 = %broadcast_in_dim3A_1, %parallel_loop3A_1457 = %broadcast_in_dim3A_1, %parallel_loop3A_1458 = %broadcast_in_dim3A_1) -> (vector<16xf32>, vector<16xf32>, vector<16xf32>, vector<16xf32>)  : i32 {
          %parallel_loop3A_1459 = arith.constant 80 : i32
          %parallel_loop3A_1460 = arith.muli %parallel_loop3A_1454, %parallel_loop3A_1459 : i32
          %parallel_loop3A_1461 = arith.addi %multiple_of3A_1442, %parallel_loop3A_1460 : i32
          %parallel_loop3A_1462 = tpu.assume_multiple %parallel_loop3A_1461, 8 : i32
          %parallel_loop3A_1463 = arith.constant 0 : i32
          %parallel_loop3A_1464 = arith.addi %parallel_loop3A_1462, %parallel_loop3A_1463 : i32
          %parallel_loop3A_1465 = arith.index_cast %parallel_loop3A_1464 : i32 to index
          %parallel_loop3A_1466 = tpu.vector_load %arg6[%parallel_loop3A_1465] {strides = array<i32>} : memref<80000xf32, #tpu.memory_space<vmem>>, vector<16xf32>,
          %parallel_loop3A_1467 = arith.maximumf %parallel_loop3A_1455, %parallel_loop3A_1466 : vector<16xf32>
          %parallel_loop3A_1468 = arith.constant 16 : i32
          %parallel_loop3A_1469 = arith.addi %parallel_loop3A_1462, %parallel_loop3A_1468 : i32
          %parallel_loop3A_1470 = arith.index_cast %parallel_loop3A_1469 : i32 to index
          %parallel_loop3A_1471 = tpu.vector_load %arg6[%parallel_loop3A_1470] {strides = array<i32>} : memref<80000xf32, #tpu.memory_space<vmem>>, vector<16xf32>,
          %parallel_loop3A_1472 = arith.maximumf %parallel_loop3A_1456, %parallel_loop3A_1471 : vector<16xf32>
          %parallel_loop3A_1473 = arith.constant 32 : i32
          %parallel_loop3A_1474 = arith.addi %parallel_loop3A_1462, %parallel_loop3A_1473 : i32
          %parallel_loop3A_1475 = arith.index_cast %parallel_loop3A_1474 : i32 to index
          %parallel_loop3A_1476 = tpu.vector_load %arg6[%parallel_loop3A_1475] {strides = array<i32>} : memref<80000xf32, #tpu.memory_space<vmem>>, vector<16xf32>,
          %parallel_loop3A_1477 = arith.maximumf %parallel_loop3A_1457, %parallel_loop3A_1476 : vector<16xf32>
          %parallel_loop3A_1478 = arith.constant 48 : i32
          %parallel_loop3A_1479 = arith.addi %parallel_loop3A_1462, %parallel_loop3A_1478 : i32
          %parallel_loop3A_1480 = arith.index_cast %parallel_loop3A_1479 : i32 to index
          %parallel_loop3A_1481 = tpu.vector_load %arg6[%parallel_loop3A_1480] {strides = array<i32>} : memref<80000xf32, #tpu.memory_space<vmem>>, vector<16xf32>,
          %parallel_loop3A_1482 = arith.maximumf %parallel_loop3A_1458, %parallel_loop3A_1481 : vector<16xf32>
          %parallel_loop3A_1483 = arith.constant 64 : i32
          %parallel_loop3A_1484 = arith.addi %parallel_loop3A_1462, %parallel_loop3A_1483 : i32
          %parallel_loop3A_1485 = arith.index_cast %parallel_loop3A_1484 : i32 to index
          %parallel_loop3A_1486 = tpu.vector_load %arg6[%parallel_loop3A_1485] {strides = array<i32>} : memref<80000xf32, #tpu.memory_space<vmem>>, vector<16xf32>,
          %parallel_loop3A_1487 = arith.maximumf %parallel_loop3A_1467, %parallel_loop3A_1486 : vector<16xf32>
          scf.yield %parallel_loop3A_1487, %parallel_loop3A_1472, %parallel_loop3A_1477, %parallel_loop3A_1482 : vector<16xf32>, vector<16xf32>, vector<16xf32>, vector<16xf32>
        } {sc.loop_unroll_factor = 2 : i64, sc.parallel_access}
        %max3A = arith.maximumf %parallel_loop3A_1445#0, %parallel_loop3A_1445#1 : vector<16xf32>
        %max3A_1446 = arith.maximumf %parallel_loop3A_1445#2, %parallel_loop3A_1445#3 : vector<16xf32>
        %max3A_1447 = arith.maximumf %max3A, %max3A_1446 : vector<16xf32>
        %add3A_1448 = arith.addf %max3A_1447, %get3A_1238 : vector<16xf32>
        %max3A_1449 = arith.maximumf %scan3A_1435, %add3A_1448 : vector<16xf32>
        %sub3A_1450 = arith.subf %scan3A_1437, %get3A_1238 : vector<16xf32>
        %ge3A = arith.cmpf oge, %max3A_1447, %sub3A_1450 : vector<16xf32>
        %all_reduce_population_count3A = tpu.all_reduce %ge3A {dim = 0 : i64, kind = #tpu.reduction_kind<sum>} : vector<16xi1> -> vector<16xi32>
        %slice3A = vector.extract_strided_slice %all_reduce_population_count3A {offsets = [0], sizes = [1], strides = [1]} : vector<16xi32> to vector<1xi32>
        %squeeze3A = vector.extract %slice3A[0] : i32 from vector<1xi32>
        %gt3A = arith.constant 0 : i32
        %gt3A_1451 = arith.cmpi sgt, %squeeze3A, %gt3A : i32
        %convert_element_type3A = arith.extui %gt3A_1451 : i1 to i32
        %cond3A = arith.constant 0 : i32
        %cond3A_1452 = arith.cmpi ne, %convert_element_type3A, %cond3A : i32
        %cond3A_1453:2 = scf.if %cond3A_1452 -> (vector<16xi32>, vector<16xf32>) {
          %neg3A_1454 = arith.constant 0.000000e+00 : f32
          %neg3A_1455 = vector.broadcast %neg3A_1454 : f32 to vector<16xf32>
          %neg3A_1456 = arith.subf %neg3A_1455, %max3A_1449 : vector<16xf32>
          %reduce_max3A_1457 = arith.constant true
          %reduce_max3A_1458 = vector.broadcast %reduce_max3A_1457 : i1 to vector<16xi1>
          %reduce_max3A_1459 = tpu.scan <max>, %neg3A_1456 masked %reduce_max3A_1458 : vector<16xf32>, vector<16xi1> -> vector<16xf32>
          %reduce_max3A_1460 = vector.extract %reduce_max3A_1459[15] : f32 from vector<16xf32>
          %neg3A_1461 = arith.constant 0.000000e+00 : f32
          %neg3A_1462 = arith.subf %neg3A_1461, %reduce_max3A_1460 : f32
          %broadcast_in_dim3A_1463 = vector.broadcast %neg3A_1462 : f32 to vector<16xf32>
          %mul3A_1464 = arith.constant 20000 : i32
          %mul3A_1465 = arith.muli %add3A_1186, %mul3A_1464 : i32
          %mul3A_1466 = arith.constant 160 : i32
          %mul3A_1467 = arith.muli %scan3A_1434, %mul3A_1466 : i32
          %add3A_1468 = arith.addi %mul3A_1465, %mul3A_1467 : i32
          %broadcast_in_dim3A_1469 = vector.broadcast %add3A_1468 : i32 to vector<16xi32>
          %add3A_1470 = arith.addi %broadcast_in_dim3A_1469, %iota3A : vector<16xi32>
          %scan3A_1471 = arith.constant 0 : i32
          %scan3A_1472 = arith.constant 2 : i32
          %scan3A_1473 = arith.addi %scan3A_1471, %scan3A_1472 : i32
          %scan3A_1474 = arith.constant 1 : i32
          %scan3A_1475:2 = scf.for %scan3A_1477 = %scan3A_1471 to %scan3A_1473 step %scan3A_1474 iter_args(%scan3A_1478 = %scan3A_1436, %scan3A_1479 = %add3A_1470) -> (vector<16xi32>, vector<16xi32>)  : i32 {
            %mul3A_1480 = arith.constant 80 : i32
            %mul3A_1481 = arith.muli %scan3A_1477, %mul3A_1480 : i32
            %add3A_1482 = arith.addi %multiple_of3A_1442, %mul3A_1481 : i32
            %multiple_of3A_1483 = tpu.assume_multiple %add3A_1482, 8 : i32
            %add3A_1484 = arith.constant 0 : i32
            %add3A_1485 = arith.addi %multiple_of3A_1483, %add3A_1484 : i32
            %get3A_1486 = arith.index_cast %add3A_1485 : i32 to index
            %get3A_1487 = tpu.vector_load %arg6[%get3A_1486] {strides = array<i32>} : memref<80000xf32, #tpu.memory_space<vmem>>, vector<16xf32>,
            %add3A_1488 = arith.addf %get3A_1487, %get3A_1238 : vector<16xf32>
            %ge3A_1489 = arith.cmpf oge, %add3A_1488, %broadcast_in_dim3A_1463 : vector<16xf32>
            %all_reduce_population_count3A_1490 = tpu.all_reduce %ge3A_1489 {dim = 0 : i64, kind = #tpu.reduction_kind<sum>} : vector<16xi1> -> vector<16xi32>
            %gt3A_1491 = arith.constant 0 : i32
            %gt3A_1492 = vector.broadcast %gt3A_1491 : i32 to vector<16xi32>
            %gt3A_1493 = arith.cmpi sgt, %all_reduce_population_count3A_1490, %gt3A_1492 : vector<16xi32>
            %add3A_1494 = arith.addi %scan3A_1478, %iota3A : vector<16xi32>
            %min3A_1495 = arith.constant 16383 : i32
            %min3A_1496 = vector.broadcast %min3A_1495 : i32 to vector<16xi32>
            %min3A_1497 = arith.minsi %add3A_1494, %min3A_1496 : vector<16xi32>
            tpu.vector_store_idx %arg8[%min3A_1497], %add3A_1488 masked %gt3A_1493 : memref<16384xf32, #tpu.memory_space<vmem>>[vector<16xi32>], vector<16xf32>, vector<16xi1>
            tpu.vector_store_idx %arg9[%min3A_1497], %scan3A_1479 masked %gt3A_1493 : memref<16384xi32, #tpu.memory_space<vmem>>[vector<16xi32>], vector<16xi32>, vector<16xi1>
            %jit3A_1498 = arith.constant 16 : i32
            %jit3A_1499 = arith.constant 0 : i32
            %broadcast_in_dim3A_1500 = vector.broadcast %jit3A_1498 : i32 to vector<16xi32>
            %broadcast_in_dim3A_1501 = vector.broadcast %jit3A_1499 : i32 to vector<16xi32>
            %select_n3A_1502 = arith.select %gt3A_1493, %broadcast_in_dim3A_1500, %broadcast_in_dim3A_1501 : vector<16xi1>, vector<16xi32>
            %add3A_1503 = arith.addi %scan3A_1478, %select_n3A_1502 : vector<16xi32>
            %add3A_1504 = arith.constant 16 : i32
            %add3A_1505 = vector.broadcast %add3A_1504 : i32 to vector<16xi32>
            %add3A_1506 = arith.addi %scan3A_1479, %add3A_1505 : vector<16xi32>
            %add3A_1507 = arith.constant 16 : i32
            %add3A_1508 = arith.addi %multiple_of3A_1483, %add3A_1507 : i32
            %get3A_1509 = arith.index_cast %add3A_1508 : i32 to index
            %get3A_1510 = tpu.vector_load %arg6[%get3A_1509] {strides = array<i32>} : memref<80000xf32, #tpu.memory_space<vmem>>, vector<16xf32>,
            %add3A_1511 = arith.addf %get3A_1510, %get3A_1238 : vector<16xf32>
            %ge3A_1512 = arith.cmpf oge, %add3A_1511, %broadcast_in_dim3A_1463 : vector<16xf32>
            %all_reduce_population_count3A_1513 = tpu.all_reduce %ge3A_1512 {dim = 0 : i64, kind = #tpu.reduction_kind<sum>} : vector<16xi1> -> vector<16xi32>
            %gt3A_1514 = arith.constant 0 : i32
            %gt3A_1515 = vector.broadcast %gt3A_1514 : i32 to vector<16xi32>
            %gt3A_1516 = arith.cmpi sgt, %all_reduce_population_count3A_1513, %gt3A_1515 : vector<16xi32>
            %add3A_1517 = arith.addi %add3A_1503, %iota3A : vector<16xi32>
            %min3A_1518 = arith.constant 16383 : i32
            %min3A_1519 = vector.broadcast %min3A_1518 : i32 to vector<16xi32>
            %min3A_1520 = arith.minsi %add3A_1517, %min3A_1519 : vector<16xi32>
            tpu.vector_store_idx %arg8[%min3A_1520], %add3A_1511 masked %gt3A_1516 : memref<16384xf32, #tpu.memory_space<vmem>>[vector<16xi32>], vector<16xf32>, vector<16xi1>
            tpu.vector_store_idx %arg9[%min3A_1520], %add3A_1506 masked %gt3A_1516 : memref<16384xi32, #tpu.memory_space<vmem>>[vector<16xi32>], vector<16xi32>, vector<16xi1>
            %jit3A_1521 = arith.constant 16 : i32
            %jit3A_1522 = arith.constant 0 : i32
            %broadcast_in_dim3A_1523 = vector.broadcast %jit3A_1521 : i32 to vector<16xi32>
            %broadcast_in_dim3A_1524 = vector.broadcast %jit3A_1522 : i32 to vector<16xi32>
            %select_n3A_1525 = arith.select %gt3A_1516, %broadcast_in_dim3A_1523, %broadcast_in_dim3A_1524 : vector<16xi1>, vector<16xi32>
            %add3A_1526 = arith.addi %add3A_1503, %select_n3A_1525 : vector<16xi32>
            %add3A_1527 = arith.constant 16 : i32
            %add3A_1528 = vector.broadcast %add3A_1527 : i32 to vector<16xi32>
            %add3A_1529 = arith.addi %add3A_1506, %add3A_1528 : vector<16xi32>
            %add3A_1530 = arith.constant 32 : i32
            %add3A_1531 = arith.addi %multiple_of3A_1483, %add3A_1530 : i32
            %get3A_1532 = arith.index_cast %add3A_1531 : i32 to index
            %get3A_1533 = tpu.vector_load %arg6[%get3A_1532] {strides = array<i32>} : memref<80000xf32, #tpu.memory_space<vmem>>, vector<16xf32>,
            %add3A_1534 = arith.addf %get3A_1533, %get3A_1238 : vector<16xf32>
            %ge3A_1535 = arith.cmpf oge, %add3A_1534, %broadcast_in_dim3A_1463 : vector<16xf32>
            %all_reduce_population_count3A_1536 = tpu.all_reduce %ge3A_1535 {dim = 0 : i64, kind = #tpu.reduction_kind<sum>} : vector<16xi1> -> vector<16xi32>
            %gt3A_1537 = arith.constant 0 : i32
            %gt3A_1538 = vector.broadcast %gt3A_1537 : i32 to vector<16xi32>
            %gt3A_1539 = arith.cmpi sgt, %all_reduce_population_count3A_1536, %gt3A_1538 : vector<16xi32>
            %add3A_1540 = arith.addi %add3A_1526, %iota3A : vector<16xi32>
            %min3A_1541 = arith.constant 16383 : i32
            %min3A_1542 = vector.broadcast %min3A_1541 : i32 to vector<16xi32>
            %min3A_1543 = arith.minsi %add3A_1540, %min3A_1542 : vector<16xi32>
            tpu.vector_store_idx %arg8[%min3A_1543], %add3A_1534 masked %gt3A_1539 : memref<16384xf32, #tpu.memory_space<vmem>>[vector<16xi32>], vector<16xf32>, vector<16xi1>
            tpu.vector_store_idx %arg9[%min3A_1543], %add3A_1529 masked %gt3A_1539 : memref<16384xi32, #tpu.memory_space<vmem>>[vector<16xi32>], vector<16xi32>, vector<16xi1>
            %jit3A_1544 = arith.constant 16 : i32
            %jit3A_1545 = arith.constant 0 : i32
            %broadcast_in_dim3A_1546 = vector.broadcast %jit3A_1544 : i32 to vector<16xi32>
            %broadcast_in_dim3A_1547 = vector.broadcast %jit3A_1545 : i32 to vector<16xi32>
            %select_n3A_1548 = arith.select %gt3A_1539, %broadcast_in_dim3A_1546, %broadcast_in_dim3A_1547 : vector<16xi1>, vector<16xi32>
            %add3A_1549 = arith.addi %add3A_1526, %select_n3A_1548 : vector<16xi32>
            %add3A_1550 = arith.constant 16 : i32
            %add3A_1551 = vector.broadcast %add3A_1550 : i32 to vector<16xi32>
            %add3A_1552 = arith.addi %add3A_1529, %add3A_1551 : vector<16xi32>
            %add3A_1553 = arith.constant 48 : i32
            %add3A_1554 = arith.addi %multiple_of3A_1483, %add3A_1553 : i32
            %get3A_1555 = arith.index_cast %add3A_1554 : i32 to index
            %get3A_1556 = tpu.vector_load %arg6[%get3A_1555] {strides = array<i32>} : memref<80000xf32, #tpu.memory_space<vmem>>, vector<16xf32>,
            %add3A_1557 = arith.addf %get3A_1556, %get3A_1238 : vector<16xf32>
            %ge3A_1558 = arith.cmpf oge, %add3A_1557, %broadcast_in_dim3A_1463 : vector<16xf32>
            %all_reduce_population_count3A_1559 = tpu.all_reduce %ge3A_1558 {dim = 0 : i64, kind = #tpu.reduction_kind<sum>} : vector<16xi1> -> vector<16xi32>
            %gt3A_1560 = arith.constant 0 : i32
            %gt3A_1561 = vector.broadcast %gt3A_1560 : i32 to vector<16xi32>
            %gt3A_1562 = arith.cmpi sgt, %all_reduce_population_count3A_1559, %gt3A_1561 : vector<16xi32>
            %add3A_1563 = arith.addi %add3A_1549, %iota3A : vector<16xi32>
            %min3A_1564 = arith.constant 16383 : i32
            %min3A_1565 = vector.broadcast %min3A_1564 : i32 to vector<16xi32>
            %min3A_1566 = arith.minsi %add3A_1563, %min3A_1565 : vector<16xi32>
            tpu.vector_store_idx %arg8[%min3A_1566], %add3A_1557 masked %gt3A_1562 : memref<16384xf32, #tpu.memory_space<vmem>>[vector<16xi32>], vector<16xf32>, vector<16xi1>
            tpu.vector_store_idx %arg9[%min3A_1566], %add3A_1552 masked %gt3A_1562 : memref<16384xi32, #tpu.memory_space<vmem>>[vector<16xi32>], vector<16xi32>, vector<16xi1>
            %jit3A_1567 = arith.constant 16 : i32
            %jit3A_1568 = arith.constant 0 : i32
            %broadcast_in_dim3A_1569 = vector.broadcast %jit3A_1567 : i32 to vector<16xi32>
            %broadcast_in_dim3A_1570 = vector.broadcast %jit3A_1568 : i32 to vector<16xi32>
            %select_n3A_1571 = arith.select %gt3A_1562, %broadcast_in_dim3A_1569, %broadcast_in_dim3A_1570 : vector<16xi1>, vector<16xi32>
            %add3A_1572 = arith.addi %add3A_1549, %select_n3A_1571 : vector<16xi32>
            %add3A_1573 = arith.constant 16 : i32
            %add3A_1574 = vector.broadcast %add3A_1573 : i32 to vector<16xi32>
            %add3A_1575 = arith.addi %add3A_1552, %add3A_1574 : vector<16xi32>
            %add3A_1576 = arith.constant 64 : i32
            %add3A_1577 = arith.addi %multiple_of3A_1483, %add3A_1576 : i32
            %get3A_1578 = arith.index_cast %add3A_1577 : i32 to index
            %get3A_1579 = tpu.vector_load %arg6[%get3A_1578] {strides = array<i32>} : memref<80000xf32, #tpu.memory_space<vmem>>, vector<16xf32>,
            %add3A_1580 = arith.addf %get3A_1579, %get3A_1238 : vector<16xf32>
            %ge3A_1581 = arith.cmpf oge, %add3A_1580, %broadcast_in_dim3A_1463 : vector<16xf32>
            %all_reduce_population_count3A_1582 = tpu.all_reduce %ge3A_1581 {dim = 0 : i64, kind = #tpu.reduction_kind<sum>} : vector<16xi1> -> vector<16xi32>
            %gt3A_1583 = arith.constant 0 : i32
            %gt3A_1584 = vector.broadcast %gt3A_1583 : i32 to vector<16xi32>
            %gt3A_1585 = arith.cmpi sgt, %all_reduce_population_count3A_1582, %gt3A_1584 : vector<16xi32>
            %add3A_1586 = arith.addi %add3A_1572, %iota3A : vector<16xi32>
            %min3A_1587 = arith.constant 16383 : i32
            %min3A_1588 = vector.broadcast %min3A_1587 : i32 to vector<16xi32>
            %min3A_1589 = arith.minsi %add3A_1586, %min3A_1588 : vector<16xi32>
            tpu.vector_store_idx %arg8[%min3A_1589], %add3A_1580 masked %gt3A_1585 : memref<16384xf32, #tpu.memory_space<vmem>>[vector<16xi32>], vector<16xf32>, vector<16xi1>
            tpu.vector_store_idx %arg9[%min3A_1589], %add3A_1575 masked %gt3A_1585 : memref<16384xi32, #tpu.memory_space<vmem>>[vector<16xi32>], vector<16xi32>, vector<16xi1>
            %jit3A_1590 = arith.constant 16 : i32
            %jit3A_1591 = arith.constant 0 : i32
            %broadcast_in_dim3A_1592 = vector.broadcast %jit3A_1590 : i32 to vector<16xi32>
            %broadcast_in_dim3A_1593 = vector.broadcast %jit3A_1591 : i32 to vector<16xi32>
            %select_n3A_1594 = arith.select %gt3A_1585, %broadcast_in_dim3A_1592, %broadcast_in_dim3A_1593 : vector<16xi1>, vector<16xi32>
            %add3A_1595 = arith.addi %add3A_1572, %select_n3A_1594 : vector<16xi32>
            %add3A_1596 = arith.constant 16 : i32
            %add3A_1597 = vector.broadcast %add3A_1596 : i32 to vector<16xi32>
            %add3A_1598 = arith.addi %add3A_1575, %add3A_1597 : vector<16xi32>
            scf.yield %add3A_1595, %add3A_1598 : vector<16xi32>, vector<16xi32>
          }
          %scan3A_1476 = arith.constant 2 : i32
          scf.yield %scan3A_1475#0, %broadcast_in_dim3A_1463 : vector<16xi32>, vector<16xf32>
        } else {
          scf.yield %scan3A_1436, %scan3A_1437 : vector<16xi32>, vector<16xf32>
        }
        scf.yield %max3A_1449, %cond3A_1453#0, %cond3A_1453#1 : vector<16xf32>, vector<16xi32>, vector<16xf32>
      }
      %scan3A_1244 = arith.constant 125 : i32
      %mul3A_1245 = arith.constant 4 : i32
      %mul3A_1246 = arith.muli %mul3A_1245, %scan3A_1179 : i32
      %add3A_1247 = arith.constant 1 : i32
      %add3A_1248 = arith.addi %mul3A_1246, %add3A_1247 : i32
      %add3A_1249 = arith.constant 3 : i32
      %add3A_1250 = arith.addi %add3A_1248, %add3A_1249 : i32
      %mul3A_1251 = arith.constant 800000 : i32
      %mul3A_1252 = arith.muli %add3A, %mul3A_1251 : i32
      %mul3A_1253 = arith.constant 20000 : i32
      %mul3A_1254 = arith.muli %add3A_1250, %mul3A_1253 : i32
      %add3A_1255 = arith.addi %mul3A_1252, %mul3A_1254 : i32
      %min3A_1256 = arith.constant 25580000 : i32
      %min3A_1257 = arith.minsi %add3A_1255, %min3A_1256 : i32
      %multiple_of3A_1258 = tpu.assume_multiple %min3A_1257, 8 : i32
      %dma_start3A_1259 = arith.constant 0 : i32
      %dma_start3A_1260 = tpu.memref_slice %arg6[%dma_start3A_1259] : memref<80000xf32, #tpu.memory_space<vmem>> -> memref<20000xf32, #tpu.memory_space<vmem>>
      %dma_start3A_1261 = tpu.memref_slice %arg2[%multiple_of3A_1258] : memref<25600000xf32, #tpu.memory_space<hbm>> -> memref<20000xf32, #tpu.memory_space<hbm>>
      %dma_start3A_1262 = arith.constant 0 : i32
      %dma_start3A_1263 = tpu.memref_slice %arg6[%dma_start3A_1262] : memref<80000xf32, #tpu.memory_space<vmem>> -> memref<20000xf32, #tpu.memory_space<vmem>>
      %dma_start3A_1264 = tpu.memref_slice %arg2[%multiple_of3A_1258] : memref<25600000xf32, #tpu.memory_space<hbm>> -> memref<20000xf32, #tpu.memory_space<hbm>>
      tpu.enqueue_dma source(%dma_start3A_1264 : memref<20000xf32, #tpu.memory_space<hbm>>) target(%dma_start3A_1263 : memref<20000xf32, #tpu.memory_space<vmem>>) target_semaphore(%arg12 : memref<!tpu.dma_semaphore, #tpu.memory_space<semaphore_mem>>)
      %dma_wait3A_1265 = arith.constant 20000 : i32
      %dma_wait3A_1266 = tpu.memref_slice %arg6[%dma_wait3A_1265] : memref<80000xf32, #tpu.memory_space<vmem>> -> memref<20000xf32, #tpu.memory_space<vmem>>
      %dma_wait3A_1267 = arith.constant 0 : i32
      %dma_wait3A_1268 = tpu.memref_slice %arg2[%dma_wait3A_1267] : memref<25600000xf32, #tpu.memory_space<hbm>> -> memref<20000xf32, #tpu.memory_space<hbm>>
      %dma_wait3A_1269 = arith.constant 20000 : i32
      %dma_wait3A_1270 = tpu.memref_slice %arg6[%dma_wait3A_1269] : memref<80000xf32, #tpu.memory_space<vmem>> -> memref<20000xf32, #tpu.memory_space<vmem>>
      %dma_wait3A_1271 = arith.constant 0 : i32
      %dma_wait3A_1272 = tpu.memref_slice %arg2[%dma_wait3A_1271] : memref<25600000xf32, #tpu.memory_space<hbm>> -> memref<20000xf32, #tpu.memory_space<hbm>>
      tpu.wait_dma2 semaphore(%arg13 : memref<!tpu.dma_semaphore, #tpu.memory_space<semaphore_mem>>) src(%dma_wait3A_1272 : memref<20000xf32, #tpu.memory_space<hbm>>) dst(%dma_wait3A_1270 : memref<20000xf32, #tpu.memory_space<vmem>>)
      %jit3A_1273 = arith.constant 5 : i32
      %div3A_1274 = arith.divsi %add3A_1248, %jit3A_1273 : i32
      %sign3A_1275 = arith.constant 0 : i32
      %sign3A_1276 = arith.cmpi sgt, %add3A_1248, %sign3A_1275 : i32
      %sign3A_1277 = arith.extui %sign3A_1276 : i1 to i32
      %sign3A_1278 = arith.constant 0 : i32
      %sign3A_1279 = arith.cmpi slt, %add3A_1248, %sign3A_1278 : i32
      %sign3A_1280 = arith.extui %sign3A_1279 : i1 to i32
      %sign3A_1281 = arith.subi %sign3A_1277, %sign3A_1280 : i32
      %sign3A_1282 = arith.constant 0 : i32
      %sign3A_1283 = arith.cmpi sgt, %jit3A_1273, %sign3A_1282 : i32
      %sign3A_1284 = arith.extui %sign3A_1283 : i1 to i32
      %sign3A_1285 = arith.constant 0 : i32
      %sign3A_1286 = arith.cmpi slt, %jit3A_1273, %sign3A_1285 : i32
      %sign3A_1287 = arith.extui %sign3A_1286 : i1 to i32
      %sign3A_1288 = arith.subi %sign3A_1284, %sign3A_1287 : i32
      %ne3A_1289 = arith.cmpi ne, %sign3A_1281, %sign3A_1288 : i32
      %rem3A_1290 = arith.remsi %add3A_1248, %jit3A_1273 : i32
      %ne3A_1291 = arith.constant 0 : i32
      %ne3A_1292 = arith.cmpi ne, %rem3A_1290, %ne3A_1291 : i32
      %and3A_1293 = arith.andi %ne3A_1289, %ne3A_1292 : i1
      %sub3A_1294 = arith.constant 1 : i32
      %sub3A_1295 = arith.subi %div3A_1274, %sub3A_1294 : i32
      %select_n3A_1296 = arith.select %and3A_1293, %sub3A_1295, %div3A_1274 : i32
      %mul3A_1297 = arith.constant 16 : i32
      %mul3A_1298 = arith.muli %select_n3A_1296, %mul3A_1297 : i32
      %multiple_of3A_1299 = tpu.assume_multiple %mul3A_1298, 8 : i32
      %get3A_1300 = arith.index_cast %multiple_of3A_1299 : i32 to index
      %get3A_1301 = tpu.vector_load %arg7[%get3A_1300] {strides = array<i32>} : memref<128xf32, #tpu.memory_space<vmem>>, vector<16xf32>,
      %scan3A_1302 = arith.constant 0 : i32
      %scan3A_1303 = arith.constant 125 : i32
      %scan3A_1304 = arith.addi %scan3A_1302, %scan3A_1303 : i32
      %scan3A_1305 = arith.constant 1 : i32
      %scan3A_1306:3 = scf.for %scan3A_1434 = %scan3A_1302 to %scan3A_1304 step %scan3A_1305 iter_args(%scan3A_1435 = %scan3A_1243#0, %scan3A_1436 = %scan3A_1243#1, %scan3A_1437 = %scan3A_1243#2) -> (vector<16xf32>, vector<16xi32>, vector<16xf32>)  : i32 {
        %mul3A_1438 = arith.constant 160 : i32
        %mul3A_1439 = arith.muli %scan3A_1434, %mul3A_1438 : i32
        %add3A_1440 = arith.constant 20000 : i32
        %add3A_1441 = arith.addi %add3A_1440, %mul3A_1439 : i32
        %multiple_of3A_1442 = tpu.assume_multiple %add3A_1441, 8 : i32
        %parallel_loop3A = arith.constant 0 : i32
        %parallel_loop3A_1443 = arith.constant 2 : i32
        %parallel_loop3A_1444 = arith.constant 1 : i32
        %parallel_loop3A_1445:4 = scf.for %parallel_loop3A_1454 = %parallel_loop3A to %parallel_loop3A_1443 step %parallel_loop3A_1444 iter_args(%parallel_loop3A_1455 = %broadcast_in_dim3A_1, %parallel_loop3A_1456 = %broadcast_in_dim3A_1, %parallel_loop3A_1457 = %broadcast_in_dim3A_1, %parallel_loop3A_1458 = %broadcast_in_dim3A_1) -> (vector<16xf32>, vector<16xf32>, vector<16xf32>, vector<16xf32>)  : i32 {
          %parallel_loop3A_1459 = arith.constant 80 : i32
          %parallel_loop3A_1460 = arith.muli %parallel_loop3A_1454, %parallel_loop3A_1459 : i32
          %parallel_loop3A_1461 = arith.addi %multiple_of3A_1442, %parallel_loop3A_1460 : i32
          %parallel_loop3A_1462 = tpu.assume_multiple %parallel_loop3A_1461, 8 : i32
          %parallel_loop3A_1463 = arith.constant 0 : i32
          %parallel_loop3A_1464 = arith.addi %parallel_loop3A_1462, %parallel_loop3A_1463 : i32
          %parallel_loop3A_1465 = arith.index_cast %parallel_loop3A_1464 : i32 to index
          %parallel_loop3A_1466 = tpu.vector_load %arg6[%parallel_loop3A_1465] {strides = array<i32>} : memref<80000xf32, #tpu.memory_space<vmem>>, vector<16xf32>,
          %parallel_loop3A_1467 = arith.maximumf %parallel_loop3A_1455, %parallel_loop3A_1466 : vector<16xf32>
          %parallel_loop3A_1468 = arith.constant 16 : i32
          %parallel_loop3A_1469 = arith.addi %parallel_loop3A_1462, %parallel_loop3A_1468 : i32
          %parallel_loop3A_1470 = arith.index_cast %parallel_loop3A_1469 : i32 to index
          %parallel_loop3A_1471 = tpu.vector_load %arg6[%parallel_loop3A_1470] {strides = array<i32>} : memref<80000xf32, #tpu.memory_space<vmem>>, vector<16xf32>,
          %parallel_loop3A_1472 = arith.maximumf %parallel_loop3A_1456, %parallel_loop3A_1471 : vector<16xf32>
          %parallel_loop3A_1473 = arith.constant 32 : i32
          %parallel_loop3A_1474 = arith.addi %parallel_loop3A_1462, %parallel_loop3A_1473 : i32
          %parallel_loop3A_1475 = arith.index_cast %parallel_loop3A_1474 : i32 to index
          %parallel_loop3A_1476 = tpu.vector_load %arg6[%parallel_loop3A_1475] {strides = array<i32>} : memref<80000xf32, #tpu.memory_space<vmem>>, vector<16xf32>,
          %parallel_loop3A_1477 = arith.maximumf %parallel_loop3A_1457, %parallel_loop3A_1476 : vector<16xf32>
          %parallel_loop3A_1478 = arith.constant 48 : i32
          %parallel_loop3A_1479 = arith.addi %parallel_loop3A_1462, %parallel_loop3A_1478 : i32
          %parallel_loop3A_1480 = arith.index_cast %parallel_loop3A_1479 : i32 to index
          %parallel_loop3A_1481 = tpu.vector_load %arg6[%parallel_loop3A_1480] {strides = array<i32>} : memref<80000xf32, #tpu.memory_space<vmem>>, vector<16xf32>,
          %parallel_loop3A_1482 = arith.maximumf %parallel_loop3A_1458, %parallel_loop3A_1481 : vector<16xf32>
          %parallel_loop3A_1483 = arith.constant 64 : i32
          %parallel_loop3A_1484 = arith.addi %parallel_loop3A_1462, %parallel_loop3A_1483 : i32
          %parallel_loop3A_1485 = arith.index_cast %parallel_loop3A_1484 : i32 to index
          %parallel_loop3A_1486 = tpu.vector_load %arg6[%parallel_loop3A_1485] {strides = array<i32>} : memref<80000xf32, #tpu.memory_space<vmem>>, vector<16xf32>,
          %parallel_loop3A_1487 = arith.maximumf %parallel_loop3A_1467, %parallel_loop3A_1486 : vector<16xf32>
          scf.yield %parallel_loop3A_1487, %parallel_loop3A_1472, %parallel_loop3A_1477, %parallel_loop3A_1482 : vector<16xf32>, vector<16xf32>, vector<16xf32>, vector<16xf32>
        } {sc.loop_unroll_factor = 2 : i64, sc.parallel_access}
        %max3A = arith.maximumf %parallel_loop3A_1445#0, %parallel_loop3A_1445#1 : vector<16xf32>
        %max3A_1446 = arith.maximumf %parallel_loop3A_1445#2, %parallel_loop3A_1445#3 : vector<16xf32>
        %max3A_1447 = arith.maximumf %max3A, %max3A_1446 : vector<16xf32>
        %add3A_1448 = arith.addf %max3A_1447, %get3A_1301 : vector<16xf32>
        %max3A_1449 = arith.maximumf %scan3A_1435, %add3A_1448 : vector<16xf32>
        %sub3A_1450 = arith.subf %scan3A_1437, %get3A_1301 : vector<16xf32>
        %ge3A = arith.cmpf oge, %max3A_1447, %sub3A_1450 : vector<16xf32>
        %all_reduce_population_count3A = tpu.all_reduce %ge3A {dim = 0 : i64, kind = #tpu.reduction_kind<sum>} : vector<16xi1> -> vector<16xi32>
        %slice3A = vector.extract_strided_slice %all_reduce_population_count3A {offsets = [0], sizes = [1], strides = [1]} : vector<16xi32> to vector<1xi32>
        %squeeze3A = vector.extract %slice3A[0] : i32 from vector<1xi32>
        %gt3A = arith.constant 0 : i32
        %gt3A_1451 = arith.cmpi sgt, %squeeze3A, %gt3A : i32
        %convert_element_type3A = arith.extui %gt3A_1451 : i1 to i32
        %cond3A = arith.constant 0 : i32
        %cond3A_1452 = arith.cmpi ne, %convert_element_type3A, %cond3A : i32
        %cond3A_1453:2 = scf.if %cond3A_1452 -> (vector<16xi32>, vector<16xf32>) {
          %neg3A_1454 = arith.constant 0.000000e+00 : f32
          %neg3A_1455 = vector.broadcast %neg3A_1454 : f32 to vector<16xf32>
          %neg3A_1456 = arith.subf %neg3A_1455, %max3A_1449 : vector<16xf32>
          %reduce_max3A_1457 = arith.constant true
          %reduce_max3A_1458 = vector.broadcast %reduce_max3A_1457 : i1 to vector<16xi1>
          %reduce_max3A_1459 = tpu.scan <max>, %neg3A_1456 masked %reduce_max3A_1458 : vector<16xf32>, vector<16xi1> -> vector<16xf32>
          %reduce_max3A_1460 = vector.extract %reduce_max3A_1459[15] : f32 from vector<16xf32>
          %neg3A_1461 = arith.constant 0.000000e+00 : f32
          %neg3A_1462 = arith.subf %neg3A_1461, %reduce_max3A_1460 : f32
          %broadcast_in_dim3A_1463 = vector.broadcast %neg3A_1462 : f32 to vector<16xf32>
          %mul3A_1464 = arith.constant 20000 : i32
          %mul3A_1465 = arith.muli %add3A_1248, %mul3A_1464 : i32
          %mul3A_1466 = arith.constant 160 : i32
          %mul3A_1467 = arith.muli %scan3A_1434, %mul3A_1466 : i32
          %add3A_1468 = arith.addi %mul3A_1465, %mul3A_1467 : i32
          %broadcast_in_dim3A_1469 = vector.broadcast %add3A_1468 : i32 to vector<16xi32>
          %add3A_1470 = arith.addi %broadcast_in_dim3A_1469, %iota3A : vector<16xi32>
          %scan3A_1471 = arith.constant 0 : i32
          %scan3A_1472 = arith.constant 2 : i32
          %scan3A_1473 = arith.addi %scan3A_1471, %scan3A_1472 : i32
          %scan3A_1474 = arith.constant 1 : i32
          %scan3A_1475:2 = scf.for %scan3A_1477 = %scan3A_1471 to %scan3A_1473 step %scan3A_1474 iter_args(%scan3A_1478 = %scan3A_1436, %scan3A_1479 = %add3A_1470) -> (vector<16xi32>, vector<16xi32>)  : i32 {
            %mul3A_1480 = arith.constant 80 : i32
            %mul3A_1481 = arith.muli %scan3A_1477, %mul3A_1480 : i32
            %add3A_1482 = arith.addi %multiple_of3A_1442, %mul3A_1481 : i32
            %multiple_of3A_1483 = tpu.assume_multiple %add3A_1482, 8 : i32
            %add3A_1484 = arith.constant 0 : i32
            %add3A_1485 = arith.addi %multiple_of3A_1483, %add3A_1484 : i32
            %get3A_1486 = arith.index_cast %add3A_1485 : i32 to index
            %get3A_1487 = tpu.vector_load %arg6[%get3A_1486] {strides = array<i32>} : memref<80000xf32, #tpu.memory_space<vmem>>, vector<16xf32>,
            %add3A_1488 = arith.addf %get3A_1487, %get3A_1301 : vector<16xf32>
            %ge3A_1489 = arith.cmpf oge, %add3A_1488, %broadcast_in_dim3A_1463 : vector<16xf32>
            %all_reduce_population_count3A_1490 = tpu.all_reduce %ge3A_1489 {dim = 0 : i64, kind = #tpu.reduction_kind<sum>} : vector<16xi1> -> vector<16xi32>
            %gt3A_1491 = arith.constant 0 : i32
            %gt3A_1492 = vector.broadcast %gt3A_1491 : i32 to vector<16xi32>
            %gt3A_1493 = arith.cmpi sgt, %all_reduce_population_count3A_1490, %gt3A_1492 : vector<16xi32>
            %add3A_1494 = arith.addi %scan3A_1478, %iota3A : vector<16xi32>
            %min3A_1495 = arith.constant 16383 : i32
            %min3A_1496 = vector.broadcast %min3A_1495 : i32 to vector<16xi32>
            %min3A_1497 = arith.minsi %add3A_1494, %min3A_1496 : vector<16xi32>
            tpu.vector_store_idx %arg8[%min3A_1497], %add3A_1488 masked %gt3A_1493 : memref<16384xf32, #tpu.memory_space<vmem>>[vector<16xi32>], vector<16xf32>, vector<16xi1>
            tpu.vector_store_idx %arg9[%min3A_1497], %scan3A_1479 masked %gt3A_1493 : memref<16384xi32, #tpu.memory_space<vmem>>[vector<16xi32>], vector<16xi32>, vector<16xi1>
            %jit3A_1498 = arith.constant 16 : i32
            %jit3A_1499 = arith.constant 0 : i32
            %broadcast_in_dim3A_1500 = vector.broadcast %jit3A_1498 : i32 to vector<16xi32>
            %broadcast_in_dim3A_1501 = vector.broadcast %jit3A_1499 : i32 to vector<16xi32>
            %select_n3A_1502 = arith.select %gt3A_1493, %broadcast_in_dim3A_1500, %broadcast_in_dim3A_1501 : vector<16xi1>, vector<16xi32>
            %add3A_1503 = arith.addi %scan3A_1478, %select_n3A_1502 : vector<16xi32>
            %add3A_1504 = arith.constant 16 : i32
            %add3A_1505 = vector.broadcast %add3A_1504 : i32 to vector<16xi32>
            %add3A_1506 = arith.addi %scan3A_1479, %add3A_1505 : vector<16xi32>
            %add3A_1507 = arith.constant 16 : i32
            %add3A_1508 = arith.addi %multiple_of3A_1483, %add3A_1507 : i32
            %get3A_1509 = arith.index_cast %add3A_1508 : i32 to index
            %get3A_1510 = tpu.vector_load %arg6[%get3A_1509] {strides = array<i32>} : memref<80000xf32, #tpu.memory_space<vmem>>, vector<16xf32>,
            %add3A_1511 = arith.addf %get3A_1510, %get3A_1301 : vector<16xf32>
            %ge3A_1512 = arith.cmpf oge, %add3A_1511, %broadcast_in_dim3A_1463 : vector<16xf32>
            %all_reduce_population_count3A_1513 = tpu.all_reduce %ge3A_1512 {dim = 0 : i64, kind = #tpu.reduction_kind<sum>} : vector<16xi1> -> vector<16xi32>
            %gt3A_1514 = arith.constant 0 : i32
            %gt3A_1515 = vector.broadcast %gt3A_1514 : i32 to vector<16xi32>
            %gt3A_1516 = arith.cmpi sgt, %all_reduce_population_count3A_1513, %gt3A_1515 : vector<16xi32>
            %add3A_1517 = arith.addi %add3A_1503, %iota3A : vector<16xi32>
            %min3A_1518 = arith.constant 16383 : i32
            %min3A_1519 = vector.broadcast %min3A_1518 : i32 to vector<16xi32>
            %min3A_1520 = arith.minsi %add3A_1517, %min3A_1519 : vector<16xi32>
            tpu.vector_store_idx %arg8[%min3A_1520], %add3A_1511 masked %gt3A_1516 : memref<16384xf32, #tpu.memory_space<vmem>>[vector<16xi32>], vector<16xf32>, vector<16xi1>
            tpu.vector_store_idx %arg9[%min3A_1520], %add3A_1506 masked %gt3A_1516 : memref<16384xi32, #tpu.memory_space<vmem>>[vector<16xi32>], vector<16xi32>, vector<16xi1>
            %jit3A_1521 = arith.constant 16 : i32
            %jit3A_1522 = arith.constant 0 : i32
            %broadcast_in_dim3A_1523 = vector.broadcast %jit3A_1521 : i32 to vector<16xi32>
            %broadcast_in_dim3A_1524 = vector.broadcast %jit3A_1522 : i32 to vector<16xi32>
            %select_n3A_1525 = arith.select %gt3A_1516, %broadcast_in_dim3A_1523, %broadcast_in_dim3A_1524 : vector<16xi1>, vector<16xi32>
            %add3A_1526 = arith.addi %add3A_1503, %select_n3A_1525 : vector<16xi32>
            %add3A_1527 = arith.constant 16 : i32
            %add3A_1528 = vector.broadcast %add3A_1527 : i32 to vector<16xi32>
            %add3A_1529 = arith.addi %add3A_1506, %add3A_1528 : vector<16xi32>
            %add3A_1530 = arith.constant 32 : i32
            %add3A_1531 = arith.addi %multiple_of3A_1483, %add3A_1530 : i32
            %get3A_1532 = arith.index_cast %add3A_1531 : i32 to index
            %get3A_1533 = tpu.vector_load %arg6[%get3A_1532] {strides = array<i32>} : memref<80000xf32, #tpu.memory_space<vmem>>, vector<16xf32>,
            %add3A_1534 = arith.addf %get3A_1533, %get3A_1301 : vector<16xf32>
            %ge3A_1535 = arith.cmpf oge, %add3A_1534, %broadcast_in_dim3A_1463 : vector<16xf32>
            %all_reduce_population_count3A_1536 = tpu.all_reduce %ge3A_1535 {dim = 0 : i64, kind = #tpu.reduction_kind<sum>} : vector<16xi1> -> vector<16xi32>
            %gt3A_1537 = arith.constant 0 : i32
            %gt3A_1538 = vector.broadcast %gt3A_1537 : i32 to vector<16xi32>
            %gt3A_1539 = arith.cmpi sgt, %all_reduce_population_count3A_1536, %gt3A_1538 : vector<16xi32>
            %add3A_1540 = arith.addi %add3A_1526, %iota3A : vector<16xi32>
            %min3A_1541 = arith.constant 16383 : i32
            %min3A_1542 = vector.broadcast %min3A_1541 : i32 to vector<16xi32>
            %min3A_1543 = arith.minsi %add3A_1540, %min3A_1542 : vector<16xi32>
            tpu.vector_store_idx %arg8[%min3A_1543], %add3A_1534 masked %gt3A_1539 : memref<16384xf32, #tpu.memory_space<vmem>>[vector<16xi32>], vector<16xf32>, vector<16xi1>
            tpu.vector_store_idx %arg9[%min3A_1543], %add3A_1529 masked %gt3A_1539 : memref<16384xi32, #tpu.memory_space<vmem>>[vector<16xi32>], vector<16xi32>, vector<16xi1>
            %jit3A_1544 = arith.constant 16 : i32
            %jit3A_1545 = arith.constant 0 : i32
            %broadcast_in_dim3A_1546 = vector.broadcast %jit3A_1544 : i32 to vector<16xi32>
            %broadcast_in_dim3A_1547 = vector.broadcast %jit3A_1545 : i32 to vector<16xi32>
            %select_n3A_1548 = arith.select %gt3A_1539, %broadcast_in_dim3A_1546, %broadcast_in_dim3A_1547 : vector<16xi1>, vector<16xi32>
            %add3A_1549 = arith.addi %add3A_1526, %select_n3A_1548 : vector<16xi32>
            %add3A_1550 = arith.constant 16 : i32
            %add3A_1551 = vector.broadcast %add3A_1550 : i32 to vector<16xi32>
            %add3A_1552 = arith.addi %add3A_1529, %add3A_1551 : vector<16xi32>
            %add3A_1553 = arith.constant 48 : i32
            %add3A_1554 = arith.addi %multiple_of3A_1483, %add3A_1553 : i32
            %get3A_1555 = arith.index_cast %add3A_1554 : i32 to index
            %get3A_1556 = tpu.vector_load %arg6[%get3A_1555] {strides = array<i32>} : memref<80000xf32, #tpu.memory_space<vmem>>, vector<16xf32>,
            %add3A_1557 = arith.addf %get3A_1556, %get3A_1301 : vector<16xf32>
            %ge3A_1558 = arith.cmpf oge, %add3A_1557, %broadcast_in_dim3A_1463 : vector<16xf32>
            %all_reduce_population_count3A_1559 = tpu.all_reduce %ge3A_1558 {dim = 0 : i64, kind = #tpu.reduction_kind<sum>} : vector<16xi1> -> vector<16xi32>
            %gt3A_1560 = arith.constant 0 : i32
            %gt3A_1561 = vector.broadcast %gt3A_1560 : i32 to vector<16xi32>
            %gt3A_1562 = arith.cmpi sgt, %all_reduce_population_count3A_1559, %gt3A_1561 : vector<16xi32>
            %add3A_1563 = arith.addi %add3A_1549, %iota3A : vector<16xi32>
            %min3A_1564 = arith.constant 16383 : i32
            %min3A_1565 = vector.broadcast %min3A_1564 : i32 to vector<16xi32>
            %min3A_1566 = arith.minsi %add3A_1563, %min3A_1565 : vector<16xi32>
            tpu.vector_store_idx %arg8[%min3A_1566], %add3A_1557 masked %gt3A_1562 : memref<16384xf32, #tpu.memory_space<vmem>>[vector<16xi32>], vector<16xf32>, vector<16xi1>
            tpu.vector_store_idx %arg9[%min3A_1566], %add3A_1552 masked %gt3A_1562 : memref<16384xi32, #tpu.memory_space<vmem>>[vector<16xi32>], vector<16xi32>, vector<16xi1>
            %jit3A_1567 = arith.constant 16 : i32
            %jit3A_1568 = arith.constant 0 : i32
            %broadcast_in_dim3A_1569 = vector.broadcast %jit3A_1567 : i32 to vector<16xi32>
            %broadcast_in_dim3A_1570 = vector.broadcast %jit3A_1568 : i32 to vector<16xi32>
            %select_n3A_1571 = arith.select %gt3A_1562, %broadcast_in_dim3A_1569, %broadcast_in_dim3A_1570 : vector<16xi1>, vector<16xi32>
            %add3A_1572 = arith.addi %add3A_1549, %select_n3A_1571 : vector<16xi32>
            %add3A_1573 = arith.constant 16 : i32
            %add3A_1574 = vector.broadcast %add3A_1573 : i32 to vector<16xi32>
            %add3A_1575 = arith.addi %add3A_1552, %add3A_1574 : vector<16xi32>
            %add3A_1576 = arith.constant 64 : i32
            %add3A_1577 = arith.addi %multiple_of3A_1483, %add3A_1576 : i32
            %get3A_1578 = arith.index_cast %add3A_1577 : i32 to index
            %get3A_1579 = tpu.vector_load %arg6[%get3A_1578] {strides = array<i32>} : memref<80000xf32, #tpu.memory_space<vmem>>, vector<16xf32>,
            %add3A_1580 = arith.addf %get3A_1579, %get3A_1301 : vector<16xf32>
            %ge3A_1581 = arith.cmpf oge, %add3A_1580, %broadcast_in_dim3A_1463 : vector<16xf32>
            %all_reduce_population_count3A_1582 = tpu.all_reduce %ge3A_1581 {dim = 0 : i64, kind = #tpu.reduction_kind<sum>} : vector<16xi1> -> vector<16xi32>
            %gt3A_1583 = arith.constant 0 : i32
            %gt3A_1584 = vector.broadcast %gt3A_1583 : i32 to vector<16xi32>
            %gt3A_1585 = arith.cmpi sgt, %all_reduce_population_count3A_1582, %gt3A_1584 : vector<16xi32>
            %add3A_1586 = arith.addi %add3A_1572, %iota3A : vector<16xi32>
            %min3A_1587 = arith.constant 16383 : i32
            %min3A_1588 = vector.broadcast %min3A_1587 : i32 to vector<16xi32>
            %min3A_1589 = arith.minsi %add3A_1586, %min3A_1588 : vector<16xi32>
            tpu.vector_store_idx %arg8[%min3A_1589], %add3A_1580 masked %gt3A_1585 : memref<16384xf32, #tpu.memory_space<vmem>>[vector<16xi32>], vector<16xf32>, vector<16xi1>
            tpu.vector_store_idx %arg9[%min3A_1589], %add3A_1575 masked %gt3A_1585 : memref<16384xi32, #tpu.memory_space<vmem>>[vector<16xi32>], vector<16xi32>, vector<16xi1>
            %jit3A_1590 = arith.constant 16 : i32
            %jit3A_1591 = arith.constant 0 : i32
            %broadcast_in_dim3A_1592 = vector.broadcast %jit3A_1590 : i32 to vector<16xi32>
            %broadcast_in_dim3A_1593 = vector.broadcast %jit3A_1591 : i32 to vector<16xi32>
            %select_n3A_1594 = arith.select %gt3A_1585, %broadcast_in_dim3A_1592, %broadcast_in_dim3A_1593 : vector<16xi1>, vector<16xi32>
            %add3A_1595 = arith.addi %add3A_1572, %select_n3A_1594 : vector<16xi32>
            %add3A_1596 = arith.constant 16 : i32
            %add3A_1597 = vector.broadcast %add3A_1596 : i32 to vector<16xi32>
            %add3A_1598 = arith.addi %add3A_1575, %add3A_1597 : vector<16xi32>
            scf.yield %add3A_1595, %add3A_1598 : vector<16xi32>, vector<16xi32>
          }
          %scan3A_1476 = arith.constant 2 : i32
          scf.yield %scan3A_1475#0, %broadcast_in_dim3A_1463 : vector<16xi32>, vector<16xf32>
        } else {
          scf.yield %scan3A_1436, %scan3A_1437 : vector<16xi32>, vector<16xf32>
        }
        scf.yield %max3A_1449, %cond3A_1453#0, %cond3A_1453#1 : vector<16xf32>, vector<16xi32>, vector<16xf32>
      }
      %scan3A_1307 = arith.constant 125 : i32
      %mul3A_1308 = arith.constant 4 : i32
      %mul3A_1309 = arith.muli %mul3A_1308, %scan3A_1179 : i32
      %add3A_1310 = arith.constant 2 : i32
      %add3A_1311 = arith.addi %mul3A_1309, %add3A_1310 : i32
      %add3A_1312 = arith.constant 3 : i32
      %add3A_1313 = arith.addi %add3A_1311, %add3A_1312 : i32
      %mul3A_1314 = arith.constant 800000 : i32
      %mul3A_1315 = arith.muli %add3A, %mul3A_1314 : i32
      %mul3A_1316 = arith.constant 20000 : i32
      %mul3A_1317 = arith.muli %add3A_1313, %mul3A_1316 : i32
      %add3A_1318 = arith.addi %mul3A_1315, %mul3A_1317 : i32
      %min3A_1319 = arith.constant 25580000 : i32
      %min3A_1320 = arith.minsi %add3A_1318, %min3A_1319 : i32
      %multiple_of3A_1321 = tpu.assume_multiple %min3A_1320, 8 : i32
      %dma_start3A_1322 = arith.constant 20000 : i32
      %dma_start3A_1323 = tpu.memref_slice %arg6[%dma_start3A_1322] : memref<80000xf32, #tpu.memory_space<vmem>> -> memref<20000xf32, #tpu.memory_space<vmem>>
      %dma_start3A_1324 = tpu.memref_slice %arg2[%multiple_of3A_1321] : memref<25600000xf32, #tpu.memory_space<hbm>> -> memref<20000xf32, #tpu.memory_space<hbm>>
      %dma_start3A_1325 = arith.constant 20000 : i32
      %dma_start3A_1326 = tpu.memref_slice %arg6[%dma_start3A_1325] : memref<80000xf32, #tpu.memory_space<vmem>> -> memref<20000xf32, #tpu.memory_space<vmem>>
      %dma_start3A_1327 = tpu.memref_slice %arg2[%multiple_of3A_1321] : memref<25600000xf32, #tpu.memory_space<hbm>> -> memref<20000xf32, #tpu.memory_space<hbm>>
      tpu.enqueue_dma source(%dma_start3A_1327 : memref<20000xf32, #tpu.memory_space<hbm>>) target(%dma_start3A_1326 : memref<20000xf32, #tpu.memory_space<vmem>>) target_semaphore(%arg13 : memref<!tpu.dma_semaphore, #tpu.memory_space<semaphore_mem>>)
      %dma_wait3A_1328 = arith.constant 40000 : i32
      %dma_wait3A_1329 = tpu.memref_slice %arg6[%dma_wait3A_1328] : memref<80000xf32, #tpu.memory_space<vmem>> -> memref<20000xf32, #tpu.memory_space<vmem>>
      %dma_wait3A_1330 = arith.constant 0 : i32
      %dma_wait3A_1331 = tpu.memref_slice %arg2[%dma_wait3A_1330] : memref<25600000xf32, #tpu.memory_space<hbm>> -> memref<20000xf32, #tpu.memory_space<hbm>>
      %dma_wait3A_1332 = arith.constant 40000 : i32
      %dma_wait3A_1333 = tpu.memref_slice %arg6[%dma_wait3A_1332] : memref<80000xf32, #tpu.memory_space<vmem>> -> memref<20000xf32, #tpu.memory_space<vmem>>
      %dma_wait3A_1334 = arith.constant 0 : i32
      %dma_wait3A_1335 = tpu.memref_slice %arg2[%dma_wait3A_1334] : memref<25600000xf32, #tpu.memory_space<hbm>> -> memref<20000xf32, #tpu.memory_space<hbm>>
      tpu.wait_dma2 semaphore(%arg14 : memref<!tpu.dma_semaphore, #tpu.memory_space<semaphore_mem>>) src(%dma_wait3A_1335 : memref<20000xf32, #tpu.memory_space<hbm>>) dst(%dma_wait3A_1333 : memref<20000xf32, #tpu.memory_space<vmem>>)
      %jit3A_1336 = arith.constant 5 : i32
      %div3A_1337 = arith.divsi %add3A_1311, %jit3A_1336 : i32
      %sign3A_1338 = arith.constant 0 : i32
      %sign3A_1339 = arith.cmpi sgt, %add3A_1311, %sign3A_1338 : i32
      %sign3A_1340 = arith.extui %sign3A_1339 : i1 to i32
      %sign3A_1341 = arith.constant 0 : i32
      %sign3A_1342 = arith.cmpi slt, %add3A_1311, %sign3A_1341 : i32
      %sign3A_1343 = arith.extui %sign3A_1342 : i1 to i32
      %sign3A_1344 = arith.subi %sign3A_1340, %sign3A_1343 : i32
      %sign3A_1345 = arith.constant 0 : i32
      %sign3A_1346 = arith.cmpi sgt, %jit3A_1336, %sign3A_1345 : i32
      %sign3A_1347 = arith.extui %sign3A_1346 : i1 to i32
      %sign3A_1348 = arith.constant 0 : i32
      %sign3A_1349 = arith.cmpi slt, %jit3A_1336, %sign3A_1348 : i32
      %sign3A_1350 = arith.extui %sign3A_1349 : i1 to i32
      %sign3A_1351 = arith.subi %sign3A_1347, %sign3A_1350 : i32
      %ne3A_1352 = arith.cmpi ne, %sign3A_1344, %sign3A_1351 : i32
      %rem3A_1353 = arith.remsi %add3A_1311, %jit3A_1336 : i32
      %ne3A_1354 = arith.constant 0 : i32
      %ne3A_1355 = arith.cmpi ne, %rem3A_1353, %ne3A_1354 : i32
      %and3A_1356 = arith.andi %ne3A_1352, %ne3A_1355 : i1
      %sub3A_1357 = arith.constant 1 : i32
      %sub3A_1358 = arith.subi %div3A_1337, %sub3A_1357 : i32
      %select_n3A_1359 = arith.select %and3A_1356, %sub3A_1358, %div3A_1337 : i32
      %mul3A_1360 = arith.constant 16 : i32
      %mul3A_1361 = arith.muli %select_n3A_1359, %mul3A_1360 : i32
      %multiple_of3A_1362 = tpu.assume_multiple %mul3A_1361, 8 : i32
      %get3A_1363 = arith.index_cast %multiple_of3A_1362 : i32 to index
      %get3A_1364 = tpu.vector_load %arg7[%get3A_1363] {strides = array<i32>} : memref<128xf32, #tpu.memory_space<vmem>>, vector<16xf32>,
      %scan3A_1365 = arith.constant 0 : i32
      %scan3A_1366 = arith.constant 125 : i32
      %scan3A_1367 = arith.addi %scan3A_1365, %scan3A_1366 : i32
      %scan3A_1368 = arith.constant 1 : i32
      %scan3A_1369:3 = scf.for %scan3A_1434 = %scan3A_1365 to %scan3A_1367 step %scan3A_1368 iter_args(%scan3A_1435 = %scan3A_1306#0, %scan3A_1436 = %scan3A_1306#1, %scan3A_1437 = %scan3A_1306#2) -> (vector<16xf32>, vector<16xi32>, vector<16xf32>)  : i32 {
        %mul3A_1438 = arith.constant 160 : i32
        %mul3A_1439 = arith.muli %scan3A_1434, %mul3A_1438 : i32
        %add3A_1440 = arith.constant 40000 : i32
        %add3A_1441 = arith.addi %add3A_1440, %mul3A_1439 : i32
        %multiple_of3A_1442 = tpu.assume_multiple %add3A_1441, 8 : i32
        %parallel_loop3A = arith.constant 0 : i32
        %parallel_loop3A_1443 = arith.constant 2 : i32
        %parallel_loop3A_1444 = arith.constant 1 : i32
        %parallel_loop3A_1445:4 = scf.for %parallel_loop3A_1454 = %parallel_loop3A to %parallel_loop3A_1443 step %parallel_loop3A_1444 iter_args(%parallel_loop3A_1455 = %broadcast_in_dim3A_1, %parallel_loop3A_1456 = %broadcast_in_dim3A_1, %parallel_loop3A_1457 = %broadcast_in_dim3A_1, %parallel_loop3A_1458 = %broadcast_in_dim3A_1) -> (vector<16xf32>, vector<16xf32>, vector<16xf32>, vector<16xf32>)  : i32 {
          %parallel_loop3A_1459 = arith.constant 80 : i32
          %parallel_loop3A_1460 = arith.muli %parallel_loop3A_1454, %parallel_loop3A_1459 : i32
          %parallel_loop3A_1461 = arith.addi %multiple_of3A_1442, %parallel_loop3A_1460 : i32
          %parallel_loop3A_1462 = tpu.assume_multiple %parallel_loop3A_1461, 8 : i32
          %parallel_loop3A_1463 = arith.constant 0 : i32
          %parallel_loop3A_1464 = arith.addi %parallel_loop3A_1462, %parallel_loop3A_1463 : i32
          %parallel_loop3A_1465 = arith.index_cast %parallel_loop3A_1464 : i32 to index
          %parallel_loop3A_1466 = tpu.vector_load %arg6[%parallel_loop3A_1465] {strides = array<i32>} : memref<80000xf32, #tpu.memory_space<vmem>>, vector<16xf32>,
          %parallel_loop3A_1467 = arith.maximumf %parallel_loop3A_1455, %parallel_loop3A_1466 : vector<16xf32>
          %parallel_loop3A_1468 = arith.constant 16 : i32
          %parallel_loop3A_1469 = arith.addi %parallel_loop3A_1462, %parallel_loop3A_1468 : i32
          %parallel_loop3A_1470 = arith.index_cast %parallel_loop3A_1469 : i32 to index
          %parallel_loop3A_1471 = tpu.vector_load %arg6[%parallel_loop3A_1470] {strides = array<i32>} : memref<80000xf32, #tpu.memory_space<vmem>>, vector<16xf32>,
          %parallel_loop3A_1472 = arith.maximumf %parallel_loop3A_1456, %parallel_loop3A_1471 : vector<16xf32>
          %parallel_loop3A_1473 = arith.constant 32 : i32
          %parallel_loop3A_1474 = arith.addi %parallel_loop3A_1462, %parallel_loop3A_1473 : i32
          %parallel_loop3A_1475 = arith.index_cast %parallel_loop3A_1474 : i32 to index
          %parallel_loop3A_1476 = tpu.vector_load %arg6[%parallel_loop3A_1475] {strides = array<i32>} : memref<80000xf32, #tpu.memory_space<vmem>>, vector<16xf32>,
          %parallel_loop3A_1477 = arith.maximumf %parallel_loop3A_1457, %parallel_loop3A_1476 : vector<16xf32>
          %parallel_loop3A_1478 = arith.constant 48 : i32
          %parallel_loop3A_1479 = arith.addi %parallel_loop3A_1462, %parallel_loop3A_1478 : i32
          %parallel_loop3A_1480 = arith.index_cast %parallel_loop3A_1479 : i32 to index
          %parallel_loop3A_1481 = tpu.vector_load %arg6[%parallel_loop3A_1480] {strides = array<i32>} : memref<80000xf32, #tpu.memory_space<vmem>>, vector<16xf32>,
          %parallel_loop3A_1482 = arith.maximumf %parallel_loop3A_1458, %parallel_loop3A_1481 : vector<16xf32>
          %parallel_loop3A_1483 = arith.constant 64 : i32
          %parallel_loop3A_1484 = arith.addi %parallel_loop3A_1462, %parallel_loop3A_1483 : i32
          %parallel_loop3A_1485 = arith.index_cast %parallel_loop3A_1484 : i32 to index
          %parallel_loop3A_1486 = tpu.vector_load %arg6[%parallel_loop3A_1485] {strides = array<i32>} : memref<80000xf32, #tpu.memory_space<vmem>>, vector<16xf32>,
          %parallel_loop3A_1487 = arith.maximumf %parallel_loop3A_1467, %parallel_loop3A_1486 : vector<16xf32>
          scf.yield %parallel_loop3A_1487, %parallel_loop3A_1472, %parallel_loop3A_1477, %parallel_loop3A_1482 : vector<16xf32>, vector<16xf32>, vector<16xf32>, vector<16xf32>
        } {sc.loop_unroll_factor = 2 : i64, sc.parallel_access}
        %max3A = arith.maximumf %parallel_loop3A_1445#0, %parallel_loop3A_1445#1 : vector<16xf32>
        %max3A_1446 = arith.maximumf %parallel_loop3A_1445#2, %parallel_loop3A_1445#3 : vector<16xf32>
        %max3A_1447 = arith.maximumf %max3A, %max3A_1446 : vector<16xf32>
        %add3A_1448 = arith.addf %max3A_1447, %get3A_1364 : vector<16xf32>
        %max3A_1449 = arith.maximumf %scan3A_1435, %add3A_1448 : vector<16xf32>
        %sub3A_1450 = arith.subf %scan3A_1437, %get3A_1364 : vector<16xf32>
        %ge3A = arith.cmpf oge, %max3A_1447, %sub3A_1450 : vector<16xf32>
        %all_reduce_population_count3A = tpu.all_reduce %ge3A {dim = 0 : i64, kind = #tpu.reduction_kind<sum>} : vector<16xi1> -> vector<16xi32>
        %slice3A = vector.extract_strided_slice %all_reduce_population_count3A {offsets = [0], sizes = [1], strides = [1]} : vector<16xi32> to vector<1xi32>
        %squeeze3A = vector.extract %slice3A[0] : i32 from vector<1xi32>
        %gt3A = arith.constant 0 : i32
        %gt3A_1451 = arith.cmpi sgt, %squeeze3A, %gt3A : i32
        %convert_element_type3A = arith.extui %gt3A_1451 : i1 to i32
        %cond3A = arith.constant 0 : i32
        %cond3A_1452 = arith.cmpi ne, %convert_element_type3A, %cond3A : i32
        %cond3A_1453:2 = scf.if %cond3A_1452 -> (vector<16xi32>, vector<16xf32>) {
          %neg3A_1454 = arith.constant 0.000000e+00 : f32
          %neg3A_1455 = vector.broadcast %neg3A_1454 : f32 to vector<16xf32>
          %neg3A_1456 = arith.subf %neg3A_1455, %max3A_1449 : vector<16xf32>
          %reduce_max3A_1457 = arith.constant true
          %reduce_max3A_1458 = vector.broadcast %reduce_max3A_1457 : i1 to vector<16xi1>
          %reduce_max3A_1459 = tpu.scan <max>, %neg3A_1456 masked %reduce_max3A_1458 : vector<16xf32>, vector<16xi1> -> vector<16xf32>
          %reduce_max3A_1460 = vector.extract %reduce_max3A_1459[15] : f32 from vector<16xf32>
          %neg3A_1461 = arith.constant 0.000000e+00 : f32
          %neg3A_1462 = arith.subf %neg3A_1461, %reduce_max3A_1460 : f32
          %broadcast_in_dim3A_1463 = vector.broadcast %neg3A_1462 : f32 to vector<16xf32>
          %mul3A_1464 = arith.constant 20000 : i32
          %mul3A_1465 = arith.muli %add3A_1311, %mul3A_1464 : i32
          %mul3A_1466 = arith.constant 160 : i32
          %mul3A_1467 = arith.muli %scan3A_1434, %mul3A_1466 : i32
          %add3A_1468 = arith.addi %mul3A_1465, %mul3A_1467 : i32
          %broadcast_in_dim3A_1469 = vector.broadcast %add3A_1468 : i32 to vector<16xi32>
          %add3A_1470 = arith.addi %broadcast_in_dim3A_1469, %iota3A : vector<16xi32>
          %scan3A_1471 = arith.constant 0 : i32
          %scan3A_1472 = arith.constant 2 : i32
          %scan3A_1473 = arith.addi %scan3A_1471, %scan3A_1472 : i32
          %scan3A_1474 = arith.constant 1 : i32
          %scan3A_1475:2 = scf.for %scan3A_1477 = %scan3A_1471 to %scan3A_1473 step %scan3A_1474 iter_args(%scan3A_1478 = %scan3A_1436, %scan3A_1479 = %add3A_1470) -> (vector<16xi32>, vector<16xi32>)  : i32 {
            %mul3A_1480 = arith.constant 80 : i32
            %mul3A_1481 = arith.muli %scan3A_1477, %mul3A_1480 : i32
            %add3A_1482 = arith.addi %multiple_of3A_1442, %mul3A_1481 : i32
            %multiple_of3A_1483 = tpu.assume_multiple %add3A_1482, 8 : i32
            %add3A_1484 = arith.constant 0 : i32
            %add3A_1485 = arith.addi %multiple_of3A_1483, %add3A_1484 : i32
            %get3A_1486 = arith.index_cast %add3A_1485 : i32 to index
            %get3A_1487 = tpu.vector_load %arg6[%get3A_1486] {strides = array<i32>} : memref<80000xf32, #tpu.memory_space<vmem>>, vector<16xf32>,
            %add3A_1488 = arith.addf %get3A_1487, %get3A_1364 : vector<16xf32>
            %ge3A_1489 = arith.cmpf oge, %add3A_1488, %broadcast_in_dim3A_1463 : vector<16xf32>
            %all_reduce_population_count3A_1490 = tpu.all_reduce %ge3A_1489 {dim = 0 : i64, kind = #tpu.reduction_kind<sum>} : vector<16xi1> -> vector<16xi32>
            %gt3A_1491 = arith.constant 0 : i32
            %gt3A_1492 = vector.broadcast %gt3A_1491 : i32 to vector<16xi32>
            %gt3A_1493 = arith.cmpi sgt, %all_reduce_population_count3A_1490, %gt3A_1492 : vector<16xi32>
            %add3A_1494 = arith.addi %scan3A_1478, %iota3A : vector<16xi32>
            %min3A_1495 = arith.constant 16383 : i32
            %min3A_1496 = vector.broadcast %min3A_1495 : i32 to vector<16xi32>
            %min3A_1497 = arith.minsi %add3A_1494, %min3A_1496 : vector<16xi32>
            tpu.vector_store_idx %arg8[%min3A_1497], %add3A_1488 masked %gt3A_1493 : memref<16384xf32, #tpu.memory_space<vmem>>[vector<16xi32>], vector<16xf32>, vector<16xi1>
            tpu.vector_store_idx %arg9[%min3A_1497], %scan3A_1479 masked %gt3A_1493 : memref<16384xi32, #tpu.memory_space<vmem>>[vector<16xi32>], vector<16xi32>, vector<16xi1>
            %jit3A_1498 = arith.constant 16 : i32
            %jit3A_1499 = arith.constant 0 : i32
            %broadcast_in_dim3A_1500 = vector.broadcast %jit3A_1498 : i32 to vector<16xi32>
            %broadcast_in_dim3A_1501 = vector.broadcast %jit3A_1499 : i32 to vector<16xi32>
            %select_n3A_1502 = arith.select %gt3A_1493, %broadcast_in_dim3A_1500, %broadcast_in_dim3A_1501 : vector<16xi1>, vector<16xi32>
            %add3A_1503 = arith.addi %scan3A_1478, %select_n3A_1502 : vector<16xi32>
            %add3A_1504 = arith.constant 16 : i32
            %add3A_1505 = vector.broadcast %add3A_1504 : i32 to vector<16xi32>
            %add3A_1506 = arith.addi %scan3A_1479, %add3A_1505 : vector<16xi32>
            %add3A_1507 = arith.constant 16 : i32
            %add3A_1508 = arith.addi %multiple_of3A_1483, %add3A_1507 : i32
            %get3A_1509 = arith.index_cast %add3A_1508 : i32 to index
            %get3A_1510 = tpu.vector_load %arg6[%get3A_1509] {strides = array<i32>} : memref<80000xf32, #tpu.memory_space<vmem>>, vector<16xf32>,
            %add3A_1511 = arith.addf %get3A_1510, %get3A_1364 : vector<16xf32>
            %ge3A_1512 = arith.cmpf oge, %add3A_1511, %broadcast_in_dim3A_1463 : vector<16xf32>
            %all_reduce_population_count3A_1513 = tpu.all_reduce %ge3A_1512 {dim = 0 : i64, kind = #tpu.reduction_kind<sum>} : vector<16xi1> -> vector<16xi32>
            %gt3A_1514 = arith.constant 0 : i32
            %gt3A_1515 = vector.broadcast %gt3A_1514 : i32 to vector<16xi32>
            %gt3A_1516 = arith.cmpi sgt, %all_reduce_population_count3A_1513, %gt3A_1515 : vector<16xi32>
            %add3A_1517 = arith.addi %add3A_1503, %iota3A : vector<16xi32>
            %min3A_1518 = arith.constant 16383 : i32
            %min3A_1519 = vector.broadcast %min3A_1518 : i32 to vector<16xi32>
            %min3A_1520 = arith.minsi %add3A_1517, %min3A_1519 : vector<16xi32>
            tpu.vector_store_idx %arg8[%min3A_1520], %add3A_1511 masked %gt3A_1516 : memref<16384xf32, #tpu.memory_space<vmem>>[vector<16xi32>], vector<16xf32>, vector<16xi1>
            tpu.vector_store_idx %arg9[%min3A_1520], %add3A_1506 masked %gt3A_1516 : memref<16384xi32, #tpu.memory_space<vmem>>[vector<16xi32>], vector<16xi32>, vector<16xi1>
            %jit3A_1521 = arith.constant 16 : i32
            %jit3A_1522 = arith.constant 0 : i32
            %broadcast_in_dim3A_1523 = vector.broadcast %jit3A_1521 : i32 to vector<16xi32>
            %broadcast_in_dim3A_1524 = vector.broadcast %jit3A_1522 : i32 to vector<16xi32>
            %select_n3A_1525 = arith.select %gt3A_1516, %broadcast_in_dim3A_1523, %broadcast_in_dim3A_1524 : vector<16xi1>, vector<16xi32>
            %add3A_1526 = arith.addi %add3A_1503, %select_n3A_1525 : vector<16xi32>
            %add3A_1527 = arith.constant 16 : i32
            %add3A_1528 = vector.broadcast %add3A_1527 : i32 to vector<16xi32>
            %add3A_1529 = arith.addi %add3A_1506, %add3A_1528 : vector<16xi32>
            %add3A_1530 = arith.constant 32 : i32
            %add3A_1531 = arith.addi %multiple_of3A_1483, %add3A_1530 : i32
            %get3A_1532 = arith.index_cast %add3A_1531 : i32 to index
            %get3A_1533 = tpu.vector_load %arg6[%get3A_1532] {strides = array<i32>} : memref<80000xf32, #tpu.memory_space<vmem>>, vector<16xf32>,
            %add3A_1534 = arith.addf %get3A_1533, %get3A_1364 : vector<16xf32>
            %ge3A_1535 = arith.cmpf oge, %add3A_1534, %broadcast_in_dim3A_1463 : vector<16xf32>
            %all_reduce_population_count3A_1536 = tpu.all_reduce %ge3A_1535 {dim = 0 : i64, kind = #tpu.reduction_kind<sum>} : vector<16xi1> -> vector<16xi32>
            %gt3A_1537 = arith.constant 0 : i32
            %gt3A_1538 = vector.broadcast %gt3A_1537 : i32 to vector<16xi32>
            %gt3A_1539 = arith.cmpi sgt, %all_reduce_population_count3A_1536, %gt3A_1538 : vector<16xi32>
            %add3A_1540 = arith.addi %add3A_1526, %iota3A : vector<16xi32>
            %min3A_1541 = arith.constant 16383 : i32
            %min3A_1542 = vector.broadcast %min3A_1541 : i32 to vector<16xi32>
            %min3A_1543 = arith.minsi %add3A_1540, %min3A_1542 : vector<16xi32>
            tpu.vector_store_idx %arg8[%min3A_1543], %add3A_1534 masked %gt3A_1539 : memref<16384xf32, #tpu.memory_space<vmem>>[vector<16xi32>], vector<16xf32>, vector<16xi1>
            tpu.vector_store_idx %arg9[%min3A_1543], %add3A_1529 masked %gt3A_1539 : memref<16384xi32, #tpu.memory_space<vmem>>[vector<16xi32>], vector<16xi32>, vector<16xi1>
            %jit3A_1544 = arith.constant 16 : i32
            %jit3A_1545 = arith.constant 0 : i32
            %broadcast_in_dim3A_1546 = vector.broadcast %jit3A_1544 : i32 to vector<16xi32>
            %broadcast_in_dim3A_1547 = vector.broadcast %jit3A_1545 : i32 to vector<16xi32>
            %select_n3A_1548 = arith.select %gt3A_1539, %broadcast_in_dim3A_1546, %broadcast_in_dim3A_1547 : vector<16xi1>, vector<16xi32>
            %add3A_1549 = arith.addi %add3A_1526, %select_n3A_1548 : vector<16xi32>
            %add3A_1550 = arith.constant 16 : i32
            %add3A_1551 = vector.broadcast %add3A_1550 : i32 to vector<16xi32>
            %add3A_1552 = arith.addi %add3A_1529, %add3A_1551 : vector<16xi32>
            %add3A_1553 = arith.constant 48 : i32
            %add3A_1554 = arith.addi %multiple_of3A_1483, %add3A_1553 : i32
            %get3A_1555 = arith.index_cast %add3A_1554 : i32 to index
            %get3A_1556 = tpu.vector_load %arg6[%get3A_1555] {strides = array<i32>} : memref<80000xf32, #tpu.memory_space<vmem>>, vector<16xf32>,
            %add3A_1557 = arith.addf %get3A_1556, %get3A_1364 : vector<16xf32>
            %ge3A_1558 = arith.cmpf oge, %add3A_1557, %broadcast_in_dim3A_1463 : vector<16xf32>
            %all_reduce_population_count3A_1559 = tpu.all_reduce %ge3A_1558 {dim = 0 : i64, kind = #tpu.reduction_kind<sum>} : vector<16xi1> -> vector<16xi32>
            %gt3A_1560 = arith.constant 0 : i32
            %gt3A_1561 = vector.broadcast %gt3A_1560 : i32 to vector<16xi32>
            %gt3A_1562 = arith.cmpi sgt, %all_reduce_population_count3A_1559, %gt3A_1561 : vector<16xi32>
            %add3A_1563 = arith.addi %add3A_1549, %iota3A : vector<16xi32>
            %min3A_1564 = arith.constant 16383 : i32
            %min3A_1565 = vector.broadcast %min3A_1564 : i32 to vector<16xi32>
            %min3A_1566 = arith.minsi %add3A_1563, %min3A_1565 : vector<16xi32>
            tpu.vector_store_idx %arg8[%min3A_1566], %add3A_1557 masked %gt3A_1562 : memref<16384xf32, #tpu.memory_space<vmem>>[vector<16xi32>], vector<16xf32>, vector<16xi1>
            tpu.vector_store_idx %arg9[%min3A_1566], %add3A_1552 masked %gt3A_1562 : memref<16384xi32, #tpu.memory_space<vmem>>[vector<16xi32>], vector<16xi32>, vector<16xi1>
            %jit3A_1567 = arith.constant 16 : i32
            %jit3A_1568 = arith.constant 0 : i32
            %broadcast_in_dim3A_1569 = vector.broadcast %jit3A_1567 : i32 to vector<16xi32>
            %broadcast_in_dim3A_1570 = vector.broadcast %jit3A_1568 : i32 to vector<16xi32>
            %select_n3A_1571 = arith.select %gt3A_1562, %broadcast_in_dim3A_1569, %broadcast_in_dim3A_1570 : vector<16xi1>, vector<16xi32>
            %add3A_1572 = arith.addi %add3A_1549, %select_n3A_1571 : vector<16xi32>
            %add3A_1573 = arith.constant 16 : i32
            %add3A_1574 = vector.broadcast %add3A_1573 : i32 to vector<16xi32>
            %add3A_1575 = arith.addi %add3A_1552, %add3A_1574 : vector<16xi32>
            %add3A_1576 = arith.constant 64 : i32
            %add3A_1577 = arith.addi %multiple_of3A_1483, %add3A_1576 : i32
            %get3A_1578 = arith.index_cast %add3A_1577 : i32 to index
            %get3A_1579 = tpu.vector_load %arg6[%get3A_1578] {strides = array<i32>} : memref<80000xf32, #tpu.memory_space<vmem>>, vector<16xf32>,
            %add3A_1580 = arith.addf %get3A_1579, %get3A_1364 : vector<16xf32>
            %ge3A_1581 = arith.cmpf oge, %add3A_1580, %broadcast_in_dim3A_1463 : vector<16xf32>
            %all_reduce_population_count3A_1582 = tpu.all_reduce %ge3A_1581 {dim = 0 : i64, kind = #tpu.reduction_kind<sum>} : vector<16xi1> -> vector<16xi32>
            %gt3A_1583 = arith.constant 0 : i32
            %gt3A_1584 = vector.broadcast %gt3A_1583 : i32 to vector<16xi32>
            %gt3A_1585 = arith.cmpi sgt, %all_reduce_population_count3A_1582, %gt3A_1584 : vector<16xi32>
            %add3A_1586 = arith.addi %add3A_1572, %iota3A : vector<16xi32>
            %min3A_1587 = arith.constant 16383 : i32
            %min3A_1588 = vector.broadcast %min3A_1587 : i32 to vector<16xi32>
            %min3A_1589 = arith.minsi %add3A_1586, %min3A_1588 : vector<16xi32>
            tpu.vector_store_idx %arg8[%min3A_1589], %add3A_1580 masked %gt3A_1585 : memref<16384xf32, #tpu.memory_space<vmem>>[vector<16xi32>], vector<16xf32>, vector<16xi1>
            tpu.vector_store_idx %arg9[%min3A_1589], %add3A_1575 masked %gt3A_1585 : memref<16384xi32, #tpu.memory_space<vmem>>[vector<16xi32>], vector<16xi32>, vector<16xi1>
            %jit3A_1590 = arith.constant 16 : i32
            %jit3A_1591 = arith.constant 0 : i32
            %broadcast_in_dim3A_1592 = vector.broadcast %jit3A_1590 : i32 to vector<16xi32>
            %broadcast_in_dim3A_1593 = vector.broadcast %jit3A_1591 : i32 to vector<16xi32>
            %select_n3A_1594 = arith.select %gt3A_1585, %broadcast_in_dim3A_1592, %broadcast_in_dim3A_1593 : vector<16xi1>, vector<16xi32>
            %add3A_1595 = arith.addi %add3A_1572, %select_n3A_1594 : vector<16xi32>
            %add3A_1596 = arith.constant 16 : i32
            %add3A_1597 = vector.broadcast %add3A_1596 : i32 to vector<16xi32>
            %add3A_1598 = arith.addi %add3A_1575, %add3A_1597 : vector<16xi32>
            scf.yield %add3A_1595, %add3A_1598 : vector<16xi32>, vector<16xi32>
          }
          %scan3A_1476 = arith.constant 2 : i32
          scf.yield %scan3A_1475#0, %broadcast_in_dim3A_1463 : vector<16xi32>, vector<16xf32>
        } else {
          scf.yield %scan3A_1436, %scan3A_1437 : vector<16xi32>, vector<16xf32>
        }
        scf.yield %max3A_1449, %cond3A_1453#0, %cond3A_1453#1 : vector<16xf32>, vector<16xi32>, vector<16xf32>
      }
      %scan3A_1370 = arith.constant 125 : i32
      %mul3A_1371 = arith.constant 4 : i32
      %mul3A_1372 = arith.muli %mul3A_1371, %scan3A_1179 : i32
      %add3A_1373 = arith.constant 3 : i32
      %add3A_1374 = arith.addi %mul3A_1372, %add3A_1373 : i32
      %add3A_1375 = arith.constant 3 : i32
      %add3A_1376 = arith.addi %add3A_1374, %add3A_1375 : i32
      %mul3A_1377 = arith.constant 800000 : i32
      %mul3A_1378 = arith.muli %add3A, %mul3A_1377 : i32
      %mul3A_1379 = arith.constant 20000 : i32
      %mul3A_1380 = arith.muli %add3A_1376, %mul3A_1379 : i32
      %add3A_1381 = arith.addi %mul3A_1378, %mul3A_1380 : i32
      %min3A_1382 = arith.constant 25580000 : i32
      %min3A_1383 = arith.minsi %add3A_1381, %min3A_1382 : i32
      %multiple_of3A_1384 = tpu.assume_multiple %min3A_1383, 8 : i32
      %dma_start3A_1385 = arith.constant 40000 : i32
      %dma_start3A_1386 = tpu.memref_slice %arg6[%dma_start3A_1385] : memref<80000xf32, #tpu.memory_space<vmem>> -> memref<20000xf32, #tpu.memory_space<vmem>>
      %dma_start3A_1387 = tpu.memref_slice %arg2[%multiple_of3A_1384] : memref<25600000xf32, #tpu.memory_space<hbm>> -> memref<20000xf32, #tpu.memory_space<hbm>>
      %dma_start3A_1388 = arith.constant 40000 : i32
      %dma_start3A_1389 = tpu.memref_slice %arg6[%dma_start3A_1388] : memref<80000xf32, #tpu.memory_space<vmem>> -> memref<20000xf32, #tpu.memory_space<vmem>>
      %dma_start3A_1390 = tpu.memref_slice %arg2[%multiple_of3A_1384] : memref<25600000xf32, #tpu.memory_space<hbm>> -> memref<20000xf32, #tpu.memory_space<hbm>>
      tpu.enqueue_dma source(%dma_start3A_1390 : memref<20000xf32, #tpu.memory_space<hbm>>) target(%dma_start3A_1389 : memref<20000xf32, #tpu.memory_space<vmem>>) target_semaphore(%arg14 : memref<!tpu.dma_semaphore, #tpu.memory_space<semaphore_mem>>)
      %dma_wait3A_1391 = arith.constant 60000 : i32
      %dma_wait3A_1392 = tpu.memref_slice %arg6[%dma_wait3A_1391] : memref<80000xf32, #tpu.memory_space<vmem>> -> memref<20000xf32, #tpu.memory_space<vmem>>
      %dma_wait3A_1393 = arith.constant 0 : i32
      %dma_wait3A_1394 = tpu.memref_slice %arg2[%dma_wait3A_1393] : memref<25600000xf32, #tpu.memory_space<hbm>> -> memref<20000xf32, #tpu.memory_space<hbm>>
      %dma_wait3A_1395 = arith.constant 60000 : i32
      %dma_wait3A_1396 = tpu.memref_slice %arg6[%dma_wait3A_1395] : memref<80000xf32, #tpu.memory_space<vmem>> -> memref<20000xf32, #tpu.memory_space<vmem>>
      %dma_wait3A_1397 = arith.constant 0 : i32
      %dma_wait3A_1398 = tpu.memref_slice %arg2[%dma_wait3A_1397] : memref<25600000xf32, #tpu.memory_space<hbm>> -> memref<20000xf32, #tpu.memory_space<hbm>>
      tpu.wait_dma2 semaphore(%arg15 : memref<!tpu.dma_semaphore, #tpu.memory_space<semaphore_mem>>) src(%dma_wait3A_1398 : memref<20000xf32, #tpu.memory_space<hbm>>) dst(%dma_wait3A_1396 : memref<20000xf32, #tpu.memory_space<vmem>>)
      %jit3A_1399 = arith.constant 5 : i32
      %div3A_1400 = arith.divsi %add3A_1374, %jit3A_1399 : i32
      %sign3A_1401 = arith.constant 0 : i32
      %sign3A_1402 = arith.cmpi sgt, %add3A_1374, %sign3A_1401 : i32
      %sign3A_1403 = arith.extui %sign3A_1402 : i1 to i32
      %sign3A_1404 = arith.constant 0 : i32
      %sign3A_1405 = arith.cmpi slt, %add3A_1374, %sign3A_1404 : i32
      %sign3A_1406 = arith.extui %sign3A_1405 : i1 to i32
      %sign3A_1407 = arith.subi %sign3A_1403, %sign3A_1406 : i32
      %sign3A_1408 = arith.constant 0 : i32
      %sign3A_1409 = arith.cmpi sgt, %jit3A_1399, %sign3A_1408 : i32
      %sign3A_1410 = arith.extui %sign3A_1409 : i1 to i32
      %sign3A_1411 = arith.constant 0 : i32
      %sign3A_1412 = arith.cmpi slt, %jit3A_1399, %sign3A_1411 : i32
      %sign3A_1413 = arith.extui %sign3A_1412 : i1 to i32
      %sign3A_1414 = arith.subi %sign3A_1410, %sign3A_1413 : i32
      %ne3A_1415 = arith.cmpi ne, %sign3A_1407, %sign3A_1414 : i32
      %rem3A_1416 = arith.remsi %add3A_1374, %jit3A_1399 : i32
      %ne3A_1417 = arith.constant 0 : i32
      %ne3A_1418 = arith.cmpi ne, %rem3A_1416, %ne3A_1417 : i32
      %and3A_1419 = arith.andi %ne3A_1415, %ne3A_1418 : i1
      %sub3A_1420 = arith.constant 1 : i32
      %sub3A_1421 = arith.subi %div3A_1400, %sub3A_1420 : i32
      %select_n3A_1422 = arith.select %and3A_1419, %sub3A_1421, %div3A_1400 : i32
      %mul3A_1423 = arith.constant 16 : i32
      %mul3A_1424 = arith.muli %select_n3A_1422, %mul3A_1423 : i32
      %multiple_of3A_1425 = tpu.assume_multiple %mul3A_1424, 8 : i32
      %get3A_1426 = arith.index_cast %multiple_of3A_1425 : i32 to index
      %get3A_1427 = tpu.vector_load %arg7[%get3A_1426] {strides = array<i32>} : memref<128xf32, #tpu.memory_space<vmem>>, vector<16xf32>,
      %scan3A_1428 = arith.constant 0 : i32
      %scan3A_1429 = arith.constant 125 : i32
      %scan3A_1430 = arith.addi %scan3A_1428, %scan3A_1429 : i32
      %scan3A_1431 = arith.constant 1 : i32
      %scan3A_1432:3 = scf.for %scan3A_1434 = %scan3A_1428 to %scan3A_1430 step %scan3A_1431 iter_args(%scan3A_1435 = %scan3A_1369#0, %scan3A_1436 = %scan3A_1369#1, %scan3A_1437 = %scan3A_1369#2) -> (vector<16xf32>, vector<16xi32>, vector<16xf32>)  : i32 {
        %mul3A_1438 = arith.constant 160 : i32
        %mul3A_1439 = arith.muli %scan3A_1434, %mul3A_1438 : i32
        %add3A_1440 = arith.constant 60000 : i32
        %add3A_1441 = arith.addi %add3A_1440, %mul3A_1439 : i32
        %multiple_of3A_1442 = tpu.assume_multiple %add3A_1441, 8 : i32
        %parallel_loop3A = arith.constant 0 : i32
        %parallel_loop3A_1443 = arith.constant 2 : i32
        %parallel_loop3A_1444 = arith.constant 1 : i32
        %parallel_loop3A_1445:4 = scf.for %parallel_loop3A_1454 = %parallel_loop3A to %parallel_loop3A_1443 step %parallel_loop3A_1444 iter_args(%parallel_loop3A_1455 = %broadcast_in_dim3A_1, %parallel_loop3A_1456 = %broadcast_in_dim3A_1, %parallel_loop3A_1457 = %broadcast_in_dim3A_1, %parallel_loop3A_1458 = %broadcast_in_dim3A_1) -> (vector<16xf32>, vector<16xf32>, vector<16xf32>, vector<16xf32>)  : i32 {
          %parallel_loop3A_1459 = arith.constant 80 : i32
          %parallel_loop3A_1460 = arith.muli %parallel_loop3A_1454, %parallel_loop3A_1459 : i32
          %parallel_loop3A_1461 = arith.addi %multiple_of3A_1442, %parallel_loop3A_1460 : i32
          %parallel_loop3A_1462 = tpu.assume_multiple %parallel_loop3A_1461, 8 : i32
          %parallel_loop3A_1463 = arith.constant 0 : i32
          %parallel_loop3A_1464 = arith.addi %parallel_loop3A_1462, %parallel_loop3A_1463 : i32
          %parallel_loop3A_1465 = arith.index_cast %parallel_loop3A_1464 : i32 to index
          %parallel_loop3A_1466 = tpu.vector_load %arg6[%parallel_loop3A_1465] {strides = array<i32>} : memref<80000xf32, #tpu.memory_space<vmem>>, vector<16xf32>,
          %parallel_loop3A_1467 = arith.maximumf %parallel_loop3A_1455, %parallel_loop3A_1466 : vector<16xf32>
          %parallel_loop3A_1468 = arith.constant 16 : i32
          %parallel_loop3A_1469 = arith.addi %parallel_loop3A_1462, %parallel_loop3A_1468 : i32
          %parallel_loop3A_1470 = arith.index_cast %parallel_loop3A_1469 : i32 to index
          %parallel_loop3A_1471 = tpu.vector_load %arg6[%parallel_loop3A_1470] {strides = array<i32>} : memref<80000xf32, #tpu.memory_space<vmem>>, vector<16xf32>,
          %parallel_loop3A_1472 = arith.maximumf %parallel_loop3A_1456, %parallel_loop3A_1471 : vector<16xf32>
          %parallel_loop3A_1473 = arith.constant 32 : i32
          %parallel_loop3A_1474 = arith.addi %parallel_loop3A_1462, %parallel_loop3A_1473 : i32
          %parallel_loop3A_1475 = arith.index_cast %parallel_loop3A_1474 : i32 to index
          %parallel_loop3A_1476 = tpu.vector_load %arg6[%parallel_loop3A_1475] {strides = array<i32>} : memref<80000xf32, #tpu.memory_space<vmem>>, vector<16xf32>,
          %parallel_loop3A_1477 = arith.maximumf %parallel_loop3A_1457, %parallel_loop3A_1476 : vector<16xf32>
          %parallel_loop3A_1478 = arith.constant 48 : i32
          %parallel_loop3A_1479 = arith.addi %parallel_loop3A_1462, %parallel_loop3A_1478 : i32
          %parallel_loop3A_1480 = arith.index_cast %parallel_loop3A_1479 : i32 to index
          %parallel_loop3A_1481 = tpu.vector_load %arg6[%parallel_loop3A_1480] {strides = array<i32>} : memref<80000xf32, #tpu.memory_space<vmem>>, vector<16xf32>,
          %parallel_loop3A_1482 = arith.maximumf %parallel_loop3A_1458, %parallel_loop3A_1481 : vector<16xf32>
          %parallel_loop3A_1483 = arith.constant 64 : i32
          %parallel_loop3A_1484 = arith.addi %parallel_loop3A_1462, %parallel_loop3A_1483 : i32
          %parallel_loop3A_1485 = arith.index_cast %parallel_loop3A_1484 : i32 to index
          %parallel_loop3A_1486 = tpu.vector_load %arg6[%parallel_loop3A_1485] {strides = array<i32>} : memref<80000xf32, #tpu.memory_space<vmem>>, vector<16xf32>,
          %parallel_loop3A_1487 = arith.maximumf %parallel_loop3A_1467, %parallel_loop3A_1486 : vector<16xf32>
          scf.yield %parallel_loop3A_1487, %parallel_loop3A_1472, %parallel_loop3A_1477, %parallel_loop3A_1482 : vector<16xf32>, vector<16xf32>, vector<16xf32>, vector<16xf32>
        } {sc.loop_unroll_factor = 2 : i64, sc.parallel_access}
        %max3A = arith.maximumf %parallel_loop3A_1445#0, %parallel_loop3A_1445#1 : vector<16xf32>
        %max3A_1446 = arith.maximumf %parallel_loop3A_1445#2, %parallel_loop3A_1445#3 : vector<16xf32>
        %max3A_1447 = arith.maximumf %max3A, %max3A_1446 : vector<16xf32>
        %add3A_1448 = arith.addf %max3A_1447, %get3A_1427 : vector<16xf32>
        %max3A_1449 = arith.maximumf %scan3A_1435, %add3A_1448 : vector<16xf32>
        %sub3A_1450 = arith.subf %scan3A_1437, %get3A_1427 : vector<16xf32>
        %ge3A = arith.cmpf oge, %max3A_1447, %sub3A_1450 : vector<16xf32>
        %all_reduce_population_count3A = tpu.all_reduce %ge3A {dim = 0 : i64, kind = #tpu.reduction_kind<sum>} : vector<16xi1> -> vector<16xi32>
        %slice3A = vector.extract_strided_slice %all_reduce_population_count3A {offsets = [0], sizes = [1], strides = [1]} : vector<16xi32> to vector<1xi32>
        %squeeze3A = vector.extract %slice3A[0] : i32 from vector<1xi32>
        %gt3A = arith.constant 0 : i32
        %gt3A_1451 = arith.cmpi sgt, %squeeze3A, %gt3A : i32
        %convert_element_type3A = arith.extui %gt3A_1451 : i1 to i32
        %cond3A = arith.constant 0 : i32
        %cond3A_1452 = arith.cmpi ne, %convert_element_type3A, %cond3A : i32
        %cond3A_1453:2 = scf.if %cond3A_1452 -> (vector<16xi32>, vector<16xf32>) {
          %neg3A_1454 = arith.constant 0.000000e+00 : f32
          %neg3A_1455 = vector.broadcast %neg3A_1454 : f32 to vector<16xf32>
          %neg3A_1456 = arith.subf %neg3A_1455, %max3A_1449 : vector<16xf32>
          %reduce_max3A_1457 = arith.constant true
          %reduce_max3A_1458 = vector.broadcast %reduce_max3A_1457 : i1 to vector<16xi1>
          %reduce_max3A_1459 = tpu.scan <max>, %neg3A_1456 masked %reduce_max3A_1458 : vector<16xf32>, vector<16xi1> -> vector<16xf32>
          %reduce_max3A_1460 = vector.extract %reduce_max3A_1459[15] : f32 from vector<16xf32>
          %neg3A_1461 = arith.constant 0.000000e+00 : f32
          %neg3A_1462 = arith.subf %neg3A_1461, %reduce_max3A_1460 : f32
          %broadcast_in_dim3A_1463 = vector.broadcast %neg3A_1462 : f32 to vector<16xf32>
          %mul3A_1464 = arith.constant 20000 : i32
          %mul3A_1465 = arith.muli %add3A_1374, %mul3A_1464 : i32
          %mul3A_1466 = arith.constant 160 : i32
          %mul3A_1467 = arith.muli %scan3A_1434, %mul3A_1466 : i32
          %add3A_1468 = arith.addi %mul3A_1465, %mul3A_1467 : i32
          %broadcast_in_dim3A_1469 = vector.broadcast %add3A_1468 : i32 to vector<16xi32>
          %add3A_1470 = arith.addi %broadcast_in_dim3A_1469, %iota3A : vector<16xi32>
          %scan3A_1471 = arith.constant 0 : i32
          %scan3A_1472 = arith.constant 2 : i32
          %scan3A_1473 = arith.addi %scan3A_1471, %scan3A_1472 : i32
          %scan3A_1474 = arith.constant 1 : i32
          %scan3A_1475:2 = scf.for %scan3A_1477 = %scan3A_1471 to %scan3A_1473 step %scan3A_1474 iter_args(%scan3A_1478 = %scan3A_1436, %scan3A_1479 = %add3A_1470) -> (vector<16xi32>, vector<16xi32>)  : i32 {
            %mul3A_1480 = arith.constant 80 : i32
            %mul3A_1481 = arith.muli %scan3A_1477, %mul3A_1480 : i32
            %add3A_1482 = arith.addi %multiple_of3A_1442, %mul3A_1481 : i32
            %multiple_of3A_1483 = tpu.assume_multiple %add3A_1482, 8 : i32
            %add3A_1484 = arith.constant 0 : i32
            %add3A_1485 = arith.addi %multiple_of3A_1483, %add3A_1484 : i32
            %get3A_1486 = arith.index_cast %add3A_1485 : i32 to index
            %get3A_1487 = tpu.vector_load %arg6[%get3A_1486] {strides = array<i32>} : memref<80000xf32, #tpu.memory_space<vmem>>, vector<16xf32>,
            %add3A_1488 = arith.addf %get3A_1487, %get3A_1427 : vector<16xf32>
            %ge3A_1489 = arith.cmpf oge, %add3A_1488, %broadcast_in_dim3A_1463 : vector<16xf32>
            %all_reduce_population_count3A_1490 = tpu.all_reduce %ge3A_1489 {dim = 0 : i64, kind = #tpu.reduction_kind<sum>} : vector<16xi1> -> vector<16xi32>
            %gt3A_1491 = arith.constant 0 : i32
            %gt3A_1492 = vector.broadcast %gt3A_1491 : i32 to vector<16xi32>
            %gt3A_1493 = arith.cmpi sgt, %all_reduce_population_count3A_1490, %gt3A_1492 : vector<16xi32>
            %add3A_1494 = arith.addi %scan3A_1478, %iota3A : vector<16xi32>
            %min3A_1495 = arith.constant 16383 : i32
            %min3A_1496 = vector.broadcast %min3A_1495 : i32 to vector<16xi32>
            %min3A_1497 = arith.minsi %add3A_1494, %min3A_1496 : vector<16xi32>
            tpu.vector_store_idx %arg8[%min3A_1497], %add3A_1488 masked %gt3A_1493 : memref<16384xf32, #tpu.memory_space<vmem>>[vector<16xi32>], vector<16xf32>, vector<16xi1>
            tpu.vector_store_idx %arg9[%min3A_1497], %scan3A_1479 masked %gt3A_1493 : memref<16384xi32, #tpu.memory_space<vmem>>[vector<16xi32>], vector<16xi32>, vector<16xi1>
            %jit3A_1498 = arith.constant 16 : i32
            %jit3A_1499 = arith.constant 0 : i32
            %broadcast_in_dim3A_1500 = vector.broadcast %jit3A_1498 : i32 to vector<16xi32>
            %broadcast_in_dim3A_1501 = vector.broadcast %jit3A_1499 : i32 to vector<16xi32>
            %select_n3A_1502 = arith.select %gt3A_1493, %broadcast_in_dim3A_1500, %broadcast_in_dim3A_1501 : vector<16xi1>, vector<16xi32>
            %add3A_1503 = arith.addi %scan3A_1478, %select_n3A_1502 : vector<16xi32>
            %add3A_1504 = arith.constant 16 : i32
            %add3A_1505 = vector.broadcast %add3A_1504 : i32 to vector<16xi32>
            %add3A_1506 = arith.addi %scan3A_1479, %add3A_1505 : vector<16xi32>
            %add3A_1507 = arith.constant 16 : i32
            %add3A_1508 = arith.addi %multiple_of3A_1483, %add3A_1507 : i32
            %get3A_1509 = arith.index_cast %add3A_1508 : i32 to index
            %get3A_1510 = tpu.vector_load %arg6[%get3A_1509] {strides = array<i32>} : memref<80000xf32, #tpu.memory_space<vmem>>, vector<16xf32>,
            %add3A_1511 = arith.addf %get3A_1510, %get3A_1427 : vector<16xf32>
            %ge3A_1512 = arith.cmpf oge, %add3A_1511, %broadcast_in_dim3A_1463 : vector<16xf32>
            %all_reduce_population_count3A_1513 = tpu.all_reduce %ge3A_1512 {dim = 0 : i64, kind = #tpu.reduction_kind<sum>} : vector<16xi1> -> vector<16xi32>
            %gt3A_1514 = arith.constant 0 : i32
            %gt3A_1515 = vector.broadcast %gt3A_1514 : i32 to vector<16xi32>
            %gt3A_1516 = arith.cmpi sgt, %all_reduce_population_count3A_1513, %gt3A_1515 : vector<16xi32>
            %add3A_1517 = arith.addi %add3A_1503, %iota3A : vector<16xi32>
            %min3A_1518 = arith.constant 16383 : i32
            %min3A_1519 = vector.broadcast %min3A_1518 : i32 to vector<16xi32>
            %min3A_1520 = arith.minsi %add3A_1517, %min3A_1519 : vector<16xi32>
            tpu.vector_store_idx %arg8[%min3A_1520], %add3A_1511 masked %gt3A_1516 : memref<16384xf32, #tpu.memory_space<vmem>>[vector<16xi32>], vector<16xf32>, vector<16xi1>
            tpu.vector_store_idx %arg9[%min3A_1520], %add3A_1506 masked %gt3A_1516 : memref<16384xi32, #tpu.memory_space<vmem>>[vector<16xi32>], vector<16xi32>, vector<16xi1>
            %jit3A_1521 = arith.constant 16 : i32
            %jit3A_1522 = arith.constant 0 : i32
            %broadcast_in_dim3A_1523 = vector.broadcast %jit3A_1521 : i32 to vector<16xi32>
            %broadcast_in_dim3A_1524 = vector.broadcast %jit3A_1522 : i32 to vector<16xi32>
            %select_n3A_1525 = arith.select %gt3A_1516, %broadcast_in_dim3A_1523, %broadcast_in_dim3A_1524 : vector<16xi1>, vector<16xi32>
            %add3A_1526 = arith.addi %add3A_1503, %select_n3A_1525 : vector<16xi32>
            %add3A_1527 = arith.constant 16 : i32
            %add3A_1528 = vector.broadcast %add3A_1527 : i32 to vector<16xi32>
            %add3A_1529 = arith.addi %add3A_1506, %add3A_1528 : vector<16xi32>
            %add3A_1530 = arith.constant 32 : i32
            %add3A_1531 = arith.addi %multiple_of3A_1483, %add3A_1530 : i32
            %get3A_1532 = arith.index_cast %add3A_1531 : i32 to index
            %get3A_1533 = tpu.vector_load %arg6[%get3A_1532] {strides = array<i32>} : memref<80000xf32, #tpu.memory_space<vmem>>, vector<16xf32>,
            %add3A_1534 = arith.addf %get3A_1533, %get3A_1427 : vector<16xf32>
            %ge3A_1535 = arith.cmpf oge, %add3A_1534, %broadcast_in_dim3A_1463 : vector<16xf32>
            %all_reduce_population_count3A_1536 = tpu.all_reduce %ge3A_1535 {dim = 0 : i64, kind = #tpu.reduction_kind<sum>} : vector<16xi1> -> vector<16xi32>
            %gt3A_1537 = arith.constant 0 : i32
            %gt3A_1538 = vector.broadcast %gt3A_1537 : i32 to vector<16xi32>
            %gt3A_1539 = arith.cmpi sgt, %all_reduce_population_count3A_1536, %gt3A_1538 : vector<16xi32>
            %add3A_1540 = arith.addi %add3A_1526, %iota3A : vector<16xi32>
            %min3A_1541 = arith.constant 16383 : i32
            %min3A_1542 = vector.broadcast %min3A_1541 : i32 to vector<16xi32>
            %min3A_1543 = arith.minsi %add3A_1540, %min3A_1542 : vector<16xi32>
            tpu.vector_store_idx %arg8[%min3A_1543], %add3A_1534 masked %gt3A_1539 : memref<16384xf32, #tpu.memory_space<vmem>>[vector<16xi32>], vector<16xf32>, vector<16xi1>
            tpu.vector_store_idx %arg9[%min3A_1543], %add3A_1529 masked %gt3A_1539 : memref<16384xi32, #tpu.memory_space<vmem>>[vector<16xi32>], vector<16xi32>, vector<16xi1>
            %jit3A_1544 = arith.constant 16 : i32
            %jit3A_1545 = arith.constant 0 : i32
            %broadcast_in_dim3A_1546 = vector.broadcast %jit3A_1544 : i32 to vector<16xi32>
            %broadcast_in_dim3A_1547 = vector.broadcast %jit3A_1545 : i32 to vector<16xi32>
            %select_n3A_1548 = arith.select %gt3A_1539, %broadcast_in_dim3A_1546, %broadcast_in_dim3A_1547 : vector<16xi1>, vector<16xi32>
            %add3A_1549 = arith.addi %add3A_1526, %select_n3A_1548 : vector<16xi32>
            %add3A_1550 = arith.constant 16 : i32
            %add3A_1551 = vector.broadcast %add3A_1550 : i32 to vector<16xi32>
            %add3A_1552 = arith.addi %add3A_1529, %add3A_1551 : vector<16xi32>
            %add3A_1553 = arith.constant 48 : i32
            %add3A_1554 = arith.addi %multiple_of3A_1483, %add3A_1553 : i32
            %get3A_1555 = arith.index_cast %add3A_1554 : i32 to index
            %get3A_1556 = tpu.vector_load %arg6[%get3A_1555] {strides = array<i32>} : memref<80000xf32, #tpu.memory_space<vmem>>, vector<16xf32>,
            %add3A_1557 = arith.addf %get3A_1556, %get3A_1427 : vector<16xf32>
            %ge3A_1558 = arith.cmpf oge, %add3A_1557, %broadcast_in_dim3A_1463 : vector<16xf32>
            %all_reduce_population_count3A_1559 = tpu.all_reduce %ge3A_1558 {dim = 0 : i64, kind = #tpu.reduction_kind<sum>} : vector<16xi1> -> vector<16xi32>
            %gt3A_1560 = arith.constant 0 : i32
            %gt3A_1561 = vector.broadcast %gt3A_1560 : i32 to vector<16xi32>
            %gt3A_1562 = arith.cmpi sgt, %all_reduce_population_count3A_1559, %gt3A_1561 : vector<16xi32>
            %add3A_1563 = arith.addi %add3A_1549, %iota3A : vector<16xi32>
            %min3A_1564 = arith.constant 16383 : i32
            %min3A_1565 = vector.broadcast %min3A_1564 : i32 to vector<16xi32>
            %min3A_1566 = arith.minsi %add3A_1563, %min3A_1565 : vector<16xi32>
            tpu.vector_store_idx %arg8[%min3A_1566], %add3A_1557 masked %gt3A_1562 : memref<16384xf32, #tpu.memory_space<vmem>>[vector<16xi32>], vector<16xf32>, vector<16xi1>
            tpu.vector_store_idx %arg9[%min3A_1566], %add3A_1552 masked %gt3A_1562 : memref<16384xi32, #tpu.memory_space<vmem>>[vector<16xi32>], vector<16xi32>, vector<16xi1>
            %jit3A_1567 = arith.constant 16 : i32
            %jit3A_1568 = arith.constant 0 : i32
            %broadcast_in_dim3A_1569 = vector.broadcast %jit3A_1567 : i32 to vector<16xi32>
            %broadcast_in_dim3A_1570 = vector.broadcast %jit3A_1568 : i32 to vector<16xi32>
            %select_n3A_1571 = arith.select %gt3A_1562, %broadcast_in_dim3A_1569, %broadcast_in_dim3A_1570 : vector<16xi1>, vector<16xi32>
            %add3A_1572 = arith.addi %add3A_1549, %select_n3A_1571 : vector<16xi32>
            %add3A_1573 = arith.constant 16 : i32
            %add3A_1574 = vector.broadcast %add3A_1573 : i32 to vector<16xi32>
            %add3A_1575 = arith.addi %add3A_1552, %add3A_1574 : vector<16xi32>
            %add3A_1576 = arith.constant 64 : i32
            %add3A_1577 = arith.addi %multiple_of3A_1483, %add3A_1576 : i32
            %get3A_1578 = arith.index_cast %add3A_1577 : i32 to index
            %get3A_1579 = tpu.vector_load %arg6[%get3A_1578] {strides = array<i32>} : memref<80000xf32, #tpu.memory_space<vmem>>, vector<16xf32>,
            %add3A_1580 = arith.addf %get3A_1579, %get3A_1427 : vector<16xf32>
            %ge3A_1581 = arith.cmpf oge, %add3A_1580, %broadcast_in_dim3A_1463 : vector<16xf32>
            %all_reduce_population_count3A_1582 = tpu.all_reduce %ge3A_1581 {dim = 0 : i64, kind = #tpu.reduction_kind<sum>} : vector<16xi1> -> vector<16xi32>
            %gt3A_1583 = arith.constant 0 : i32
            %gt3A_1584 = vector.broadcast %gt3A_1583 : i32 to vector<16xi32>
            %gt3A_1585 = arith.cmpi sgt, %all_reduce_population_count3A_1582, %gt3A_1584 : vector<16xi32>
            %add3A_1586 = arith.addi %add3A_1572, %iota3A : vector<16xi32>
            %min3A_1587 = arith.constant 16383 : i32
            %min3A_1588 = vector.broadcast %min3A_1587 : i32 to vector<16xi32>
            %min3A_1589 = arith.minsi %add3A_1586, %min3A_1588 : vector<16xi32>
            tpu.vector_store_idx %arg8[%min3A_1589], %add3A_1580 masked %gt3A_1585 : memref<16384xf32, #tpu.memory_space<vmem>>[vector<16xi32>], vector<16xf32>, vector<16xi1>
            tpu.vector_store_idx %arg9[%min3A_1589], %add3A_1575 masked %gt3A_1585 : memref<16384xi32, #tpu.memory_space<vmem>>[vector<16xi32>], vector<16xi32>, vector<16xi1>
            %jit3A_1590 = arith.constant 16 : i32
            %jit3A_1591 = arith.constant 0 : i32
            %broadcast_in_dim3A_1592 = vector.broadcast %jit3A_1590 : i32 to vector<16xi32>
            %broadcast_in_dim3A_1593 = vector.broadcast %jit3A_1591 : i32 to vector<16xi32>
            %select_n3A_1594 = arith.select %gt3A_1585, %broadcast_in_dim3A_1592, %broadcast_in_dim3A_1593 : vector<16xi1>, vector<16xi32>
            %add3A_1595 = arith.addi %add3A_1572, %select_n3A_1594 : vector<16xi32>
            %add3A_1596 = arith.constant 16 : i32
            %add3A_1597 = vector.broadcast %add3A_1596 : i32 to vector<16xi32>
            %add3A_1598 = arith.addi %add3A_1575, %add3A_1597 : vector<16xi32>
            scf.yield %add3A_1595, %add3A_1598 : vector<16xi32>, vector<16xi32>
          }
          %scan3A_1476 = arith.constant 2 : i32
          scf.yield %scan3A_1475#0, %broadcast_in_dim3A_1463 : vector<16xi32>, vector<16xf32>
        } else {
          scf.yield %scan3A_1436, %scan3A_1437 : vector<16xi32>, vector<16xf32>
        }
        scf.yield %max3A_1449, %cond3A_1453#0, %cond3A_1453#1 : vector<16xf32>, vector<16xi32>, vector<16xf32>
      }
      %scan3A_1433 = arith.constant 125 : i32
      scf.yield %scan3A_1432#0, %scan3A_1432#1, %scan3A_1432#2 : vector<16xf32>, vector<16xi32>, vector<16xf32>
    }
    %scan3A_51 = arith.constant 10 : i32
    %dma_wait3A = arith.constant 0 : i32
    %dma_wait3A_52 = tpu.memref_slice %arg6[%dma_wait3A] : memref<80000xf32, #tpu.memory_space<vmem>> -> memref<20000xf32, #tpu.memory_space<vmem>>
    %dma_wait3A_53 = arith.constant 0 : i32
    %dma_wait3A_54 = tpu.memref_slice %arg2[%dma_wait3A_53] : memref<25600000xf32, #tpu.memory_space<hbm>> -> memref<20000xf32, #tpu.memory_space<hbm>>
    %dma_wait3A_55 = arith.constant 0 : i32
    %dma_wait3A_56 = tpu.memref_slice %arg6[%dma_wait3A_55] : memref<80000xf32, #tpu.memory_space<vmem>> -> memref<20000xf32, #tpu.memory_space<vmem>>
    %dma_wait3A_57 = arith.constant 0 : i32
    %dma_wait3A_58 = tpu.memref_slice %arg2[%dma_wait3A_57] : memref<25600000xf32, #tpu.memory_space<hbm>> -> memref<20000xf32, #tpu.memory_space<hbm>>
    tpu.wait_dma2 semaphore(%arg12 : memref<!tpu.dma_semaphore, #tpu.memory_space<semaphore_mem>>) src(%dma_wait3A_58 : memref<20000xf32, #tpu.memory_space<hbm>>) dst(%dma_wait3A_56 : memref<20000xf32, #tpu.memory_space<vmem>>)
    %dma_wait3A_59 = arith.constant 20000 : i32
    %dma_wait3A_60 = tpu.memref_slice %arg6[%dma_wait3A_59] : memref<80000xf32, #tpu.memory_space<vmem>> -> memref<20000xf32, #tpu.memory_space<vmem>>
    %dma_wait3A_61 = arith.constant 0 : i32
    %dma_wait3A_62 = tpu.memref_slice %arg2[%dma_wait3A_61] : memref<25600000xf32, #tpu.memory_space<hbm>> -> memref<20000xf32, #tpu.memory_space<hbm>>
    %dma_wait3A_63 = arith.constant 20000 : i32
    %dma_wait3A_64 = tpu.memref_slice %arg6[%dma_wait3A_63] : memref<80000xf32, #tpu.memory_space<vmem>> -> memref<20000xf32, #tpu.memory_space<vmem>>
    %dma_wait3A_65 = arith.constant 0 : i32
    %dma_wait3A_66 = tpu.memref_slice %arg2[%dma_wait3A_65] : memref<25600000xf32, #tpu.memory_space<hbm>> -> memref<20000xf32, #tpu.memory_space<hbm>>
    tpu.wait_dma2 semaphore(%arg13 : memref<!tpu.dma_semaphore, #tpu.memory_space<semaphore_mem>>) src(%dma_wait3A_66 : memref<20000xf32, #tpu.memory_space<hbm>>) dst(%dma_wait3A_64 : memref<20000xf32, #tpu.memory_space<vmem>>)
    %dma_wait3A_67 = arith.constant 40000 : i32
    %dma_wait3A_68 = tpu.memref_slice %arg6[%dma_wait3A_67] : memref<80000xf32, #tpu.memory_space<vmem>> -> memref<20000xf32, #tpu.memory_space<vmem>>
    %dma_wait3A_69 = arith.constant 0 : i32
    %dma_wait3A_70 = tpu.memref_slice %arg2[%dma_wait3A_69] : memref<25600000xf32, #tpu.memory_space<hbm>> -> memref<20000xf32, #tpu.memory_space<hbm>>
    %dma_wait3A_71 = arith.constant 40000 : i32
    %dma_wait3A_72 = tpu.memref_slice %arg6[%dma_wait3A_71] : memref<80000xf32, #tpu.memory_space<vmem>> -> memref<20000xf32, #tpu.memory_space<vmem>>
    %dma_wait3A_73 = arith.constant 0 : i32
    %dma_wait3A_74 = tpu.memref_slice %arg2[%dma_wait3A_73] : memref<25600000xf32, #tpu.memory_space<hbm>> -> memref<20000xf32, #tpu.memory_space<hbm>>
    tpu.wait_dma2 semaphore(%arg14 : memref<!tpu.dma_semaphore, #tpu.memory_space<semaphore_mem>>) src(%dma_wait3A_74 : memref<20000xf32, #tpu.memory_space<hbm>>) dst(%dma_wait3A_72 : memref<20000xf32, #tpu.memory_space<vmem>>)
    %neg3A = arith.constant 0.000000e+00 : f32
    %neg3A_75 = vector.broadcast %neg3A : f32 to vector<16xf32>
    %neg3A_76 = arith.subf %neg3A_75, %scan3A_50#0 : vector<16xf32>
    %reduce_max3A = arith.constant true
    %reduce_max3A_77 = vector.broadcast %reduce_max3A : i1 to vector<16xi1>
    %reduce_max3A_78 = tpu.scan <max>, %neg3A_76 masked %reduce_max3A_77 : vector<16xf32>, vector<16xi1> -> vector<16xf32>
    %reduce_max3A_79 = vector.extract %reduce_max3A_78[15] : f32 from vector<16xf32>
    %neg3A_80 = arith.constant 0.000000e+00 : f32
    %neg3A_81 = arith.subf %neg3A_80, %reduce_max3A_79 : f32
    %broadcast_in_dim3A_82 = vector.broadcast %neg3A_81 : f32 to vector<16xf32>
    %reduce_max3A_83 = arith.constant true
    %reduce_max3A_84 = vector.broadcast %reduce_max3A_83 : i1 to vector<16xi1>
    %reduce_max3A_85 = arith.constant -2147483648 : i32
    %reduce_max3A_86 = vector.broadcast %reduce_max3A_85 : i32 to vector<16xi32>
    %reduce_max3A_87 = arith.xori %scan3A_50#1, %reduce_max3A_86 : vector<16xi32>
    %reduce_max3A_88 = tpu.scan <max>, %reduce_max3A_87 masked %reduce_max3A_84 : vector<16xi32>, vector<16xi1> -> vector<16xi32>
    %reduce_max3A_89 = arith.xori %reduce_max3A_88, %reduce_max3A_86 : vector<16xi32>
    %reduce_max3A_90 = vector.extract %reduce_max3A_89[15] : i32 from vector<16xi32>
    %add3A_91 = arith.constant 16 : i32
    %add3A_92 = arith.addi %reduce_max3A_90, %add3A_91 : i32
    %sub3A = arith.constant 1 : i32
    %sub3A_93 = arith.subi %add3A_92, %sub3A : i32
    %jit3A = arith.constant 16 : i32
    %div3A = arith.divsi %sub3A_93, %jit3A : i32
    %sign3A = arith.constant 0 : i32
    %sign3A_94 = arith.cmpi sgt, %sub3A_93, %sign3A : i32
    %sign3A_95 = arith.extui %sign3A_94 : i1 to i32
    %sign3A_96 = arith.constant 0 : i32
    %sign3A_97 = arith.cmpi slt, %sub3A_93, %sign3A_96 : i32
    %sign3A_98 = arith.extui %sign3A_97 : i1 to i32
    %sign3A_99 = arith.subi %sign3A_95, %sign3A_98 : i32
    %sign3A_100 = arith.constant 0 : i32
    %sign3A_101 = arith.cmpi sgt, %jit3A, %sign3A_100 : i32
    %sign3A_102 = arith.extui %sign3A_101 : i1 to i32
    %sign3A_103 = arith.constant 0 : i32
    %sign3A_104 = arith.cmpi slt, %jit3A, %sign3A_103 : i32
    %sign3A_105 = arith.extui %sign3A_104 : i1 to i32
    %sign3A_106 = arith.subi %sign3A_102, %sign3A_105 : i32
    %ne3A = arith.cmpi ne, %sign3A_99, %sign3A_106 : i32
    %rem3A = arith.remsi %sub3A_93, %jit3A : i32
    %ne3A_107 = arith.constant 0 : i32
    %ne3A_108 = arith.cmpi ne, %rem3A, %ne3A_107 : i32
    %and3A = arith.andi %ne3A, %ne3A_108 : i1
    %sub3A_109 = arith.constant 1 : i32
    %sub3A_110 = arith.subi %div3A, %sub3A_109 : i32
    %select_n3A = arith.select %and3A, %sub3A_110, %div3A : i32
    %min3A_111 = arith.constant 1024 : i32
    %min3A_112 = arith.minsi %select_n3A, %min3A_111 : i32
    %while3A = arith.constant 0 : i32
    %while3A_113 = arith.subi %min3A_112, %while3A : i32
    %while3A_114 = arith.addi %while3A, %while3A_113 : i32
    %while3A_115 = arith.constant 1 : i32
    %while3A_116 = arith.divsi %while3A_113, %while3A_115 : i32
    %while3A_117 = arith.muli %while3A_116, %while3A_115 : i32
    %while3A_118 = arith.addi %while3A, %while3A_117 : i32
    %while3A_119 = arith.constant 1 : i32
    %while3A_120 = scf.for %while3A_1179 = %while3A to %while3A_118 step %while3A_119 iter_args(%while3A_1180 = %broadcast_in_dim3A_3) -> (vector<16xi32>)  : i32 {
      %mul3A_1181 = arith.constant 16 : i32
      %mul3A_1182 = arith.muli %while3A_1179, %mul3A_1181 : i32
      %get3A = arith.index_cast %mul3A_1182 : i32 to index
      %get3A_1183 = tpu.vector_load %arg8[%get3A] {strides = array<i32>} : memref<16384xf32, #tpu.memory_space<vmem>>, vector<16xf32>,
      %mul3A_1184 = arith.constant 16 : i32
      %mul3A_1185 = arith.muli %while3A_1179, %mul3A_1184 : i32
      %get3A_1186 = arith.index_cast %mul3A_1185 : i32 to index
      %get3A_1187 = tpu.vector_load %arg9[%get3A_1186] {strides = array<i32>} : memref<16384xi32, #tpu.memory_space<vmem>>, vector<16xi32>,
      %ge3A = arith.cmpf oge, %get3A_1183, %broadcast_in_dim3A_82 : vector<16xf32>
      %convert_element_type3A = arith.extui %ge3A : vector<16xi1> to vector<16xi32>
      %cumsum3A = arith.constant true
      %cumsum3A_1188 = vector.broadcast %cumsum3A : i1 to vector<16xi1>
      %cumsum3A_1189 = tpu.scan <sum>, %convert_element_type3A masked %cumsum3A_1188 : vector<16xi32>, vector<16xi1> -> vector<16xi32>
      %add3A_1190 = arith.addi %while3A_1180, %cumsum3A_1189 : vector<16xi32>
      %sub3A_1191 = arith.constant 1 : i32
      %sub3A_1192 = vector.broadcast %sub3A_1191 : i32 to vector<16xi32>
      %sub3A_1193 = arith.subi %add3A_1190, %sub3A_1192 : vector<16xi32>
      %jit3A_1194 = arith.constant 0 : i32
      %jit3A_1195 = arith.constant 16383 : i32
      %max3A = vector.broadcast %jit3A_1194 : i32 to vector<16xi32>
      %max3A_1196 = arith.maxsi %max3A, %sub3A_1193 : vector<16xi32>
      %min3A_1197 = vector.broadcast %jit3A_1195 : i32 to vector<16xi32>
      %min3A_1198 = arith.minsi %min3A_1197, %max3A_1196 : vector<16xi32>
      tpu.vector_store_idx %arg8[%min3A_1198], %get3A_1183 masked %ge3A : memref<16384xf32, #tpu.memory_space<vmem>>[vector<16xi32>], vector<16xf32>, vector<16xi1>
      tpu.vector_store_idx %arg9[%min3A_1198], %get3A_1187 masked %ge3A : memref<16384xi32, #tpu.memory_space<vmem>>[vector<16xi32>], vector<16xi32>, vector<16xi1>
      %all_reduce_population_count3A = tpu.all_reduce %ge3A {dim = 0 : i64, kind = #tpu.reduction_kind<sum>} : vector<16xi1> -> vector<16xi32>
      %add3A_1199 = arith.addi %while3A_1180, %all_reduce_population_count3A : vector<16xi32>
      scf.yield %add3A_1199 : vector<16xi32>
    }
    %while3A_121 = arith.constant 1 : i32
    %while3A_122 = scf.for %while3A_1179 = %while3A_118 to %while3A_114 step %while3A_121 iter_args(%while3A_1180 = %while3A_120) -> (vector<16xi32>)  : i32 {
      %mul3A_1181 = arith.constant 16 : i32
      %mul3A_1182 = arith.muli %while3A_1179, %mul3A_1181 : i32
      %get3A = arith.index_cast %mul3A_1182 : i32 to index
      %get3A_1183 = tpu.vector_load %arg8[%get3A] {strides = array<i32>} : memref<16384xf32, #tpu.memory_space<vmem>>, vector<16xf32>,
      %mul3A_1184 = arith.constant 16 : i32
      %mul3A_1185 = arith.muli %while3A_1179, %mul3A_1184 : i32
      %get3A_1186 = arith.index_cast %mul3A_1185 : i32 to index
      %get3A_1187 = tpu.vector_load %arg9[%get3A_1186] {strides = array<i32>} : memref<16384xi32, #tpu.memory_space<vmem>>, vector<16xi32>,
      %ge3A = arith.cmpf oge, %get3A_1183, %broadcast_in_dim3A_82 : vector<16xf32>
      %convert_element_type3A = arith.extui %ge3A : vector<16xi1> to vector<16xi32>
      %cumsum3A = arith.constant true
      %cumsum3A_1188 = vector.broadcast %cumsum3A : i1 to vector<16xi1>
      %cumsum3A_1189 = tpu.scan <sum>, %convert_element_type3A masked %cumsum3A_1188 : vector<16xi32>, vector<16xi1> -> vector<16xi32>
      %add3A_1190 = arith.addi %while3A_1180, %cumsum3A_1189 : vector<16xi32>
      %sub3A_1191 = arith.constant 1 : i32
      %sub3A_1192 = vector.broadcast %sub3A_1191 : i32 to vector<16xi32>
      %sub3A_1193 = arith.subi %add3A_1190, %sub3A_1192 : vector<16xi32>
      %jit3A_1194 = arith.constant 0 : i32
      %jit3A_1195 = arith.constant 16383 : i32
      %max3A = vector.broadcast %jit3A_1194 : i32 to vector<16xi32>
      %max3A_1196 = arith.maxsi %max3A, %sub3A_1193 : vector<16xi32>
      %min3A_1197 = vector.broadcast %jit3A_1195 : i32 to vector<16xi32>
      %min3A_1198 = arith.minsi %min3A_1197, %max3A_1196 : vector<16xi32>
      tpu.vector_store_idx %arg8[%min3A_1198], %get3A_1183 masked %ge3A : memref<16384xf32, #tpu.memory_space<vmem>>[vector<16xi32>], vector<16xf32>, vector<16xi1>
      tpu.vector_store_idx %arg9[%min3A_1198], %get3A_1187 masked %ge3A : memref<16384xi32, #tpu.memory_space<vmem>>[vector<16xi32>], vector<16xi32>, vector<16xi1>
      %all_reduce_population_count3A = tpu.all_reduce %ge3A {dim = 0 : i64, kind = #tpu.reduction_kind<sum>} : vector<16xi1> -> vector<16xi32>
      %add3A_1199 = arith.addi %while3A_1180, %all_reduce_population_count3A : vector<16xi32>
      scf.yield %add3A_1199 : vector<16xi32>
    }
    %reduce_max3A_123 = arith.constant true
    %reduce_max3A_124 = vector.broadcast %reduce_max3A_123 : i1 to vector<16xi1>
    %reduce_max3A_125 = arith.constant -2147483648 : i32
    %reduce_max3A_126 = vector.broadcast %reduce_max3A_125 : i32 to vector<16xi32>
    %reduce_max3A_127 = arith.xori %while3A_122, %reduce_max3A_126 : vector<16xi32>
    %reduce_max3A_128 = tpu.scan <max>, %reduce_max3A_127 masked %reduce_max3A_124 : vector<16xi32>, vector<16xi1> -> vector<16xi32>
    %reduce_max3A_129 = arith.xori %reduce_max3A_128, %reduce_max3A_126 : vector<16xi32>
    %reduce_max3A_130 = vector.extract %reduce_max3A_129[15] : i32 from vector<16xi32>
    %add3A_131 = arith.constant 16 : i32
    %add3A_132 = arith.addi %reduce_max3A_130, %add3A_131 : i32
    %sub3A_133 = arith.constant 1 : i32
    %sub3A_134 = arith.subi %add3A_132, %sub3A_133 : i32
    %jit3A_135 = arith.constant 16 : i32
    %div3A_136 = arith.divsi %sub3A_134, %jit3A_135 : i32
    %sign3A_137 = arith.constant 0 : i32
    %sign3A_138 = arith.cmpi sgt, %sub3A_134, %sign3A_137 : i32
    %sign3A_139 = arith.extui %sign3A_138 : i1 to i32
    %sign3A_140 = arith.constant 0 : i32
    %sign3A_141 = arith.cmpi slt, %sub3A_134, %sign3A_140 : i32
    %sign3A_142 = arith.extui %sign3A_141 : i1 to i32
    %sign3A_143 = arith.subi %sign3A_139, %sign3A_142 : i32
    %sign3A_144 = arith.constant 0 : i32
    %sign3A_145 = arith.cmpi sgt, %jit3A_135, %sign3A_144 : i32
    %sign3A_146 = arith.extui %sign3A_145 : i1 to i32
    %sign3A_147 = arith.constant 0 : i32
    %sign3A_148 = arith.cmpi slt, %jit3A_135, %sign3A_147 : i32
    %sign3A_149 = arith.extui %sign3A_148 : i1 to i32
    %sign3A_150 = arith.subi %sign3A_146, %sign3A_149 : i32
    %ne3A_151 = arith.cmpi ne, %sign3A_143, %sign3A_150 : i32
    %rem3A_152 = arith.remsi %sub3A_134, %jit3A_135 : i32
    %ne3A_153 = arith.constant 0 : i32
    %ne3A_154 = arith.cmpi ne, %rem3A_152, %ne3A_153 : i32
    %and3A_155 = arith.andi %ne3A_151, %ne3A_154 : i1
    %sub3A_156 = arith.constant 1 : i32
    %sub3A_157 = arith.subi %div3A_136, %sub3A_156 : i32
    %select_n3A_158 = arith.select %and3A_155, %sub3A_157, %div3A_136 : i32
    %min3A_159 = arith.constant 1024 : i32
    %min3A_160 = arith.minsi %select_n3A_158, %min3A_159 : i32
    %add3A_161 = arith.addi %while3A_122, %iota3A : vector<16xi32>
    %mul3A_162 = arith.constant 16 : i32
    %mul3A_163 = arith.muli %min3A_160, %mul3A_162 : i32
    %broadcast_in_dim3A_164 = vector.broadcast %mul3A_163 : i32 to vector<16xi32>
    %lt3A = arith.cmpi slt, %add3A_161, %broadcast_in_dim3A_164 : vector<16xi32>
    %add3A_165 = arith.addi %while3A_122, %iota3A : vector<16xi32>
    %min3A_166 = arith.constant 16383 : i32
    %min3A_167 = vector.broadcast %min3A_166 : i32 to vector<16xi32>
    %min3A_168 = arith.minsi %add3A_165, %min3A_167 : vector<16xi32>
    tpu.vector_store_idx %arg8[%min3A_168], %broadcast_in_dim3A_1 masked %lt3A : memref<16384xf32, #tpu.memory_space<vmem>>[vector<16xi32>], vector<16xf32>, vector<16xi1>
    %while3A_169 = arith.constant 0 : i32
    %while3A_170 = arith.subi %min3A_160, %while3A_169 : i32
    %while3A_171 = arith.addi %while3A_169, %while3A_170 : i32
    %while3A_172 = arith.constant 1 : i32
    %while3A_173 = arith.divsi %while3A_170, %while3A_172 : i32
    %while3A_174 = arith.muli %while3A_173, %while3A_172 : i32
    %while3A_175 = arith.addi %while3A_169, %while3A_174 : i32
    %while3A_176 = arith.constant 1 : i32
    %while3A_177 = scf.for %while3A_1179 = %while3A_169 to %while3A_175 step %while3A_176 iter_args(%while3A_1180 = %broadcast_in_dim3A_1) -> (vector<16xf32>)  : i32 {
      %mul3A_1181 = arith.constant 16 : i32
      %mul3A_1182 = arith.muli %while3A_1179, %mul3A_1181 : i32
      %get3A = arith.index_cast %mul3A_1182 : i32 to index
      %get3A_1183 = tpu.vector_load %arg8[%get3A] {strides = array<i32>} : memref<16384xf32, #tpu.memory_space<vmem>>, vector<16xf32>,
      %max3A = arith.maximumf %while3A_1180, %get3A_1183 : vector<16xf32>
      scf.yield %max3A : vector<16xf32>
    }
    %while3A_178 = arith.constant 1 : i32
    %while3A_179 = scf.for %while3A_1179 = %while3A_175 to %while3A_171 step %while3A_178 iter_args(%while3A_1180 = %while3A_177) -> (vector<16xf32>)  : i32 {
      %mul3A_1181 = arith.constant 16 : i32
      %mul3A_1182 = arith.muli %while3A_1179, %mul3A_1181 : i32
      %get3A = arith.index_cast %mul3A_1182 : i32 to index
      %get3A_1183 = tpu.vector_load %arg8[%get3A] {strides = array<i32>} : memref<16384xf32, #tpu.memory_space<vmem>>, vector<16xf32>,
      %max3A = arith.maximumf %while3A_1180, %get3A_1183 : vector<16xf32>
      scf.yield %max3A : vector<16xf32>
    }
    %reduce_max3A_180 = arith.constant true
    %reduce_max3A_181 = vector.broadcast %reduce_max3A_180 : i1 to vector<16xi1>
    %reduce_max3A_182 = tpu.scan <max>, %while3A_179 masked %reduce_max3A_181 : vector<16xf32>, vector<16xi1> -> vector<16xf32>
    %reduce_max3A_183 = vector.extract %reduce_max3A_182[15] : f32 from vector<16xf32>
    %broadcast_in_dim3A_184 = vector.broadcast %reduce_max3A_183 : f32 to vector<16xf32>
    %broadcast_in_dim3A_185 = arith.constant 2147483647 : i32
    %broadcast_in_dim3A_186 = vector.broadcast %broadcast_in_dim3A_185 : i32 to vector<16xi32>
    %while3A_187 = arith.constant 0 : i32
    %while3A_188 = arith.subi %min3A_160, %while3A_187 : i32
    %while3A_189 = arith.addi %while3A_187, %while3A_188 : i32
    %while3A_190 = arith.constant 1 : i32
    %while3A_191 = arith.divsi %while3A_188, %while3A_190 : i32
    %while3A_192 = arith.muli %while3A_191, %while3A_190 : i32
    %while3A_193 = arith.addi %while3A_187, %while3A_192 : i32
    %while3A_194 = arith.constant 1 : i32
    %while3A_195 = scf.for %while3A_1179 = %while3A_187 to %while3A_193 step %while3A_194 iter_args(%while3A_1180 = %broadcast_in_dim3A_186) -> (vector<16xi32>)  : i32 {
      %mul3A_1181 = arith.constant 16 : i32
      %mul3A_1182 = arith.muli %while3A_1179, %mul3A_1181 : i32
      %get3A = arith.index_cast %mul3A_1182 : i32 to index
      %get3A_1183 = tpu.vector_load %arg8[%get3A] {strides = array<i32>} : memref<16384xf32, #tpu.memory_space<vmem>>, vector<16xf32>,
      %mul3A_1184 = arith.constant 16 : i32
      %mul3A_1185 = arith.muli %while3A_1179, %mul3A_1184 : i32
      %get3A_1186 = arith.index_cast %mul3A_1185 : i32 to index
      %get3A_1187 = tpu.vector_load %arg9[%get3A_1186] {strides = array<i32>} : memref<16384xi32, #tpu.memory_space<vmem>>, vector<16xi32>,
      %eq3A_1188 = arith.cmpf oeq, %get3A_1183, %broadcast_in_dim3A_184 : vector<16xf32>
      %jit3A_1189 = arith.constant 2147483647 : i32
      %broadcast_in_dim3A_1190 = vector.broadcast %jit3A_1189 : i32 to vector<16xi32>
      %select_n3A_1191 = arith.select %eq3A_1188, %get3A_1187, %broadcast_in_dim3A_1190 : vector<16xi1>, vector<16xi32>
      %min3A_1192 = arith.minsi %while3A_1180, %select_n3A_1191 : vector<16xi32>
      scf.yield %min3A_1192 : vector<16xi32>
    }
    %while3A_196 = arith.constant 1 : i32
    %while3A_197 = scf.for %while3A_1179 = %while3A_193 to %while3A_189 step %while3A_196 iter_args(%while3A_1180 = %while3A_195) -> (vector<16xi32>)  : i32 {
      %mul3A_1181 = arith.constant 16 : i32
      %mul3A_1182 = arith.muli %while3A_1179, %mul3A_1181 : i32
      %get3A = arith.index_cast %mul3A_1182 : i32 to index
      %get3A_1183 = tpu.vector_load %arg8[%get3A] {strides = array<i32>} : memref<16384xf32, #tpu.memory_space<vmem>>, vector<16xf32>,
      %mul3A_1184 = arith.constant 16 : i32
      %mul3A_1185 = arith.muli %while3A_1179, %mul3A_1184 : i32
      %get3A_1186 = arith.index_cast %mul3A_1185 : i32 to index
      %get3A_1187 = tpu.vector_load %arg9[%get3A_1186] {strides = array<i32>} : memref<16384xi32, #tpu.memory_space<vmem>>, vector<16xi32>,
      %eq3A_1188 = arith.cmpf oeq, %get3A_1183, %broadcast_in_dim3A_184 : vector<16xf32>
      %jit3A_1189 = arith.constant 2147483647 : i32
      %broadcast_in_dim3A_1190 = vector.broadcast %jit3A_1189 : i32 to vector<16xi32>
      %select_n3A_1191 = arith.select %eq3A_1188, %get3A_1187, %broadcast_in_dim3A_1190 : vector<16xi1>, vector<16xi32>
      %min3A_1192 = arith.minsi %while3A_1180, %select_n3A_1191 : vector<16xi32>
      scf.yield %min3A_1192 : vector<16xi32>
    }
    %neg3A_198 = arith.constant 0 : i32
    %neg3A_199 = vector.broadcast %neg3A_198 : i32 to vector<16xi32>
    %neg3A_200 = arith.subi %neg3A_199, %while3A_197 : vector<16xi32>
    %reduce_max3A_201 = arith.constant true
    %reduce_max3A_202 = vector.broadcast %reduce_max3A_201 : i1 to vector<16xi1>
    %reduce_max3A_203 = arith.constant -2147483648 : i32
    %reduce_max3A_204 = vector.broadcast %reduce_max3A_203 : i32 to vector<16xi32>
    %reduce_max3A_205 = arith.xori %neg3A_200, %reduce_max3A_204 : vector<16xi32>
    %reduce_max3A_206 = tpu.scan <max>, %reduce_max3A_205 masked %reduce_max3A_202 : vector<16xi32>, vector<16xi1> -> vector<16xi32>
    %reduce_max3A_207 = arith.xori %reduce_max3A_206, %reduce_max3A_204 : vector<16xi32>
    %reduce_max3A_208 = vector.extract %reduce_max3A_207[15] : i32 from vector<16xi32>
    %neg3A_209 = arith.constant 0 : i32
    %neg3A_210 = arith.subi %neg3A_209, %reduce_max3A_208 : i32
    %broadcast_in_dim3A_211 = vector.broadcast %neg3A_210 : i32 to vector<16xi32>
    %while3A_212 = arith.constant 0 : i32
    %while3A_213 = arith.constant 0 : i32
    %while3A_214 = arith.subi %min3A_160, %while3A_212 : i32
    %while3A_215 = arith.addi %while3A_212, %while3A_214 : i32
    %while3A_216 = arith.constant 1 : i32
    %while3A_217 = arith.divsi %while3A_214, %while3A_216 : i32
    %while3A_218 = arith.muli %while3A_217, %while3A_216 : i32
    %while3A_219 = arith.addi %while3A_212, %while3A_218 : i32
    %while3A_220 = arith.constant 1 : i32
    %while3A_221 = scf.for %while3A_1179 = %while3A_212 to %while3A_219 step %while3A_220 iter_args(%while3A_1180 = %while3A_213) -> (i32)  : i32 {
      %mul3A_1181 = arith.constant 16 : i32
      %mul3A_1182 = arith.muli %while3A_1179, %mul3A_1181 : i32
      %get3A = arith.index_cast %mul3A_1182 : i32 to index
      %get3A_1183 = tpu.vector_load %arg8[%get3A] {strides = array<i32>} : memref<16384xf32, #tpu.memory_space<vmem>>, vector<16xf32>,
      %mul3A_1184 = arith.constant 16 : i32
      %mul3A_1185 = arith.muli %while3A_1179, %mul3A_1184 : i32
      %get3A_1186 = arith.index_cast %mul3A_1185 : i32 to index
      %get3A_1187 = tpu.vector_load %arg9[%get3A_1186] {strides = array<i32>} : memref<16384xi32, #tpu.memory_space<vmem>>, vector<16xi32>,
      %eq3A_1188 = arith.cmpi eq, %get3A_1187, %broadcast_in_dim3A_211 : vector<16xi32>
      %select_n3A_1189 = arith.select %eq3A_1188, %broadcast_in_dim3A_1, %get3A_1183 : vector<16xi1>, vector<16xf32>
      %mul3A_1190 = arith.constant 16 : i32
      %mul3A_1191 = arith.muli %while3A_1179, %mul3A_1190 : i32
      %swap3A_1192 = arith.index_cast %mul3A_1191 : i32 to index
      %swap3A_1193 = tpu.vector_load %arg8[%swap3A_1192] {strides = array<i32>} : memref<16384xf32, #tpu.memory_space<vmem>>, vector<16xf32>,
      tpu.vector_store %arg8[%swap3A_1192], %select_n3A_1189 {strides = array<i32>} : memref<16384xf32, #tpu.memory_space<vmem>>, vector<16xf32>,
      %while3A_1194 = arith.constant 0 : i32
      scf.yield %while3A_1194 : i32
    }
    %while3A_222 = arith.constant 1 : i32
    %while3A_223 = scf.for %while3A_1179 = %while3A_219 to %while3A_215 step %while3A_222 iter_args(%while3A_1180 = %while3A_221) -> (i32)  : i32 {
      %mul3A_1181 = arith.constant 16 : i32
      %mul3A_1182 = arith.muli %while3A_1179, %mul3A_1181 : i32
      %get3A = arith.index_cast %mul3A_1182 : i32 to index
      %get3A_1183 = tpu.vector_load %arg8[%get3A] {strides = array<i32>} : memref<16384xf32, #tpu.memory_space<vmem>>, vector<16xf32>,
      %mul3A_1184 = arith.constant 16 : i32
      %mul3A_1185 = arith.muli %while3A_1179, %mul3A_1184 : i32
      %get3A_1186 = arith.index_cast %mul3A_1185 : i32 to index
      %get3A_1187 = tpu.vector_load %arg9[%get3A_1186] {strides = array<i32>} : memref<16384xi32, #tpu.memory_space<vmem>>, vector<16xi32>,
      %eq3A_1188 = arith.cmpi eq, %get3A_1187, %broadcast_in_dim3A_211 : vector<16xi32>
      %select_n3A_1189 = arith.select %eq3A_1188, %broadcast_in_dim3A_1, %get3A_1183 : vector<16xi1>, vector<16xf32>
      %mul3A_1190 = arith.constant 16 : i32
      %mul3A_1191 = arith.muli %while3A_1179, %mul3A_1190 : i32
      %swap3A_1192 = arith.index_cast %mul3A_1191 : i32 to index
      %swap3A_1193 = tpu.vector_load %arg8[%swap3A_1192] {strides = array<i32>} : memref<16384xf32, #tpu.memory_space<vmem>>, vector<16xf32>,
      tpu.vector_store %arg8[%swap3A_1192], %select_n3A_1189 {strides = array<i32>} : memref<16384xf32, #tpu.memory_space<vmem>>, vector<16xf32>,
      %while3A_1194 = arith.constant 0 : i32
      scf.yield %while3A_1194 : i32
    }
    %eq3A = arith.constant 0 : i32
    %eq3A_224 = vector.broadcast %eq3A : i32 to vector<16xi32>
    %eq3A_225 = arith.cmpi eq, %iota3A, %eq3A_224 : vector<16xi32>
    %select_n3A_226 = arith.select %eq3A_225, %broadcast_in_dim3A_184, %broadcast_in_dim3A_1 : vector<16xi1>, vector<16xf32>
    %eq3A_227 = arith.constant 0 : i32
    %eq3A_228 = vector.broadcast %eq3A_227 : i32 to vector<16xi32>
    %eq3A_229 = arith.cmpi eq, %iota3A, %eq3A_228 : vector<16xi32>
    %select_n3A_230 = arith.select %eq3A_229, %broadcast_in_dim3A_211, %broadcast_in_dim3A_3 : vector<16xi1>, vector<16xi32>
    %while3A_231 = arith.constant 0 : i32
    %while3A_232 = arith.subi %min3A_160, %while3A_231 : i32
    %while3A_233 = arith.addi %while3A_231, %while3A_232 : i32
    %while3A_234 = arith.constant 1 : i32
    %while3A_235 = arith.divsi %while3A_232, %while3A_234 : i32
    %while3A_236 = arith.muli %while3A_235, %while3A_234 : i32
    %while3A_237 = arith.addi %while3A_231, %while3A_236 : i32
    %while3A_238 = arith.constant 1 : i32
    %while3A_239 = scf.for %while3A_1179 = %while3A_231 to %while3A_237 step %while3A_238 iter_args(%while3A_1180 = %broadcast_in_dim3A_1) -> (vector<16xf32>)  : i32 {
      %mul3A_1181 = arith.constant 16 : i32
      %mul3A_1182 = arith.muli %while3A_1179, %mul3A_1181 : i32
      %get3A = arith.index_cast %mul3A_1182 : i32 to index
      %get3A_1183 = tpu.vector_load %arg8[%get3A] {strides = array<i32>} : memref<16384xf32, #tpu.memory_space<vmem>>, vector<16xf32>,
      %max3A = arith.maximumf %while3A_1180, %get3A_1183 : vector<16xf32>
      scf.yield %max3A : vector<16xf32>
    }
    %while3A_240 = arith.constant 1 : i32
    %while3A_241 = scf.for %while3A_1179 = %while3A_237 to %while3A_233 step %while3A_240 iter_args(%while3A_1180 = %while3A_239) -> (vector<16xf32>)  : i32 {
      %mul3A_1181 = arith.constant 16 : i32
      %mul3A_1182 = arith.muli %while3A_1179, %mul3A_1181 : i32
      %get3A = arith.index_cast %mul3A_1182 : i32 to index
      %get3A_1183 = tpu.vector_load %arg8[%get3A] {strides = array<i32>} : memref<16384xf32, #tpu.memory_space<vmem>>, vector<16xf32>,
      %max3A = arith.maximumf %while3A_1180, %get3A_1183 : vector<16xf32>
      scf.yield %max3A : vector<16xf32>
    }
    %reduce_max3A_242 = arith.constant true
    %reduce_max3A_243 = vector.broadcast %reduce_max3A_242 : i1 to vector<16xi1>
    %reduce_max3A_244 = tpu.scan <max>, %while3A_241 masked %reduce_max3A_243 : vector<16xf32>, vector<16xi1> -> vector<16xf32>
    %reduce_max3A_245 = vector.extract %reduce_max3A_244[15] : f32 from vector<16xf32>
    %broadcast_in_dim3A_246 = vector.broadcast %reduce_max3A_245 : f32 to vector<16xf32>
    %broadcast_in_dim3A_247 = arith.constant 2147483647 : i32
    %broadcast_in_dim3A_248 = vector.broadcast %broadcast_in_dim3A_247 : i32 to vector<16xi32>
    %while3A_249 = arith.constant 0 : i32
    %while3A_250 = arith.subi %min3A_160, %while3A_249 : i32
    %while3A_251 = arith.addi %while3A_249, %while3A_250 : i32
    %while3A_252 = arith.constant 1 : i32
    %while3A_253 = arith.divsi %while3A_250, %while3A_252 : i32
    %while3A_254 = arith.muli %while3A_253, %while3A_252 : i32
    %while3A_255 = arith.addi %while3A_249, %while3A_254 : i32
    %while3A_256 = arith.constant 1 : i32
    %while3A_257 = scf.for %while3A_1179 = %while3A_249 to %while3A_255 step %while3A_256 iter_args(%while3A_1180 = %broadcast_in_dim3A_248) -> (vector<16xi32>)  : i32 {
      %mul3A_1181 = arith.constant 16 : i32
      %mul3A_1182 = arith.muli %while3A_1179, %mul3A_1181 : i32
      %get3A = arith.index_cast %mul3A_1182 : i32 to index
      %get3A_1183 = tpu.vector_load %arg8[%get3A] {strides = array<i32>} : memref<16384xf32, #tpu.memory_space<vmem>>, vector<16xf32>,
      %mul3A_1184 = arith.constant 16 : i32
      %mul3A_1185 = arith.muli %while3A_1179, %mul3A_1184 : i32
      %get3A_1186 = arith.index_cast %mul3A_1185 : i32 to index
      %get3A_1187 = tpu.vector_load %arg9[%get3A_1186] {strides = array<i32>} : memref<16384xi32, #tpu.memory_space<vmem>>, vector<16xi32>,
      %eq3A_1188 = arith.cmpf oeq, %get3A_1183, %broadcast_in_dim3A_246 : vector<16xf32>
      %jit3A_1189 = arith.constant 2147483647 : i32
      %broadcast_in_dim3A_1190 = vector.broadcast %jit3A_1189 : i32 to vector<16xi32>
      %select_n3A_1191 = arith.select %eq3A_1188, %get3A_1187, %broadcast_in_dim3A_1190 : vector<16xi1>, vector<16xi32>
      %min3A_1192 = arith.minsi %while3A_1180, %select_n3A_1191 : vector<16xi32>
      scf.yield %min3A_1192 : vector<16xi32>
    }
    %while3A_258 = arith.constant 1 : i32
    %while3A_259 = scf.for %while3A_1179 = %while3A_255 to %while3A_251 step %while3A_258 iter_args(%while3A_1180 = %while3A_257) -> (vector<16xi32>)  : i32 {
      %mul3A_1181 = arith.constant 16 : i32
      %mul3A_1182 = arith.muli %while3A_1179, %mul3A_1181 : i32
      %get3A = arith.index_cast %mul3A_1182 : i32 to index
      %get3A_1183 = tpu.vector_load %arg8[%get3A] {strides = array<i32>} : memref<16384xf32, #tpu.memory_space<vmem>>, vector<16xf32>,
      %mul3A_1184 = arith.constant 16 : i32
      %mul3A_1185 = arith.muli %while3A_1179, %mul3A_1184 : i32
      %get3A_1186 = arith.index_cast %mul3A_1185 : i32 to index
      %get3A_1187 = tpu.vector_load %arg9[%get3A_1186] {strides = array<i32>} : memref<16384xi32, #tpu.memory_space<vmem>>, vector<16xi32>,
      %eq3A_1188 = arith.cmpf oeq, %get3A_1183, %broadcast_in_dim3A_246 : vector<16xf32>
      %jit3A_1189 = arith.constant 2147483647 : i32
      %broadcast_in_dim3A_1190 = vector.broadcast %jit3A_1189 : i32 to vector<16xi32>
      %select_n3A_1191 = arith.select %eq3A_1188, %get3A_1187, %broadcast_in_dim3A_1190 : vector<16xi1>, vector<16xi32>
      %min3A_1192 = arith.minsi %while3A_1180, %select_n3A_1191 : vector<16xi32>
      scf.yield %min3A_1192 : vector<16xi32>
    }
    %neg3A_260 = arith.constant 0 : i32
    %neg3A_261 = vector.broadcast %neg3A_260 : i32 to vector<16xi32>
    %neg3A_262 = arith.subi %neg3A_261, %while3A_259 : vector<16xi32>
    %reduce_max3A_263 = arith.constant true
    %reduce_max3A_264 = vector.broadcast %reduce_max3A_263 : i1 to vector<16xi1>
    %reduce_max3A_265 = arith.constant -2147483648 : i32
    %reduce_max3A_266 = vector.broadcast %reduce_max3A_265 : i32 to vector<16xi32>
    %reduce_max3A_267 = arith.xori %neg3A_262, %reduce_max3A_266 : vector<16xi32>
    %reduce_max3A_268 = tpu.scan <max>, %reduce_max3A_267 masked %reduce_max3A_264 : vector<16xi32>, vector<16xi1> -> vector<16xi32>
    %reduce_max3A_269 = arith.xori %reduce_max3A_268, %reduce_max3A_266 : vector<16xi32>
    %reduce_max3A_270 = vector.extract %reduce_max3A_269[15] : i32 from vector<16xi32>
    %neg3A_271 = arith.constant 0 : i32
    %neg3A_272 = arith.subi %neg3A_271, %reduce_max3A_270 : i32
    %broadcast_in_dim3A_273 = vector.broadcast %neg3A_272 : i32 to vector<16xi32>
    %while3A_274 = arith.constant 0 : i32
    %while3A_275 = arith.constant 0 : i32
    %while3A_276 = arith.subi %min3A_160, %while3A_274 : i32
    %while3A_277 = arith.addi %while3A_274, %while3A_276 : i32
    %while3A_278 = arith.constant 1 : i32
    %while3A_279 = arith.divsi %while3A_276, %while3A_278 : i32
    %while3A_280 = arith.muli %while3A_279, %while3A_278 : i32
    %while3A_281 = arith.addi %while3A_274, %while3A_280 : i32
    %while3A_282 = arith.constant 1 : i32
    %while3A_283 = scf.for %while3A_1179 = %while3A_274 to %while3A_281 step %while3A_282 iter_args(%while3A_1180 = %while3A_275) -> (i32)  : i32 {
      %mul3A_1181 = arith.constant 16 : i32
      %mul3A_1182 = arith.muli %while3A_1179, %mul3A_1181 : i32
      %get3A = arith.index_cast %mul3A_1182 : i32 to index
      %get3A_1183 = tpu.vector_load %arg8[%get3A] {strides = array<i32>} : memref<16384xf32, #tpu.memory_space<vmem>>, vector<16xf32>,
      %mul3A_1184 = arith.constant 16 : i32
      %mul3A_1185 = arith.muli %while3A_1179, %mul3A_1184 : i32
      %get3A_1186 = arith.index_cast %mul3A_1185 : i32 to index
      %get3A_1187 = tpu.vector_load %arg9[%get3A_1186] {strides = array<i32>} : memref<16384xi32, #tpu.memory_space<vmem>>, vector<16xi32>,
      %eq3A_1188 = arith.cmpi eq, %get3A_1187, %broadcast_in_dim3A_273 : vector<16xi32>
      %select_n3A_1189 = arith.select %eq3A_1188, %broadcast_in_dim3A_1, %get3A_1183 : vector<16xi1>, vector<16xf32>
      %mul3A_1190 = arith.constant 16 : i32
      %mul3A_1191 = arith.muli %while3A_1179, %mul3A_1190 : i32
      %swap3A_1192 = arith.index_cast %mul3A_1191 : i32 to index
      %swap3A_1193 = tpu.vector_load %arg8[%swap3A_1192] {strides = array<i32>} : memref<16384xf32, #tpu.memory_space<vmem>>, vector<16xf32>,
      tpu.vector_store %arg8[%swap3A_1192], %select_n3A_1189 {strides = array<i32>} : memref<16384xf32, #tpu.memory_space<vmem>>, vector<16xf32>,
      %while3A_1194 = arith.constant 0 : i32
      scf.yield %while3A_1194 : i32
    }
    %while3A_284 = arith.constant 1 : i32
    %while3A_285 = scf.for %while3A_1179 = %while3A_281 to %while3A_277 step %while3A_284 iter_args(%while3A_1180 = %while3A_283) -> (i32)  : i32 {
      %mul3A_1181 = arith.constant 16 : i32
      %mul3A_1182 = arith.muli %while3A_1179, %mul3A_1181 : i32
      %get3A = arith.index_cast %mul3A_1182 : i32 to index
      %get3A_1183 = tpu.vector_load %arg8[%get3A] {strides = array<i32>} : memref<16384xf32, #tpu.memory_space<vmem>>, vector<16xf32>,
      %mul3A_1184 = arith.constant 16 : i32
      %mul3A_1185 = arith.muli %while3A_1179, %mul3A_1184 : i32
      %get3A_1186 = arith.index_cast %mul3A_1185 : i32 to index
      %get3A_1187 = tpu.vector_load %arg9[%get3A_1186] {strides = array<i32>} : memref<16384xi32, #tpu.memory_space<vmem>>, vector<16xi32>,
      %eq3A_1188 = arith.cmpi eq, %get3A_1187, %broadcast_in_dim3A_273 : vector<16xi32>
      %select_n3A_1189 = arith.select %eq3A_1188, %broadcast_in_dim3A_1, %get3A_1183 : vector<16xi1>, vector<16xf32>
      %mul3A_1190 = arith.constant 16 : i32
      %mul3A_1191 = arith.muli %while3A_1179, %mul3A_1190 : i32
      %swap3A_1192 = arith.index_cast %mul3A_1191 : i32 to index
      %swap3A_1193 = tpu.vector_load %arg8[%swap3A_1192] {strides = array<i32>} : memref<16384xf32, #tpu.memory_space<vmem>>, vector<16xf32>,
      tpu.vector_store %arg8[%swap3A_1192], %select_n3A_1189 {strides = array<i32>} : memref<16384xf32, #tpu.memory_space<vmem>>, vector<16xf32>,
      %while3A_1194 = arith.constant 0 : i32
      scf.yield %while3A_1194 : i32
    }
    %eq3A_286 = arith.constant 1 : i32
    %eq3A_287 = vector.broadcast %eq3A_286 : i32 to vector<16xi32>
    %eq3A_288 = arith.cmpi eq, %iota3A, %eq3A_287 : vector<16xi32>
    %select_n3A_289 = arith.select %eq3A_288, %broadcast_in_dim3A_246, %select_n3A_226 : vector<16xi1>, vector<16xf32>
    %eq3A_290 = arith.constant 1 : i32
    %eq3A_291 = vector.broadcast %eq3A_290 : i32 to vector<16xi32>
    %eq3A_292 = arith.cmpi eq, %iota3A, %eq3A_291 : vector<16xi32>
    %select_n3A_293 = arith.select %eq3A_292, %broadcast_in_dim3A_273, %select_n3A_230 : vector<16xi1>, vector<16xi32>
    %while3A_294 = arith.constant 0 : i32
    %while3A_295 = arith.subi %min3A_160, %while3A_294 : i32
    %while3A_296 = arith.addi %while3A_294, %while3A_295 : i32
    %while3A_297 = arith.constant 1 : i32
    %while3A_298 = arith.divsi %while3A_295, %while3A_297 : i32
    %while3A_299 = arith.muli %while3A_298, %while3A_297 : i32
    %while3A_300 = arith.addi %while3A_294, %while3A_299 : i32
    %while3A_301 = arith.constant 1 : i32
    %while3A_302 = scf.for %while3A_1179 = %while3A_294 to %while3A_300 step %while3A_301 iter_args(%while3A_1180 = %broadcast_in_dim3A_1) -> (vector<16xf32>)  : i32 {
      %mul3A_1181 = arith.constant 16 : i32
      %mul3A_1182 = arith.muli %while3A_1179, %mul3A_1181 : i32
      %get3A = arith.index_cast %mul3A_1182 : i32 to index
      %get3A_1183 = tpu.vector_load %arg8[%get3A] {strides = array<i32>} : memref<16384xf32, #tpu.memory_space<vmem>>, vector<16xf32>,
      %max3A = arith.maximumf %while3A_1180, %get3A_1183 : vector<16xf32>
      scf.yield %max3A : vector<16xf32>
    }
    %while3A_303 = arith.constant 1 : i32
    %while3A_304 = scf.for %while3A_1179 = %while3A_300 to %while3A_296 step %while3A_303 iter_args(%while3A_1180 = %while3A_302) -> (vector<16xf32>)  : i32 {
      %mul3A_1181 = arith.constant 16 : i32
      %mul3A_1182 = arith.muli %while3A_1179, %mul3A_1181 : i32
      %get3A = arith.index_cast %mul3A_1182 : i32 to index
      %get3A_1183 = tpu.vector_load %arg8[%get3A] {strides = array<i32>} : memref<16384xf32, #tpu.memory_space<vmem>>, vector<16xf32>,
      %max3A = arith.maximumf %while3A_1180, %get3A_1183 : vector<16xf32>
      scf.yield %max3A : vector<16xf32>
    }
    %reduce_max3A_305 = arith.constant true
    %reduce_max3A_306 = vector.broadcast %reduce_max3A_305 : i1 to vector<16xi1>
    %reduce_max3A_307 = tpu.scan <max>, %while3A_304 masked %reduce_max3A_306 : vector<16xf32>, vector<16xi1> -> vector<16xf32>
    %reduce_max3A_308 = vector.extract %reduce_max3A_307[15] : f32 from vector<16xf32>
    %broadcast_in_dim3A_309 = vector.broadcast %reduce_max3A_308 : f32 to vector<16xf32>
    %broadcast_in_dim3A_310 = arith.constant 2147483647 : i32
    %broadcast_in_dim3A_311 = vector.broadcast %broadcast_in_dim3A_310 : i32 to vector<16xi32>
    %while3A_312 = arith.constant 0 : i32
    %while3A_313 = arith.subi %min3A_160, %while3A_312 : i32
    %while3A_314 = arith.addi %while3A_312, %while3A_313 : i32
    %while3A_315 = arith.constant 1 : i32
    %while3A_316 = arith.divsi %while3A_313, %while3A_315 : i32
    %while3A_317 = arith.muli %while3A_316, %while3A_315 : i32
    %while3A_318 = arith.addi %while3A_312, %while3A_317 : i32
    %while3A_319 = arith.constant 1 : i32
    %while3A_320 = scf.for %while3A_1179 = %while3A_312 to %while3A_318 step %while3A_319 iter_args(%while3A_1180 = %broadcast_in_dim3A_311) -> (vector<16xi32>)  : i32 {
      %mul3A_1181 = arith.constant 16 : i32
      %mul3A_1182 = arith.muli %while3A_1179, %mul3A_1181 : i32
      %get3A = arith.index_cast %mul3A_1182 : i32 to index
      %get3A_1183 = tpu.vector_load %arg8[%get3A] {strides = array<i32>} : memref<16384xf32, #tpu.memory_space<vmem>>, vector<16xf32>,
      %mul3A_1184 = arith.constant 16 : i32
      %mul3A_1185 = arith.muli %while3A_1179, %mul3A_1184 : i32
      %get3A_1186 = arith.index_cast %mul3A_1185 : i32 to index
      %get3A_1187 = tpu.vector_load %arg9[%get3A_1186] {strides = array<i32>} : memref<16384xi32, #tpu.memory_space<vmem>>, vector<16xi32>,
      %eq3A_1188 = arith.cmpf oeq, %get3A_1183, %broadcast_in_dim3A_309 : vector<16xf32>
      %jit3A_1189 = arith.constant 2147483647 : i32
      %broadcast_in_dim3A_1190 = vector.broadcast %jit3A_1189 : i32 to vector<16xi32>
      %select_n3A_1191 = arith.select %eq3A_1188, %get3A_1187, %broadcast_in_dim3A_1190 : vector<16xi1>, vector<16xi32>
      %min3A_1192 = arith.minsi %while3A_1180, %select_n3A_1191 : vector<16xi32>
      scf.yield %min3A_1192 : vector<16xi32>
    }
    %while3A_321 = arith.constant 1 : i32
    %while3A_322 = scf.for %while3A_1179 = %while3A_318 to %while3A_314 step %while3A_321 iter_args(%while3A_1180 = %while3A_320) -> (vector<16xi32>)  : i32 {
      %mul3A_1181 = arith.constant 16 : i32
      %mul3A_1182 = arith.muli %while3A_1179, %mul3A_1181 : i32
      %get3A = arith.index_cast %mul3A_1182 : i32 to index
      %get3A_1183 = tpu.vector_load %arg8[%get3A] {strides = array<i32>} : memref<16384xf32, #tpu.memory_space<vmem>>, vector<16xf32>,
      %mul3A_1184 = arith.constant 16 : i32
      %mul3A_1185 = arith.muli %while3A_1179, %mul3A_1184 : i32
      %get3A_1186 = arith.index_cast %mul3A_1185 : i32 to index
      %get3A_1187 = tpu.vector_load %arg9[%get3A_1186] {strides = array<i32>} : memref<16384xi32, #tpu.memory_space<vmem>>, vector<16xi32>,
      %eq3A_1188 = arith.cmpf oeq, %get3A_1183, %broadcast_in_dim3A_309 : vector<16xf32>
      %jit3A_1189 = arith.constant 2147483647 : i32
      %broadcast_in_dim3A_1190 = vector.broadcast %jit3A_1189 : i32 to vector<16xi32>
      %select_n3A_1191 = arith.select %eq3A_1188, %get3A_1187, %broadcast_in_dim3A_1190 : vector<16xi1>, vector<16xi32>
      %min3A_1192 = arith.minsi %while3A_1180, %select_n3A_1191 : vector<16xi32>
      scf.yield %min3A_1192 : vector<16xi32>
    }
    %neg3A_323 = arith.constant 0 : i32
    %neg3A_324 = vector.broadcast %neg3A_323 : i32 to vector<16xi32>
    %neg3A_325 = arith.subi %neg3A_324, %while3A_322 : vector<16xi32>
    %reduce_max3A_326 = arith.constant true
    %reduce_max3A_327 = vector.broadcast %reduce_max3A_326 : i1 to vector<16xi1>
    %reduce_max3A_328 = arith.constant -2147483648 : i32
    %reduce_max3A_329 = vector.broadcast %reduce_max3A_328 : i32 to vector<16xi32>
    %reduce_max3A_330 = arith.xori %neg3A_325, %reduce_max3A_329 : vector<16xi32>
    %reduce_max3A_331 = tpu.scan <max>, %reduce_max3A_330 masked %reduce_max3A_327 : vector<16xi32>, vector<16xi1> -> vector<16xi32>
    %reduce_max3A_332 = arith.xori %reduce_max3A_331, %reduce_max3A_329 : vector<16xi32>
    %reduce_max3A_333 = vector.extract %reduce_max3A_332[15] : i32 from vector<16xi32>
    %neg3A_334 = arith.constant 0 : i32
    %neg3A_335 = arith.subi %neg3A_334, %reduce_max3A_333 : i32
    %broadcast_in_dim3A_336 = vector.broadcast %neg3A_335 : i32 to vector<16xi32>
    %while3A_337 = arith.constant 0 : i32
    %while3A_338 = arith.constant 0 : i32
    %while3A_339 = arith.subi %min3A_160, %while3A_337 : i32
    %while3A_340 = arith.addi %while3A_337, %while3A_339 : i32
    %while3A_341 = arith.constant 1 : i32
    %while3A_342 = arith.divsi %while3A_339, %while3A_341 : i32
    %while3A_343 = arith.muli %while3A_342, %while3A_341 : i32
    %while3A_344 = arith.addi %while3A_337, %while3A_343 : i32
    %while3A_345 = arith.constant 1 : i32
    %while3A_346 = scf.for %while3A_1179 = %while3A_337 to %while3A_344 step %while3A_345 iter_args(%while3A_1180 = %while3A_338) -> (i32)  : i32 {
      %mul3A_1181 = arith.constant 16 : i32
      %mul3A_1182 = arith.muli %while3A_1179, %mul3A_1181 : i32
      %get3A = arith.index_cast %mul3A_1182 : i32 to index
      %get3A_1183 = tpu.vector_load %arg8[%get3A] {strides = array<i32>} : memref<16384xf32, #tpu.memory_space<vmem>>, vector<16xf32>,
      %mul3A_1184 = arith.constant 16 : i32
      %mul3A_1185 = arith.muli %while3A_1179, %mul3A_1184 : i32
      %get3A_1186 = arith.index_cast %mul3A_1185 : i32 to index
      %get3A_1187 = tpu.vector_load %arg9[%get3A_1186] {strides = array<i32>} : memref<16384xi32, #tpu.memory_space<vmem>>, vector<16xi32>,
      %eq3A_1188 = arith.cmpi eq, %get3A_1187, %broadcast_in_dim3A_336 : vector<16xi32>
      %select_n3A_1189 = arith.select %eq3A_1188, %broadcast_in_dim3A_1, %get3A_1183 : vector<16xi1>, vector<16xf32>
      %mul3A_1190 = arith.constant 16 : i32
      %mul3A_1191 = arith.muli %while3A_1179, %mul3A_1190 : i32
      %swap3A_1192 = arith.index_cast %mul3A_1191 : i32 to index
      %swap3A_1193 = tpu.vector_load %arg8[%swap3A_1192] {strides = array<i32>} : memref<16384xf32, #tpu.memory_space<vmem>>, vector<16xf32>,
      tpu.vector_store %arg8[%swap3A_1192], %select_n3A_1189 {strides = array<i32>} : memref<16384xf32, #tpu.memory_space<vmem>>, vector<16xf32>,
      %while3A_1194 = arith.constant 0 : i32
      scf.yield %while3A_1194 : i32
    }
    %while3A_347 = arith.constant 1 : i32
    %while3A_348 = scf.for %while3A_1179 = %while3A_344 to %while3A_340 step %while3A_347 iter_args(%while3A_1180 = %while3A_346) -> (i32)  : i32 {
      %mul3A_1181 = arith.constant 16 : i32
      %mul3A_1182 = arith.muli %while3A_1179, %mul3A_1181 : i32
      %get3A = arith.index_cast %mul3A_1182 : i32 to index
      %get3A_1183 = tpu.vector_load %arg8[%get3A] {strides = array<i32>} : memref<16384xf32, #tpu.memory_space<vmem>>, vector<16xf32>,
      %mul3A_1184 = arith.constant 16 : i32
      %mul3A_1185 = arith.muli %while3A_1179, %mul3A_1184 : i32
      %get3A_1186 = arith.index_cast %mul3A_1185 : i32 to index
      %get3A_1187 = tpu.vector_load %arg9[%get3A_1186] {strides = array<i32>} : memref<16384xi32, #tpu.memory_space<vmem>>, vector<16xi32>,
      %eq3A_1188 = arith.cmpi eq, %get3A_1187, %broadcast_in_dim3A_336 : vector<16xi32>
      %select_n3A_1189 = arith.select %eq3A_1188, %broadcast_in_dim3A_1, %get3A_1183 : vector<16xi1>, vector<16xf32>
      %mul3A_1190 = arith.constant 16 : i32
      %mul3A_1191 = arith.muli %while3A_1179, %mul3A_1190 : i32
      %swap3A_1192 = arith.index_cast %mul3A_1191 : i32 to index
      %swap3A_1193 = tpu.vector_load %arg8[%swap3A_1192] {strides = array<i32>} : memref<16384xf32, #tpu.memory_space<vmem>>, vector<16xf32>,
      tpu.vector_store %arg8[%swap3A_1192], %select_n3A_1189 {strides = array<i32>} : memref<16384xf32, #tpu.memory_space<vmem>>, vector<16xf32>,
      %while3A_1194 = arith.constant 0 : i32
      scf.yield %while3A_1194 : i32
    }
    %eq3A_349 = arith.constant 2 : i32
    %eq3A_350 = vector.broadcast %eq3A_349 : i32 to vector<16xi32>
    %eq3A_351 = arith.cmpi eq, %iota3A, %eq3A_350 : vector<16xi32>
    %select_n3A_352 = arith.select %eq3A_351, %broadcast_in_dim3A_309, %select_n3A_289 : vector<16xi1>, vector<16xf32>
    %eq3A_353 = arith.constant 2 : i32
    %eq3A_354 = vector.broadcast %eq3A_353 : i32 to vector<16xi32>
    %eq3A_355 = arith.cmpi eq, %iota3A, %eq3A_354 : vector<16xi32>
    %select_n3A_356 = arith.select %eq3A_355, %broadcast_in_dim3A_336, %select_n3A_293 : vector<16xi1>, vector<16xi32>
    %while3A_357 = arith.constant 0 : i32
    %while3A_358 = arith.subi %min3A_160, %while3A_357 : i32
    %while3A_359 = arith.addi %while3A_357, %while3A_358 : i32
    %while3A_360 = arith.constant 1 : i32
    %while3A_361 = arith.divsi %while3A_358, %while3A_360 : i32
    %while3A_362 = arith.muli %while3A_361, %while3A_360 : i32
    %while3A_363 = arith.addi %while3A_357, %while3A_362 : i32
    %while3A_364 = arith.constant 1 : i32
    %while3A_365 = scf.for %while3A_1179 = %while3A_357 to %while3A_363 step %while3A_364 iter_args(%while3A_1180 = %broadcast_in_dim3A_1) -> (vector<16xf32>)  : i32 {
      %mul3A_1181 = arith.constant 16 : i32
      %mul3A_1182 = arith.muli %while3A_1179, %mul3A_1181 : i32
      %get3A = arith.index_cast %mul3A_1182 : i32 to index
      %get3A_1183 = tpu.vector_load %arg8[%get3A] {strides = array<i32>} : memref<16384xf32, #tpu.memory_space<vmem>>, vector<16xf32>,
      %max3A = arith.maximumf %while3A_1180, %get3A_1183 : vector<16xf32>
      scf.yield %max3A : vector<16xf32>
    }
    %while3A_366 = arith.constant 1 : i32
    %while3A_367 = scf.for %while3A_1179 = %while3A_363 to %while3A_359 step %while3A_366 iter_args(%while3A_1180 = %while3A_365) -> (vector<16xf32>)  : i32 {
      %mul3A_1181 = arith.constant 16 : i32
      %mul3A_1182 = arith.muli %while3A_1179, %mul3A_1181 : i32
      %get3A = arith.index_cast %mul3A_1182 : i32 to index
      %get3A_1183 = tpu.vector_load %arg8[%get3A] {strides = array<i32>} : memref<16384xf32, #tpu.memory_space<vmem>>, vector<16xf32>,
      %max3A = arith.maximumf %while3A_1180, %get3A_1183 : vector<16xf32>
      scf.yield %max3A : vector<16xf32>
    }
    %reduce_max3A_368 = arith.constant true
    %reduce_max3A_369 = vector.broadcast %reduce_max3A_368 : i1 to vector<16xi1>
    %reduce_max3A_370 = tpu.scan <max>, %while3A_367 masked %reduce_max3A_369 : vector<16xf32>, vector<16xi1> -> vector<16xf32>
    %reduce_max3A_371 = vector.extract %reduce_max3A_370[15] : f32 from vector<16xf32>
    %broadcast_in_dim3A_372 = vector.broadcast %reduce_max3A_371 : f32 to vector<16xf32>
    %broadcast_in_dim3A_373 = arith.constant 2147483647 : i32
    %broadcast_in_dim3A_374 = vector.broadcast %broadcast_in_dim3A_373 : i32 to vector<16xi32>
    %while3A_375 = arith.constant 0 : i32
    %while3A_376 = arith.subi %min3A_160, %while3A_375 : i32
    %while3A_377 = arith.addi %while3A_375, %while3A_376 : i32
    %while3A_378 = arith.constant 1 : i32
    %while3A_379 = arith.divsi %while3A_376, %while3A_378 : i32
    %while3A_380 = arith.muli %while3A_379, %while3A_378 : i32
    %while3A_381 = arith.addi %while3A_375, %while3A_380 : i32
    %while3A_382 = arith.constant 1 : i32
    %while3A_383 = scf.for %while3A_1179 = %while3A_375 to %while3A_381 step %while3A_382 iter_args(%while3A_1180 = %broadcast_in_dim3A_374) -> (vector<16xi32>)  : i32 {
      %mul3A_1181 = arith.constant 16 : i32
      %mul3A_1182 = arith.muli %while3A_1179, %mul3A_1181 : i32
      %get3A = arith.index_cast %mul3A_1182 : i32 to index
      %get3A_1183 = tpu.vector_load %arg8[%get3A] {strides = array<i32>} : memref<16384xf32, #tpu.memory_space<vmem>>, vector<16xf32>,
      %mul3A_1184 = arith.constant 16 : i32
      %mul3A_1185 = arith.muli %while3A_1179, %mul3A_1184 : i32
      %get3A_1186 = arith.index_cast %mul3A_1185 : i32 to index
      %get3A_1187 = tpu.vector_load %arg9[%get3A_1186] {strides = array<i32>} : memref<16384xi32, #tpu.memory_space<vmem>>, vector<16xi32>,
      %eq3A_1188 = arith.cmpf oeq, %get3A_1183, %broadcast_in_dim3A_372 : vector<16xf32>
      %jit3A_1189 = arith.constant 2147483647 : i32
      %broadcast_in_dim3A_1190 = vector.broadcast %jit3A_1189 : i32 to vector<16xi32>
      %select_n3A_1191 = arith.select %eq3A_1188, %get3A_1187, %broadcast_in_dim3A_1190 : vector<16xi1>, vector<16xi32>
      %min3A_1192 = arith.minsi %while3A_1180, %select_n3A_1191 : vector<16xi32>
      scf.yield %min3A_1192 : vector<16xi32>
    }
    %while3A_384 = arith.constant 1 : i32
    %while3A_385 = scf.for %while3A_1179 = %while3A_381 to %while3A_377 step %while3A_384 iter_args(%while3A_1180 = %while3A_383) -> (vector<16xi32>)  : i32 {
      %mul3A_1181 = arith.constant 16 : i32
      %mul3A_1182 = arith.muli %while3A_1179, %mul3A_1181 : i32
      %get3A = arith.index_cast %mul3A_1182 : i32 to index
      %get3A_1183 = tpu.vector_load %arg8[%get3A] {strides = array<i32>} : memref<16384xf32, #tpu.memory_space<vmem>>, vector<16xf32>,
      %mul3A_1184 = arith.constant 16 : i32
      %mul3A_1185 = arith.muli %while3A_1179, %mul3A_1184 : i32
      %get3A_1186 = arith.index_cast %mul3A_1185 : i32 to index
      %get3A_1187 = tpu.vector_load %arg9[%get3A_1186] {strides = array<i32>} : memref<16384xi32, #tpu.memory_space<vmem>>, vector<16xi32>,
      %eq3A_1188 = arith.cmpf oeq, %get3A_1183, %broadcast_in_dim3A_372 : vector<16xf32>
      %jit3A_1189 = arith.constant 2147483647 : i32
      %broadcast_in_dim3A_1190 = vector.broadcast %jit3A_1189 : i32 to vector<16xi32>
      %select_n3A_1191 = arith.select %eq3A_1188, %get3A_1187, %broadcast_in_dim3A_1190 : vector<16xi1>, vector<16xi32>
      %min3A_1192 = arith.minsi %while3A_1180, %select_n3A_1191 : vector<16xi32>
      scf.yield %min3A_1192 : vector<16xi32>
    }
    %neg3A_386 = arith.constant 0 : i32
    %neg3A_387 = vector.broadcast %neg3A_386 : i32 to vector<16xi32>
    %neg3A_388 = arith.subi %neg3A_387, %while3A_385 : vector<16xi32>
    %reduce_max3A_389 = arith.constant true
    %reduce_max3A_390 = vector.broadcast %reduce_max3A_389 : i1 to vector<16xi1>
    %reduce_max3A_391 = arith.constant -2147483648 : i32
    %reduce_max3A_392 = vector.broadcast %reduce_max3A_391 : i32 to vector<16xi32>
    %reduce_max3A_393 = arith.xori %neg3A_388, %reduce_max3A_392 : vector<16xi32>
    %reduce_max3A_394 = tpu.scan <max>, %reduce_max3A_393 masked %reduce_max3A_390 : vector<16xi32>, vector<16xi1> -> vector<16xi32>
    %reduce_max3A_395 = arith.xori %reduce_max3A_394, %reduce_max3A_392 : vector<16xi32>
    %reduce_max3A_396 = vector.extract %reduce_max3A_395[15] : i32 from vector<16xi32>
    %neg3A_397 = arith.constant 0 : i32
    %neg3A_398 = arith.subi %neg3A_397, %reduce_max3A_396 : i32
    %broadcast_in_dim3A_399 = vector.broadcast %neg3A_398 : i32 to vector<16xi32>
    %while3A_400 = arith.constant 0 : i32
    %while3A_401 = arith.constant 0 : i32
    %while3A_402 = arith.subi %min3A_160, %while3A_400 : i32
    %while3A_403 = arith.addi %while3A_400, %while3A_402 : i32
    %while3A_404 = arith.constant 1 : i32
    %while3A_405 = arith.divsi %while3A_402, %while3A_404 : i32
    %while3A_406 = arith.muli %while3A_405, %while3A_404 : i32
    %while3A_407 = arith.addi %while3A_400, %while3A_406 : i32
    %while3A_408 = arith.constant 1 : i32
    %while3A_409 = scf.for %while3A_1179 = %while3A_400 to %while3A_407 step %while3A_408 iter_args(%while3A_1180 = %while3A_401) -> (i32)  : i32 {
      %mul3A_1181 = arith.constant 16 : i32
      %mul3A_1182 = arith.muli %while3A_1179, %mul3A_1181 : i32
      %get3A = arith.index_cast %mul3A_1182 : i32 to index
      %get3A_1183 = tpu.vector_load %arg8[%get3A] {strides = array<i32>} : memref<16384xf32, #tpu.memory_space<vmem>>, vector<16xf32>,
      %mul3A_1184 = arith.constant 16 : i32
      %mul3A_1185 = arith.muli %while3A_1179, %mul3A_1184 : i32
      %get3A_1186 = arith.index_cast %mul3A_1185 : i32 to index
      %get3A_1187 = tpu.vector_load %arg9[%get3A_1186] {strides = array<i32>} : memref<16384xi32, #tpu.memory_space<vmem>>, vector<16xi32>,
      %eq3A_1188 = arith.cmpi eq, %get3A_1187, %broadcast_in_dim3A_399 : vector<16xi32>
      %select_n3A_1189 = arith.select %eq3A_1188, %broadcast_in_dim3A_1, %get3A_1183 : vector<16xi1>, vector<16xf32>
      %mul3A_1190 = arith.constant 16 : i32
      %mul3A_1191 = arith.muli %while3A_1179, %mul3A_1190 : i32
      %swap3A_1192 = arith.index_cast %mul3A_1191 : i32 to index
      %swap3A_1193 = tpu.vector_load %arg8[%swap3A_1192] {strides = array<i32>} : memref<16384xf32, #tpu.memory_space<vmem>>, vector<16xf32>,
      tpu.vector_store %arg8[%swap3A_1192], %select_n3A_1189 {strides = array<i32>} : memref<16384xf32, #tpu.memory_space<vmem>>, vector<16xf32>,
      %while3A_1194 = arith.constant 0 : i32
      scf.yield %while3A_1194 : i32
    }
    %while3A_410 = arith.constant 1 : i32
    %while3A_411 = scf.for %while3A_1179 = %while3A_407 to %while3A_403 step %while3A_410 iter_args(%while3A_1180 = %while3A_409) -> (i32)  : i32 {
      %mul3A_1181 = arith.constant 16 : i32
      %mul3A_1182 = arith.muli %while3A_1179, %mul3A_1181 : i32
      %get3A = arith.index_cast %mul3A_1182 : i32 to index
      %get3A_1183 = tpu.vector_load %arg8[%get3A] {strides = array<i32>} : memref<16384xf32, #tpu.memory_space<vmem>>, vector<16xf32>,
      %mul3A_1184 = arith.constant 16 : i32
      %mul3A_1185 = arith.muli %while3A_1179, %mul3A_1184 : i32
      %get3A_1186 = arith.index_cast %mul3A_1185 : i32 to index
      %get3A_1187 = tpu.vector_load %arg9[%get3A_1186] {strides = array<i32>} : memref<16384xi32, #tpu.memory_space<vmem>>, vector<16xi32>,
      %eq3A_1188 = arith.cmpi eq, %get3A_1187, %broadcast_in_dim3A_399 : vector<16xi32>
      %select_n3A_1189 = arith.select %eq3A_1188, %broadcast_in_dim3A_1, %get3A_1183 : vector<16xi1>, vector<16xf32>
      %mul3A_1190 = arith.constant 16 : i32
      %mul3A_1191 = arith.muli %while3A_1179, %mul3A_1190 : i32
      %swap3A_1192 = arith.index_cast %mul3A_1191 : i32 to index
      %swap3A_1193 = tpu.vector_load %arg8[%swap3A_1192] {strides = array<i32>} : memref<16384xf32, #tpu.memory_space<vmem>>, vector<16xf32>,
      tpu.vector_store %arg8[%swap3A_1192], %select_n3A_1189 {strides = array<i32>} : memref<16384xf32, #tpu.memory_space<vmem>>, vector<16xf32>,
      %while3A_1194 = arith.constant 0 : i32
      scf.yield %while3A_1194 : i32
    }
    %eq3A_412 = arith.constant 3 : i32
    %eq3A_413 = vector.broadcast %eq3A_412 : i32 to vector<16xi32>
    %eq3A_414 = arith.cmpi eq, %iota3A, %eq3A_413 : vector<16xi32>
    %select_n3A_415 = arith.select %eq3A_414, %broadcast_in_dim3A_372, %select_n3A_352 : vector<16xi1>, vector<16xf32>
    %eq3A_416 = arith.constant 3 : i32
    %eq3A_417 = vector.broadcast %eq3A_416 : i32 to vector<16xi32>
    %eq3A_418 = arith.cmpi eq, %iota3A, %eq3A_417 : vector<16xi32>
    %select_n3A_419 = arith.select %eq3A_418, %broadcast_in_dim3A_399, %select_n3A_356 : vector<16xi1>, vector<16xi32>
    %while3A_420 = arith.constant 0 : i32
    %while3A_421 = arith.subi %min3A_160, %while3A_420 : i32
    %while3A_422 = arith.addi %while3A_420, %while3A_421 : i32
    %while3A_423 = arith.constant 1 : i32
    %while3A_424 = arith.divsi %while3A_421, %while3A_423 : i32
    %while3A_425 = arith.muli %while3A_424, %while3A_423 : i32
    %while3A_426 = arith.addi %while3A_420, %while3A_425 : i32
    %while3A_427 = arith.constant 1 : i32
    %while3A_428 = scf.for %while3A_1179 = %while3A_420 to %while3A_426 step %while3A_427 iter_args(%while3A_1180 = %broadcast_in_dim3A_1) -> (vector<16xf32>)  : i32 {
      %mul3A_1181 = arith.constant 16 : i32
      %mul3A_1182 = arith.muli %while3A_1179, %mul3A_1181 : i32
      %get3A = arith.index_cast %mul3A_1182 : i32 to index
      %get3A_1183 = tpu.vector_load %arg8[%get3A] {strides = array<i32>} : memref<16384xf32, #tpu.memory_space<vmem>>, vector<16xf32>,
      %max3A = arith.maximumf %while3A_1180, %get3A_1183 : vector<16xf32>
      scf.yield %max3A : vector<16xf32>
    }
    %while3A_429 = arith.constant 1 : i32
    %while3A_430 = scf.for %while3A_1179 = %while3A_426 to %while3A_422 step %while3A_429 iter_args(%while3A_1180 = %while3A_428) -> (vector<16xf32>)  : i32 {
      %mul3A_1181 = arith.constant 16 : i32
      %mul3A_1182 = arith.muli %while3A_1179, %mul3A_1181 : i32
      %get3A = arith.index_cast %mul3A_1182 : i32 to index
      %get3A_1183 = tpu.vector_load %arg8[%get3A] {strides = array<i32>} : memref<16384xf32, #tpu.memory_space<vmem>>, vector<16xf32>,
      %max3A = arith.maximumf %while3A_1180, %get3A_1183 : vector<16xf32>
      scf.yield %max3A : vector<16xf32>
    }
    %reduce_max3A_431 = arith.constant true
    %reduce_max3A_432 = vector.broadcast %reduce_max3A_431 : i1 to vector<16xi1>
    %reduce_max3A_433 = tpu.scan <max>, %while3A_430 masked %reduce_max3A_432 : vector<16xf32>, vector<16xi1> -> vector<16xf32>
    %reduce_max3A_434 = vector.extract %reduce_max3A_433[15] : f32 from vector<16xf32>
    %broadcast_in_dim3A_435 = vector.broadcast %reduce_max3A_434 : f32 to vector<16xf32>
    %broadcast_in_dim3A_436 = arith.constant 2147483647 : i32
    %broadcast_in_dim3A_437 = vector.broadcast %broadcast_in_dim3A_436 : i32 to vector<16xi32>
    %while3A_438 = arith.constant 0 : i32
    %while3A_439 = arith.subi %min3A_160, %while3A_438 : i32
    %while3A_440 = arith.addi %while3A_438, %while3A_439 : i32
    %while3A_441 = arith.constant 1 : i32
    %while3A_442 = arith.divsi %while3A_439, %while3A_441 : i32
    %while3A_443 = arith.muli %while3A_442, %while3A_441 : i32
    %while3A_444 = arith.addi %while3A_438, %while3A_443 : i32
    %while3A_445 = arith.constant 1 : i32
    %while3A_446 = scf.for %while3A_1179 = %while3A_438 to %while3A_444 step %while3A_445 iter_args(%while3A_1180 = %broadcast_in_dim3A_437) -> (vector<16xi32>)  : i32 {
      %mul3A_1181 = arith.constant 16 : i32
      %mul3A_1182 = arith.muli %while3A_1179, %mul3A_1181 : i32
      %get3A = arith.index_cast %mul3A_1182 : i32 to index
      %get3A_1183 = tpu.vector_load %arg8[%get3A] {strides = array<i32>} : memref<16384xf32, #tpu.memory_space<vmem>>, vector<16xf32>,
      %mul3A_1184 = arith.constant 16 : i32
      %mul3A_1185 = arith.muli %while3A_1179, %mul3A_1184 : i32
      %get3A_1186 = arith.index_cast %mul3A_1185 : i32 to index
      %get3A_1187 = tpu.vector_load %arg9[%get3A_1186] {strides = array<i32>} : memref<16384xi32, #tpu.memory_space<vmem>>, vector<16xi32>,
      %eq3A_1188 = arith.cmpf oeq, %get3A_1183, %broadcast_in_dim3A_435 : vector<16xf32>
      %jit3A_1189 = arith.constant 2147483647 : i32
      %broadcast_in_dim3A_1190 = vector.broadcast %jit3A_1189 : i32 to vector<16xi32>
      %select_n3A_1191 = arith.select %eq3A_1188, %get3A_1187, %broadcast_in_dim3A_1190 : vector<16xi1>, vector<16xi32>
      %min3A_1192 = arith.minsi %while3A_1180, %select_n3A_1191 : vector<16xi32>
      scf.yield %min3A_1192 : vector<16xi32>
    }
    %while3A_447 = arith.constant 1 : i32
    %while3A_448 = scf.for %while3A_1179 = %while3A_444 to %while3A_440 step %while3A_447 iter_args(%while3A_1180 = %while3A_446) -> (vector<16xi32>)  : i32 {
      %mul3A_1181 = arith.constant 16 : i32
      %mul3A_1182 = arith.muli %while3A_1179, %mul3A_1181 : i32
      %get3A = arith.index_cast %mul3A_1182 : i32 to index
      %get3A_1183 = tpu.vector_load %arg8[%get3A] {strides = array<i32>} : memref<16384xf32, #tpu.memory_space<vmem>>, vector<16xf32>,
      %mul3A_1184 = arith.constant 16 : i32
      %mul3A_1185 = arith.muli %while3A_1179, %mul3A_1184 : i32
      %get3A_1186 = arith.index_cast %mul3A_1185 : i32 to index
      %get3A_1187 = tpu.vector_load %arg9[%get3A_1186] {strides = array<i32>} : memref<16384xi32, #tpu.memory_space<vmem>>, vector<16xi32>,
      %eq3A_1188 = arith.cmpf oeq, %get3A_1183, %broadcast_in_dim3A_435 : vector<16xf32>
      %jit3A_1189 = arith.constant 2147483647 : i32
      %broadcast_in_dim3A_1190 = vector.broadcast %jit3A_1189 : i32 to vector<16xi32>
      %select_n3A_1191 = arith.select %eq3A_1188, %get3A_1187, %broadcast_in_dim3A_1190 : vector<16xi1>, vector<16xi32>
      %min3A_1192 = arith.minsi %while3A_1180, %select_n3A_1191 : vector<16xi32>
      scf.yield %min3A_1192 : vector<16xi32>
    }
    %neg3A_449 = arith.constant 0 : i32
    %neg3A_450 = vector.broadcast %neg3A_449 : i32 to vector<16xi32>
    %neg3A_451 = arith.subi %neg3A_450, %while3A_448 : vector<16xi32>
    %reduce_max3A_452 = arith.constant true
    %reduce_max3A_453 = vector.broadcast %reduce_max3A_452 : i1 to vector<16xi1>
    %reduce_max3A_454 = arith.constant -2147483648 : i32
    %reduce_max3A_455 = vector.broadcast %reduce_max3A_454 : i32 to vector<16xi32>
    %reduce_max3A_456 = arith.xori %neg3A_451, %reduce_max3A_455 : vector<16xi32>
    %reduce_max3A_457 = tpu.scan <max>, %reduce_max3A_456 masked %reduce_max3A_453 : vector<16xi32>, vector<16xi1> -> vector<16xi32>
    %reduce_max3A_458 = arith.xori %reduce_max3A_457, %reduce_max3A_455 : vector<16xi32>
    %reduce_max3A_459 = vector.extract %reduce_max3A_458[15] : i32 from vector<16xi32>
    %neg3A_460 = arith.constant 0 : i32
    %neg3A_461 = arith.subi %neg3A_460, %reduce_max3A_459 : i32
    %broadcast_in_dim3A_462 = vector.broadcast %neg3A_461 : i32 to vector<16xi32>
    %while3A_463 = arith.constant 0 : i32
    %while3A_464 = arith.constant 0 : i32
    %while3A_465 = arith.subi %min3A_160, %while3A_463 : i32
    %while3A_466 = arith.addi %while3A_463, %while3A_465 : i32
    %while3A_467 = arith.constant 1 : i32
    %while3A_468 = arith.divsi %while3A_465, %while3A_467 : i32
    %while3A_469 = arith.muli %while3A_468, %while3A_467 : i32
    %while3A_470 = arith.addi %while3A_463, %while3A_469 : i32
    %while3A_471 = arith.constant 1 : i32
    %while3A_472 = scf.for %while3A_1179 = %while3A_463 to %while3A_470 step %while3A_471 iter_args(%while3A_1180 = %while3A_464) -> (i32)  : i32 {
      %mul3A_1181 = arith.constant 16 : i32
      %mul3A_1182 = arith.muli %while3A_1179, %mul3A_1181 : i32
      %get3A = arith.index_cast %mul3A_1182 : i32 to index
      %get3A_1183 = tpu.vector_load %arg8[%get3A] {strides = array<i32>} : memref<16384xf32, #tpu.memory_space<vmem>>, vector<16xf32>,
      %mul3A_1184 = arith.constant 16 : i32
      %mul3A_1185 = arith.muli %while3A_1179, %mul3A_1184 : i32
      %get3A_1186 = arith.index_cast %mul3A_1185 : i32 to index
      %get3A_1187 = tpu.vector_load %arg9[%get3A_1186] {strides = array<i32>} : memref<16384xi32, #tpu.memory_space<vmem>>, vector<16xi32>,
      %eq3A_1188 = arith.cmpi eq, %get3A_1187, %broadcast_in_dim3A_462 : vector<16xi32>
      %select_n3A_1189 = arith.select %eq3A_1188, %broadcast_in_dim3A_1, %get3A_1183 : vector<16xi1>, vector<16xf32>
      %mul3A_1190 = arith.constant 16 : i32
      %mul3A_1191 = arith.muli %while3A_1179, %mul3A_1190 : i32
      %swap3A_1192 = arith.index_cast %mul3A_1191 : i32 to index
      %swap3A_1193 = tpu.vector_load %arg8[%swap3A_1192] {strides = array<i32>} : memref<16384xf32, #tpu.memory_space<vmem>>, vector<16xf32>,
      tpu.vector_store %arg8[%swap3A_1192], %select_n3A_1189 {strides = array<i32>} : memref<16384xf32, #tpu.memory_space<vmem>>, vector<16xf32>,
      %while3A_1194 = arith.constant 0 : i32
      scf.yield %while3A_1194 : i32
    }
    %while3A_473 = arith.constant 1 : i32
    %while3A_474 = scf.for %while3A_1179 = %while3A_470 to %while3A_466 step %while3A_473 iter_args(%while3A_1180 = %while3A_472) -> (i32)  : i32 {
      %mul3A_1181 = arith.constant 16 : i32
      %mul3A_1182 = arith.muli %while3A_1179, %mul3A_1181 : i32
      %get3A = arith.index_cast %mul3A_1182 : i32 to index
      %get3A_1183 = tpu.vector_load %arg8[%get3A] {strides = array<i32>} : memref<16384xf32, #tpu.memory_space<vmem>>, vector<16xf32>,
      %mul3A_1184 = arith.constant 16 : i32
      %mul3A_1185 = arith.muli %while3A_1179, %mul3A_1184 : i32
      %get3A_1186 = arith.index_cast %mul3A_1185 : i32 to index
      %get3A_1187 = tpu.vector_load %arg9[%get3A_1186] {strides = array<i32>} : memref<16384xi32, #tpu.memory_space<vmem>>, vector<16xi32>,
      %eq3A_1188 = arith.cmpi eq, %get3A_1187, %broadcast_in_dim3A_462 : vector<16xi32>
      %select_n3A_1189 = arith.select %eq3A_1188, %broadcast_in_dim3A_1, %get3A_1183 : vector<16xi1>, vector<16xf32>
      %mul3A_1190 = arith.constant 16 : i32
      %mul3A_1191 = arith.muli %while3A_1179, %mul3A_1190 : i32
      %swap3A_1192 = arith.index_cast %mul3A_1191 : i32 to index
      %swap3A_1193 = tpu.vector_load %arg8[%swap3A_1192] {strides = array<i32>} : memref<16384xf32, #tpu.memory_space<vmem>>, vector<16xf32>,
      tpu.vector_store %arg8[%swap3A_1192], %select_n3A_1189 {strides = array<i32>} : memref<16384xf32, #tpu.memory_space<vmem>>, vector<16xf32>,
      %while3A_1194 = arith.constant 0 : i32
      scf.yield %while3A_1194 : i32
    }
    %eq3A_475 = arith.constant 4 : i32
    %eq3A_476 = vector.broadcast %eq3A_475 : i32 to vector<16xi32>
    %eq3A_477 = arith.cmpi eq, %iota3A, %eq3A_476 : vector<16xi32>
    %select_n3A_478 = arith.select %eq3A_477, %broadcast_in_dim3A_435, %select_n3A_415 : vector<16xi1>, vector<16xf32>
    %eq3A_479 = arith.constant 4 : i32
    %eq3A_480 = vector.broadcast %eq3A_479 : i32 to vector<16xi32>
    %eq3A_481 = arith.cmpi eq, %iota3A, %eq3A_480 : vector<16xi32>
    %select_n3A_482 = arith.select %eq3A_481, %broadcast_in_dim3A_462, %select_n3A_419 : vector<16xi1>, vector<16xi32>
    %while3A_483 = arith.constant 0 : i32
    %while3A_484 = arith.subi %min3A_160, %while3A_483 : i32
    %while3A_485 = arith.addi %while3A_483, %while3A_484 : i32
    %while3A_486 = arith.constant 1 : i32
    %while3A_487 = arith.divsi %while3A_484, %while3A_486 : i32
    %while3A_488 = arith.muli %while3A_487, %while3A_486 : i32
    %while3A_489 = arith.addi %while3A_483, %while3A_488 : i32
    %while3A_490 = arith.constant 1 : i32
    %while3A_491 = scf.for %while3A_1179 = %while3A_483 to %while3A_489 step %while3A_490 iter_args(%while3A_1180 = %broadcast_in_dim3A_1) -> (vector<16xf32>)  : i32 {
      %mul3A_1181 = arith.constant 16 : i32
      %mul3A_1182 = arith.muli %while3A_1179, %mul3A_1181 : i32
      %get3A = arith.index_cast %mul3A_1182 : i32 to index
      %get3A_1183 = tpu.vector_load %arg8[%get3A] {strides = array<i32>} : memref<16384xf32, #tpu.memory_space<vmem>>, vector<16xf32>,
      %max3A = arith.maximumf %while3A_1180, %get3A_1183 : vector<16xf32>
      scf.yield %max3A : vector<16xf32>
    }
    %while3A_492 = arith.constant 1 : i32
    %while3A_493 = scf.for %while3A_1179 = %while3A_489 to %while3A_485 step %while3A_492 iter_args(%while3A_1180 = %while3A_491) -> (vector<16xf32>)  : i32 {
      %mul3A_1181 = arith.constant 16 : i32
      %mul3A_1182 = arith.muli %while3A_1179, %mul3A_1181 : i32
      %get3A = arith.index_cast %mul3A_1182 : i32 to index
      %get3A_1183 = tpu.vector_load %arg8[%get3A] {strides = array<i32>} : memref<16384xf32, #tpu.memory_space<vmem>>, vector<16xf32>,
      %max3A = arith.maximumf %while3A_1180, %get3A_1183 : vector<16xf32>
      scf.yield %max3A : vector<16xf32>
    }
    %reduce_max3A_494 = arith.constant true
    %reduce_max3A_495 = vector.broadcast %reduce_max3A_494 : i1 to vector<16xi1>
    %reduce_max3A_496 = tpu.scan <max>, %while3A_493 masked %reduce_max3A_495 : vector<16xf32>, vector<16xi1> -> vector<16xf32>
    %reduce_max3A_497 = vector.extract %reduce_max3A_496[15] : f32 from vector<16xf32>
    %broadcast_in_dim3A_498 = vector.broadcast %reduce_max3A_497 : f32 to vector<16xf32>
    %broadcast_in_dim3A_499 = arith.constant 2147483647 : i32
    %broadcast_in_dim3A_500 = vector.broadcast %broadcast_in_dim3A_499 : i32 to vector<16xi32>
    %while3A_501 = arith.constant 0 : i32
    %while3A_502 = arith.subi %min3A_160, %while3A_501 : i32
    %while3A_503 = arith.addi %while3A_501, %while3A_502 : i32
    %while3A_504 = arith.constant 1 : i32
    %while3A_505 = arith.divsi %while3A_502, %while3A_504 : i32
    %while3A_506 = arith.muli %while3A_505, %while3A_504 : i32
    %while3A_507 = arith.addi %while3A_501, %while3A_506 : i32
    %while3A_508 = arith.constant 1 : i32
    %while3A_509 = scf.for %while3A_1179 = %while3A_501 to %while3A_507 step %while3A_508 iter_args(%while3A_1180 = %broadcast_in_dim3A_500) -> (vector<16xi32>)  : i32 {
      %mul3A_1181 = arith.constant 16 : i32
      %mul3A_1182 = arith.muli %while3A_1179, %mul3A_1181 : i32
      %get3A = arith.index_cast %mul3A_1182 : i32 to index
      %get3A_1183 = tpu.vector_load %arg8[%get3A] {strides = array<i32>} : memref<16384xf32, #tpu.memory_space<vmem>>, vector<16xf32>,
      %mul3A_1184 = arith.constant 16 : i32
      %mul3A_1185 = arith.muli %while3A_1179, %mul3A_1184 : i32
      %get3A_1186 = arith.index_cast %mul3A_1185 : i32 to index
      %get3A_1187 = tpu.vector_load %arg9[%get3A_1186] {strides = array<i32>} : memref<16384xi32, #tpu.memory_space<vmem>>, vector<16xi32>,
      %eq3A_1188 = arith.cmpf oeq, %get3A_1183, %broadcast_in_dim3A_498 : vector<16xf32>
      %jit3A_1189 = arith.constant 2147483647 : i32
      %broadcast_in_dim3A_1190 = vector.broadcast %jit3A_1189 : i32 to vector<16xi32>
      %select_n3A_1191 = arith.select %eq3A_1188, %get3A_1187, %broadcast_in_dim3A_1190 : vector<16xi1>, vector<16xi32>
      %min3A_1192 = arith.minsi %while3A_1180, %select_n3A_1191 : vector<16xi32>
      scf.yield %min3A_1192 : vector<16xi32>
    }
    %while3A_510 = arith.constant 1 : i32
    %while3A_511 = scf.for %while3A_1179 = %while3A_507 to %while3A_503 step %while3A_510 iter_args(%while3A_1180 = %while3A_509) -> (vector<16xi32>)  : i32 {
      %mul3A_1181 = arith.constant 16 : i32
      %mul3A_1182 = arith.muli %while3A_1179, %mul3A_1181 : i32
      %get3A = arith.index_cast %mul3A_1182 : i32 to index
      %get3A_1183 = tpu.vector_load %arg8[%get3A] {strides = array<i32>} : memref<16384xf32, #tpu.memory_space<vmem>>, vector<16xf32>,
      %mul3A_1184 = arith.constant 16 : i32
      %mul3A_1185 = arith.muli %while3A_1179, %mul3A_1184 : i32
      %get3A_1186 = arith.index_cast %mul3A_1185 : i32 to index
      %get3A_1187 = tpu.vector_load %arg9[%get3A_1186] {strides = array<i32>} : memref<16384xi32, #tpu.memory_space<vmem>>, vector<16xi32>,
      %eq3A_1188 = arith.cmpf oeq, %get3A_1183, %broadcast_in_dim3A_498 : vector<16xf32>
      %jit3A_1189 = arith.constant 2147483647 : i32
      %broadcast_in_dim3A_1190 = vector.broadcast %jit3A_1189 : i32 to vector<16xi32>
      %select_n3A_1191 = arith.select %eq3A_1188, %get3A_1187, %broadcast_in_dim3A_1190 : vector<16xi1>, vector<16xi32>
      %min3A_1192 = arith.minsi %while3A_1180, %select_n3A_1191 : vector<16xi32>
      scf.yield %min3A_1192 : vector<16xi32>
    }
    %neg3A_512 = arith.constant 0 : i32
    %neg3A_513 = vector.broadcast %neg3A_512 : i32 to vector<16xi32>
    %neg3A_514 = arith.subi %neg3A_513, %while3A_511 : vector<16xi32>
    %reduce_max3A_515 = arith.constant true
    %reduce_max3A_516 = vector.broadcast %reduce_max3A_515 : i1 to vector<16xi1>
    %reduce_max3A_517 = arith.constant -2147483648 : i32
    %reduce_max3A_518 = vector.broadcast %reduce_max3A_517 : i32 to vector<16xi32>
    %reduce_max3A_519 = arith.xori %neg3A_514, %reduce_max3A_518 : vector<16xi32>
    %reduce_max3A_520 = tpu.scan <max>, %reduce_max3A_519 masked %reduce_max3A_516 : vector<16xi32>, vector<16xi1> -> vector<16xi32>
    %reduce_max3A_521 = arith.xori %reduce_max3A_520, %reduce_max3A_518 : vector<16xi32>
    %reduce_max3A_522 = vector.extract %reduce_max3A_521[15] : i32 from vector<16xi32>
    %neg3A_523 = arith.constant 0 : i32
    %neg3A_524 = arith.subi %neg3A_523, %reduce_max3A_522 : i32
    %broadcast_in_dim3A_525 = vector.broadcast %neg3A_524 : i32 to vector<16xi32>
    %while3A_526 = arith.constant 0 : i32
    %while3A_527 = arith.constant 0 : i32
    %while3A_528 = arith.subi %min3A_160, %while3A_526 : i32
    %while3A_529 = arith.addi %while3A_526, %while3A_528 : i32
    %while3A_530 = arith.constant 1 : i32
    %while3A_531 = arith.divsi %while3A_528, %while3A_530 : i32
    %while3A_532 = arith.muli %while3A_531, %while3A_530 : i32
    %while3A_533 = arith.addi %while3A_526, %while3A_532 : i32
    %while3A_534 = arith.constant 1 : i32
    %while3A_535 = scf.for %while3A_1179 = %while3A_526 to %while3A_533 step %while3A_534 iter_args(%while3A_1180 = %while3A_527) -> (i32)  : i32 {
      %mul3A_1181 = arith.constant 16 : i32
      %mul3A_1182 = arith.muli %while3A_1179, %mul3A_1181 : i32
      %get3A = arith.index_cast %mul3A_1182 : i32 to index
      %get3A_1183 = tpu.vector_load %arg8[%get3A] {strides = array<i32>} : memref<16384xf32, #tpu.memory_space<vmem>>, vector<16xf32>,
      %mul3A_1184 = arith.constant 16 : i32
      %mul3A_1185 = arith.muli %while3A_1179, %mul3A_1184 : i32
      %get3A_1186 = arith.index_cast %mul3A_1185 : i32 to index
      %get3A_1187 = tpu.vector_load %arg9[%get3A_1186] {strides = array<i32>} : memref<16384xi32, #tpu.memory_space<vmem>>, vector<16xi32>,
      %eq3A_1188 = arith.cmpi eq, %get3A_1187, %broadcast_in_dim3A_525 : vector<16xi32>
      %select_n3A_1189 = arith.select %eq3A_1188, %broadcast_in_dim3A_1, %get3A_1183 : vector<16xi1>, vector<16xf32>
      %mul3A_1190 = arith.constant 16 : i32
      %mul3A_1191 = arith.muli %while3A_1179, %mul3A_1190 : i32
      %swap3A_1192 = arith.index_cast %mul3A_1191 : i32 to index
      %swap3A_1193 = tpu.vector_load %arg8[%swap3A_1192] {strides = array<i32>} : memref<16384xf32, #tpu.memory_space<vmem>>, vector<16xf32>,
      tpu.vector_store %arg8[%swap3A_1192], %select_n3A_1189 {strides = array<i32>} : memref<16384xf32, #tpu.memory_space<vmem>>, vector<16xf32>,
      %while3A_1194 = arith.constant 0 : i32
      scf.yield %while3A_1194 : i32
    }
    %while3A_536 = arith.constant 1 : i32
    %while3A_537 = scf.for %while3A_1179 = %while3A_533 to %while3A_529 step %while3A_536 iter_args(%while3A_1180 = %while3A_535) -> (i32)  : i32 {
      %mul3A_1181 = arith.constant 16 : i32
      %mul3A_1182 = arith.muli %while3A_1179, %mul3A_1181 : i32
      %get3A = arith.index_cast %mul3A_1182 : i32 to index
      %get3A_1183 = tpu.vector_load %arg8[%get3A] {strides = array<i32>} : memref<16384xf32, #tpu.memory_space<vmem>>, vector<16xf32>,
      %mul3A_1184 = arith.constant 16 : i32
      %mul3A_1185 = arith.muli %while3A_1179, %mul3A_1184 : i32
      %get3A_1186 = arith.index_cast %mul3A_1185 : i32 to index
      %get3A_1187 = tpu.vector_load %arg9[%get3A_1186] {strides = array<i32>} : memref<16384xi32, #tpu.memory_space<vmem>>, vector<16xi32>,
      %eq3A_1188 = arith.cmpi eq, %get3A_1187, %broadcast_in_dim3A_525 : vector<16xi32>
      %select_n3A_1189 = arith.select %eq3A_1188, %broadcast_in_dim3A_1, %get3A_1183 : vector<16xi1>, vector<16xf32>
      %mul3A_1190 = arith.constant 16 : i32
      %mul3A_1191 = arith.muli %while3A_1179, %mul3A_1190 : i32
      %swap3A_1192 = arith.index_cast %mul3A_1191 : i32 to index
      %swap3A_1193 = tpu.vector_load %arg8[%swap3A_1192] {strides = array<i32>} : memref<16384xf32, #tpu.memory_space<vmem>>, vector<16xf32>,
      tpu.vector_store %arg8[%swap3A_1192], %select_n3A_1189 {strides = array<i32>} : memref<16384xf32, #tpu.memory_space<vmem>>, vector<16xf32>,
      %while3A_1194 = arith.constant 0 : i32
      scf.yield %while3A_1194 : i32
    }
    %eq3A_538 = arith.constant 5 : i32
    %eq3A_539 = vector.broadcast %eq3A_538 : i32 to vector<16xi32>
    %eq3A_540 = arith.cmpi eq, %iota3A, %eq3A_539 : vector<16xi32>
    %select_n3A_541 = arith.select %eq3A_540, %broadcast_in_dim3A_498, %select_n3A_478 : vector<16xi1>, vector<16xf32>
    %eq3A_542 = arith.constant 5 : i32
    %eq3A_543 = vector.broadcast %eq3A_542 : i32 to vector<16xi32>
    %eq3A_544 = arith.cmpi eq, %iota3A, %eq3A_543 : vector<16xi32>
    %select_n3A_545 = arith.select %eq3A_544, %broadcast_in_dim3A_525, %select_n3A_482 : vector<16xi1>, vector<16xi32>
    %while3A_546 = arith.constant 0 : i32
    %while3A_547 = arith.subi %min3A_160, %while3A_546 : i32
    %while3A_548 = arith.addi %while3A_546, %while3A_547 : i32
    %while3A_549 = arith.constant 1 : i32
    %while3A_550 = arith.divsi %while3A_547, %while3A_549 : i32
    %while3A_551 = arith.muli %while3A_550, %while3A_549 : i32
    %while3A_552 = arith.addi %while3A_546, %while3A_551 : i32
    %while3A_553 = arith.constant 1 : i32
    %while3A_554 = scf.for %while3A_1179 = %while3A_546 to %while3A_552 step %while3A_553 iter_args(%while3A_1180 = %broadcast_in_dim3A_1) -> (vector<16xf32>)  : i32 {
      %mul3A_1181 = arith.constant 16 : i32
      %mul3A_1182 = arith.muli %while3A_1179, %mul3A_1181 : i32
      %get3A = arith.index_cast %mul3A_1182 : i32 to index
      %get3A_1183 = tpu.vector_load %arg8[%get3A] {strides = array<i32>} : memref<16384xf32, #tpu.memory_space<vmem>>, vector<16xf32>,
      %max3A = arith.maximumf %while3A_1180, %get3A_1183 : vector<16xf32>
      scf.yield %max3A : vector<16xf32>
    }
    %while3A_555 = arith.constant 1 : i32
    %while3A_556 = scf.for %while3A_1179 = %while3A_552 to %while3A_548 step %while3A_555 iter_args(%while3A_1180 = %while3A_554) -> (vector<16xf32>)  : i32 {
      %mul3A_1181 = arith.constant 16 : i32
      %mul3A_1182 = arith.muli %while3A_1179, %mul3A_1181 : i32
      %get3A = arith.index_cast %mul3A_1182 : i32 to index
      %get3A_1183 = tpu.vector_load %arg8[%get3A] {strides = array<i32>} : memref<16384xf32, #tpu.memory_space<vmem>>, vector<16xf32>,
      %max3A = arith.maximumf %while3A_1180, %get3A_1183 : vector<16xf32>
      scf.yield %max3A : vector<16xf32>
    }
    %reduce_max3A_557 = arith.constant true
    %reduce_max3A_558 = vector.broadcast %reduce_max3A_557 : i1 to vector<16xi1>
    %reduce_max3A_559 = tpu.scan <max>, %while3A_556 masked %reduce_max3A_558 : vector<16xf32>, vector<16xi1> -> vector<16xf32>
    %reduce_max3A_560 = vector.extract %reduce_max3A_559[15] : f32 from vector<16xf32>
    %broadcast_in_dim3A_561 = vector.broadcast %reduce_max3A_560 : f32 to vector<16xf32>
    %broadcast_in_dim3A_562 = arith.constant 2147483647 : i32
    %broadcast_in_dim3A_563 = vector.broadcast %broadcast_in_dim3A_562 : i32 to vector<16xi32>
    %while3A_564 = arith.constant 0 : i32
    %while3A_565 = arith.subi %min3A_160, %while3A_564 : i32
    %while3A_566 = arith.addi %while3A_564, %while3A_565 : i32
    %while3A_567 = arith.constant 1 : i32
    %while3A_568 = arith.divsi %while3A_565, %while3A_567 : i32
    %while3A_569 = arith.muli %while3A_568, %while3A_567 : i32
    %while3A_570 = arith.addi %while3A_564, %while3A_569 : i32
    %while3A_571 = arith.constant 1 : i32
    %while3A_572 = scf.for %while3A_1179 = %while3A_564 to %while3A_570 step %while3A_571 iter_args(%while3A_1180 = %broadcast_in_dim3A_563) -> (vector<16xi32>)  : i32 {
      %mul3A_1181 = arith.constant 16 : i32
      %mul3A_1182 = arith.muli %while3A_1179, %mul3A_1181 : i32
      %get3A = arith.index_cast %mul3A_1182 : i32 to index
      %get3A_1183 = tpu.vector_load %arg8[%get3A] {strides = array<i32>} : memref<16384xf32, #tpu.memory_space<vmem>>, vector<16xf32>,
      %mul3A_1184 = arith.constant 16 : i32
      %mul3A_1185 = arith.muli %while3A_1179, %mul3A_1184 : i32
      %get3A_1186 = arith.index_cast %mul3A_1185 : i32 to index
      %get3A_1187 = tpu.vector_load %arg9[%get3A_1186] {strides = array<i32>} : memref<16384xi32, #tpu.memory_space<vmem>>, vector<16xi32>,
      %eq3A_1188 = arith.cmpf oeq, %get3A_1183, %broadcast_in_dim3A_561 : vector<16xf32>
      %jit3A_1189 = arith.constant 2147483647 : i32
      %broadcast_in_dim3A_1190 = vector.broadcast %jit3A_1189 : i32 to vector<16xi32>
      %select_n3A_1191 = arith.select %eq3A_1188, %get3A_1187, %broadcast_in_dim3A_1190 : vector<16xi1>, vector<16xi32>
      %min3A_1192 = arith.minsi %while3A_1180, %select_n3A_1191 : vector<16xi32>
      scf.yield %min3A_1192 : vector<16xi32>
    }
    %while3A_573 = arith.constant 1 : i32
    %while3A_574 = scf.for %while3A_1179 = %while3A_570 to %while3A_566 step %while3A_573 iter_args(%while3A_1180 = %while3A_572) -> (vector<16xi32>)  : i32 {
      %mul3A_1181 = arith.constant 16 : i32
      %mul3A_1182 = arith.muli %while3A_1179, %mul3A_1181 : i32
      %get3A = arith.index_cast %mul3A_1182 : i32 to index
      %get3A_1183 = tpu.vector_load %arg8[%get3A] {strides = array<i32>} : memref<16384xf32, #tpu.memory_space<vmem>>, vector<16xf32>,
      %mul3A_1184 = arith.constant 16 : i32
      %mul3A_1185 = arith.muli %while3A_1179, %mul3A_1184 : i32
      %get3A_1186 = arith.index_cast %mul3A_1185 : i32 to index
      %get3A_1187 = tpu.vector_load %arg9[%get3A_1186] {strides = array<i32>} : memref<16384xi32, #tpu.memory_space<vmem>>, vector<16xi32>,
      %eq3A_1188 = arith.cmpf oeq, %get3A_1183, %broadcast_in_dim3A_561 : vector<16xf32>
      %jit3A_1189 = arith.constant 2147483647 : i32
      %broadcast_in_dim3A_1190 = vector.broadcast %jit3A_1189 : i32 to vector<16xi32>
      %select_n3A_1191 = arith.select %eq3A_1188, %get3A_1187, %broadcast_in_dim3A_1190 : vector<16xi1>, vector<16xi32>
      %min3A_1192 = arith.minsi %while3A_1180, %select_n3A_1191 : vector<16xi32>
      scf.yield %min3A_1192 : vector<16xi32>
    }
    %neg3A_575 = arith.constant 0 : i32
    %neg3A_576 = vector.broadcast %neg3A_575 : i32 to vector<16xi32>
    %neg3A_577 = arith.subi %neg3A_576, %while3A_574 : vector<16xi32>
    %reduce_max3A_578 = arith.constant true
    %reduce_max3A_579 = vector.broadcast %reduce_max3A_578 : i1 to vector<16xi1>
    %reduce_max3A_580 = arith.constant -2147483648 : i32
    %reduce_max3A_581 = vector.broadcast %reduce_max3A_580 : i32 to vector<16xi32>
    %reduce_max3A_582 = arith.xori %neg3A_577, %reduce_max3A_581 : vector<16xi32>
    %reduce_max3A_583 = tpu.scan <max>, %reduce_max3A_582 masked %reduce_max3A_579 : vector<16xi32>, vector<16xi1> -> vector<16xi32>
    %reduce_max3A_584 = arith.xori %reduce_max3A_583, %reduce_max3A_581 : vector<16xi32>
    %reduce_max3A_585 = vector.extract %reduce_max3A_584[15] : i32 from vector<16xi32>
    %neg3A_586 = arith.constant 0 : i32
    %neg3A_587 = arith.subi %neg3A_586, %reduce_max3A_585 : i32
    %broadcast_in_dim3A_588 = vector.broadcast %neg3A_587 : i32 to vector<16xi32>
    %while3A_589 = arith.constant 0 : i32
    %while3A_590 = arith.constant 0 : i32
    %while3A_591 = arith.subi %min3A_160, %while3A_589 : i32
    %while3A_592 = arith.addi %while3A_589, %while3A_591 : i32
    %while3A_593 = arith.constant 1 : i32
    %while3A_594 = arith.divsi %while3A_591, %while3A_593 : i32
    %while3A_595 = arith.muli %while3A_594, %while3A_593 : i32
    %while3A_596 = arith.addi %while3A_589, %while3A_595 : i32
    %while3A_597 = arith.constant 1 : i32
    %while3A_598 = scf.for %while3A_1179 = %while3A_589 to %while3A_596 step %while3A_597 iter_args(%while3A_1180 = %while3A_590) -> (i32)  : i32 {
      %mul3A_1181 = arith.constant 16 : i32
      %mul3A_1182 = arith.muli %while3A_1179, %mul3A_1181 : i32
      %get3A = arith.index_cast %mul3A_1182 : i32 to index
      %get3A_1183 = tpu.vector_load %arg8[%get3A] {strides = array<i32>} : memref<16384xf32, #tpu.memory_space<vmem>>, vector<16xf32>,
      %mul3A_1184 = arith.constant 16 : i32
      %mul3A_1185 = arith.muli %while3A_1179, %mul3A_1184 : i32
      %get3A_1186 = arith.index_cast %mul3A_1185 : i32 to index
      %get3A_1187 = tpu.vector_load %arg9[%get3A_1186] {strides = array<i32>} : memref<16384xi32, #tpu.memory_space<vmem>>, vector<16xi32>,
      %eq3A_1188 = arith.cmpi eq, %get3A_1187, %broadcast_in_dim3A_588 : vector<16xi32>
      %select_n3A_1189 = arith.select %eq3A_1188, %broadcast_in_dim3A_1, %get3A_1183 : vector<16xi1>, vector<16xf32>
      %mul3A_1190 = arith.constant 16 : i32
      %mul3A_1191 = arith.muli %while3A_1179, %mul3A_1190 : i32
      %swap3A_1192 = arith.index_cast %mul3A_1191 : i32 to index
      %swap3A_1193 = tpu.vector_load %arg8[%swap3A_1192] {strides = array<i32>} : memref<16384xf32, #tpu.memory_space<vmem>>, vector<16xf32>,
      tpu.vector_store %arg8[%swap3A_1192], %select_n3A_1189 {strides = array<i32>} : memref<16384xf32, #tpu.memory_space<vmem>>, vector<16xf32>,
      %while3A_1194 = arith.constant 0 : i32
      scf.yield %while3A_1194 : i32
    }
    %while3A_599 = arith.constant 1 : i32
    %while3A_600 = scf.for %while3A_1179 = %while3A_596 to %while3A_592 step %while3A_599 iter_args(%while3A_1180 = %while3A_598) -> (i32)  : i32 {
      %mul3A_1181 = arith.constant 16 : i32
      %mul3A_1182 = arith.muli %while3A_1179, %mul3A_1181 : i32
      %get3A = arith.index_cast %mul3A_1182 : i32 to index
      %get3A_1183 = tpu.vector_load %arg8[%get3A] {strides = array<i32>} : memref<16384xf32, #tpu.memory_space<vmem>>, vector<16xf32>,
      %mul3A_1184 = arith.constant 16 : i32
      %mul3A_1185 = arith.muli %while3A_1179, %mul3A_1184 : i32
      %get3A_1186 = arith.index_cast %mul3A_1185 : i32 to index
      %get3A_1187 = tpu.vector_load %arg9[%get3A_1186] {strides = array<i32>} : memref<16384xi32, #tpu.memory_space<vmem>>, vector<16xi32>,
      %eq3A_1188 = arith.cmpi eq, %get3A_1187, %broadcast_in_dim3A_588 : vector<16xi32>
      %select_n3A_1189 = arith.select %eq3A_1188, %broadcast_in_dim3A_1, %get3A_1183 : vector<16xi1>, vector<16xf32>
      %mul3A_1190 = arith.constant 16 : i32
      %mul3A_1191 = arith.muli %while3A_1179, %mul3A_1190 : i32
      %swap3A_1192 = arith.index_cast %mul3A_1191 : i32 to index
      %swap3A_1193 = tpu.vector_load %arg8[%swap3A_1192] {strides = array<i32>} : memref<16384xf32, #tpu.memory_space<vmem>>, vector<16xf32>,
      tpu.vector_store %arg8[%swap3A_1192], %select_n3A_1189 {strides = array<i32>} : memref<16384xf32, #tpu.memory_space<vmem>>, vector<16xf32>,
      %while3A_1194 = arith.constant 0 : i32
      scf.yield %while3A_1194 : i32
    }
    %eq3A_601 = arith.constant 6 : i32
    %eq3A_602 = vector.broadcast %eq3A_601 : i32 to vector<16xi32>
    %eq3A_603 = arith.cmpi eq, %iota3A, %eq3A_602 : vector<16xi32>
    %select_n3A_604 = arith.select %eq3A_603, %broadcast_in_dim3A_561, %select_n3A_541 : vector<16xi1>, vector<16xf32>
    %eq3A_605 = arith.constant 6 : i32
    %eq3A_606 = vector.broadcast %eq3A_605 : i32 to vector<16xi32>
    %eq3A_607 = arith.cmpi eq, %iota3A, %eq3A_606 : vector<16xi32>
    %select_n3A_608 = arith.select %eq3A_607, %broadcast_in_dim3A_588, %select_n3A_545 : vector<16xi1>, vector<16xi32>
    %while3A_609 = arith.constant 0 : i32
    %while3A_610 = arith.subi %min3A_160, %while3A_609 : i32
    %while3A_611 = arith.addi %while3A_609, %while3A_610 : i32
    %while3A_612 = arith.constant 1 : i32
    %while3A_613 = arith.divsi %while3A_610, %while3A_612 : i32
    %while3A_614 = arith.muli %while3A_613, %while3A_612 : i32
    %while3A_615 = arith.addi %while3A_609, %while3A_614 : i32
    %while3A_616 = arith.constant 1 : i32
    %while3A_617 = scf.for %while3A_1179 = %while3A_609 to %while3A_615 step %while3A_616 iter_args(%while3A_1180 = %broadcast_in_dim3A_1) -> (vector<16xf32>)  : i32 {
      %mul3A_1181 = arith.constant 16 : i32
      %mul3A_1182 = arith.muli %while3A_1179, %mul3A_1181 : i32
      %get3A = arith.index_cast %mul3A_1182 : i32 to index
      %get3A_1183 = tpu.vector_load %arg8[%get3A] {strides = array<i32>} : memref<16384xf32, #tpu.memory_space<vmem>>, vector<16xf32>,
      %max3A = arith.maximumf %while3A_1180, %get3A_1183 : vector<16xf32>
      scf.yield %max3A : vector<16xf32>
    }
    %while3A_618 = arith.constant 1 : i32
    %while3A_619 = scf.for %while3A_1179 = %while3A_615 to %while3A_611 step %while3A_618 iter_args(%while3A_1180 = %while3A_617) -> (vector<16xf32>)  : i32 {
      %mul3A_1181 = arith.constant 16 : i32
      %mul3A_1182 = arith.muli %while3A_1179, %mul3A_1181 : i32
      %get3A = arith.index_cast %mul3A_1182 : i32 to index
      %get3A_1183 = tpu.vector_load %arg8[%get3A] {strides = array<i32>} : memref<16384xf32, #tpu.memory_space<vmem>>, vector<16xf32>,
      %max3A = arith.maximumf %while3A_1180, %get3A_1183 : vector<16xf32>
      scf.yield %max3A : vector<16xf32>
    }
    %reduce_max3A_620 = arith.constant true
    %reduce_max3A_621 = vector.broadcast %reduce_max3A_620 : i1 to vector<16xi1>
    %reduce_max3A_622 = tpu.scan <max>, %while3A_619 masked %reduce_max3A_621 : vector<16xf32>, vector<16xi1> -> vector<16xf32>
    %reduce_max3A_623 = vector.extract %reduce_max3A_622[15] : f32 from vector<16xf32>
    %broadcast_in_dim3A_624 = vector.broadcast %reduce_max3A_623 : f32 to vector<16xf32>
    %broadcast_in_dim3A_625 = arith.constant 2147483647 : i32
    %broadcast_in_dim3A_626 = vector.broadcast %broadcast_in_dim3A_625 : i32 to vector<16xi32>
    %while3A_627 = arith.constant 0 : i32
    %while3A_628 = arith.subi %min3A_160, %while3A_627 : i32
    %while3A_629 = arith.addi %while3A_627, %while3A_628 : i32
    %while3A_630 = arith.constant 1 : i32
    %while3A_631 = arith.divsi %while3A_628, %while3A_630 : i32
    %while3A_632 = arith.muli %while3A_631, %while3A_630 : i32
    %while3A_633 = arith.addi %while3A_627, %while3A_632 : i32
    %while3A_634 = arith.constant 1 : i32
    %while3A_635 = scf.for %while3A_1179 = %while3A_627 to %while3A_633 step %while3A_634 iter_args(%while3A_1180 = %broadcast_in_dim3A_626) -> (vector<16xi32>)  : i32 {
      %mul3A_1181 = arith.constant 16 : i32
      %mul3A_1182 = arith.muli %while3A_1179, %mul3A_1181 : i32
      %get3A = arith.index_cast %mul3A_1182 : i32 to index
      %get3A_1183 = tpu.vector_load %arg8[%get3A] {strides = array<i32>} : memref<16384xf32, #tpu.memory_space<vmem>>, vector<16xf32>,
      %mul3A_1184 = arith.constant 16 : i32
      %mul3A_1185 = arith.muli %while3A_1179, %mul3A_1184 : i32
      %get3A_1186 = arith.index_cast %mul3A_1185 : i32 to index
      %get3A_1187 = tpu.vector_load %arg9[%get3A_1186] {strides = array<i32>} : memref<16384xi32, #tpu.memory_space<vmem>>, vector<16xi32>,
      %eq3A_1188 = arith.cmpf oeq, %get3A_1183, %broadcast_in_dim3A_624 : vector<16xf32>
      %jit3A_1189 = arith.constant 2147483647 : i32
      %broadcast_in_dim3A_1190 = vector.broadcast %jit3A_1189 : i32 to vector<16xi32>
      %select_n3A_1191 = arith.select %eq3A_1188, %get3A_1187, %broadcast_in_dim3A_1190 : vector<16xi1>, vector<16xi32>
      %min3A_1192 = arith.minsi %while3A_1180, %select_n3A_1191 : vector<16xi32>
      scf.yield %min3A_1192 : vector<16xi32>
    }
    %while3A_636 = arith.constant 1 : i32
    %while3A_637 = scf.for %while3A_1179 = %while3A_633 to %while3A_629 step %while3A_636 iter_args(%while3A_1180 = %while3A_635) -> (vector<16xi32>)  : i32 {
      %mul3A_1181 = arith.constant 16 : i32
      %mul3A_1182 = arith.muli %while3A_1179, %mul3A_1181 : i32
      %get3A = arith.index_cast %mul3A_1182 : i32 to index
      %get3A_1183 = tpu.vector_load %arg8[%get3A] {strides = array<i32>} : memref<16384xf32, #tpu.memory_space<vmem>>, vector<16xf32>,
      %mul3A_1184 = arith.constant 16 : i32
      %mul3A_1185 = arith.muli %while3A_1179, %mul3A_1184 : i32
      %get3A_1186 = arith.index_cast %mul3A_1185 : i32 to index
      %get3A_1187 = tpu.vector_load %arg9[%get3A_1186] {strides = array<i32>} : memref<16384xi32, #tpu.memory_space<vmem>>, vector<16xi32>,
      %eq3A_1188 = arith.cmpf oeq, %get3A_1183, %broadcast_in_dim3A_624 : vector<16xf32>
      %jit3A_1189 = arith.constant 2147483647 : i32
      %broadcast_in_dim3A_1190 = vector.broadcast %jit3A_1189 : i32 to vector<16xi32>
      %select_n3A_1191 = arith.select %eq3A_1188, %get3A_1187, %broadcast_in_dim3A_1190 : vector<16xi1>, vector<16xi32>
      %min3A_1192 = arith.minsi %while3A_1180, %select_n3A_1191 : vector<16xi32>
      scf.yield %min3A_1192 : vector<16xi32>
    }
    %neg3A_638 = arith.constant 0 : i32
    %neg3A_639 = vector.broadcast %neg3A_638 : i32 to vector<16xi32>
    %neg3A_640 = arith.subi %neg3A_639, %while3A_637 : vector<16xi32>
    %reduce_max3A_641 = arith.constant true
    %reduce_max3A_642 = vector.broadcast %reduce_max3A_641 : i1 to vector<16xi1>
    %reduce_max3A_643 = arith.constant -2147483648 : i32
    %reduce_max3A_644 = vector.broadcast %reduce_max3A_643 : i32 to vector<16xi32>
    %reduce_max3A_645 = arith.xori %neg3A_640, %reduce_max3A_644 : vector<16xi32>
    %reduce_max3A_646 = tpu.scan <max>, %reduce_max3A_645 masked %reduce_max3A_642 : vector<16xi32>, vector<16xi1> -> vector<16xi32>
    %reduce_max3A_647 = arith.xori %reduce_max3A_646, %reduce_max3A_644 : vector<16xi32>
    %reduce_max3A_648 = vector.extract %reduce_max3A_647[15] : i32 from vector<16xi32>
    %neg3A_649 = arith.constant 0 : i32
    %neg3A_650 = arith.subi %neg3A_649, %reduce_max3A_648 : i32
    %broadcast_in_dim3A_651 = vector.broadcast %neg3A_650 : i32 to vector<16xi32>
    %while3A_652 = arith.constant 0 : i32
    %while3A_653 = arith.constant 0 : i32
    %while3A_654 = arith.subi %min3A_160, %while3A_652 : i32
    %while3A_655 = arith.addi %while3A_652, %while3A_654 : i32
    %while3A_656 = arith.constant 1 : i32
    %while3A_657 = arith.divsi %while3A_654, %while3A_656 : i32
    %while3A_658 = arith.muli %while3A_657, %while3A_656 : i32
    %while3A_659 = arith.addi %while3A_652, %while3A_658 : i32
    %while3A_660 = arith.constant 1 : i32
    %while3A_661 = scf.for %while3A_1179 = %while3A_652 to %while3A_659 step %while3A_660 iter_args(%while3A_1180 = %while3A_653) -> (i32)  : i32 {
      %mul3A_1181 = arith.constant 16 : i32
      %mul3A_1182 = arith.muli %while3A_1179, %mul3A_1181 : i32
      %get3A = arith.index_cast %mul3A_1182 : i32 to index
      %get3A_1183 = tpu.vector_load %arg8[%get3A] {strides = array<i32>} : memref<16384xf32, #tpu.memory_space<vmem>>, vector<16xf32>,
      %mul3A_1184 = arith.constant 16 : i32
      %mul3A_1185 = arith.muli %while3A_1179, %mul3A_1184 : i32
      %get3A_1186 = arith.index_cast %mul3A_1185 : i32 to index
      %get3A_1187 = tpu.vector_load %arg9[%get3A_1186] {strides = array<i32>} : memref<16384xi32, #tpu.memory_space<vmem>>, vector<16xi32>,
      %eq3A_1188 = arith.cmpi eq, %get3A_1187, %broadcast_in_dim3A_651 : vector<16xi32>
      %select_n3A_1189 = arith.select %eq3A_1188, %broadcast_in_dim3A_1, %get3A_1183 : vector<16xi1>, vector<16xf32>
      %mul3A_1190 = arith.constant 16 : i32
      %mul3A_1191 = arith.muli %while3A_1179, %mul3A_1190 : i32
      %swap3A_1192 = arith.index_cast %mul3A_1191 : i32 to index
      %swap3A_1193 = tpu.vector_load %arg8[%swap3A_1192] {strides = array<i32>} : memref<16384xf32, #tpu.memory_space<vmem>>, vector<16xf32>,
      tpu.vector_store %arg8[%swap3A_1192], %select_n3A_1189 {strides = array<i32>} : memref<16384xf32, #tpu.memory_space<vmem>>, vector<16xf32>,
      %while3A_1194 = arith.constant 0 : i32
      scf.yield %while3A_1194 : i32
    }
    %while3A_662 = arith.constant 1 : i32
    %while3A_663 = scf.for %while3A_1179 = %while3A_659 to %while3A_655 step %while3A_662 iter_args(%while3A_1180 = %while3A_661) -> (i32)  : i32 {
      %mul3A_1181 = arith.constant 16 : i32
      %mul3A_1182 = arith.muli %while3A_1179, %mul3A_1181 : i32
      %get3A = arith.index_cast %mul3A_1182 : i32 to index
      %get3A_1183 = tpu.vector_load %arg8[%get3A] {strides = array<i32>} : memref<16384xf32, #tpu.memory_space<vmem>>, vector<16xf32>,
      %mul3A_1184 = arith.constant 16 : i32
      %mul3A_1185 = arith.muli %while3A_1179, %mul3A_1184 : i32
      %get3A_1186 = arith.index_cast %mul3A_1185 : i32 to index
      %get3A_1187 = tpu.vector_load %arg9[%get3A_1186] {strides = array<i32>} : memref<16384xi32, #tpu.memory_space<vmem>>, vector<16xi32>,
      %eq3A_1188 = arith.cmpi eq, %get3A_1187, %broadcast_in_dim3A_651 : vector<16xi32>
      %select_n3A_1189 = arith.select %eq3A_1188, %broadcast_in_dim3A_1, %get3A_1183 : vector<16xi1>, vector<16xf32>
      %mul3A_1190 = arith.constant 16 : i32
      %mul3A_1191 = arith.muli %while3A_1179, %mul3A_1190 : i32
      %swap3A_1192 = arith.index_cast %mul3A_1191 : i32 to index
      %swap3A_1193 = tpu.vector_load %arg8[%swap3A_1192] {strides = array<i32>} : memref<16384xf32, #tpu.memory_space<vmem>>, vector<16xf32>,
      tpu.vector_store %arg8[%swap3A_1192], %select_n3A_1189 {strides = array<i32>} : memref<16384xf32, #tpu.memory_space<vmem>>, vector<16xf32>,
      %while3A_1194 = arith.constant 0 : i32
      scf.yield %while3A_1194 : i32
    }
    %eq3A_664 = arith.constant 7 : i32
    %eq3A_665 = vector.broadcast %eq3A_664 : i32 to vector<16xi32>
    %eq3A_666 = arith.cmpi eq, %iota3A, %eq3A_665 : vector<16xi32>
    %select_n3A_667 = arith.select %eq3A_666, %broadcast_in_dim3A_624, %select_n3A_604 : vector<16xi1>, vector<16xf32>
    %eq3A_668 = arith.constant 7 : i32
    %eq3A_669 = vector.broadcast %eq3A_668 : i32 to vector<16xi32>
    %eq3A_670 = arith.cmpi eq, %iota3A, %eq3A_669 : vector<16xi32>
    %select_n3A_671 = arith.select %eq3A_670, %broadcast_in_dim3A_651, %select_n3A_608 : vector<16xi1>, vector<16xi32>
    %while3A_672 = arith.constant 0 : i32
    %while3A_673 = arith.subi %min3A_160, %while3A_672 : i32
    %while3A_674 = arith.addi %while3A_672, %while3A_673 : i32
    %while3A_675 = arith.constant 1 : i32
    %while3A_676 = arith.divsi %while3A_673, %while3A_675 : i32
    %while3A_677 = arith.muli %while3A_676, %while3A_675 : i32
    %while3A_678 = arith.addi %while3A_672, %while3A_677 : i32
    %while3A_679 = arith.constant 1 : i32
    %while3A_680 = scf.for %while3A_1179 = %while3A_672 to %while3A_678 step %while3A_679 iter_args(%while3A_1180 = %broadcast_in_dim3A_1) -> (vector<16xf32>)  : i32 {
      %mul3A_1181 = arith.constant 16 : i32
      %mul3A_1182 = arith.muli %while3A_1179, %mul3A_1181 : i32
      %get3A = arith.index_cast %mul3A_1182 : i32 to index
      %get3A_1183 = tpu.vector_load %arg8[%get3A] {strides = array<i32>} : memref<16384xf32, #tpu.memory_space<vmem>>, vector<16xf32>,
      %max3A = arith.maximumf %while3A_1180, %get3A_1183 : vector<16xf32>
      scf.yield %max3A : vector<16xf32>
    }
    %while3A_681 = arith.constant 1 : i32
    %while3A_682 = scf.for %while3A_1179 = %while3A_678 to %while3A_674 step %while3A_681 iter_args(%while3A_1180 = %while3A_680) -> (vector<16xf32>)  : i32 {
      %mul3A_1181 = arith.constant 16 : i32
      %mul3A_1182 = arith.muli %while3A_1179, %mul3A_1181 : i32
      %get3A = arith.index_cast %mul3A_1182 : i32 to index
      %get3A_1183 = tpu.vector_load %arg8[%get3A] {strides = array<i32>} : memref<16384xf32, #tpu.memory_space<vmem>>, vector<16xf32>,
      %max3A = arith.maximumf %while3A_1180, %get3A_1183 : vector<16xf32>
      scf.yield %max3A : vector<16xf32>
    }
    %reduce_max3A_683 = arith.constant true
    %reduce_max3A_684 = vector.broadcast %reduce_max3A_683 : i1 to vector<16xi1>
    %reduce_max3A_685 = tpu.scan <max>, %while3A_682 masked %reduce_max3A_684 : vector<16xf32>, vector<16xi1> -> vector<16xf32>
    %reduce_max3A_686 = vector.extract %reduce_max3A_685[15] : f32 from vector<16xf32>
    %broadcast_in_dim3A_687 = vector.broadcast %reduce_max3A_686 : f32 to vector<16xf32>
    %broadcast_in_dim3A_688 = arith.constant 2147483647 : i32
    %broadcast_in_dim3A_689 = vector.broadcast %broadcast_in_dim3A_688 : i32 to vector<16xi32>
    %while3A_690 = arith.constant 0 : i32
    %while3A_691 = arith.subi %min3A_160, %while3A_690 : i32
    %while3A_692 = arith.addi %while3A_690, %while3A_691 : i32
    %while3A_693 = arith.constant 1 : i32
    %while3A_694 = arith.divsi %while3A_691, %while3A_693 : i32
    %while3A_695 = arith.muli %while3A_694, %while3A_693 : i32
    %while3A_696 = arith.addi %while3A_690, %while3A_695 : i32
    %while3A_697 = arith.constant 1 : i32
    %while3A_698 = scf.for %while3A_1179 = %while3A_690 to %while3A_696 step %while3A_697 iter_args(%while3A_1180 = %broadcast_in_dim3A_689) -> (vector<16xi32>)  : i32 {
      %mul3A_1181 = arith.constant 16 : i32
      %mul3A_1182 = arith.muli %while3A_1179, %mul3A_1181 : i32
      %get3A = arith.index_cast %mul3A_1182 : i32 to index
      %get3A_1183 = tpu.vector_load %arg8[%get3A] {strides = array<i32>} : memref<16384xf32, #tpu.memory_space<vmem>>, vector<16xf32>,
      %mul3A_1184 = arith.constant 16 : i32
      %mul3A_1185 = arith.muli %while3A_1179, %mul3A_1184 : i32
      %get3A_1186 = arith.index_cast %mul3A_1185 : i32 to index
      %get3A_1187 = tpu.vector_load %arg9[%get3A_1186] {strides = array<i32>} : memref<16384xi32, #tpu.memory_space<vmem>>, vector<16xi32>,
      %eq3A_1188 = arith.cmpf oeq, %get3A_1183, %broadcast_in_dim3A_687 : vector<16xf32>
      %jit3A_1189 = arith.constant 2147483647 : i32
      %broadcast_in_dim3A_1190 = vector.broadcast %jit3A_1189 : i32 to vector<16xi32>
      %select_n3A_1191 = arith.select %eq3A_1188, %get3A_1187, %broadcast_in_dim3A_1190 : vector<16xi1>, vector<16xi32>
      %min3A_1192 = arith.minsi %while3A_1180, %select_n3A_1191 : vector<16xi32>
      scf.yield %min3A_1192 : vector<16xi32>
    }
    %while3A_699 = arith.constant 1 : i32
    %while3A_700 = scf.for %while3A_1179 = %while3A_696 to %while3A_692 step %while3A_699 iter_args(%while3A_1180 = %while3A_698) -> (vector<16xi32>)  : i32 {
      %mul3A_1181 = arith.constant 16 : i32
      %mul3A_1182 = arith.muli %while3A_1179, %mul3A_1181 : i32
      %get3A = arith.index_cast %mul3A_1182 : i32 to index
      %get3A_1183 = tpu.vector_load %arg8[%get3A] {strides = array<i32>} : memref<16384xf32, #tpu.memory_space<vmem>>, vector<16xf32>,
      %mul3A_1184 = arith.constant 16 : i32
      %mul3A_1185 = arith.muli %while3A_1179, %mul3A_1184 : i32
      %get3A_1186 = arith.index_cast %mul3A_1185 : i32 to index
      %get3A_1187 = tpu.vector_load %arg9[%get3A_1186] {strides = array<i32>} : memref<16384xi32, #tpu.memory_space<vmem>>, vector<16xi32>,
      %eq3A_1188 = arith.cmpf oeq, %get3A_1183, %broadcast_in_dim3A_687 : vector<16xf32>
      %jit3A_1189 = arith.constant 2147483647 : i32
      %broadcast_in_dim3A_1190 = vector.broadcast %jit3A_1189 : i32 to vector<16xi32>
      %select_n3A_1191 = arith.select %eq3A_1188, %get3A_1187, %broadcast_in_dim3A_1190 : vector<16xi1>, vector<16xi32>
      %min3A_1192 = arith.minsi %while3A_1180, %select_n3A_1191 : vector<16xi32>
      scf.yield %min3A_1192 : vector<16xi32>
    }
    %neg3A_701 = arith.constant 0 : i32
    %neg3A_702 = vector.broadcast %neg3A_701 : i32 to vector<16xi32>
    %neg3A_703 = arith.subi %neg3A_702, %while3A_700 : vector<16xi32>
    %reduce_max3A_704 = arith.constant true
    %reduce_max3A_705 = vector.broadcast %reduce_max3A_704 : i1 to vector<16xi1>
    %reduce_max3A_706 = arith.constant -2147483648 : i32
    %reduce_max3A_707 = vector.broadcast %reduce_max3A_706 : i32 to vector<16xi32>
    %reduce_max3A_708 = arith.xori %neg3A_703, %reduce_max3A_707 : vector<16xi32>
    %reduce_max3A_709 = tpu.scan <max>, %reduce_max3A_708 masked %reduce_max3A_705 : vector<16xi32>, vector<16xi1> -> vector<16xi32>
    %reduce_max3A_710 = arith.xori %reduce_max3A_709, %reduce_max3A_707 : vector<16xi32>
    %reduce_max3A_711 = vector.extract %reduce_max3A_710[15] : i32 from vector<16xi32>
    %neg3A_712 = arith.constant 0 : i32
    %neg3A_713 = arith.subi %neg3A_712, %reduce_max3A_711 : i32
    %broadcast_in_dim3A_714 = vector.broadcast %neg3A_713 : i32 to vector<16xi32>
    %while3A_715 = arith.constant 0 : i32
    %while3A_716 = arith.constant 0 : i32
    %while3A_717 = arith.subi %min3A_160, %while3A_715 : i32
    %while3A_718 = arith.addi %while3A_715, %while3A_717 : i32
    %while3A_719 = arith.constant 1 : i32
    %while3A_720 = arith.divsi %while3A_717, %while3A_719 : i32
    %while3A_721 = arith.muli %while3A_720, %while3A_719 : i32
    %while3A_722 = arith.addi %while3A_715, %while3A_721 : i32
    %while3A_723 = arith.constant 1 : i32
    %while3A_724 = scf.for %while3A_1179 = %while3A_715 to %while3A_722 step %while3A_723 iter_args(%while3A_1180 = %while3A_716) -> (i32)  : i32 {
      %mul3A_1181 = arith.constant 16 : i32
      %mul3A_1182 = arith.muli %while3A_1179, %mul3A_1181 : i32
      %get3A = arith.index_cast %mul3A_1182 : i32 to index
      %get3A_1183 = tpu.vector_load %arg8[%get3A] {strides = array<i32>} : memref<16384xf32, #tpu.memory_space<vmem>>, vector<16xf32>,
      %mul3A_1184 = arith.constant 16 : i32
      %mul3A_1185 = arith.muli %while3A_1179, %mul3A_1184 : i32
      %get3A_1186 = arith.index_cast %mul3A_1185 : i32 to index
      %get3A_1187 = tpu.vector_load %arg9[%get3A_1186] {strides = array<i32>} : memref<16384xi32, #tpu.memory_space<vmem>>, vector<16xi32>,
      %eq3A_1188 = arith.cmpi eq, %get3A_1187, %broadcast_in_dim3A_714 : vector<16xi32>
      %select_n3A_1189 = arith.select %eq3A_1188, %broadcast_in_dim3A_1, %get3A_1183 : vector<16xi1>, vector<16xf32>
      %mul3A_1190 = arith.constant 16 : i32
      %mul3A_1191 = arith.muli %while3A_1179, %mul3A_1190 : i32
      %swap3A_1192 = arith.index_cast %mul3A_1191 : i32 to index
      %swap3A_1193 = tpu.vector_load %arg8[%swap3A_1192] {strides = array<i32>} : memref<16384xf32, #tpu.memory_space<vmem>>, vector<16xf32>,
      tpu.vector_store %arg8[%swap3A_1192], %select_n3A_1189 {strides = array<i32>} : memref<16384xf32, #tpu.memory_space<vmem>>, vector<16xf32>,
      %while3A_1194 = arith.constant 0 : i32
      scf.yield %while3A_1194 : i32
    }
    %while3A_725 = arith.constant 1 : i32
    %while3A_726 = scf.for %while3A_1179 = %while3A_722 to %while3A_718 step %while3A_725 iter_args(%while3A_1180 = %while3A_724) -> (i32)  : i32 {
      %mul3A_1181 = arith.constant 16 : i32
      %mul3A_1182 = arith.muli %while3A_1179, %mul3A_1181 : i32
      %get3A = arith.index_cast %mul3A_1182 : i32 to index
      %get3A_1183 = tpu.vector_load %arg8[%get3A] {strides = array<i32>} : memref<16384xf32, #tpu.memory_space<vmem>>, vector<16xf32>,
      %mul3A_1184 = arith.constant 16 : i32
      %mul3A_1185 = arith.muli %while3A_1179, %mul3A_1184 : i32
      %get3A_1186 = arith.index_cast %mul3A_1185 : i32 to index
      %get3A_1187 = tpu.vector_load %arg9[%get3A_1186] {strides = array<i32>} : memref<16384xi32, #tpu.memory_space<vmem>>, vector<16xi32>,
      %eq3A_1188 = arith.cmpi eq, %get3A_1187, %broadcast_in_dim3A_714 : vector<16xi32>
      %select_n3A_1189 = arith.select %eq3A_1188, %broadcast_in_dim3A_1, %get3A_1183 : vector<16xi1>, vector<16xf32>
      %mul3A_1190 = arith.constant 16 : i32
      %mul3A_1191 = arith.muli %while3A_1179, %mul3A_1190 : i32
      %swap3A_1192 = arith.index_cast %mul3A_1191 : i32 to index
      %swap3A_1193 = tpu.vector_load %arg8[%swap3A_1192] {strides = array<i32>} : memref<16384xf32, #tpu.memory_space<vmem>>, vector<16xf32>,
      tpu.vector_store %arg8[%swap3A_1192], %select_n3A_1189 {strides = array<i32>} : memref<16384xf32, #tpu.memory_space<vmem>>, vector<16xf32>,
      %while3A_1194 = arith.constant 0 : i32
      scf.yield %while3A_1194 : i32
    }
    %eq3A_727 = arith.constant 8 : i32
    %eq3A_728 = vector.broadcast %eq3A_727 : i32 to vector<16xi32>
    %eq3A_729 = arith.cmpi eq, %iota3A, %eq3A_728 : vector<16xi32>
    %select_n3A_730 = arith.select %eq3A_729, %broadcast_in_dim3A_687, %select_n3A_667 : vector<16xi1>, vector<16xf32>
    %eq3A_731 = arith.constant 8 : i32
    %eq3A_732 = vector.broadcast %eq3A_731 : i32 to vector<16xi32>
    %eq3A_733 = arith.cmpi eq, %iota3A, %eq3A_732 : vector<16xi32>
    %select_n3A_734 = arith.select %eq3A_733, %broadcast_in_dim3A_714, %select_n3A_671 : vector<16xi1>, vector<16xi32>
    %while3A_735 = arith.constant 0 : i32
    %while3A_736 = arith.subi %min3A_160, %while3A_735 : i32
    %while3A_737 = arith.addi %while3A_735, %while3A_736 : i32
    %while3A_738 = arith.constant 1 : i32
    %while3A_739 = arith.divsi %while3A_736, %while3A_738 : i32
    %while3A_740 = arith.muli %while3A_739, %while3A_738 : i32
    %while3A_741 = arith.addi %while3A_735, %while3A_740 : i32
    %while3A_742 = arith.constant 1 : i32
    %while3A_743 = scf.for %while3A_1179 = %while3A_735 to %while3A_741 step %while3A_742 iter_args(%while3A_1180 = %broadcast_in_dim3A_1) -> (vector<16xf32>)  : i32 {
      %mul3A_1181 = arith.constant 16 : i32
      %mul3A_1182 = arith.muli %while3A_1179, %mul3A_1181 : i32
      %get3A = arith.index_cast %mul3A_1182 : i32 to index
      %get3A_1183 = tpu.vector_load %arg8[%get3A] {strides = array<i32>} : memref<16384xf32, #tpu.memory_space<vmem>>, vector<16xf32>,
      %max3A = arith.maximumf %while3A_1180, %get3A_1183 : vector<16xf32>
      scf.yield %max3A : vector<16xf32>
    }
    %while3A_744 = arith.constant 1 : i32
    %while3A_745 = scf.for %while3A_1179 = %while3A_741 to %while3A_737 step %while3A_744 iter_args(%while3A_1180 = %while3A_743) -> (vector<16xf32>)  : i32 {
      %mul3A_1181 = arith.constant 16 : i32
      %mul3A_1182 = arith.muli %while3A_1179, %mul3A_1181 : i32
      %get3A = arith.index_cast %mul3A_1182 : i32 to index
      %get3A_1183 = tpu.vector_load %arg8[%get3A] {strides = array<i32>} : memref<16384xf32, #tpu.memory_space<vmem>>, vector<16xf32>,
      %max3A = arith.maximumf %while3A_1180, %get3A_1183 : vector<16xf32>
      scf.yield %max3A : vector<16xf32>
    }
    %reduce_max3A_746 = arith.constant true
    %reduce_max3A_747 = vector.broadcast %reduce_max3A_746 : i1 to vector<16xi1>
    %reduce_max3A_748 = tpu.scan <max>, %while3A_745 masked %reduce_max3A_747 : vector<16xf32>, vector<16xi1> -> vector<16xf32>
    %reduce_max3A_749 = vector.extract %reduce_max3A_748[15] : f32 from vector<16xf32>
    %broadcast_in_dim3A_750 = vector.broadcast %reduce_max3A_749 : f32 to vector<16xf32>
    %broadcast_in_dim3A_751 = arith.constant 2147483647 : i32
    %broadcast_in_dim3A_752 = vector.broadcast %broadcast_in_dim3A_751 : i32 to vector<16xi32>
    %while3A_753 = arith.constant 0 : i32
    %while3A_754 = arith.subi %min3A_160, %while3A_753 : i32
    %while3A_755 = arith.addi %while3A_753, %while3A_754 : i32
    %while3A_756 = arith.constant 1 : i32
    %while3A_757 = arith.divsi %while3A_754, %while3A_756 : i32
    %while3A_758 = arith.muli %while3A_757, %while3A_756 : i32
    %while3A_759 = arith.addi %while3A_753, %while3A_758 : i32
    %while3A_760 = arith.constant 1 : i32
    %while3A_761 = scf.for %while3A_1179 = %while3A_753 to %while3A_759 step %while3A_760 iter_args(%while3A_1180 = %broadcast_in_dim3A_752) -> (vector<16xi32>)  : i32 {
      %mul3A_1181 = arith.constant 16 : i32
      %mul3A_1182 = arith.muli %while3A_1179, %mul3A_1181 : i32
      %get3A = arith.index_cast %mul3A_1182 : i32 to index
      %get3A_1183 = tpu.vector_load %arg8[%get3A] {strides = array<i32>} : memref<16384xf32, #tpu.memory_space<vmem>>, vector<16xf32>,
      %mul3A_1184 = arith.constant 16 : i32
      %mul3A_1185 = arith.muli %while3A_1179, %mul3A_1184 : i32
      %get3A_1186 = arith.index_cast %mul3A_1185 : i32 to index
      %get3A_1187 = tpu.vector_load %arg9[%get3A_1186] {strides = array<i32>} : memref<16384xi32, #tpu.memory_space<vmem>>, vector<16xi32>,
      %eq3A_1188 = arith.cmpf oeq, %get3A_1183, %broadcast_in_dim3A_750 : vector<16xf32>
      %jit3A_1189 = arith.constant 2147483647 : i32
      %broadcast_in_dim3A_1190 = vector.broadcast %jit3A_1189 : i32 to vector<16xi32>
      %select_n3A_1191 = arith.select %eq3A_1188, %get3A_1187, %broadcast_in_dim3A_1190 : vector<16xi1>, vector<16xi32>
      %min3A_1192 = arith.minsi %while3A_1180, %select_n3A_1191 : vector<16xi32>
      scf.yield %min3A_1192 : vector<16xi32>
    }
    %while3A_762 = arith.constant 1 : i32
    %while3A_763 = scf.for %while3A_1179 = %while3A_759 to %while3A_755 step %while3A_762 iter_args(%while3A_1180 = %while3A_761) -> (vector<16xi32>)  : i32 {
      %mul3A_1181 = arith.constant 16 : i32
      %mul3A_1182 = arith.muli %while3A_1179, %mul3A_1181 : i32
      %get3A = arith.index_cast %mul3A_1182 : i32 to index
      %get3A_1183 = tpu.vector_load %arg8[%get3A] {strides = array<i32>} : memref<16384xf32, #tpu.memory_space<vmem>>, vector<16xf32>,
      %mul3A_1184 = arith.constant 16 : i32
      %mul3A_1185 = arith.muli %while3A_1179, %mul3A_1184 : i32
      %get3A_1186 = arith.index_cast %mul3A_1185 : i32 to index
      %get3A_1187 = tpu.vector_load %arg9[%get3A_1186] {strides = array<i32>} : memref<16384xi32, #tpu.memory_space<vmem>>, vector<16xi32>,
      %eq3A_1188 = arith.cmpf oeq, %get3A_1183, %broadcast_in_dim3A_750 : vector<16xf32>
      %jit3A_1189 = arith.constant 2147483647 : i32
      %broadcast_in_dim3A_1190 = vector.broadcast %jit3A_1189 : i32 to vector<16xi32>
      %select_n3A_1191 = arith.select %eq3A_1188, %get3A_1187, %broadcast_in_dim3A_1190 : vector<16xi1>, vector<16xi32>
      %min3A_1192 = arith.minsi %while3A_1180, %select_n3A_1191 : vector<16xi32>
      scf.yield %min3A_1192 : vector<16xi32>
    }
    %neg3A_764 = arith.constant 0 : i32
    %neg3A_765 = vector.broadcast %neg3A_764 : i32 to vector<16xi32>
    %neg3A_766 = arith.subi %neg3A_765, %while3A_763 : vector<16xi32>
    %reduce_max3A_767 = arith.constant true
    %reduce_max3A_768 = vector.broadcast %reduce_max3A_767 : i1 to vector<16xi1>
    %reduce_max3A_769 = arith.constant -2147483648 : i32
    %reduce_max3A_770 = vector.broadcast %reduce_max3A_769 : i32 to vector<16xi32>
    %reduce_max3A_771 = arith.xori %neg3A_766, %reduce_max3A_770 : vector<16xi32>
    %reduce_max3A_772 = tpu.scan <max>, %reduce_max3A_771 masked %reduce_max3A_768 : vector<16xi32>, vector<16xi1> -> vector<16xi32>
    %reduce_max3A_773 = arith.xori %reduce_max3A_772, %reduce_max3A_770 : vector<16xi32>
    %reduce_max3A_774 = vector.extract %reduce_max3A_773[15] : i32 from vector<16xi32>
    %neg3A_775 = arith.constant 0 : i32
    %neg3A_776 = arith.subi %neg3A_775, %reduce_max3A_774 : i32
    %broadcast_in_dim3A_777 = vector.broadcast %neg3A_776 : i32 to vector<16xi32>
    %while3A_778 = arith.constant 0 : i32
    %while3A_779 = arith.constant 0 : i32
    %while3A_780 = arith.subi %min3A_160, %while3A_778 : i32
    %while3A_781 = arith.addi %while3A_778, %while3A_780 : i32
    %while3A_782 = arith.constant 1 : i32
    %while3A_783 = arith.divsi %while3A_780, %while3A_782 : i32
    %while3A_784 = arith.muli %while3A_783, %while3A_782 : i32
    %while3A_785 = arith.addi %while3A_778, %while3A_784 : i32
    %while3A_786 = arith.constant 1 : i32
    %while3A_787 = scf.for %while3A_1179 = %while3A_778 to %while3A_785 step %while3A_786 iter_args(%while3A_1180 = %while3A_779) -> (i32)  : i32 {
      %mul3A_1181 = arith.constant 16 : i32
      %mul3A_1182 = arith.muli %while3A_1179, %mul3A_1181 : i32
      %get3A = arith.index_cast %mul3A_1182 : i32 to index
      %get3A_1183 = tpu.vector_load %arg8[%get3A] {strides = array<i32>} : memref<16384xf32, #tpu.memory_space<vmem>>, vector<16xf32>,
      %mul3A_1184 = arith.constant 16 : i32
      %mul3A_1185 = arith.muli %while3A_1179, %mul3A_1184 : i32
      %get3A_1186 = arith.index_cast %mul3A_1185 : i32 to index
      %get3A_1187 = tpu.vector_load %arg9[%get3A_1186] {strides = array<i32>} : memref<16384xi32, #tpu.memory_space<vmem>>, vector<16xi32>,
      %eq3A_1188 = arith.cmpi eq, %get3A_1187, %broadcast_in_dim3A_777 : vector<16xi32>
      %select_n3A_1189 = arith.select %eq3A_1188, %broadcast_in_dim3A_1, %get3A_1183 : vector<16xi1>, vector<16xf32>
      %mul3A_1190 = arith.constant 16 : i32
      %mul3A_1191 = arith.muli %while3A_1179, %mul3A_1190 : i32
      %swap3A_1192 = arith.index_cast %mul3A_1191 : i32 to index
      %swap3A_1193 = tpu.vector_load %arg8[%swap3A_1192] {strides = array<i32>} : memref<16384xf32, #tpu.memory_space<vmem>>, vector<16xf32>,
      tpu.vector_store %arg8[%swap3A_1192], %select_n3A_1189 {strides = array<i32>} : memref<16384xf32, #tpu.memory_space<vmem>>, vector<16xf32>,
      %while3A_1194 = arith.constant 0 : i32
      scf.yield %while3A_1194 : i32
    }
    %while3A_788 = arith.constant 1 : i32
    %while3A_789 = scf.for %while3A_1179 = %while3A_785 to %while3A_781 step %while3A_788 iter_args(%while3A_1180 = %while3A_787) -> (i32)  : i32 {
      %mul3A_1181 = arith.constant 16 : i32
      %mul3A_1182 = arith.muli %while3A_1179, %mul3A_1181 : i32
      %get3A = arith.index_cast %mul3A_1182 : i32 to index
      %get3A_1183 = tpu.vector_load %arg8[%get3A] {strides = array<i32>} : memref<16384xf32, #tpu.memory_space<vmem>>, vector<16xf32>,
      %mul3A_1184 = arith.constant 16 : i32
      %mul3A_1185 = arith.muli %while3A_1179, %mul3A_1184 : i32
      %get3A_1186 = arith.index_cast %mul3A_1185 : i32 to index
      %get3A_1187 = tpu.vector_load %arg9[%get3A_1186] {strides = array<i32>} : memref<16384xi32, #tpu.memory_space<vmem>>, vector<16xi32>,
      %eq3A_1188 = arith.cmpi eq, %get3A_1187, %broadcast_in_dim3A_777 : vector<16xi32>
      %select_n3A_1189 = arith.select %eq3A_1188, %broadcast_in_dim3A_1, %get3A_1183 : vector<16xi1>, vector<16xf32>
      %mul3A_1190 = arith.constant 16 : i32
      %mul3A_1191 = arith.muli %while3A_1179, %mul3A_1190 : i32
      %swap3A_1192 = arith.index_cast %mul3A_1191 : i32 to index
      %swap3A_1193 = tpu.vector_load %arg8[%swap3A_1192] {strides = array<i32>} : memref<16384xf32, #tpu.memory_space<vmem>>, vector<16xf32>,
      tpu.vector_store %arg8[%swap3A_1192], %select_n3A_1189 {strides = array<i32>} : memref<16384xf32, #tpu.memory_space<vmem>>, vector<16xf32>,
      %while3A_1194 = arith.constant 0 : i32
      scf.yield %while3A_1194 : i32
    }
    %eq3A_790 = arith.constant 9 : i32
    %eq3A_791 = vector.broadcast %eq3A_790 : i32 to vector<16xi32>
    %eq3A_792 = arith.cmpi eq, %iota3A, %eq3A_791 : vector<16xi32>
    %select_n3A_793 = arith.select %eq3A_792, %broadcast_in_dim3A_750, %select_n3A_730 : vector<16xi1>, vector<16xf32>
    %eq3A_794 = arith.constant 9 : i32
    %eq3A_795 = vector.broadcast %eq3A_794 : i32 to vector<16xi32>
    %eq3A_796 = arith.cmpi eq, %iota3A, %eq3A_795 : vector<16xi32>
    %select_n3A_797 = arith.select %eq3A_796, %broadcast_in_dim3A_777, %select_n3A_734 : vector<16xi1>, vector<16xi32>
    %while3A_798 = arith.constant 0 : i32
    %while3A_799 = arith.subi %min3A_160, %while3A_798 : i32
    %while3A_800 = arith.addi %while3A_798, %while3A_799 : i32
    %while3A_801 = arith.constant 1 : i32
    %while3A_802 = arith.divsi %while3A_799, %while3A_801 : i32
    %while3A_803 = arith.muli %while3A_802, %while3A_801 : i32
    %while3A_804 = arith.addi %while3A_798, %while3A_803 : i32
    %while3A_805 = arith.constant 1 : i32
    %while3A_806 = scf.for %while3A_1179 = %while3A_798 to %while3A_804 step %while3A_805 iter_args(%while3A_1180 = %broadcast_in_dim3A_1) -> (vector<16xf32>)  : i32 {
      %mul3A_1181 = arith.constant 16 : i32
      %mul3A_1182 = arith.muli %while3A_1179, %mul3A_1181 : i32
      %get3A = arith.index_cast %mul3A_1182 : i32 to index
      %get3A_1183 = tpu.vector_load %arg8[%get3A] {strides = array<i32>} : memref<16384xf32, #tpu.memory_space<vmem>>, vector<16xf32>,
      %max3A = arith.maximumf %while3A_1180, %get3A_1183 : vector<16xf32>
      scf.yield %max3A : vector<16xf32>
    }
    %while3A_807 = arith.constant 1 : i32
    %while3A_808 = scf.for %while3A_1179 = %while3A_804 to %while3A_800 step %while3A_807 iter_args(%while3A_1180 = %while3A_806) -> (vector<16xf32>)  : i32 {
      %mul3A_1181 = arith.constant 16 : i32
      %mul3A_1182 = arith.muli %while3A_1179, %mul3A_1181 : i32
      %get3A = arith.index_cast %mul3A_1182 : i32 to index
      %get3A_1183 = tpu.vector_load %arg8[%get3A] {strides = array<i32>} : memref<16384xf32, #tpu.memory_space<vmem>>, vector<16xf32>,
      %max3A = arith.maximumf %while3A_1180, %get3A_1183 : vector<16xf32>
      scf.yield %max3A : vector<16xf32>
    }
    %reduce_max3A_809 = arith.constant true
    %reduce_max3A_810 = vector.broadcast %reduce_max3A_809 : i1 to vector<16xi1>
    %reduce_max3A_811 = tpu.scan <max>, %while3A_808 masked %reduce_max3A_810 : vector<16xf32>, vector<16xi1> -> vector<16xf32>
    %reduce_max3A_812 = vector.extract %reduce_max3A_811[15] : f32 from vector<16xf32>
    %broadcast_in_dim3A_813 = vector.broadcast %reduce_max3A_812 : f32 to vector<16xf32>
    %broadcast_in_dim3A_814 = arith.constant 2147483647 : i32
    %broadcast_in_dim3A_815 = vector.broadcast %broadcast_in_dim3A_814 : i32 to vector<16xi32>
    %while3A_816 = arith.constant 0 : i32
    %while3A_817 = arith.subi %min3A_160, %while3A_816 : i32
    %while3A_818 = arith.addi %while3A_816, %while3A_817 : i32
    %while3A_819 = arith.constant 1 : i32
    %while3A_820 = arith.divsi %while3A_817, %while3A_819 : i32
    %while3A_821 = arith.muli %while3A_820, %while3A_819 : i32
    %while3A_822 = arith.addi %while3A_816, %while3A_821 : i32
    %while3A_823 = arith.constant 1 : i32
    %while3A_824 = scf.for %while3A_1179 = %while3A_816 to %while3A_822 step %while3A_823 iter_args(%while3A_1180 = %broadcast_in_dim3A_815) -> (vector<16xi32>)  : i32 {
      %mul3A_1181 = arith.constant 16 : i32
      %mul3A_1182 = arith.muli %while3A_1179, %mul3A_1181 : i32
      %get3A = arith.index_cast %mul3A_1182 : i32 to index
      %get3A_1183 = tpu.vector_load %arg8[%get3A] {strides = array<i32>} : memref<16384xf32, #tpu.memory_space<vmem>>, vector<16xf32>,
      %mul3A_1184 = arith.constant 16 : i32
      %mul3A_1185 = arith.muli %while3A_1179, %mul3A_1184 : i32
      %get3A_1186 = arith.index_cast %mul3A_1185 : i32 to index
      %get3A_1187 = tpu.vector_load %arg9[%get3A_1186] {strides = array<i32>} : memref<16384xi32, #tpu.memory_space<vmem>>, vector<16xi32>,
      %eq3A_1188 = arith.cmpf oeq, %get3A_1183, %broadcast_in_dim3A_813 : vector<16xf32>
      %jit3A_1189 = arith.constant 2147483647 : i32
      %broadcast_in_dim3A_1190 = vector.broadcast %jit3A_1189 : i32 to vector<16xi32>
      %select_n3A_1191 = arith.select %eq3A_1188, %get3A_1187, %broadcast_in_dim3A_1190 : vector<16xi1>, vector<16xi32>
      %min3A_1192 = arith.minsi %while3A_1180, %select_n3A_1191 : vector<16xi32>
      scf.yield %min3A_1192 : vector<16xi32>
    }
    %while3A_825 = arith.constant 1 : i32
    %while3A_826 = scf.for %while3A_1179 = %while3A_822 to %while3A_818 step %while3A_825 iter_args(%while3A_1180 = %while3A_824) -> (vector<16xi32>)  : i32 {
      %mul3A_1181 = arith.constant 16 : i32
      %mul3A_1182 = arith.muli %while3A_1179, %mul3A_1181 : i32
      %get3A = arith.index_cast %mul3A_1182 : i32 to index
      %get3A_1183 = tpu.vector_load %arg8[%get3A] {strides = array<i32>} : memref<16384xf32, #tpu.memory_space<vmem>>, vector<16xf32>,
      %mul3A_1184 = arith.constant 16 : i32
      %mul3A_1185 = arith.muli %while3A_1179, %mul3A_1184 : i32
      %get3A_1186 = arith.index_cast %mul3A_1185 : i32 to index
      %get3A_1187 = tpu.vector_load %arg9[%get3A_1186] {strides = array<i32>} : memref<16384xi32, #tpu.memory_space<vmem>>, vector<16xi32>,
      %eq3A_1188 = arith.cmpf oeq, %get3A_1183, %broadcast_in_dim3A_813 : vector<16xf32>
      %jit3A_1189 = arith.constant 2147483647 : i32
      %broadcast_in_dim3A_1190 = vector.broadcast %jit3A_1189 : i32 to vector<16xi32>
      %select_n3A_1191 = arith.select %eq3A_1188, %get3A_1187, %broadcast_in_dim3A_1190 : vector<16xi1>, vector<16xi32>
      %min3A_1192 = arith.minsi %while3A_1180, %select_n3A_1191 : vector<16xi32>
      scf.yield %min3A_1192 : vector<16xi32>
    }
    %neg3A_827 = arith.constant 0 : i32
    %neg3A_828 = vector.broadcast %neg3A_827 : i32 to vector<16xi32>
    %neg3A_829 = arith.subi %neg3A_828, %while3A_826 : vector<16xi32>
    %reduce_max3A_830 = arith.constant true
    %reduce_max3A_831 = vector.broadcast %reduce_max3A_830 : i1 to vector<16xi1>
    %reduce_max3A_832 = arith.constant -2147483648 : i32
    %reduce_max3A_833 = vector.broadcast %reduce_max3A_832 : i32 to vector<16xi32>
    %reduce_max3A_834 = arith.xori %neg3A_829, %reduce_max3A_833 : vector<16xi32>
    %reduce_max3A_835 = tpu.scan <max>, %reduce_max3A_834 masked %reduce_max3A_831 : vector<16xi32>, vector<16xi1> -> vector<16xi32>
    %reduce_max3A_836 = arith.xori %reduce_max3A_835, %reduce_max3A_833 : vector<16xi32>
    %reduce_max3A_837 = vector.extract %reduce_max3A_836[15] : i32 from vector<16xi32>
    %neg3A_838 = arith.constant 0 : i32
    %neg3A_839 = arith.subi %neg3A_838, %reduce_max3A_837 : i32
    %broadcast_in_dim3A_840 = vector.broadcast %neg3A_839 : i32 to vector<16xi32>
    %while3A_841 = arith.constant 0 : i32
    %while3A_842 = arith.constant 0 : i32
    %while3A_843 = arith.subi %min3A_160, %while3A_841 : i32
    %while3A_844 = arith.addi %while3A_841, %while3A_843 : i32
    %while3A_845 = arith.constant 1 : i32
    %while3A_846 = arith.divsi %while3A_843, %while3A_845 : i32
    %while3A_847 = arith.muli %while3A_846, %while3A_845 : i32
    %while3A_848 = arith.addi %while3A_841, %while3A_847 : i32
    %while3A_849 = arith.constant 1 : i32
    %while3A_850 = scf.for %while3A_1179 = %while3A_841 to %while3A_848 step %while3A_849 iter_args(%while3A_1180 = %while3A_842) -> (i32)  : i32 {
      %mul3A_1181 = arith.constant 16 : i32
      %mul3A_1182 = arith.muli %while3A_1179, %mul3A_1181 : i32
      %get3A = arith.index_cast %mul3A_1182 : i32 to index
      %get3A_1183 = tpu.vector_load %arg8[%get3A] {strides = array<i32>} : memref<16384xf32, #tpu.memory_space<vmem>>, vector<16xf32>,
      %mul3A_1184 = arith.constant 16 : i32
      %mul3A_1185 = arith.muli %while3A_1179, %mul3A_1184 : i32
      %get3A_1186 = arith.index_cast %mul3A_1185 : i32 to index
      %get3A_1187 = tpu.vector_load %arg9[%get3A_1186] {strides = array<i32>} : memref<16384xi32, #tpu.memory_space<vmem>>, vector<16xi32>,
      %eq3A_1188 = arith.cmpi eq, %get3A_1187, %broadcast_in_dim3A_840 : vector<16xi32>
      %select_n3A_1189 = arith.select %eq3A_1188, %broadcast_in_dim3A_1, %get3A_1183 : vector<16xi1>, vector<16xf32>
      %mul3A_1190 = arith.constant 16 : i32
      %mul3A_1191 = arith.muli %while3A_1179, %mul3A_1190 : i32
      %swap3A_1192 = arith.index_cast %mul3A_1191 : i32 to index
      %swap3A_1193 = tpu.vector_load %arg8[%swap3A_1192] {strides = array<i32>} : memref<16384xf32, #tpu.memory_space<vmem>>, vector<16xf32>,
      tpu.vector_store %arg8[%swap3A_1192], %select_n3A_1189 {strides = array<i32>} : memref<16384xf32, #tpu.memory_space<vmem>>, vector<16xf32>,
      %while3A_1194 = arith.constant 0 : i32
      scf.yield %while3A_1194 : i32
    }
    %while3A_851 = arith.constant 1 : i32
    %while3A_852 = scf.for %while3A_1179 = %while3A_848 to %while3A_844 step %while3A_851 iter_args(%while3A_1180 = %while3A_850) -> (i32)  : i32 {
      %mul3A_1181 = arith.constant 16 : i32
      %mul3A_1182 = arith.muli %while3A_1179, %mul3A_1181 : i32
      %get3A = arith.index_cast %mul3A_1182 : i32 to index
      %get3A_1183 = tpu.vector_load %arg8[%get3A] {strides = array<i32>} : memref<16384xf32, #tpu.memory_space<vmem>>, vector<16xf32>,
      %mul3A_1184 = arith.constant 16 : i32
      %mul3A_1185 = arith.muli %while3A_1179, %mul3A_1184 : i32
      %get3A_1186 = arith.index_cast %mul3A_1185 : i32 to index
      %get3A_1187 = tpu.vector_load %arg9[%get3A_1186] {strides = array<i32>} : memref<16384xi32, #tpu.memory_space<vmem>>, vector<16xi32>,
      %eq3A_1188 = arith.cmpi eq, %get3A_1187, %broadcast_in_dim3A_840 : vector<16xi32>
      %select_n3A_1189 = arith.select %eq3A_1188, %broadcast_in_dim3A_1, %get3A_1183 : vector<16xi1>, vector<16xf32>
      %mul3A_1190 = arith.constant 16 : i32
      %mul3A_1191 = arith.muli %while3A_1179, %mul3A_1190 : i32
      %swap3A_1192 = arith.index_cast %mul3A_1191 : i32 to index
      %swap3A_1193 = tpu.vector_load %arg8[%swap3A_1192] {strides = array<i32>} : memref<16384xf32, #tpu.memory_space<vmem>>, vector<16xf32>,
      tpu.vector_store %arg8[%swap3A_1192], %select_n3A_1189 {strides = array<i32>} : memref<16384xf32, #tpu.memory_space<vmem>>, vector<16xf32>,
      %while3A_1194 = arith.constant 0 : i32
      scf.yield %while3A_1194 : i32
    }
    %eq3A_853 = arith.constant 10 : i32
    %eq3A_854 = vector.broadcast %eq3A_853 : i32 to vector<16xi32>
    %eq3A_855 = arith.cmpi eq, %iota3A, %eq3A_854 : vector<16xi32>
    %select_n3A_856 = arith.select %eq3A_855, %broadcast_in_dim3A_813, %select_n3A_793 : vector<16xi1>, vector<16xf32>
    %eq3A_857 = arith.constant 10 : i32
    %eq3A_858 = vector.broadcast %eq3A_857 : i32 to vector<16xi32>
    %eq3A_859 = arith.cmpi eq, %iota3A, %eq3A_858 : vector<16xi32>
    %select_n3A_860 = arith.select %eq3A_859, %broadcast_in_dim3A_840, %select_n3A_797 : vector<16xi1>, vector<16xi32>
    %while3A_861 = arith.constant 0 : i32
    %while3A_862 = arith.subi %min3A_160, %while3A_861 : i32
    %while3A_863 = arith.addi %while3A_861, %while3A_862 : i32
    %while3A_864 = arith.constant 1 : i32
    %while3A_865 = arith.divsi %while3A_862, %while3A_864 : i32
    %while3A_866 = arith.muli %while3A_865, %while3A_864 : i32
    %while3A_867 = arith.addi %while3A_861, %while3A_866 : i32
    %while3A_868 = arith.constant 1 : i32
    %while3A_869 = scf.for %while3A_1179 = %while3A_861 to %while3A_867 step %while3A_868 iter_args(%while3A_1180 = %broadcast_in_dim3A_1) -> (vector<16xf32>)  : i32 {
      %mul3A_1181 = arith.constant 16 : i32
      %mul3A_1182 = arith.muli %while3A_1179, %mul3A_1181 : i32
      %get3A = arith.index_cast %mul3A_1182 : i32 to index
      %get3A_1183 = tpu.vector_load %arg8[%get3A] {strides = array<i32>} : memref<16384xf32, #tpu.memory_space<vmem>>, vector<16xf32>,
      %max3A = arith.maximumf %while3A_1180, %get3A_1183 : vector<16xf32>
      scf.yield %max3A : vector<16xf32>
    }
    %while3A_870 = arith.constant 1 : i32
    %while3A_871 = scf.for %while3A_1179 = %while3A_867 to %while3A_863 step %while3A_870 iter_args(%while3A_1180 = %while3A_869) -> (vector<16xf32>)  : i32 {
      %mul3A_1181 = arith.constant 16 : i32
      %mul3A_1182 = arith.muli %while3A_1179, %mul3A_1181 : i32
      %get3A = arith.index_cast %mul3A_1182 : i32 to index
      %get3A_1183 = tpu.vector_load %arg8[%get3A] {strides = array<i32>} : memref<16384xf32, #tpu.memory_space<vmem>>, vector<16xf32>,
      %max3A = arith.maximumf %while3A_1180, %get3A_1183 : vector<16xf32>
      scf.yield %max3A : vector<16xf32>
    }
    %reduce_max3A_872 = arith.constant true
    %reduce_max3A_873 = vector.broadcast %reduce_max3A_872 : i1 to vector<16xi1>
    %reduce_max3A_874 = tpu.scan <max>, %while3A_871 masked %reduce_max3A_873 : vector<16xf32>, vector<16xi1> -> vector<16xf32>
    %reduce_max3A_875 = vector.extract %reduce_max3A_874[15] : f32 from vector<16xf32>
    %broadcast_in_dim3A_876 = vector.broadcast %reduce_max3A_875 : f32 to vector<16xf32>
    %broadcast_in_dim3A_877 = arith.constant 2147483647 : i32
    %broadcast_in_dim3A_878 = vector.broadcast %broadcast_in_dim3A_877 : i32 to vector<16xi32>
    %while3A_879 = arith.constant 0 : i32
    %while3A_880 = arith.subi %min3A_160, %while3A_879 : i32
    %while3A_881 = arith.addi %while3A_879, %while3A_880 : i32
    %while3A_882 = arith.constant 1 : i32
    %while3A_883 = arith.divsi %while3A_880, %while3A_882 : i32
    %while3A_884 = arith.muli %while3A_883, %while3A_882 : i32
    %while3A_885 = arith.addi %while3A_879, %while3A_884 : i32
    %while3A_886 = arith.constant 1 : i32
    %while3A_887 = scf.for %while3A_1179 = %while3A_879 to %while3A_885 step %while3A_886 iter_args(%while3A_1180 = %broadcast_in_dim3A_878) -> (vector<16xi32>)  : i32 {
      %mul3A_1181 = arith.constant 16 : i32
      %mul3A_1182 = arith.muli %while3A_1179, %mul3A_1181 : i32
      %get3A = arith.index_cast %mul3A_1182 : i32 to index
      %get3A_1183 = tpu.vector_load %arg8[%get3A] {strides = array<i32>} : memref<16384xf32, #tpu.memory_space<vmem>>, vector<16xf32>,
      %mul3A_1184 = arith.constant 16 : i32
      %mul3A_1185 = arith.muli %while3A_1179, %mul3A_1184 : i32
      %get3A_1186 = arith.index_cast %mul3A_1185 : i32 to index
      %get3A_1187 = tpu.vector_load %arg9[%get3A_1186] {strides = array<i32>} : memref<16384xi32, #tpu.memory_space<vmem>>, vector<16xi32>,
      %eq3A_1188 = arith.cmpf oeq, %get3A_1183, %broadcast_in_dim3A_876 : vector<16xf32>
      %jit3A_1189 = arith.constant 2147483647 : i32
      %broadcast_in_dim3A_1190 = vector.broadcast %jit3A_1189 : i32 to vector<16xi32>
      %select_n3A_1191 = arith.select %eq3A_1188, %get3A_1187, %broadcast_in_dim3A_1190 : vector<16xi1>, vector<16xi32>
      %min3A_1192 = arith.minsi %while3A_1180, %select_n3A_1191 : vector<16xi32>
      scf.yield %min3A_1192 : vector<16xi32>
    }
    %while3A_888 = arith.constant 1 : i32
    %while3A_889 = scf.for %while3A_1179 = %while3A_885 to %while3A_881 step %while3A_888 iter_args(%while3A_1180 = %while3A_887) -> (vector<16xi32>)  : i32 {
      %mul3A_1181 = arith.constant 16 : i32
      %mul3A_1182 = arith.muli %while3A_1179, %mul3A_1181 : i32
      %get3A = arith.index_cast %mul3A_1182 : i32 to index
      %get3A_1183 = tpu.vector_load %arg8[%get3A] {strides = array<i32>} : memref<16384xf32, #tpu.memory_space<vmem>>, vector<16xf32>,
      %mul3A_1184 = arith.constant 16 : i32
      %mul3A_1185 = arith.muli %while3A_1179, %mul3A_1184 : i32
      %get3A_1186 = arith.index_cast %mul3A_1185 : i32 to index
      %get3A_1187 = tpu.vector_load %arg9[%get3A_1186] {strides = array<i32>} : memref<16384xi32, #tpu.memory_space<vmem>>, vector<16xi32>,
      %eq3A_1188 = arith.cmpf oeq, %get3A_1183, %broadcast_in_dim3A_876 : vector<16xf32>
      %jit3A_1189 = arith.constant 2147483647 : i32
      %broadcast_in_dim3A_1190 = vector.broadcast %jit3A_1189 : i32 to vector<16xi32>
      %select_n3A_1191 = arith.select %eq3A_1188, %get3A_1187, %broadcast_in_dim3A_1190 : vector<16xi1>, vector<16xi32>
      %min3A_1192 = arith.minsi %while3A_1180, %select_n3A_1191 : vector<16xi32>
      scf.yield %min3A_1192 : vector<16xi32>
    }
    %neg3A_890 = arith.constant 0 : i32
    %neg3A_891 = vector.broadcast %neg3A_890 : i32 to vector<16xi32>
    %neg3A_892 = arith.subi %neg3A_891, %while3A_889 : vector<16xi32>
    %reduce_max3A_893 = arith.constant true
    %reduce_max3A_894 = vector.broadcast %reduce_max3A_893 : i1 to vector<16xi1>
    %reduce_max3A_895 = arith.constant -2147483648 : i32
    %reduce_max3A_896 = vector.broadcast %reduce_max3A_895 : i32 to vector<16xi32>
    %reduce_max3A_897 = arith.xori %neg3A_892, %reduce_max3A_896 : vector<16xi32>
    %reduce_max3A_898 = tpu.scan <max>, %reduce_max3A_897 masked %reduce_max3A_894 : vector<16xi32>, vector<16xi1> -> vector<16xi32>
    %reduce_max3A_899 = arith.xori %reduce_max3A_898, %reduce_max3A_896 : vector<16xi32>
    %reduce_max3A_900 = vector.extract %reduce_max3A_899[15] : i32 from vector<16xi32>
    %neg3A_901 = arith.constant 0 : i32
    %neg3A_902 = arith.subi %neg3A_901, %reduce_max3A_900 : i32
    %broadcast_in_dim3A_903 = vector.broadcast %neg3A_902 : i32 to vector<16xi32>
    %while3A_904 = arith.constant 0 : i32
    %while3A_905 = arith.constant 0 : i32
    %while3A_906 = arith.subi %min3A_160, %while3A_904 : i32
    %while3A_907 = arith.addi %while3A_904, %while3A_906 : i32
    %while3A_908 = arith.constant 1 : i32
    %while3A_909 = arith.divsi %while3A_906, %while3A_908 : i32
    %while3A_910 = arith.muli %while3A_909, %while3A_908 : i32
    %while3A_911 = arith.addi %while3A_904, %while3A_910 : i32
    %while3A_912 = arith.constant 1 : i32
    %while3A_913 = scf.for %while3A_1179 = %while3A_904 to %while3A_911 step %while3A_912 iter_args(%while3A_1180 = %while3A_905) -> (i32)  : i32 {
      %mul3A_1181 = arith.constant 16 : i32
      %mul3A_1182 = arith.muli %while3A_1179, %mul3A_1181 : i32
      %get3A = arith.index_cast %mul3A_1182 : i32 to index
      %get3A_1183 = tpu.vector_load %arg8[%get3A] {strides = array<i32>} : memref<16384xf32, #tpu.memory_space<vmem>>, vector<16xf32>,
      %mul3A_1184 = arith.constant 16 : i32
      %mul3A_1185 = arith.muli %while3A_1179, %mul3A_1184 : i32
      %get3A_1186 = arith.index_cast %mul3A_1185 : i32 to index
      %get3A_1187 = tpu.vector_load %arg9[%get3A_1186] {strides = array<i32>} : memref<16384xi32, #tpu.memory_space<vmem>>, vector<16xi32>,
      %eq3A_1188 = arith.cmpi eq, %get3A_1187, %broadcast_in_dim3A_903 : vector<16xi32>
      %select_n3A_1189 = arith.select %eq3A_1188, %broadcast_in_dim3A_1, %get3A_1183 : vector<16xi1>, vector<16xf32>
      %mul3A_1190 = arith.constant 16 : i32
      %mul3A_1191 = arith.muli %while3A_1179, %mul3A_1190 : i32
      %swap3A_1192 = arith.index_cast %mul3A_1191 : i32 to index
      %swap3A_1193 = tpu.vector_load %arg8[%swap3A_1192] {strides = array<i32>} : memref<16384xf32, #tpu.memory_space<vmem>>, vector<16xf32>,
      tpu.vector_store %arg8[%swap3A_1192], %select_n3A_1189 {strides = array<i32>} : memref<16384xf32, #tpu.memory_space<vmem>>, vector<16xf32>,
      %while3A_1194 = arith.constant 0 : i32
      scf.yield %while3A_1194 : i32
    }
    %while3A_914 = arith.constant 1 : i32
    %while3A_915 = scf.for %while3A_1179 = %while3A_911 to %while3A_907 step %while3A_914 iter_args(%while3A_1180 = %while3A_913) -> (i32)  : i32 {
      %mul3A_1181 = arith.constant 16 : i32
      %mul3A_1182 = arith.muli %while3A_1179, %mul3A_1181 : i32
      %get3A = arith.index_cast %mul3A_1182 : i32 to index
      %get3A_1183 = tpu.vector_load %arg8[%get3A] {strides = array<i32>} : memref<16384xf32, #tpu.memory_space<vmem>>, vector<16xf32>,
      %mul3A_1184 = arith.constant 16 : i32
      %mul3A_1185 = arith.muli %while3A_1179, %mul3A_1184 : i32
      %get3A_1186 = arith.index_cast %mul3A_1185 : i32 to index
      %get3A_1187 = tpu.vector_load %arg9[%get3A_1186] {strides = array<i32>} : memref<16384xi32, #tpu.memory_space<vmem>>, vector<16xi32>,
      %eq3A_1188 = arith.cmpi eq, %get3A_1187, %broadcast_in_dim3A_903 : vector<16xi32>
      %select_n3A_1189 = arith.select %eq3A_1188, %broadcast_in_dim3A_1, %get3A_1183 : vector<16xi1>, vector<16xf32>
      %mul3A_1190 = arith.constant 16 : i32
      %mul3A_1191 = arith.muli %while3A_1179, %mul3A_1190 : i32
      %swap3A_1192 = arith.index_cast %mul3A_1191 : i32 to index
      %swap3A_1193 = tpu.vector_load %arg8[%swap3A_1192] {strides = array<i32>} : memref<16384xf32, #tpu.memory_space<vmem>>, vector<16xf32>,
      tpu.vector_store %arg8[%swap3A_1192], %select_n3A_1189 {strides = array<i32>} : memref<16384xf32, #tpu.memory_space<vmem>>, vector<16xf32>,
      %while3A_1194 = arith.constant 0 : i32
      scf.yield %while3A_1194 : i32
    }
    %eq3A_916 = arith.constant 11 : i32
    %eq3A_917 = vector.broadcast %eq3A_916 : i32 to vector<16xi32>
    %eq3A_918 = arith.cmpi eq, %iota3A, %eq3A_917 : vector<16xi32>
    %select_n3A_919 = arith.select %eq3A_918, %broadcast_in_dim3A_876, %select_n3A_856 : vector<16xi1>, vector<16xf32>
    %eq3A_920 = arith.constant 11 : i32
    %eq3A_921 = vector.broadcast %eq3A_920 : i32 to vector<16xi32>
    %eq3A_922 = arith.cmpi eq, %iota3A, %eq3A_921 : vector<16xi32>
    %select_n3A_923 = arith.select %eq3A_922, %broadcast_in_dim3A_903, %select_n3A_860 : vector<16xi1>, vector<16xi32>
    %while3A_924 = arith.constant 0 : i32
    %while3A_925 = arith.subi %min3A_160, %while3A_924 : i32
    %while3A_926 = arith.addi %while3A_924, %while3A_925 : i32
    %while3A_927 = arith.constant 1 : i32
    %while3A_928 = arith.divsi %while3A_925, %while3A_927 : i32
    %while3A_929 = arith.muli %while3A_928, %while3A_927 : i32
    %while3A_930 = arith.addi %while3A_924, %while3A_929 : i32
    %while3A_931 = arith.constant 1 : i32
    %while3A_932 = scf.for %while3A_1179 = %while3A_924 to %while3A_930 step %while3A_931 iter_args(%while3A_1180 = %broadcast_in_dim3A_1) -> (vector<16xf32>)  : i32 {
      %mul3A_1181 = arith.constant 16 : i32
      %mul3A_1182 = arith.muli %while3A_1179, %mul3A_1181 : i32
      %get3A = arith.index_cast %mul3A_1182 : i32 to index
      %get3A_1183 = tpu.vector_load %arg8[%get3A] {strides = array<i32>} : memref<16384xf32, #tpu.memory_space<vmem>>, vector<16xf32>,
      %max3A = arith.maximumf %while3A_1180, %get3A_1183 : vector<16xf32>
      scf.yield %max3A : vector<16xf32>
    }
    %while3A_933 = arith.constant 1 : i32
    %while3A_934 = scf.for %while3A_1179 = %while3A_930 to %while3A_926 step %while3A_933 iter_args(%while3A_1180 = %while3A_932) -> (vector<16xf32>)  : i32 {
      %mul3A_1181 = arith.constant 16 : i32
      %mul3A_1182 = arith.muli %while3A_1179, %mul3A_1181 : i32
      %get3A = arith.index_cast %mul3A_1182 : i32 to index
      %get3A_1183 = tpu.vector_load %arg8[%get3A] {strides = array<i32>} : memref<16384xf32, #tpu.memory_space<vmem>>, vector<16xf32>,
      %max3A = arith.maximumf %while3A_1180, %get3A_1183 : vector<16xf32>
      scf.yield %max3A : vector<16xf32>
    }
    %reduce_max3A_935 = arith.constant true
    %reduce_max3A_936 = vector.broadcast %reduce_max3A_935 : i1 to vector<16xi1>
    %reduce_max3A_937 = tpu.scan <max>, %while3A_934 masked %reduce_max3A_936 : vector<16xf32>, vector<16xi1> -> vector<16xf32>
    %reduce_max3A_938 = vector.extract %reduce_max3A_937[15] : f32 from vector<16xf32>
    %broadcast_in_dim3A_939 = vector.broadcast %reduce_max3A_938 : f32 to vector<16xf32>
    %broadcast_in_dim3A_940 = arith.constant 2147483647 : i32
    %broadcast_in_dim3A_941 = vector.broadcast %broadcast_in_dim3A_940 : i32 to vector<16xi32>
    %while3A_942 = arith.constant 0 : i32
    %while3A_943 = arith.subi %min3A_160, %while3A_942 : i32
    %while3A_944 = arith.addi %while3A_942, %while3A_943 : i32
    %while3A_945 = arith.constant 1 : i32
    %while3A_946 = arith.divsi %while3A_943, %while3A_945 : i32
    %while3A_947 = arith.muli %while3A_946, %while3A_945 : i32
    %while3A_948 = arith.addi %while3A_942, %while3A_947 : i32
    %while3A_949 = arith.constant 1 : i32
    %while3A_950 = scf.for %while3A_1179 = %while3A_942 to %while3A_948 step %while3A_949 iter_args(%while3A_1180 = %broadcast_in_dim3A_941) -> (vector<16xi32>)  : i32 {
      %mul3A_1181 = arith.constant 16 : i32
      %mul3A_1182 = arith.muli %while3A_1179, %mul3A_1181 : i32
      %get3A = arith.index_cast %mul3A_1182 : i32 to index
      %get3A_1183 = tpu.vector_load %arg8[%get3A] {strides = array<i32>} : memref<16384xf32, #tpu.memory_space<vmem>>, vector<16xf32>,
      %mul3A_1184 = arith.constant 16 : i32
      %mul3A_1185 = arith.muli %while3A_1179, %mul3A_1184 : i32
      %get3A_1186 = arith.index_cast %mul3A_1185 : i32 to index
      %get3A_1187 = tpu.vector_load %arg9[%get3A_1186] {strides = array<i32>} : memref<16384xi32, #tpu.memory_space<vmem>>, vector<16xi32>,
      %eq3A_1188 = arith.cmpf oeq, %get3A_1183, %broadcast_in_dim3A_939 : vector<16xf32>
      %jit3A_1189 = arith.constant 2147483647 : i32
      %broadcast_in_dim3A_1190 = vector.broadcast %jit3A_1189 : i32 to vector<16xi32>
      %select_n3A_1191 = arith.select %eq3A_1188, %get3A_1187, %broadcast_in_dim3A_1190 : vector<16xi1>, vector<16xi32>
      %min3A_1192 = arith.minsi %while3A_1180, %select_n3A_1191 : vector<16xi32>
      scf.yield %min3A_1192 : vector<16xi32>
    }
    %while3A_951 = arith.constant 1 : i32
    %while3A_952 = scf.for %while3A_1179 = %while3A_948 to %while3A_944 step %while3A_951 iter_args(%while3A_1180 = %while3A_950) -> (vector<16xi32>)  : i32 {
      %mul3A_1181 = arith.constant 16 : i32
      %mul3A_1182 = arith.muli %while3A_1179, %mul3A_1181 : i32
      %get3A = arith.index_cast %mul3A_1182 : i32 to index
      %get3A_1183 = tpu.vector_load %arg8[%get3A] {strides = array<i32>} : memref<16384xf32, #tpu.memory_space<vmem>>, vector<16xf32>,
      %mul3A_1184 = arith.constant 16 : i32
      %mul3A_1185 = arith.muli %while3A_1179, %mul3A_1184 : i32
      %get3A_1186 = arith.index_cast %mul3A_1185 : i32 to index
      %get3A_1187 = tpu.vector_load %arg9[%get3A_1186] {strides = array<i32>} : memref<16384xi32, #tpu.memory_space<vmem>>, vector<16xi32>,
      %eq3A_1188 = arith.cmpf oeq, %get3A_1183, %broadcast_in_dim3A_939 : vector<16xf32>
      %jit3A_1189 = arith.constant 2147483647 : i32
      %broadcast_in_dim3A_1190 = vector.broadcast %jit3A_1189 : i32 to vector<16xi32>
      %select_n3A_1191 = arith.select %eq3A_1188, %get3A_1187, %broadcast_in_dim3A_1190 : vector<16xi1>, vector<16xi32>
      %min3A_1192 = arith.minsi %while3A_1180, %select_n3A_1191 : vector<16xi32>
      scf.yield %min3A_1192 : vector<16xi32>
    }
    %neg3A_953 = arith.constant 0 : i32
    %neg3A_954 = vector.broadcast %neg3A_953 : i32 to vector<16xi32>
    %neg3A_955 = arith.subi %neg3A_954, %while3A_952 : vector<16xi32>
    %reduce_max3A_956 = arith.constant true
    %reduce_max3A_957 = vector.broadcast %reduce_max3A_956 : i1 to vector<16xi1>
    %reduce_max3A_958 = arith.constant -2147483648 : i32
    %reduce_max3A_959 = vector.broadcast %reduce_max3A_958 : i32 to vector<16xi32>
    %reduce_max3A_960 = arith.xori %neg3A_955, %reduce_max3A_959 : vector<16xi32>
    %reduce_max3A_961 = tpu.scan <max>, %reduce_max3A_960 masked %reduce_max3A_957 : vector<16xi32>, vector<16xi1> -> vector<16xi32>
    %reduce_max3A_962 = arith.xori %reduce_max3A_961, %reduce_max3A_959 : vector<16xi32>
    %reduce_max3A_963 = vector.extract %reduce_max3A_962[15] : i32 from vector<16xi32>
    %neg3A_964 = arith.constant 0 : i32
    %neg3A_965 = arith.subi %neg3A_964, %reduce_max3A_963 : i32
    %broadcast_in_dim3A_966 = vector.broadcast %neg3A_965 : i32 to vector<16xi32>
    %while3A_967 = arith.constant 0 : i32
    %while3A_968 = arith.constant 0 : i32
    %while3A_969 = arith.subi %min3A_160, %while3A_967 : i32
    %while3A_970 = arith.addi %while3A_967, %while3A_969 : i32
    %while3A_971 = arith.constant 1 : i32
    %while3A_972 = arith.divsi %while3A_969, %while3A_971 : i32
    %while3A_973 = arith.muli %while3A_972, %while3A_971 : i32
    %while3A_974 = arith.addi %while3A_967, %while3A_973 : i32
    %while3A_975 = arith.constant 1 : i32
    %while3A_976 = scf.for %while3A_1179 = %while3A_967 to %while3A_974 step %while3A_975 iter_args(%while3A_1180 = %while3A_968) -> (i32)  : i32 {
      %mul3A_1181 = arith.constant 16 : i32
      %mul3A_1182 = arith.muli %while3A_1179, %mul3A_1181 : i32
      %get3A = arith.index_cast %mul3A_1182 : i32 to index
      %get3A_1183 = tpu.vector_load %arg8[%get3A] {strides = array<i32>} : memref<16384xf32, #tpu.memory_space<vmem>>, vector<16xf32>,
      %mul3A_1184 = arith.constant 16 : i32
      %mul3A_1185 = arith.muli %while3A_1179, %mul3A_1184 : i32
      %get3A_1186 = arith.index_cast %mul3A_1185 : i32 to index
      %get3A_1187 = tpu.vector_load %arg9[%get3A_1186] {strides = array<i32>} : memref<16384xi32, #tpu.memory_space<vmem>>, vector<16xi32>,
      %eq3A_1188 = arith.cmpi eq, %get3A_1187, %broadcast_in_dim3A_966 : vector<16xi32>
      %select_n3A_1189 = arith.select %eq3A_1188, %broadcast_in_dim3A_1, %get3A_1183 : vector<16xi1>, vector<16xf32>
      %mul3A_1190 = arith.constant 16 : i32
      %mul3A_1191 = arith.muli %while3A_1179, %mul3A_1190 : i32
      %swap3A_1192 = arith.index_cast %mul3A_1191 : i32 to index
      %swap3A_1193 = tpu.vector_load %arg8[%swap3A_1192] {strides = array<i32>} : memref<16384xf32, #tpu.memory_space<vmem>>, vector<16xf32>,
      tpu.vector_store %arg8[%swap3A_1192], %select_n3A_1189 {strides = array<i32>} : memref<16384xf32, #tpu.memory_space<vmem>>, vector<16xf32>,
      %while3A_1194 = arith.constant 0 : i32
      scf.yield %while3A_1194 : i32
    }
    %while3A_977 = arith.constant 1 : i32
    %while3A_978 = scf.for %while3A_1179 = %while3A_974 to %while3A_970 step %while3A_977 iter_args(%while3A_1180 = %while3A_976) -> (i32)  : i32 {
      %mul3A_1181 = arith.constant 16 : i32
      %mul3A_1182 = arith.muli %while3A_1179, %mul3A_1181 : i32
      %get3A = arith.index_cast %mul3A_1182 : i32 to index
      %get3A_1183 = tpu.vector_load %arg8[%get3A] {strides = array<i32>} : memref<16384xf32, #tpu.memory_space<vmem>>, vector<16xf32>,
      %mul3A_1184 = arith.constant 16 : i32
      %mul3A_1185 = arith.muli %while3A_1179, %mul3A_1184 : i32
      %get3A_1186 = arith.index_cast %mul3A_1185 : i32 to index
      %get3A_1187 = tpu.vector_load %arg9[%get3A_1186] {strides = array<i32>} : memref<16384xi32, #tpu.memory_space<vmem>>, vector<16xi32>,
      %eq3A_1188 = arith.cmpi eq, %get3A_1187, %broadcast_in_dim3A_966 : vector<16xi32>
      %select_n3A_1189 = arith.select %eq3A_1188, %broadcast_in_dim3A_1, %get3A_1183 : vector<16xi1>, vector<16xf32>
      %mul3A_1190 = arith.constant 16 : i32
      %mul3A_1191 = arith.muli %while3A_1179, %mul3A_1190 : i32
      %swap3A_1192 = arith.index_cast %mul3A_1191 : i32 to index
      %swap3A_1193 = tpu.vector_load %arg8[%swap3A_1192] {strides = array<i32>} : memref<16384xf32, #tpu.memory_space<vmem>>, vector<16xf32>,
      tpu.vector_store %arg8[%swap3A_1192], %select_n3A_1189 {strides = array<i32>} : memref<16384xf32, #tpu.memory_space<vmem>>, vector<16xf32>,
      %while3A_1194 = arith.constant 0 : i32
      scf.yield %while3A_1194 : i32
    }
    %eq3A_979 = arith.constant 12 : i32
    %eq3A_980 = vector.broadcast %eq3A_979 : i32 to vector<16xi32>
    %eq3A_981 = arith.cmpi eq, %iota3A, %eq3A_980 : vector<16xi32>
    %select_n3A_982 = arith.select %eq3A_981, %broadcast_in_dim3A_939, %select_n3A_919 : vector<16xi1>, vector<16xf32>
    %eq3A_983 = arith.constant 12 : i32
    %eq3A_984 = vector.broadcast %eq3A_983 : i32 to vector<16xi32>
    %eq3A_985 = arith.cmpi eq, %iota3A, %eq3A_984 : vector<16xi32>
    %select_n3A_986 = arith.select %eq3A_985, %broadcast_in_dim3A_966, %select_n3A_923 : vector<16xi1>, vector<16xi32>
    %while3A_987 = arith.constant 0 : i32
    %while3A_988 = arith.subi %min3A_160, %while3A_987 : i32
    %while3A_989 = arith.addi %while3A_987, %while3A_988 : i32
    %while3A_990 = arith.constant 1 : i32
    %while3A_991 = arith.divsi %while3A_988, %while3A_990 : i32
    %while3A_992 = arith.muli %while3A_991, %while3A_990 : i32
    %while3A_993 = arith.addi %while3A_987, %while3A_992 : i32
    %while3A_994 = arith.constant 1 : i32
    %while3A_995 = scf.for %while3A_1179 = %while3A_987 to %while3A_993 step %while3A_994 iter_args(%while3A_1180 = %broadcast_in_dim3A_1) -> (vector<16xf32>)  : i32 {
      %mul3A_1181 = arith.constant 16 : i32
      %mul3A_1182 = arith.muli %while3A_1179, %mul3A_1181 : i32
      %get3A = arith.index_cast %mul3A_1182 : i32 to index
      %get3A_1183 = tpu.vector_load %arg8[%get3A] {strides = array<i32>} : memref<16384xf32, #tpu.memory_space<vmem>>, vector<16xf32>,
      %max3A = arith.maximumf %while3A_1180, %get3A_1183 : vector<16xf32>
      scf.yield %max3A : vector<16xf32>
    }
    %while3A_996 = arith.constant 1 : i32
    %while3A_997 = scf.for %while3A_1179 = %while3A_993 to %while3A_989 step %while3A_996 iter_args(%while3A_1180 = %while3A_995) -> (vector<16xf32>)  : i32 {
      %mul3A_1181 = arith.constant 16 : i32
      %mul3A_1182 = arith.muli %while3A_1179, %mul3A_1181 : i32
      %get3A = arith.index_cast %mul3A_1182 : i32 to index
      %get3A_1183 = tpu.vector_load %arg8[%get3A] {strides = array<i32>} : memref<16384xf32, #tpu.memory_space<vmem>>, vector<16xf32>,
      %max3A = arith.maximumf %while3A_1180, %get3A_1183 : vector<16xf32>
      scf.yield %max3A : vector<16xf32>
    }
    %reduce_max3A_998 = arith.constant true
    %reduce_max3A_999 = vector.broadcast %reduce_max3A_998 : i1 to vector<16xi1>
    %reduce_max3A_1000 = tpu.scan <max>, %while3A_997 masked %reduce_max3A_999 : vector<16xf32>, vector<16xi1> -> vector<16xf32>
    %reduce_max3A_1001 = vector.extract %reduce_max3A_1000[15] : f32 from vector<16xf32>
    %broadcast_in_dim3A_1002 = vector.broadcast %reduce_max3A_1001 : f32 to vector<16xf32>
    %broadcast_in_dim3A_1003 = arith.constant 2147483647 : i32
    %broadcast_in_dim3A_1004 = vector.broadcast %broadcast_in_dim3A_1003 : i32 to vector<16xi32>
    %while3A_1005 = arith.constant 0 : i32
    %while3A_1006 = arith.subi %min3A_160, %while3A_1005 : i32
    %while3A_1007 = arith.addi %while3A_1005, %while3A_1006 : i32
    %while3A_1008 = arith.constant 1 : i32
    %while3A_1009 = arith.divsi %while3A_1006, %while3A_1008 : i32
    %while3A_1010 = arith.muli %while3A_1009, %while3A_1008 : i32
    %while3A_1011 = arith.addi %while3A_1005, %while3A_1010 : i32
    %while3A_1012 = arith.constant 1 : i32
    %while3A_1013 = scf.for %while3A_1179 = %while3A_1005 to %while3A_1011 step %while3A_1012 iter_args(%while3A_1180 = %broadcast_in_dim3A_1004) -> (vector<16xi32>)  : i32 {
      %mul3A_1181 = arith.constant 16 : i32
      %mul3A_1182 = arith.muli %while3A_1179, %mul3A_1181 : i32
      %get3A = arith.index_cast %mul3A_1182 : i32 to index
      %get3A_1183 = tpu.vector_load %arg8[%get3A] {strides = array<i32>} : memref<16384xf32, #tpu.memory_space<vmem>>, vector<16xf32>,
      %mul3A_1184 = arith.constant 16 : i32
      %mul3A_1185 = arith.muli %while3A_1179, %mul3A_1184 : i32
      %get3A_1186 = arith.index_cast %mul3A_1185 : i32 to index
      %get3A_1187 = tpu.vector_load %arg9[%get3A_1186] {strides = array<i32>} : memref<16384xi32, #tpu.memory_space<vmem>>, vector<16xi32>,
      %eq3A_1188 = arith.cmpf oeq, %get3A_1183, %broadcast_in_dim3A_1002 : vector<16xf32>
      %jit3A_1189 = arith.constant 2147483647 : i32
      %broadcast_in_dim3A_1190 = vector.broadcast %jit3A_1189 : i32 to vector<16xi32>
      %select_n3A_1191 = arith.select %eq3A_1188, %get3A_1187, %broadcast_in_dim3A_1190 : vector<16xi1>, vector<16xi32>
      %min3A_1192 = arith.minsi %while3A_1180, %select_n3A_1191 : vector<16xi32>
      scf.yield %min3A_1192 : vector<16xi32>
    }
    %while3A_1014 = arith.constant 1 : i32
    %while3A_1015 = scf.for %while3A_1179 = %while3A_1011 to %while3A_1007 step %while3A_1014 iter_args(%while3A_1180 = %while3A_1013) -> (vector<16xi32>)  : i32 {
      %mul3A_1181 = arith.constant 16 : i32
      %mul3A_1182 = arith.muli %while3A_1179, %mul3A_1181 : i32
      %get3A = arith.index_cast %mul3A_1182 : i32 to index
      %get3A_1183 = tpu.vector_load %arg8[%get3A] {strides = array<i32>} : memref<16384xf32, #tpu.memory_space<vmem>>, vector<16xf32>,
      %mul3A_1184 = arith.constant 16 : i32
      %mul3A_1185 = arith.muli %while3A_1179, %mul3A_1184 : i32
      %get3A_1186 = arith.index_cast %mul3A_1185 : i32 to index
      %get3A_1187 = tpu.vector_load %arg9[%get3A_1186] {strides = array<i32>} : memref<16384xi32, #tpu.memory_space<vmem>>, vector<16xi32>,
      %eq3A_1188 = arith.cmpf oeq, %get3A_1183, %broadcast_in_dim3A_1002 : vector<16xf32>
      %jit3A_1189 = arith.constant 2147483647 : i32
      %broadcast_in_dim3A_1190 = vector.broadcast %jit3A_1189 : i32 to vector<16xi32>
      %select_n3A_1191 = arith.select %eq3A_1188, %get3A_1187, %broadcast_in_dim3A_1190 : vector<16xi1>, vector<16xi32>
      %min3A_1192 = arith.minsi %while3A_1180, %select_n3A_1191 : vector<16xi32>
      scf.yield %min3A_1192 : vector<16xi32>
    }
    %neg3A_1016 = arith.constant 0 : i32
    %neg3A_1017 = vector.broadcast %neg3A_1016 : i32 to vector<16xi32>
    %neg3A_1018 = arith.subi %neg3A_1017, %while3A_1015 : vector<16xi32>
    %reduce_max3A_1019 = arith.constant true
    %reduce_max3A_1020 = vector.broadcast %reduce_max3A_1019 : i1 to vector<16xi1>
    %reduce_max3A_1021 = arith.constant -2147483648 : i32
    %reduce_max3A_1022 = vector.broadcast %reduce_max3A_1021 : i32 to vector<16xi32>
    %reduce_max3A_1023 = arith.xori %neg3A_1018, %reduce_max3A_1022 : vector<16xi32>
    %reduce_max3A_1024 = tpu.scan <max>, %reduce_max3A_1023 masked %reduce_max3A_1020 : vector<16xi32>, vector<16xi1> -> vector<16xi32>
    %reduce_max3A_1025 = arith.xori %reduce_max3A_1024, %reduce_max3A_1022 : vector<16xi32>
    %reduce_max3A_1026 = vector.extract %reduce_max3A_1025[15] : i32 from vector<16xi32>
    %neg3A_1027 = arith.constant 0 : i32
    %neg3A_1028 = arith.subi %neg3A_1027, %reduce_max3A_1026 : i32
    %broadcast_in_dim3A_1029 = vector.broadcast %neg3A_1028 : i32 to vector<16xi32>
    %while3A_1030 = arith.constant 0 : i32
    %while3A_1031 = arith.constant 0 : i32
    %while3A_1032 = arith.subi %min3A_160, %while3A_1030 : i32
    %while3A_1033 = arith.addi %while3A_1030, %while3A_1032 : i32
    %while3A_1034 = arith.constant 1 : i32
    %while3A_1035 = arith.divsi %while3A_1032, %while3A_1034 : i32
    %while3A_1036 = arith.muli %while3A_1035, %while3A_1034 : i32
    %while3A_1037 = arith.addi %while3A_1030, %while3A_1036 : i32
    %while3A_1038 = arith.constant 1 : i32
    %while3A_1039 = scf.for %while3A_1179 = %while3A_1030 to %while3A_1037 step %while3A_1038 iter_args(%while3A_1180 = %while3A_1031) -> (i32)  : i32 {
      %mul3A_1181 = arith.constant 16 : i32
      %mul3A_1182 = arith.muli %while3A_1179, %mul3A_1181 : i32
      %get3A = arith.index_cast %mul3A_1182 : i32 to index
      %get3A_1183 = tpu.vector_load %arg8[%get3A] {strides = array<i32>} : memref<16384xf32, #tpu.memory_space<vmem>>, vector<16xf32>,
      %mul3A_1184 = arith.constant 16 : i32
      %mul3A_1185 = arith.muli %while3A_1179, %mul3A_1184 : i32
      %get3A_1186 = arith.index_cast %mul3A_1185 : i32 to index
      %get3A_1187 = tpu.vector_load %arg9[%get3A_1186] {strides = array<i32>} : memref<16384xi32, #tpu.memory_space<vmem>>, vector<16xi32>,
      %eq3A_1188 = arith.cmpi eq, %get3A_1187, %broadcast_in_dim3A_1029 : vector<16xi32>
      %select_n3A_1189 = arith.select %eq3A_1188, %broadcast_in_dim3A_1, %get3A_1183 : vector<16xi1>, vector<16xf32>
      %mul3A_1190 = arith.constant 16 : i32
      %mul3A_1191 = arith.muli %while3A_1179, %mul3A_1190 : i32
      %swap3A_1192 = arith.index_cast %mul3A_1191 : i32 to index
      %swap3A_1193 = tpu.vector_load %arg8[%swap3A_1192] {strides = array<i32>} : memref<16384xf32, #tpu.memory_space<vmem>>, vector<16xf32>,
      tpu.vector_store %arg8[%swap3A_1192], %select_n3A_1189 {strides = array<i32>} : memref<16384xf32, #tpu.memory_space<vmem>>, vector<16xf32>,
      %while3A_1194 = arith.constant 0 : i32
      scf.yield %while3A_1194 : i32
    }
    %while3A_1040 = arith.constant 1 : i32
    %while3A_1041 = scf.for %while3A_1179 = %while3A_1037 to %while3A_1033 step %while3A_1040 iter_args(%while3A_1180 = %while3A_1039) -> (i32)  : i32 {
      %mul3A_1181 = arith.constant 16 : i32
      %mul3A_1182 = arith.muli %while3A_1179, %mul3A_1181 : i32
      %get3A = arith.index_cast %mul3A_1182 : i32 to index
      %get3A_1183 = tpu.vector_load %arg8[%get3A] {strides = array<i32>} : memref<16384xf32, #tpu.memory_space<vmem>>, vector<16xf32>,
      %mul3A_1184 = arith.constant 16 : i32
      %mul3A_1185 = arith.muli %while3A_1179, %mul3A_1184 : i32
      %get3A_1186 = arith.index_cast %mul3A_1185 : i32 to index
      %get3A_1187 = tpu.vector_load %arg9[%get3A_1186] {strides = array<i32>} : memref<16384xi32, #tpu.memory_space<vmem>>, vector<16xi32>,
      %eq3A_1188 = arith.cmpi eq, %get3A_1187, %broadcast_in_dim3A_1029 : vector<16xi32>
      %select_n3A_1189 = arith.select %eq3A_1188, %broadcast_in_dim3A_1, %get3A_1183 : vector<16xi1>, vector<16xf32>
      %mul3A_1190 = arith.constant 16 : i32
      %mul3A_1191 = arith.muli %while3A_1179, %mul3A_1190 : i32
      %swap3A_1192 = arith.index_cast %mul3A_1191 : i32 to index
      %swap3A_1193 = tpu.vector_load %arg8[%swap3A_1192] {strides = array<i32>} : memref<16384xf32, #tpu.memory_space<vmem>>, vector<16xf32>,
      tpu.vector_store %arg8[%swap3A_1192], %select_n3A_1189 {strides = array<i32>} : memref<16384xf32, #tpu.memory_space<vmem>>, vector<16xf32>,
      %while3A_1194 = arith.constant 0 : i32
      scf.yield %while3A_1194 : i32
    }
    %eq3A_1042 = arith.constant 13 : i32
    %eq3A_1043 = vector.broadcast %eq3A_1042 : i32 to vector<16xi32>
    %eq3A_1044 = arith.cmpi eq, %iota3A, %eq3A_1043 : vector<16xi32>
    %select_n3A_1045 = arith.select %eq3A_1044, %broadcast_in_dim3A_1002, %select_n3A_982 : vector<16xi1>, vector<16xf32>
    %eq3A_1046 = arith.constant 13 : i32
    %eq3A_1047 = vector.broadcast %eq3A_1046 : i32 to vector<16xi32>
    %eq3A_1048 = arith.cmpi eq, %iota3A, %eq3A_1047 : vector<16xi32>
    %select_n3A_1049 = arith.select %eq3A_1048, %broadcast_in_dim3A_1029, %select_n3A_986 : vector<16xi1>, vector<16xi32>
    %while3A_1050 = arith.constant 0 : i32
    %while3A_1051 = arith.subi %min3A_160, %while3A_1050 : i32
    %while3A_1052 = arith.addi %while3A_1050, %while3A_1051 : i32
    %while3A_1053 = arith.constant 1 : i32
    %while3A_1054 = arith.divsi %while3A_1051, %while3A_1053 : i32
    %while3A_1055 = arith.muli %while3A_1054, %while3A_1053 : i32
    %while3A_1056 = arith.addi %while3A_1050, %while3A_1055 : i32
    %while3A_1057 = arith.constant 1 : i32
    %while3A_1058 = scf.for %while3A_1179 = %while3A_1050 to %while3A_1056 step %while3A_1057 iter_args(%while3A_1180 = %broadcast_in_dim3A_1) -> (vector<16xf32>)  : i32 {
      %mul3A_1181 = arith.constant 16 : i32
      %mul3A_1182 = arith.muli %while3A_1179, %mul3A_1181 : i32
      %get3A = arith.index_cast %mul3A_1182 : i32 to index
      %get3A_1183 = tpu.vector_load %arg8[%get3A] {strides = array<i32>} : memref<16384xf32, #tpu.memory_space<vmem>>, vector<16xf32>,
      %max3A = arith.maximumf %while3A_1180, %get3A_1183 : vector<16xf32>
      scf.yield %max3A : vector<16xf32>
    }
    %while3A_1059 = arith.constant 1 : i32
    %while3A_1060 = scf.for %while3A_1179 = %while3A_1056 to %while3A_1052 step %while3A_1059 iter_args(%while3A_1180 = %while3A_1058) -> (vector<16xf32>)  : i32 {
      %mul3A_1181 = arith.constant 16 : i32
      %mul3A_1182 = arith.muli %while3A_1179, %mul3A_1181 : i32
      %get3A = arith.index_cast %mul3A_1182 : i32 to index
      %get3A_1183 = tpu.vector_load %arg8[%get3A] {strides = array<i32>} : memref<16384xf32, #tpu.memory_space<vmem>>, vector<16xf32>,
      %max3A = arith.maximumf %while3A_1180, %get3A_1183 : vector<16xf32>
      scf.yield %max3A : vector<16xf32>
    }
    %reduce_max3A_1061 = arith.constant true
    %reduce_max3A_1062 = vector.broadcast %reduce_max3A_1061 : i1 to vector<16xi1>
    %reduce_max3A_1063 = tpu.scan <max>, %while3A_1060 masked %reduce_max3A_1062 : vector<16xf32>, vector<16xi1> -> vector<16xf32>
    %reduce_max3A_1064 = vector.extract %reduce_max3A_1063[15] : f32 from vector<16xf32>
    %broadcast_in_dim3A_1065 = vector.broadcast %reduce_max3A_1064 : f32 to vector<16xf32>
    %broadcast_in_dim3A_1066 = arith.constant 2147483647 : i32
    %broadcast_in_dim3A_1067 = vector.broadcast %broadcast_in_dim3A_1066 : i32 to vector<16xi32>
    %while3A_1068 = arith.constant 0 : i32
    %while3A_1069 = arith.subi %min3A_160, %while3A_1068 : i32
    %while3A_1070 = arith.addi %while3A_1068, %while3A_1069 : i32
    %while3A_1071 = arith.constant 1 : i32
    %while3A_1072 = arith.divsi %while3A_1069, %while3A_1071 : i32
    %while3A_1073 = arith.muli %while3A_1072, %while3A_1071 : i32
    %while3A_1074 = arith.addi %while3A_1068, %while3A_1073 : i32
    %while3A_1075 = arith.constant 1 : i32
    %while3A_1076 = scf.for %while3A_1179 = %while3A_1068 to %while3A_1074 step %while3A_1075 iter_args(%while3A_1180 = %broadcast_in_dim3A_1067) -> (vector<16xi32>)  : i32 {
      %mul3A_1181 = arith.constant 16 : i32
      %mul3A_1182 = arith.muli %while3A_1179, %mul3A_1181 : i32
      %get3A = arith.index_cast %mul3A_1182 : i32 to index
      %get3A_1183 = tpu.vector_load %arg8[%get3A] {strides = array<i32>} : memref<16384xf32, #tpu.memory_space<vmem>>, vector<16xf32>,
      %mul3A_1184 = arith.constant 16 : i32
      %mul3A_1185 = arith.muli %while3A_1179, %mul3A_1184 : i32
      %get3A_1186 = arith.index_cast %mul3A_1185 : i32 to index
      %get3A_1187 = tpu.vector_load %arg9[%get3A_1186] {strides = array<i32>} : memref<16384xi32, #tpu.memory_space<vmem>>, vector<16xi32>,
      %eq3A_1188 = arith.cmpf oeq, %get3A_1183, %broadcast_in_dim3A_1065 : vector<16xf32>
      %jit3A_1189 = arith.constant 2147483647 : i32
      %broadcast_in_dim3A_1190 = vector.broadcast %jit3A_1189 : i32 to vector<16xi32>
      %select_n3A_1191 = arith.select %eq3A_1188, %get3A_1187, %broadcast_in_dim3A_1190 : vector<16xi1>, vector<16xi32>
      %min3A_1192 = arith.minsi %while3A_1180, %select_n3A_1191 : vector<16xi32>
      scf.yield %min3A_1192 : vector<16xi32>
    }
    %while3A_1077 = arith.constant 1 : i32
    %while3A_1078 = scf.for %while3A_1179 = %while3A_1074 to %while3A_1070 step %while3A_1077 iter_args(%while3A_1180 = %while3A_1076) -> (vector<16xi32>)  : i32 {
      %mul3A_1181 = arith.constant 16 : i32
      %mul3A_1182 = arith.muli %while3A_1179, %mul3A_1181 : i32
      %get3A = arith.index_cast %mul3A_1182 : i32 to index
      %get3A_1183 = tpu.vector_load %arg8[%get3A] {strides = array<i32>} : memref<16384xf32, #tpu.memory_space<vmem>>, vector<16xf32>,
      %mul3A_1184 = arith.constant 16 : i32
      %mul3A_1185 = arith.muli %while3A_1179, %mul3A_1184 : i32
      %get3A_1186 = arith.index_cast %mul3A_1185 : i32 to index
      %get3A_1187 = tpu.vector_load %arg9[%get3A_1186] {strides = array<i32>} : memref<16384xi32, #tpu.memory_space<vmem>>, vector<16xi32>,
      %eq3A_1188 = arith.cmpf oeq, %get3A_1183, %broadcast_in_dim3A_1065 : vector<16xf32>
      %jit3A_1189 = arith.constant 2147483647 : i32
      %broadcast_in_dim3A_1190 = vector.broadcast %jit3A_1189 : i32 to vector<16xi32>
      %select_n3A_1191 = arith.select %eq3A_1188, %get3A_1187, %broadcast_in_dim3A_1190 : vector<16xi1>, vector<16xi32>
      %min3A_1192 = arith.minsi %while3A_1180, %select_n3A_1191 : vector<16xi32>
      scf.yield %min3A_1192 : vector<16xi32>
    }
    %neg3A_1079 = arith.constant 0 : i32
    %neg3A_1080 = vector.broadcast %neg3A_1079 : i32 to vector<16xi32>
    %neg3A_1081 = arith.subi %neg3A_1080, %while3A_1078 : vector<16xi32>
    %reduce_max3A_1082 = arith.constant true
    %reduce_max3A_1083 = vector.broadcast %reduce_max3A_1082 : i1 to vector<16xi1>
    %reduce_max3A_1084 = arith.constant -2147483648 : i32
    %reduce_max3A_1085 = vector.broadcast %reduce_max3A_1084 : i32 to vector<16xi32>
    %reduce_max3A_1086 = arith.xori %neg3A_1081, %reduce_max3A_1085 : vector<16xi32>
    %reduce_max3A_1087 = tpu.scan <max>, %reduce_max3A_1086 masked %reduce_max3A_1083 : vector<16xi32>, vector<16xi1> -> vector<16xi32>
    %reduce_max3A_1088 = arith.xori %reduce_max3A_1087, %reduce_max3A_1085 : vector<16xi32>
    %reduce_max3A_1089 = vector.extract %reduce_max3A_1088[15] : i32 from vector<16xi32>
    %neg3A_1090 = arith.constant 0 : i32
    %neg3A_1091 = arith.subi %neg3A_1090, %reduce_max3A_1089 : i32
    %broadcast_in_dim3A_1092 = vector.broadcast %neg3A_1091 : i32 to vector<16xi32>
    %while3A_1093 = arith.constant 0 : i32
    %while3A_1094 = arith.constant 0 : i32
    %while3A_1095 = arith.subi %min3A_160, %while3A_1093 : i32
    %while3A_1096 = arith.addi %while3A_1093, %while3A_1095 : i32
    %while3A_1097 = arith.constant 1 : i32
    %while3A_1098 = arith.divsi %while3A_1095, %while3A_1097 : i32
    %while3A_1099 = arith.muli %while3A_1098, %while3A_1097 : i32
    %while3A_1100 = arith.addi %while3A_1093, %while3A_1099 : i32
    %while3A_1101 = arith.constant 1 : i32
    %while3A_1102 = scf.for %while3A_1179 = %while3A_1093 to %while3A_1100 step %while3A_1101 iter_args(%while3A_1180 = %while3A_1094) -> (i32)  : i32 {
      %mul3A_1181 = arith.constant 16 : i32
      %mul3A_1182 = arith.muli %while3A_1179, %mul3A_1181 : i32
      %get3A = arith.index_cast %mul3A_1182 : i32 to index
      %get3A_1183 = tpu.vector_load %arg8[%get3A] {strides = array<i32>} : memref<16384xf32, #tpu.memory_space<vmem>>, vector<16xf32>,
      %mul3A_1184 = arith.constant 16 : i32
      %mul3A_1185 = arith.muli %while3A_1179, %mul3A_1184 : i32
      %get3A_1186 = arith.index_cast %mul3A_1185 : i32 to index
      %get3A_1187 = tpu.vector_load %arg9[%get3A_1186] {strides = array<i32>} : memref<16384xi32, #tpu.memory_space<vmem>>, vector<16xi32>,
      %eq3A_1188 = arith.cmpi eq, %get3A_1187, %broadcast_in_dim3A_1092 : vector<16xi32>
      %select_n3A_1189 = arith.select %eq3A_1188, %broadcast_in_dim3A_1, %get3A_1183 : vector<16xi1>, vector<16xf32>
      %mul3A_1190 = arith.constant 16 : i32
      %mul3A_1191 = arith.muli %while3A_1179, %mul3A_1190 : i32
      %swap3A_1192 = arith.index_cast %mul3A_1191 : i32 to index
      %swap3A_1193 = tpu.vector_load %arg8[%swap3A_1192] {strides = array<i32>} : memref<16384xf32, #tpu.memory_space<vmem>>, vector<16xf32>,
      tpu.vector_store %arg8[%swap3A_1192], %select_n3A_1189 {strides = array<i32>} : memref<16384xf32, #tpu.memory_space<vmem>>, vector<16xf32>,
      %while3A_1194 = arith.constant 0 : i32
      scf.yield %while3A_1194 : i32
    }
    %while3A_1103 = arith.constant 1 : i32
    %while3A_1104 = scf.for %while3A_1179 = %while3A_1100 to %while3A_1096 step %while3A_1103 iter_args(%while3A_1180 = %while3A_1102) -> (i32)  : i32 {
      %mul3A_1181 = arith.constant 16 : i32
      %mul3A_1182 = arith.muli %while3A_1179, %mul3A_1181 : i32
      %get3A = arith.index_cast %mul3A_1182 : i32 to index
      %get3A_1183 = tpu.vector_load %arg8[%get3A] {strides = array<i32>} : memref<16384xf32, #tpu.memory_space<vmem>>, vector<16xf32>,
      %mul3A_1184 = arith.constant 16 : i32
      %mul3A_1185 = arith.muli %while3A_1179, %mul3A_1184 : i32
      %get3A_1186 = arith.index_cast %mul3A_1185 : i32 to index
      %get3A_1187 = tpu.vector_load %arg9[%get3A_1186] {strides = array<i32>} : memref<16384xi32, #tpu.memory_space<vmem>>, vector<16xi32>,
      %eq3A_1188 = arith.cmpi eq, %get3A_1187, %broadcast_in_dim3A_1092 : vector<16xi32>
      %select_n3A_1189 = arith.select %eq3A_1188, %broadcast_in_dim3A_1, %get3A_1183 : vector<16xi1>, vector<16xf32>
      %mul3A_1190 = arith.constant 16 : i32
      %mul3A_1191 = arith.muli %while3A_1179, %mul3A_1190 : i32
      %swap3A_1192 = arith.index_cast %mul3A_1191 : i32 to index
      %swap3A_1193 = tpu.vector_load %arg8[%swap3A_1192] {strides = array<i32>} : memref<16384xf32, #tpu.memory_space<vmem>>, vector<16xf32>,
      tpu.vector_store %arg8[%swap3A_1192], %select_n3A_1189 {strides = array<i32>} : memref<16384xf32, #tpu.memory_space<vmem>>, vector<16xf32>,
      %while3A_1194 = arith.constant 0 : i32
      scf.yield %while3A_1194 : i32
    }
    %eq3A_1105 = arith.constant 14 : i32
    %eq3A_1106 = vector.broadcast %eq3A_1105 : i32 to vector<16xi32>
    %eq3A_1107 = arith.cmpi eq, %iota3A, %eq3A_1106 : vector<16xi32>
    %select_n3A_1108 = arith.select %eq3A_1107, %broadcast_in_dim3A_1065, %select_n3A_1045 : vector<16xi1>, vector<16xf32>
    %eq3A_1109 = arith.constant 14 : i32
    %eq3A_1110 = vector.broadcast %eq3A_1109 : i32 to vector<16xi32>
    %eq3A_1111 = arith.cmpi eq, %iota3A, %eq3A_1110 : vector<16xi32>
    %select_n3A_1112 = arith.select %eq3A_1111, %broadcast_in_dim3A_1092, %select_n3A_1049 : vector<16xi1>, vector<16xi32>
    %while3A_1113 = arith.constant 0 : i32
    %while3A_1114 = arith.subi %min3A_160, %while3A_1113 : i32
    %while3A_1115 = arith.addi %while3A_1113, %while3A_1114 : i32
    %while3A_1116 = arith.constant 1 : i32
    %while3A_1117 = arith.divsi %while3A_1114, %while3A_1116 : i32
    %while3A_1118 = arith.muli %while3A_1117, %while3A_1116 : i32
    %while3A_1119 = arith.addi %while3A_1113, %while3A_1118 : i32
    %while3A_1120 = arith.constant 1 : i32
    %while3A_1121 = scf.for %while3A_1179 = %while3A_1113 to %while3A_1119 step %while3A_1120 iter_args(%while3A_1180 = %broadcast_in_dim3A_1) -> (vector<16xf32>)  : i32 {
      %mul3A_1181 = arith.constant 16 : i32
      %mul3A_1182 = arith.muli %while3A_1179, %mul3A_1181 : i32
      %get3A = arith.index_cast %mul3A_1182 : i32 to index
      %get3A_1183 = tpu.vector_load %arg8[%get3A] {strides = array<i32>} : memref<16384xf32, #tpu.memory_space<vmem>>, vector<16xf32>,
      %max3A = arith.maximumf %while3A_1180, %get3A_1183 : vector<16xf32>
      scf.yield %max3A : vector<16xf32>
    }
    %while3A_1122 = arith.constant 1 : i32
    %while3A_1123 = scf.for %while3A_1179 = %while3A_1119 to %while3A_1115 step %while3A_1122 iter_args(%while3A_1180 = %while3A_1121) -> (vector<16xf32>)  : i32 {
      %mul3A_1181 = arith.constant 16 : i32
      %mul3A_1182 = arith.muli %while3A_1179, %mul3A_1181 : i32
      %get3A = arith.index_cast %mul3A_1182 : i32 to index
      %get3A_1183 = tpu.vector_load %arg8[%get3A] {strides = array<i32>} : memref<16384xf32, #tpu.memory_space<vmem>>, vector<16xf32>,
      %max3A = arith.maximumf %while3A_1180, %get3A_1183 : vector<16xf32>
      scf.yield %max3A : vector<16xf32>
    }
    %reduce_max3A_1124 = arith.constant true
    %reduce_max3A_1125 = vector.broadcast %reduce_max3A_1124 : i1 to vector<16xi1>
    %reduce_max3A_1126 = tpu.scan <max>, %while3A_1123 masked %reduce_max3A_1125 : vector<16xf32>, vector<16xi1> -> vector<16xf32>
    %reduce_max3A_1127 = vector.extract %reduce_max3A_1126[15] : f32 from vector<16xf32>
    %broadcast_in_dim3A_1128 = vector.broadcast %reduce_max3A_1127 : f32 to vector<16xf32>
    %broadcast_in_dim3A_1129 = arith.constant 2147483647 : i32
    %broadcast_in_dim3A_1130 = vector.broadcast %broadcast_in_dim3A_1129 : i32 to vector<16xi32>
    %while3A_1131 = arith.constant 0 : i32
    %while3A_1132 = arith.subi %min3A_160, %while3A_1131 : i32
    %while3A_1133 = arith.addi %while3A_1131, %while3A_1132 : i32
    %while3A_1134 = arith.constant 1 : i32
    %while3A_1135 = arith.divsi %while3A_1132, %while3A_1134 : i32
    %while3A_1136 = arith.muli %while3A_1135, %while3A_1134 : i32
    %while3A_1137 = arith.addi %while3A_1131, %while3A_1136 : i32
    %while3A_1138 = arith.constant 1 : i32
    %while3A_1139 = scf.for %while3A_1179 = %while3A_1131 to %while3A_1137 step %while3A_1138 iter_args(%while3A_1180 = %broadcast_in_dim3A_1130) -> (vector<16xi32>)  : i32 {
      %mul3A_1181 = arith.constant 16 : i32
      %mul3A_1182 = arith.muli %while3A_1179, %mul3A_1181 : i32
      %get3A = arith.index_cast %mul3A_1182 : i32 to index
      %get3A_1183 = tpu.vector_load %arg8[%get3A] {strides = array<i32>} : memref<16384xf32, #tpu.memory_space<vmem>>, vector<16xf32>,
      %mul3A_1184 = arith.constant 16 : i32
      %mul3A_1185 = arith.muli %while3A_1179, %mul3A_1184 : i32
      %get3A_1186 = arith.index_cast %mul3A_1185 : i32 to index
      %get3A_1187 = tpu.vector_load %arg9[%get3A_1186] {strides = array<i32>} : memref<16384xi32, #tpu.memory_space<vmem>>, vector<16xi32>,
      %eq3A_1188 = arith.cmpf oeq, %get3A_1183, %broadcast_in_dim3A_1128 : vector<16xf32>
      %jit3A_1189 = arith.constant 2147483647 : i32
      %broadcast_in_dim3A_1190 = vector.broadcast %jit3A_1189 : i32 to vector<16xi32>
      %select_n3A_1191 = arith.select %eq3A_1188, %get3A_1187, %broadcast_in_dim3A_1190 : vector<16xi1>, vector<16xi32>
      %min3A_1192 = arith.minsi %while3A_1180, %select_n3A_1191 : vector<16xi32>
      scf.yield %min3A_1192 : vector<16xi32>
    }
    %while3A_1140 = arith.constant 1 : i32
    %while3A_1141 = scf.for %while3A_1179 = %while3A_1137 to %while3A_1133 step %while3A_1140 iter_args(%while3A_1180 = %while3A_1139) -> (vector<16xi32>)  : i32 {
      %mul3A_1181 = arith.constant 16 : i32
      %mul3A_1182 = arith.muli %while3A_1179, %mul3A_1181 : i32
      %get3A = arith.index_cast %mul3A_1182 : i32 to index
      %get3A_1183 = tpu.vector_load %arg8[%get3A] {strides = array<i32>} : memref<16384xf32, #tpu.memory_space<vmem>>, vector<16xf32>,
      %mul3A_1184 = arith.constant 16 : i32
      %mul3A_1185 = arith.muli %while3A_1179, %mul3A_1184 : i32
      %get3A_1186 = arith.index_cast %mul3A_1185 : i32 to index
      %get3A_1187 = tpu.vector_load %arg9[%get3A_1186] {strides = array<i32>} : memref<16384xi32, #tpu.memory_space<vmem>>, vector<16xi32>,
      %eq3A_1188 = arith.cmpf oeq, %get3A_1183, %broadcast_in_dim3A_1128 : vector<16xf32>
      %jit3A_1189 = arith.constant 2147483647 : i32
      %broadcast_in_dim3A_1190 = vector.broadcast %jit3A_1189 : i32 to vector<16xi32>
      %select_n3A_1191 = arith.select %eq3A_1188, %get3A_1187, %broadcast_in_dim3A_1190 : vector<16xi1>, vector<16xi32>
      %min3A_1192 = arith.minsi %while3A_1180, %select_n3A_1191 : vector<16xi32>
      scf.yield %min3A_1192 : vector<16xi32>
    }
    %neg3A_1142 = arith.constant 0 : i32
    %neg3A_1143 = vector.broadcast %neg3A_1142 : i32 to vector<16xi32>
    %neg3A_1144 = arith.subi %neg3A_1143, %while3A_1141 : vector<16xi32>
    %reduce_max3A_1145 = arith.constant true
    %reduce_max3A_1146 = vector.broadcast %reduce_max3A_1145 : i1 to vector<16xi1>
    %reduce_max3A_1147 = arith.constant -2147483648 : i32
    %reduce_max3A_1148 = vector.broadcast %reduce_max3A_1147 : i32 to vector<16xi32>
    %reduce_max3A_1149 = arith.xori %neg3A_1144, %reduce_max3A_1148 : vector<16xi32>
    %reduce_max3A_1150 = tpu.scan <max>, %reduce_max3A_1149 masked %reduce_max3A_1146 : vector<16xi32>, vector<16xi1> -> vector<16xi32>
    %reduce_max3A_1151 = arith.xori %reduce_max3A_1150, %reduce_max3A_1148 : vector<16xi32>
    %reduce_max3A_1152 = vector.extract %reduce_max3A_1151[15] : i32 from vector<16xi32>
    %neg3A_1153 = arith.constant 0 : i32
    %neg3A_1154 = arith.subi %neg3A_1153, %reduce_max3A_1152 : i32
    %broadcast_in_dim3A_1155 = vector.broadcast %neg3A_1154 : i32 to vector<16xi32>
    %while3A_1156 = arith.constant 0 : i32
    %while3A_1157 = arith.constant 0 : i32
    %while3A_1158 = arith.subi %min3A_160, %while3A_1156 : i32
    %while3A_1159 = arith.addi %while3A_1156, %while3A_1158 : i32
    %while3A_1160 = arith.constant 1 : i32
    %while3A_1161 = arith.divsi %while3A_1158, %while3A_1160 : i32
    %while3A_1162 = arith.muli %while3A_1161, %while3A_1160 : i32
    %while3A_1163 = arith.addi %while3A_1156, %while3A_1162 : i32
    %while3A_1164 = arith.constant 1 : i32
    %while3A_1165 = scf.for %while3A_1179 = %while3A_1156 to %while3A_1163 step %while3A_1164 iter_args(%while3A_1180 = %while3A_1157) -> (i32)  : i32 {
      %mul3A_1181 = arith.constant 16 : i32
      %mul3A_1182 = arith.muli %while3A_1179, %mul3A_1181 : i32
      %get3A = arith.index_cast %mul3A_1182 : i32 to index
      %get3A_1183 = tpu.vector_load %arg8[%get3A] {strides = array<i32>} : memref<16384xf32, #tpu.memory_space<vmem>>, vector<16xf32>,
      %mul3A_1184 = arith.constant 16 : i32
      %mul3A_1185 = arith.muli %while3A_1179, %mul3A_1184 : i32
      %get3A_1186 = arith.index_cast %mul3A_1185 : i32 to index
      %get3A_1187 = tpu.vector_load %arg9[%get3A_1186] {strides = array<i32>} : memref<16384xi32, #tpu.memory_space<vmem>>, vector<16xi32>,
      %eq3A_1188 = arith.cmpi eq, %get3A_1187, %broadcast_in_dim3A_1155 : vector<16xi32>
      %select_n3A_1189 = arith.select %eq3A_1188, %broadcast_in_dim3A_1, %get3A_1183 : vector<16xi1>, vector<16xf32>
      %mul3A_1190 = arith.constant 16 : i32
      %mul3A_1191 = arith.muli %while3A_1179, %mul3A_1190 : i32
      %swap3A_1192 = arith.index_cast %mul3A_1191 : i32 to index
      %swap3A_1193 = tpu.vector_load %arg8[%swap3A_1192] {strides = array<i32>} : memref<16384xf32, #tpu.memory_space<vmem>>, vector<16xf32>,
      tpu.vector_store %arg8[%swap3A_1192], %select_n3A_1189 {strides = array<i32>} : memref<16384xf32, #tpu.memory_space<vmem>>, vector<16xf32>,
      %while3A_1194 = arith.constant 0 : i32
      scf.yield %while3A_1194 : i32
    }
    %while3A_1166 = arith.constant 1 : i32
    %while3A_1167 = scf.for %while3A_1179 = %while3A_1163 to %while3A_1159 step %while3A_1166 iter_args(%while3A_1180 = %while3A_1165) -> (i32)  : i32 {
      %mul3A_1181 = arith.constant 16 : i32
      %mul3A_1182 = arith.muli %while3A_1179, %mul3A_1181 : i32
      %get3A = arith.index_cast %mul3A_1182 : i32 to index
      %get3A_1183 = tpu.vector_load %arg8[%get3A] {strides = array<i32>} : memref<16384xf32, #tpu.memory_space<vmem>>, vector<16xf32>,
      %mul3A_1184 = arith.constant 16 : i32
      %mul3A_1185 = arith.muli %while3A_1179, %mul3A_1184 : i32
      %get3A_1186 = arith.index_cast %mul3A_1185 : i32 to index
      %get3A_1187 = tpu.vector_load %arg9[%get3A_1186] {strides = array<i32>} : memref<16384xi32, #tpu.memory_space<vmem>>, vector<16xi32>,
      %eq3A_1188 = arith.cmpi eq, %get3A_1187, %broadcast_in_dim3A_1155 : vector<16xi32>
      %select_n3A_1189 = arith.select %eq3A_1188, %broadcast_in_dim3A_1, %get3A_1183 : vector<16xi1>, vector<16xf32>
      %mul3A_1190 = arith.constant 16 : i32
      %mul3A_1191 = arith.muli %while3A_1179, %mul3A_1190 : i32
      %swap3A_1192 = arith.index_cast %mul3A_1191 : i32 to index
      %swap3A_1193 = tpu.vector_load %arg8[%swap3A_1192] {strides = array<i32>} : memref<16384xf32, #tpu.memory_space<vmem>>, vector<16xf32>,
      tpu.vector_store %arg8[%swap3A_1192], %select_n3A_1189 {strides = array<i32>} : memref<16384xf32, #tpu.memory_space<vmem>>, vector<16xf32>,
      %while3A_1194 = arith.constant 0 : i32
      scf.yield %while3A_1194 : i32
    }
    %eq3A_1168 = arith.constant 15 : i32
    %eq3A_1169 = vector.broadcast %eq3A_1168 : i32 to vector<16xi32>
    %eq3A_1170 = arith.cmpi eq, %iota3A, %eq3A_1169 : vector<16xi32>
    %select_n3A_1171 = arith.select %eq3A_1170, %broadcast_in_dim3A_1128, %select_n3A_1108 : vector<16xi1>, vector<16xf32>
    %eq3A_1172 = arith.constant 15 : i32
    %eq3A_1173 = vector.broadcast %eq3A_1172 : i32 to vector<16xi32>
    %eq3A_1174 = arith.cmpi eq, %iota3A, %eq3A_1173 : vector<16xi32>
    %select_n3A_1175 = arith.select %eq3A_1174, %broadcast_in_dim3A_1155, %select_n3A_1112 : vector<16xi1>, vector<16xi32>
    %swap3A = arith.constant 0 : index
    %swap3A_1176 = tpu.vector_load %arg10[%swap3A] {strides = array<i32>} : memref<16xf32, #tpu.memory_space<vmem>>, vector<16xf32>,
    tpu.vector_store %arg10[%swap3A], %select_n3A_1171 {strides = array<i32>} : memref<16xf32, #tpu.memory_space<vmem>>, vector<16xf32>,
    %swap3A_1177 = arith.constant 0 : index
    %swap3A_1178 = tpu.vector_load %arg11[%swap3A_1177] {strides = array<i32>} : memref<16xi32, #tpu.memory_space<vmem>>, vector<16xi32>,
    tpu.vector_store %arg11[%swap3A_1177], %select_n3A_1175 {strides = array<i32>} : memref<16xi32, #tpu.memory_space<vmem>>, vector<16xi32>,
    "tpu.region"() ({
      %run_scoped3A = tpu.sem_alloc : memref<!tpu.dma_semaphore, #tpu.memory_space<semaphore_mem>>
      %dma_start3A_1179 = arith.constant 0 : i32
      %dma_start3A_1180 = tpu.memref_slice %arg4[%add3A, %dma_start3A_1179] : memref<32x16xf32, #tpu.memory_space<hbm>> -> memref<1x16xf32, #tpu.memory_space<hbm>>
      %dma_start3A_1181 = tpu.memref_squeeze %dma_start3A_1180 : memref<1x16xf32, #tpu.memory_space<hbm>> -> memref<16xf32, #tpu.memory_space<hbm>>
      %dma_start3A_1182 = arith.constant 0 : i32
      %dma_start3A_1183 = tpu.memref_slice %arg4[%add3A, %dma_start3A_1182] : memref<32x16xf32, #tpu.memory_space<hbm>> -> memref<1x16xf32, #tpu.memory_space<hbm>>
      %dma_start3A_1184 = tpu.memref_squeeze %dma_start3A_1183 : memref<1x16xf32, #tpu.memory_space<hbm>> -> memref<16xf32, #tpu.memory_space<hbm>>
      tpu.enqueue_dma source(%arg10 : memref<16xf32, #tpu.memory_space<vmem>>) target(%dma_start3A_1184 : memref<16xf32, #tpu.memory_space<hbm>>) target_semaphore(%run_scoped3A : memref<!tpu.dma_semaphore, #tpu.memory_space<semaphore_mem>>)
      %dma_wait3A_1185 = arith.constant 0 : i32
      %dma_wait3A_1186 = tpu.memref_slice %arg4[%add3A, %dma_wait3A_1185] : memref<32x16xf32, #tpu.memory_space<hbm>> -> memref<1x16xf32, #tpu.memory_space<hbm>>
      %dma_wait3A_1187 = tpu.memref_squeeze %dma_wait3A_1186 : memref<1x16xf32, #tpu.memory_space<hbm>> -> memref<16xf32, #tpu.memory_space<hbm>>
      %dma_wait3A_1188 = arith.constant 0 : i32
      %dma_wait3A_1189 = tpu.memref_slice %arg4[%add3A, %dma_wait3A_1188] : memref<32x16xf32, #tpu.memory_space<hbm>> -> memref<1x16xf32, #tpu.memory_space<hbm>>
      %dma_wait3A_1190 = tpu.memref_squeeze %dma_wait3A_1189 : memref<1x16xf32, #tpu.memory_space<hbm>> -> memref<16xf32, #tpu.memory_space<hbm>>
      tpu.wait_dma2 semaphore(%run_scoped3A : memref<!tpu.dma_semaphore, #tpu.memory_space<semaphore_mem>>) src(%arg10 : memref<16xf32, #tpu.memory_space<vmem>>) dst(%dma_wait3A_1190 : memref<16xf32, #tpu.memory_space<hbm>>)
      tpu.yield
    }) : () -> ()
    "tpu.region"() ({
      %run_scoped3A = tpu.sem_alloc : memref<!tpu.dma_semaphore, #tpu.memory_space<semaphore_mem>>
      %dma_start3A_1179 = arith.constant 0 : i32
      %dma_start3A_1180 = tpu.memref_slice %arg5[%add3A, %dma_start3A_1179] : memref<32x16xi32, #tpu.memory_space<hbm>> -> memref<1x16xi32, #tpu.memory_space<hbm>>
      %dma_start3A_1181 = tpu.memref_squeeze %dma_start3A_1180 : memref<1x16xi32, #tpu.memory_space<hbm>> -> memref<16xi32, #tpu.memory_space<hbm>>
      %dma_start3A_1182 = arith.constant 0 : i32
      %dma_start3A_1183 = tpu.memref_slice %arg5[%add3A, %dma_start3A_1182] : memref<32x16xi32, #tpu.memory_space<hbm>> -> memref<1x16xi32, #tpu.memory_space<hbm>>
      %dma_start3A_1184 = tpu.memref_squeeze %dma_start3A_1183 : memref<1x16xi32, #tpu.memory_space<hbm>> -> memref<16xi32, #tpu.memory_space<hbm>>
      tpu.enqueue_dma source(%arg11 : memref<16xi32, #tpu.memory_space<vmem>>) target(%dma_start3A_1184 : memref<16xi32, #tpu.memory_space<hbm>>) target_semaphore(%run_scoped3A : memref<!tpu.dma_semaphore, #tpu.memory_space<semaphore_mem>>)
      %dma_wait3A_1185 = arith.constant 0 : i32
      %dma_wait3A_1186 = tpu.memref_slice %arg5[%add3A, %dma_wait3A_1185] : memref<32x16xi32, #tpu.memory_space<hbm>> -> memref<1x16xi32, #tpu.memory_space<hbm>>
      %dma_wait3A_1187 = tpu.memref_squeeze %dma_wait3A_1186 : memref<1x16xi32, #tpu.memory_space<hbm>> -> memref<16xi32, #tpu.memory_space<hbm>>
      %dma_wait3A_1188 = arith.constant 0 : i32
      %dma_wait3A_1189 = tpu.memref_slice %arg5[%add3A, %dma_wait3A_1188] : memref<32x16xi32, #tpu.memory_space<hbm>> -> memref<1x16xi32, #tpu.memory_space<hbm>>
      %dma_wait3A_1190 = tpu.memref_squeeze %dma_wait3A_1189 : memref<1x16xi32, #tpu.memory_space<hbm>> -> memref<16xi32, #tpu.memory_space<hbm>>
      tpu.wait_dma2 semaphore(%run_scoped3A : memref<!tpu.dma_semaphore, #tpu.memory_space<semaphore_mem>>) src(%arg11 : memref<16xi32, #tpu.memory_space<vmem>>) dst(%dma_wait3A_1190 : memref<16xi32, #tpu.memory_space<hbm>>)
      tpu.yield
    }) : () -> ()
    return
  }
}

</mosaic_0001>

<sc_bundles>
// kernel: kernel.3.cloned.1.call-start
scs
__scs_entry_jumppad:
0x0: {  	(pc) =	sbr.rel $0x88, $3  }
0x1: {  	(tag) =	ssettag $0x0;
	lr =	simm.s32 $0x1  }
0x2: {  	[smem:$0x3F9E] =	sst lr;
	_ =	strace $0xD0000000  }
0x3: {  	_ = 	snop  }
0x4: {  	_ = 	snop  }
0x5: {  	_ = 	snop  }
0x6: {  	_ = 	snop  }
0x7: {  	_ = 	snop  }
__scs_overlays_trampoline_lowered:
0x8: {  	[smem:$0x3FAD] =	sst s0  }
0x9: {  	[smem:$0x3FAE] =	sst s1  }
0xa: {  	[smem:$0x3FAF] =	sst s2  }
0xb: {  	[smem:$0x3FB0] =	sst s3  }
0xc: {  	[smem:$0x3FB1] =	sst s4  }
0xd: {  	[smem:$0x3FB2] =	sst s5  }
0xe: {  	[smem:$0x3FB3] =	sst s6  }
0xf: {  	[smem:$0x3FB4] =	sst s7  }
0x10: {  	[smem:$0x3FB5] =	sst s8  }
0x11: {  	[smem:$0x3FB6] =	sst s9;
	s0 =	simm.s32 @!p0 $0x0  }
0x12: {  	s1 =	sld [smem:$0x3F9C];
	s0 =	simm.s32 @p0 $0x1  }
0x13: {  	[smem:$0x3FB7] =	sst s0;
	s0 =	simm.s32 @!p1 $0x0  }
0x14: {  	s2 =	sld [smem:$0x3F9B];
	s0 =	simm.s32 @p1 $0x1  }
0x15: {  	[smem:$0x3FB8] =	sst s0;
	s0 =	simm.s32 @!p2 $0x0  }
0x16: {  	s3 =	sld [smem:$0x3FDB];
	s0 =	simm.s32 @p2 $0x1  }
0x17: {  	s4 =	simm.s32 $0x1BF5;
	[smem:$0x3FBA] =	sst s0  }
0x18: {  	s0 =	sld [smem:$0x3F9D];
	_ =	swait.ge [sflag:s4], $0x0  }
0x19: {  	s7 =	sld [smem:$0x3F9E]  }
0x1a: {  	s8 =	sadd.s32 $0xFFFFE003, lr  }
0x1b: {  	s9 =	sadd.s32 $0xFFFFFEF7, lr;
	s5 =	simm.s32 $0xFFFFFFFF;
	p2 =	slt.u32 s8, $0xFFFFF086  }
0x1c: {  	p1 =	slt.u32 s9, $0xF7A;
	s5 =	simm.s32 @!p2 $0x0  }
0x1d: {  	s5 =	simm.s32 @p1 $0x1;
	p0 =	seq.s32 s7, s2  }
0x1e: {  	s7 =	smul.u32 @!p0 $0xF7A, s2;
	p2 =	seq.s32 @!p0 s5, $0x0  }
0x1f: {  	s9 =	smul.u32 $0xF7A, s1;
	s8 =	simm.s32 @!p0 $0x1BF5;
	p2 =	por !p2, p0  }
0x20: {  	[sflag:s8] =	ssyncset.s32 @!p0 $0xFFFFF086;
	s6 =	sadd.s32 @!p0 s3, s7;
	s7 =	simm.s32 @!p0 $0x108  }
0x21: {  	s3 =	sadd.s32 s3, s9;
	s6 =	sadd.s32 @!p0 $0x88, s6;
	s7 =	simm.s32 @p2 $0x1082  }
0x22: {  	[simem:s7], [sflag:s8] =	dma.local @!p0 [hbm:s6], $0xF7A  }
0x23: {  	s9 =	sor.u32 $0xD0000000, s2;
	s6 =	simm.s32 $0x108;
	_ =	swait.ge @!p0 [sflag:s8], $0x0  }
0x24: {  	s3 =	sadd.s32 $0x88, s3;
	s6 =	simm.s32 @!p1 $0x1082;
	[sflag:s4] =	ssyncset.s32 $0xFFFFF086  }
0x25: {  	[simem:s6], [sflag:s4] =	dma.local [hbm:s3], $0xF7A  }
0x26: {  	[smem:$0x3F9E] =	sst s1;
	(tag) =	ssettag s2;
	_ =	strace s9  }
0x27: {  	s1 =	sld [smem:$0x3FAE]  }
0x28: {  	s2 =	sld [smem:$0x3FAF]  }
0x29: {  	s4 =	sld [smem:$0x3FB1]  }
0x2a: {  	p0 =	seq.s32 s5, $0x0;
	s5 =	sld [smem:$0x3FB2]  }
0x2b: {  	s6 =	sld [smem:$0x3FB3]  }
0x2c: {  	s7 =	sld [smem:$0x3FB4]  }
0x2d: {  	s3 =	simm.s32 $0x108;
	s8 =	sld [smem:$0x3FB5]  }
0x2e: {  	s3 =	simm.s32 @!p0 $0x1082;
	s9 =	sld [smem:$0x3FB6]  }
0x2f: {  	lr =	sadd.s32 s0, s3;
	s0 =	sld [smem:$0x3FAD]  }
0x30: {  	s3 =	sld [smem:$0x3FB0]  }
0x31: {  	[smem:$0x3FB9] =	sst s10  }
0x32: {  	s10 =	sld [smem:$0x3FB7];
	_ =	sdelay $0x3  }
0x33: {  	p0 =	seq.s32 s10, $0x1;
	s10 =	sld [smem:$0x3FB9];
	_ =	sdelay $0x3  }
0x34: {  	[smem:$0x3FB9] =	sst s10  }
0x35: {  	s10 =	sld [smem:$0x3FB8];
	_ =	sdelay $0x3  }
0x36: {  	p1 =	seq.s32 s10, $0x1;
	s10 =	sld [smem:$0x3FB9];
	_ =	sdelay $0x3  }
0x37: {  	[smem:$0x3FB9] =	sst s10  }
0x38: {  	s10 =	sld [smem:$0x3FBA]  }
0x39: {  	_ = 	snop;
	(pc) =	sbr.ind lr, $3  }
0x3a: {  	_ = 	snop  }
0x3b: {  	_ = 	snop  }
0x3c: {  	p2 =	seq.s32 s10, $0x1;
	s10 =	sld [smem:$0x3FB9]  }
0x3d: {  	_ =	shalt  }
0x3e: {  	_ =	shalt  }
0x3f: {  	_ =	shalt  }
0x40: {  	_ =	shalt  }
0x41: {  	_ =	shalt  }
0x42: {  	_ =	shalt  }
0x43: {  	_ =	shalt  }
0x44: {  	_ =	shalt  }
0x45: {  	_ =	shalt  }
0x46: {  	_ =	shalt  }
0x47: {  	_ =	shalt  }
0x48: {  	_ =	shalt  }
0x49: {  	_ =	shalt  }
0x4a: {  	_ =	shalt  }
0x4b: {  	_ =	shalt  }
0x4c: {  	_ =	shalt  }
0x4d: {  	_ =	shalt  }
0x4e: {  	_ =	shalt  }
0x4f: {  	_ =	shalt  }
0x50: {  	_ =	shalt  }
0x51: {  	_ =	shalt  }
0x52: {  	_ =	shalt  }
0x53: {  	_ =	shalt  }
0x54: {  	_ =	shalt  }
0x55: {  	_ =	shalt  }
0x56: {  	_ =	shalt  }
0x57: {  	_ =	shalt  }
0x58: {  	_ =	shalt  }
0x59: {  	_ =	shalt  }
0x5a: {  	_ =	shalt  }
0x5b: {  	_ =	shalt  }
0x5c: {  	_ =	shalt  }
0x5d: {  	_ =	shalt  }
0x5e: {  	_ =	shalt  }
0x5f: {  	_ =	shalt  }
0x60: {  	_ =	shalt  }
0x61: {  	_ =	shalt  }
0x62: {  	_ =	shalt  }
0x63: {  	_ =	shalt  }
0x64: {  	_ =	shalt  }
0x65: {  	_ =	shalt  }
0x66: {  	_ =	shalt  }
0x67: {  	_ =	shalt  }
0x68: {  	_ =	shalt  }
0x69: {  	_ =	shalt  }
0x6a: {  	_ =	shalt  }
0x6b: {  	_ =	shalt  }
0x6c: {  	_ =	shalt  }
0x6d: {  	_ =	shalt  }
0x6e: {  	_ =	shalt  }
0x6f: {  	_ =	shalt  }
0x70: {  	_ =	shalt  }
0x71: {  	_ =	shalt  }
0x72: {  	_ =	shalt  }
0x73: {  	_ =	shalt  }
0x74: {  	_ =	shalt  }
0x75: {  	_ =	shalt  }
0x76: {  	_ =	shalt  }
0x77: {  	_ =	shalt  }
0x78: {  	_ =	shalt  }
0x79: {  	_ =	shalt  }
0x7a: {  	_ =	shalt  }
0x7b: {  	_ =	shalt  }
0x7c: {  	_ =	shalt  }
0x7d: {  	_ =	shalt  }
0x7e: {  	_ =	shalt  }
0x7f: {  	_ =	shalt  }
0x80: {  	_ =	shalt  }
0x81: {  	_ =	shalt  }
0x82: {  	_ =	shalt  }
0x83: {  	_ =	shalt  }
0x84: {  	_ =	shalt  }
0x85: {  	_ =	shalt  }
0x86: {  	_ =	shalt  }
0x87: {  	_ =	shalt  }
.Lfunc_end0:
.L_simem_size_0:
called_computation_lowered:
.L_overlay_start_0:
0x88: {  	s2 =	sld [smem:$0x3FD9]  }
0x89: {  	s3 =	sld [smem:$0x3FFE];
	_ =	sdelay $0x1  }
0x8a: {  	s1 =	srdreg.scid  }
0x8b: {  	s0 =	sand.u32 $0x1, s1  }
0x8c: {  	s16 =	sshll.u32 s0, $0xA;
	s2 =	sadd.s32 s3, s2  }
0x8d: {  	s2 =	sadd.s32 s2, s16  }
0x8e: {  	[smem:$0x3FC5] =	sst s2  }
0x8f: {  	_ = 	snop  }
0x90: {  	(tm) =	ssettm $0x1  }
0x91: {  	s17 =	sld [smem:$0x3FFB];
	_ =	sdelay $0x3  }
0x92: {  	_ =	strace s17  }
0x93: {  	s2 =	sld [smem:$0x3FFC];
	_ =	sdelay $0x3  }
0x94: {  	_ =	strace s2  }
0x95: {  	s2 =	sld [smem:$0x3FFD];
	_ =	sdelay $0x3  }
0x96: {  	_ =	strace s2  }
0x97: {  	_ =	strace $0x8FFFFFFF  }
0x98: {  	s18 =	sld [smem:$0x3FDB];
	_ =	sdelay $0x1  }
0x99: {  	s19 =	simm.s32 $_scs_section_size  }
0x9a: {  	s4 =	simm.s32 $_size__tile_overlayer_lowered;
	s5 =	simm.s32 $_tile_overlayer_lowered  }
0x9b: {  	s22 =	simm.s32 $0x1BFF;
	s21 =	sshll.u32 s5, $0x1;
	s2 =	sadd.s32 s19, s18  }
0x9c: {  	s6 =	simm.s32 $0x0;
	s20 =	sshll.u32 s4, $0x1;
	s4 =	sadd.s32 s21, s2  }
0x9d: {  	[timem:s6], [sflag:s22] =	dma.local [hbm:s4], s20  }
0x9e: {  	_ =	swait.ge [sflag:s22], s20  }
0x9f: {  	s3 =	ssub.s32 $0x0, s20;
	[sflag:s22] =	ssyncset.done $0x0  }
0xa0: {  	[sflag:s22] =	ssyncadd.s32 s3;
	_ =	sdelay $0x1  }
0xa1: {  	s23 =	simm.s32 $0x1B8B  }
0xa2: {  	_ =	swait.ge [sflag:s23], $0x1  }
0xa3: {  	[sflag:s23] =	ssyncset.done $0x0  }
0xa4: {  	s25 =	simm.s32 $0x1B8E;
	s24 =	sld [smem:$0x3FFE];
	[sflag:s23] =	ssyncadd.s32 $0xFFFFFFFF  }
0xa5: {  	s26 =	simm.s32 $execute0_lowered;
	[smem:$0x3FD2] =	sst s25  }
0xa6: {  	s4 =	sshll.u32 s26, $0x1;
	_ =	strace $0x80000046;
	[dreg:$0x1] =	wrdreg $0xFFFFFFFF  }
0xa7: {  	s28 =	simm.s32 $_size_execute0_lowered;
	s2 =	sadd.s32 s2, s4;
	[dreg:$0x0] =	wrdreg $0x0  }
0xa8: {  	s4 =	sshll.u32 s28, $0x1;
	[dreg:$0x2] =	wrdreg s2  }
0xa9: {  	[dreg:$0x3] =	wrdreg s4  }
0xaa: {  	[dreg:$0x4] =	wrdreg $0xC0  }
0xab: {  	_ =	task [dreg:s6], $0x5FFFF  }
0xac: {  	[dreg:$0x1] =	wrdreg $0xFFFFFFFF  }
0xad: {  	[dreg:$0x0] =	wrdreg $0x60  }
0xae: {  	[dreg:$0x2] =	wrdreg s24  }
0xaf: {  	[dreg:$0x3] =	wrdreg $0x9  }
0xb0: {  	_ =	task.clear_ibuf [dreg:s6], $0x4FFFF;
	_ =	strace $0x90000046  }
0xb1: {  	s29 =	simm.s32 $0x9;
	_ =	strace $0x80000048  }
0xb2: {  	_ =	swait.ge [sflag:s29], $0x1  }
0xb3: {  	[sflag:s29] =	ssyncadd.s32 $0xFFFFFFFF  }
0xb4: {  	_ =	strace $0x90000048  }
0xb5: {  	_ =	sfence  }
0xb6: {  	s30 =	sld [smem:$0x0];
	_ =	sdelay $0x2  }
0xb7: {  	s31 =	sshll.u32 s1, $0xD;
	s1 =	sshrl.u32 s1, $0x2  }
0xb8: {  	s3 =	sand.u32 $0x4000, s31;
	s1 =	sadd.s32 s1, s30  }
0xb9: {  	s0 =	sor.u32 s3, s0;
	s1 =	sshll.u32 s1, $0x11  }
0xba: {  	s0 =	sor.u32 s1, s0  }
0xbb: {  	s0 =	sadd.s32 $0x8F2B, s0  }
0xbc: {  	[sflag:s0] =	ssyncadd.remote.s32 $0x1  }
0xbd: {  	_ =	sfence.sel $0xFFFF  }
0xbe: {  	[dreg:$0x0] =	wrdreg $0xFFFFFFFF;
	(pc) =	sbr.abs _section_cstart, $3  }
0xbf: {  	[dreg:$0x1] =	wrdreg $0xFFFFFFFF  }
0xc0: {  	_ =	task.clear_ibuf [dreg:s6], $0x2FFFF;
	_ =	strace $0x9FFFFFFF  }
0xc1: {  	(tm) =	ssettm $0x7FFFFFFF  }
tec
execute0_lowered:
.L_overlay_start_1:
0x0: {  	(tag) =	ssettag $0x1  }
0x1: {  	s0 =	rddreg [dreg:$0x0]  }
0x2: {  	s1 =	srdreg.scid;
	s3 =	stileid.u32;
	s2 =	simm.s32 $0x0  }
0x3: {  	s16 =	simm.s32 $0x5;
	s17 =	simm.s32 $0xEA60;
	s18 =	simm.s32 $0x1  }
0x4: {  	s19 =	simm.s32 $0x13900;
	s20 =	simm.s32 $0x17900;
	s21 =	simm.s32 $0x2  }
0x5: {  	s22 =	simm.s32 $0x4E20;
	s1 =	sand.u32 $0x1, s1;
	s3 =	sshll.u32 s3, $0x1  }
0x6: {  	s23 =	simm.s32 $0x3;
	[smem:$0x7FF] =	sst s2;
	s5 =	sor.u32 s1, s3  }
0x7: {  	s4 =	sadd.s32 $0xE00, s0;
	s3 =	smul.u32 $0xC3500, s5;
	s5 =	sshll.u32 s5, $0x4  }
0x8: {  	v0 =	vimm.f32 $-Inf;
	_ =	strace $0x80000047;
	s1 =	ssub.s32 $0x2, s1;
	s0 =	sadd.s32 s5, s0  }
0x9: {  	s24 =	simm.s32 $0x9C40;
	(xrf0) =	vmax.scan.msk.f32 $0xffff, v0;
	s26 =	sshrl.u32 s1, $0x1;
	s7 =	sadd.s32 $0xC00, s0  }
0xa: {  	s1 =	ssub.s32 s1, s26;
	s30 =	sadd.s32 $0x30E200, s0;
	[dreg:$0x3] =	wrdreg s7  }
0xb: {  	s6 =	sshrl.u32 s3, $0x3;
	s0 =	sadd.s32 $0x30E400, s0;
	[dreg:$0x6] =	wrdreg s30  }
.Ltmp0:
0xc: {  	v3 =	vlaneseq.u32;
	s31 =	smax.u32 s1, $0x1;
	[dreg:$0x7] =	wrdreg s0;
	(pc) =	sbr.rel .LBB2_1-.Ltmp0, $4  }
0xd: {  	v4 =	vimm.s32 $0x0;
	s25 =	simm.s32 $0x4;
	v5 =	vor.u32 $0x10, v3;
	s6 =	sadd.s32 s4, s6;
	[dreg:$0x8] =	wrdreg s31  }
0xe: {  	s29 =	simm.s32 $0x0;
	v6 =	vor.u32 $0x20, v3;
	v7 =	vor.u32 $0x30, v3;
	v8 =	vor.u32 $0x40, v3;
	s28 =	sadd.s32 $0x9C4, s6;
	[dreg:$0x2] =	wrdreg s6  }
0xf: {  	v9 =	vor.u32 $0x50, v3;
	v10 =	vor.u32 $0x60, v3;
	v11 =	vor.u32 $0x70, v3;
	s9 =	sadd.s32 $0x13880, s3;
	s6 =	sadd.s32 $0x1388, s6;
	[dreg:$0x4] =	wrdreg s28;
	v1, _, _ =	vpop (xrf0)  }
0x10: {  	v12 =	vor.u32 $0x80, v3;
	v13 =	vor.u32 $0x90, v3;
	s10 =	sadd.s32 $0x186A0, s3;
	s11 =	sadd.s32 $0x1D4C0, s3;
	[dreg:$0x5] =	wrdreg s6;
	v2 =	vbroadcast v1, $0xF  }
.LBB2_159:
0x11: {  	v19 =	vld [tilespmem:s0+$0x0];
	_ =	sdelay $0x3  }
0x12: {  	vm0 =	veq.s32 v18, v17  }
0x13: {  	v18 =	vsel vm0, $0xFF800000, v19  }
0x14: {  	[tilespmem:s0+$0x0] =	vst v18  }
.LBB2_160:
0x15: {  	vm0 =	vmmov $0x7fff  }
0x16: {  	v14 =	vsel vm0, v14, v16  }
0x17: {  	v15 =	vsel vm0, v15, v17;
	[tilespmem:$0x1B900] =	vst v14  }
0x18: {  	s0 =	rddreg [dreg:$0x6];
	s1 =	simm.s32 $0x1B900;
	[tilespmem:$0x1B980] =	vst v15  }
0x19: {  	[hbm4b:s0+s2] =	stream.linear.scatter [tilespmem:s1], [sflag:$0x5], $0x80, $0x38;
	[tilespmem:$0x1BA00] =	vst v63  }
0x1a: {  	_ =	swait.ge [sflag:s16], $0x80  }
0x1b: {  	[sflag:s16] =	ssyncset.done $0x0  }
0x1c: {  	s30 =	simm.s32 $0x1B980;
	s28 =	rddreg [dreg:$0x7];
	[sflag:s16] =	ssyncadd.s32 $0xFFFFFF80  }
0x1d: {  	[hbm4b:s28+s2] =	stream.linear.scatter [tilespmem:s30], [sflag:$0x5], $0x80, $0x38;
	[tilespmem:$0x1BA00] =	vst v63  }
0x1e: {  	_ =	swait.ge [sflag:s16], $0x80  }
0x1f: {  	s29 =	sadd.s32 $0x1, s29;
	s31 =	rddreg [dreg:$0x8]  }
0x20: {  	p0 =	sne.s32 s29, s31  }
.Ltmp1:
0x21: {  	_ = 	snop;
	(pc) =	sbr.rel @!p0 .LBB2_161-.Ltmp1, $3  }
0x22: {  	_ =	sdelay $0x1  }
0x23: {  	[sflag:s16] =	ssyncset.done $0x0  }
0x24: {  	[sflag:s16] =	ssyncadd.s32 $0xFFFFFF80  }
.LBB2_1:
0x25: {  	s0 =	rddreg [dreg:$0x3];
	s1 =	simm.s32 $0x13880  }
0x26: {  	[tilespmem:s1], [sflag:$0x5] =	stream.linear.gather [hbm4b:s0+s2], $0x80, $0x38;
	[tilespmem:$0x1BA00] =	vst v63  }
0x27: {  	_ =	swait.ge [sflag:s16], $0x80  }
0x28: {  	[sflag:s16] =	ssyncset.done $0x0  }
0x29: {  	s0 =	simm.s32 $0x40;
	s1 =	simm.s32 $0x0;
	[sflag:s16] =	ssyncadd.s32 $0xFFFFFF80  }
.LBB2_2:
0x2a: {  	p0 =	sne.s32 s0, $0xFFC0;
	[tilespmem:s1+$0x13900] =	vst v0;
	s1 =	smov.u32 s0;
	s0 =	sadd.s32 $0x40, s0  }
.Ltmp2:
0x2b: {  	(pc) =	sbr.rel @p0 .LBB2_2-.Ltmp2, $2  }
0x2c: {  	_ =	sdelay $0x2  }
0x2d: {  	s1 =	sshra.s32 s1, $0x2  }
0x2e: {  	[tilespmem:s1+$0x13900] =	vst v0;
	s30 =	simm.s32 $0x0;
	s0 =	rddreg [dreg:$0x2]  }
0x2f: {  	[tilespmem:s30], [sflag:$0x1] =	stream.linear.gather [hbm4b:s0+s30], $0x4E20, $0x38;
	[tilespmem:$0x1BA00] =	vst v63  }
.Ltmp3:
0x30: {  	s26 =	rddreg [dreg:$0x4];
	(pc) =	sbr.rel .LBB2_4-.Ltmp3, $4  }
0x31: {  	s31 =	simm.s32 $0x4E20;
	s28 =	rddreg [dreg:$0x5];
	s1 =	simm.s32 $0xEA60  }
0x32: {  	[tilespmem:s31], [sflag:$0x2] =	stream.linear.gather [hbm4b:s26+s30], $0x4E20, $0x38;
	[tilespmem:$0x1BA00] =	vst v63  }
0x33: {  	s15 =	simm.s32 $0x0;
	s0 =	simm.s32 $0x9C40;
	s26 =	simm.s32 $0x0  }
0x34: {  	v15 =	vimm.s32 $0x0;
	v16 =	vimm.f32 $-Inf;
	v14 =	vimm.f32 $-Inf;
	[tilespmem:s0], [sflag:$0x3] =	stream.linear.gather [hbm4b:s28+s30], $0x4E20, $0x38;
	[tilespmem:$0x1BA00] =	vst v63  }
.LBB2_20:
0x35: {  	s26 =	sadd.s32 $0x1, s26  }
0x36: {  	p0 =	sne.s32 s26, $0xA  }
.Ltmp4:
0x37: {  	_ = 	snop;
	(pc) =	sbr.rel @!p0 .LBB2_21-.Ltmp4, $3  }
0x38: {  	_ =	sdelay $0x1  }
0x39: {  	s15 =	sadd.s32 $0x13880, s15  }
0x3a: {  	s31 =	sadd.s32 $0x13880, s31;
	s0 =	sadd.s32 $0x13880, s0;
	s1 =	sadd.s32 $0x13880, s1  }
.LBB2_4:
0x3b: {  	s28 =	sshllo.u32 s26, $0x2  }
0x3c: {  	s5 =	smul.u32 $0x4E20, s28;
	_ =	sdelay $0x1  }
0x3d: {  	s5 =	sadd.s32 s3, s5  }
0x3e: {  	s5 =	sshrl.u32 s5, $0x3  }
0x3f: {  	s14 =	smul.u32 $0x334, s26;
	s5 =	sadd.s32 s4, s5  }
0x40: {  	[tilespmem:s17], [sflag:$0x4] =	stream.linear.gather [hbm4b:s5+s30], $0x4E20, $0x38;
	[tilespmem:$0x1BA00] =	vst v63  }
.Ltmp5:
0x41: {  	_ = 	snop;
	(pc) =	sbr.rel .LBB2_5-.Ltmp5, $4  }
0x42: {  	_ =	swait.ge [sflag:s18], $0x4E20  }
0x43: {  	s5 =	sshrl.u32 s14, $0x6;
	[sflag:s18] =	ssyncset.done $0x0  }
0x44: {  	s7 =	sshll.u32 s26, $0x2;
	s5 =	sand.u32 $0x3F0, s5;
	[sflag:s18] =	ssyncadd.s32 $0xFFFFB1E0  }
0x45: {  	s6 =	smul.u32 $0x13880, s26;
	s8 =	simm.s32 $0x50;
	s12 =	simm.s32 $0x0;
	v17 =	vld [tilespmem:s5+$0x13880]  }
.LBB2_7:
0x46: {  	s12 =	sadd.s32 $0xA0, s12  }
0x47: {  	p0 =	sne.s32 s12, $0x4E20  }
.Ltmp6:
0x48: {  	_ = 	snop;
	(pc) =	sbr.rel @!p0 .LBB2_8-.Ltmp6, $2  }
0x49: {  	_ =	sdelay $0x2  }
0x4a: {  	s8 =	sadd.s32 $0xA0, s8  }
.LBB2_5:
0x4b: {  	v18 =	vld [tilespmem:s8+$0xFFFFFFB0]  }
0x4c: {  	v19 =	vld [tilespmem:s8+$0xFFFFFFC0]  }
0x4d: {  	v20 =	vld [tilespmem:s8+$0xFFFFFFD0]  }
0x4e: {  	v21 =	vld [tilespmem:s8+$0xFFFFFFE0]  }
0x4f: {  	v22 =	vld [tilespmem:s8+$0xFFFFFFF0]  }
0x50: {  	v23 =	vld [tilespmem:s8+$0x0]  }
0x51: {  	v24 =	vld [tilespmem:s8+$0x10]  }
0x52: {  	v25 =	vld [tilespmem:s8+$0x20]  }
0x53: {  	s5 =	sand.u32 $0x7FE0, s12;
	v27 =	vld [tilespmem:s8+$0x40]  }
0x54: {  	v26 =	vld [tilespmem:s5+$0x80];
	_ =	sdelay $0x2  }
0x55: {  	v22 =	vmax.f32 v18, v22  }
0x56: {  	v19 =	vmax.f32 v19, v24;
	v22 =	vmax.f32 v22, v23  }
0x57: {  	v20 =	vmax.f32 v20, v25;
	v21 =	vmax.f32 v21, v26;
	v22 =	vmax.f32 v22, v27  }
0x58: {  	v63 =	vsub.f32 v16, v17;
	v20 =	vmax.f32 v20, v21;
	v19 =	vmax.f32 v22, v19  }
0x59: {  	v19 =	vmax.f32 v19, v20  }
0x5a: {  	vm0 =	vge.f32 v19, v63  }
0x5b: {  	v20 =	vmpcnt.ones.xlane vm0;
	_ =	sdelay $0x1  }
0x5c: {  	(v2sf) =	vpush v20, $0x0;
	_ =	sdelay $0xe  }
0x5d: {  	s14 =	spop (v2sf)  }
0x5e: {  	p0 =	slt.s32 s14, $0x1  }
.Ltmp7:
0x5f: {  	_ = 	snop;
	(pc) =	sbr.rel @p0 .LBB2_7-.Ltmp7, $3  }
0x60: {  	_ = 	snop  }
0x61: {  	v19 =	vadd.f32 v19, v17;
	_ =	sdelay $0x1  }
0x62: {  	v14 =	vmax.f32 v14, v19  }
0x63: {  	v16 =	vsub.f32 $0.0e+00, v14;
	_ =	sdelay $0x1  }
0x64: {  	(xrf0) =	vmax.scan.msk.f32 $0xffff, v16;
	_ =	sdelay $0x5  }
0x65: {  	v16, _, _ =	vpop (xrf0)  }
0x66: {  	(v2sf) =	vpush v16, $0xF;
	_ =	sdelay $0xe  }
0x67: {  	s5 =	spop (v2sf)  }
0x68: {  	v16 =	vadd.f32 v18, v17;
	s13 =	ssub.f32 $0.0e+00, s5;
	_ =	sdelay $0x1  }
0x69: {  	vm0 =	vge.f32 v16, s13  }
0x6a: {  	v18 =	vmpcnt.ones.xlane vm0  }
0x6b: {  	v19 =	vadd.s32 v3, v15  }
0x6c: {  	vm1 =	vlt.s32 v19, $0x3FFF;
	vm0 =	vgt.s32 v18, $0x0  }
0x6d: {  	v18 =	vnsel vm1, $0x3FFF, v19;
	_ =	sdelay $0x3  }
0x6e: {  	s14 =	sadd.s32 s12, s15  }
0x6f: {  	v19 =	vor.u32 s14, v3;
	[tilespmem:v18+s19+$0x0] =	vst.idx.msk vm0, v16  }
0x70: {  	[tilespmem:v18+s20+$0x0] =	vst.idx.msk vm0, v19  }
0x71: {  	v16 =	vld [tilespmem:s8+$0xFFFFFFC0];
	_ =	sdelay $0x4  }
0x72: {  	v16 =	vadd.f32 v16, v17;
	_ =	sdelay $0x1  }
0x73: {  	v18 =	vsel vm0, $0x10, v4;
	vm10 =	vge.f32 v16, s13  }
0x74: {  	v15 =	vadd.s32 v15, v18;
	v18 =	vmpcnt.ones.xlane vm10  }
0x75: {  	v19 =	vadd.s32 v3, v15  }
0x76: {  	vm11 =	vlt.s32 v19, $0x3FFF;
	vm0 =	vgt.s32 v18, $0x0  }
0x77: {  	v18 =	vnsel vm11, $0x3FFF, v19;
	_ =	sdelay $0x4  }
0x78: {  	v19 =	vor.u32 s14, v5;
	[tilespmem:v18+s19+$0x0] =	vst.idx.msk vm0, v16  }
0x79: {  	[tilespmem:v18+s20+$0x0] =	vst.idx.msk vm0, v19  }
0x7a: {  	v16 =	vld [tilespmem:s8+$0xFFFFFFD0];
	_ =	sdelay $0x4  }
0x7b: {  	v16 =	vadd.f32 v16, v17;
	_ =	sdelay $0x1  }
0x7c: {  	v18 =	vsel vm0, $0x10, v4;
	vm12 =	vge.f32 v16, s13  }
0x7d: {  	v15 =	vadd.s32 v15, v18;
	v18 =	vmpcnt.ones.xlane vm12  }
0x7e: {  	v19 =	vadd.s32 v3, v15  }
0x7f: {  	vm13 =	vlt.s32 v19, $0x3FFF;
	vm0 =	vgt.s32 v18, $0x0  }
0x80: {  	v18 =	vnsel vm13, $0x3FFF, v19;
	_ =	sdelay $0x4  }
0x81: {  	v19 =	vadd.s32 s14, v6;
	[tilespmem:v18+s19+$0x0] =	vst.idx.msk vm0, v16  }
0x82: {  	[tilespmem:v18+s20+$0x0] =	vst.idx.msk vm0, v19  }
0x83: {  	v16 =	vld [tilespmem:s8+$0xFFFFFFE0];
	_ =	sdelay $0x4  }
0x84: {  	v16 =	vadd.f32 v16, v17;
	_ =	sdelay $0x1  }
0x85: {  	v18 =	vsel vm0, $0x10, v4;
	vm14 =	vge.f32 v16, s13  }
0x86: {  	v15 =	vadd.s32 v15, v18;
	v18 =	vmpcnt.ones.xlane vm14  }
0x87: {  	v19 =	vadd.s32 v3, v15  }
0x88: {  	vm15 =	vlt.s32 v19, $0x3FFF;
	vm0 =	vgt.s32 v18, $0x0  }
0x89: {  	v18 =	vnsel vm15, $0x3FFF, v19;
	_ =	sdelay $0x4  }
0x8a: {  	v19 =	vadd.s32 s14, v7;
	[tilespmem:v18+s19+$0x0] =	vst.idx.msk vm0, v16  }
0x8b: {  	[tilespmem:v18+s20+$0x0] =	vst.idx.msk vm0, v19  }
0x8c: {  	v16 =	vld [tilespmem:s8+$0xFFFFFFF0];
	_ =	sdelay $0x4  }
0x8d: {  	v16 =	vadd.f32 v16, v17;
	_ =	sdelay $0x1  }
0x8e: {  	v18 =	vsel vm0, $0x10, v4;
	vm4 =	vge.f32 v16, s13  }
0x8f: {  	v15 =	vadd.s32 v15, v18;
	v18 =	vmpcnt.ones.xlane vm4  }
0x90: {  	v19 =	vadd.s32 v3, v15  }
0x91: {  	vm5 =	vlt.s32 v19, $0x3FFF;
	vm0 =	vgt.s32 v18, $0x0  }
0x92: {  	v18 =	vnsel vm5, $0x3FFF, v19;
	_ =	sdelay $0x4  }
0x93: {  	v19 =	vadd.s32 s14, v8;
	[tilespmem:v18+s19+$0x0] =	vst.idx.msk vm0, v16  }
0x94: {  	[tilespmem:v18+s20+$0x0] =	vst.idx.msk vm0, v19  }
0x95: {  	v16 =	vld [tilespmem:s8+$0x0];
	_ =	sdelay $0x4  }
0x96: {  	v16 =	vadd.f32 v16, v17;
	_ =	sdelay $0x1  }
0x97: {  	v18 =	vsel vm0, $0x10, v4;
	vm6 =	vge.f32 v16, s13  }
0x98: {  	v15 =	vadd.s32 v15, v18;
	v18 =	vmpcnt.ones.xlane vm6  }
0x99: {  	v19 =	vadd.s32 v3, v15  }
0x9a: {  	vm7 =	vlt.s32 v19, $0x3FFF;
	vm0 =	vgt.s32 v18, $0x0  }
0x9b: {  	v18 =	vnsel vm7, $0x3FFF, v19;
	_ =	sdelay $0x4  }
0x9c: {  	v19 =	vadd.s32 s14, v9;
	[tilespmem:v18+s19+$0x0] =	vst.idx.msk vm0, v16  }
0x9d: {  	[tilespmem:v18+s20+$0x0] =	vst.idx.msk vm0, v19  }
0x9e: {  	v16 =	vld [tilespmem:s8+$0x10];
	_ =	sdelay $0x4  }
0x9f: {  	v16 =	vadd.f32 v16, v17;
	_ =	sdelay $0x1  }
0xa0: {  	v18 =	vsel vm0, $0x10, v4;
	vm8 =	vge.f32 v16, s13  }
0xa1: {  	v15 =	vadd.s32 v15, v18;
	v18 =	vmpcnt.ones.xlane vm8  }
0xa2: {  	v19 =	vadd.s32 v3, v15  }
0xa3: {  	vm9 =	vlt.s32 v19, $0x3FFF;
	vm0 =	vgt.s32 v18, $0x0  }
0xa4: {  	v18 =	vnsel vm9, $0x3FFF, v19;
	_ =	sdelay $0x4  }
0xa5: {  	v19 =	vadd.s32 s14, v10;
	[tilespmem:v18+s19+$0x0] =	vst.idx.msk vm0, v16  }
0xa6: {  	[tilespmem:v18+s20+$0x0] =	vst.idx.msk vm0, v19  }
0xa7: {  	v16 =	vld [tilespmem:s8+$0x20];
	_ =	sdelay $0x4  }
0xa8: {  	v16 =	vadd.f32 v16, v17;
	_ =	sdelay $0x1  }
0xa9: {  	v18 =	vsel vm0, $0x10, v4;
	vm10 =	vge.f32 v16, s13  }
0xaa: {  	v15 =	vadd.s32 v15, v18;
	v18 =	vmpcnt.ones.xlane vm10  }
0xab: {  	v19 =	vadd.s32 v3, v15  }
0xac: {  	vm11 =	vlt.s32 v19, $0x3FFF;
	vm0 =	vgt.s32 v18, $0x0  }
0xad: {  	v18 =	vnsel vm11, $0x3FFF, v19;
	_ =	sdelay $0x4  }
0xae: {  	v19 =	vadd.s32 s14, v11;
	[tilespmem:v18+s19+$0x0] =	vst.idx.msk vm0, v16  }
0xaf: {  	[tilespmem:v18+s20+$0x0] =	vst.idx.msk vm0, v19  }
0xb0: {  	v16 =	vld [tilespmem:s8+$0x30];
	_ =	sdelay $0x4  }
0xb1: {  	v16 =	vadd.f32 v16, v17;
	_ =	sdelay $0x1  }
0xb2: {  	v18 =	vsel vm0, $0x10, v4;
	vm12 =	vge.f32 v16, s13  }
0xb3: {  	v15 =	vadd.s32 v15, v18;
	v18 =	vmpcnt.ones.xlane vm12  }
0xb4: {  	v19 =	vadd.s32 v3, v15  }
0xb5: {  	vm13 =	vlt.s32 v19, $0x3FFF;
	vm0 =	vgt.s32 v18, $0x0  }
0xb6: {  	v18 =	vnsel vm13, $0x3FFF, v19;
	_ =	sdelay $0x4  }
0xb7: {  	v19 =	vadd.s32 s14, v12;
	[tilespmem:v18+s19+$0x0] =	vst.idx.msk vm0, v16  }
0xb8: {  	[tilespmem:v18+s20+$0x0] =	vst.idx.msk vm0, v19  }
0xb9: {  	v16 =	vld [tilespmem:s8+$0x40];
	_ =	sdelay $0x4  }
0xba: {  	v16 =	vadd.f32 v16, v17;
	_ =	sdelay $0x1  }
0xbb: {  	v18 =	vsel vm0, $0x10, v4;
	vm14 =	vge.f32 v16, s13  }
0xbc: {  	v15 =	vadd.s32 v15, v18;
	v18 =	vmpcnt.ones.xlane vm14  }
0xbd: {  	v19 =	vadd.s32 v3, v15  }
0xbe: {  	vm15 =	vlt.s32 v19, $0x3FFF;
	vm0 =	vgt.s32 v18, $0x0  }
0xbf: {  	v18 =	vnsel vm15, $0x3FFF, v19;
	_ =	sdelay $0x1  }
.Ltmp8:
0xc0: {  	_ = 	snop;
	(pc) =	sbr.rel .LBB2_7-.Ltmp8, $3  }
0xc1: {  	_ =	sdelay $0x1  }
0xc2: {  	v19 =	vadd.s32 s14, v13;
	v20 =	vsel vm0, $0x10, v4;
	[tilespmem:v18+s19+$0x0] =	vst.idx.msk vm0, v16  }
0xc3: {  	v15 =	vadd.s32 v15, v20;
	v16 =	vmov s13;
	[tilespmem:v18+s20+$0x0] =	vst.idx.msk vm0, v19  }
.LBB2_8:
0xc4: {  	s5 =	sadd.s32 s6, s9  }
0xc5: {  	p0 =	slt.s32 s5, $0x18651E0  }
0xc6: {  	s5 =	simm.s32 @!p0 $0x18651E0  }
0xc7: {  	s12 =	sor.u32 $0x1, s7;
	s5 =	sshrl.u32 s5, $0x3  }
0xc8: {  	s8 =	simm.s32 $0x0;
	s14 =	smulhi.u32 $0x66666667, s12;
	s5 =	sadd.s32 s4, s5  }
0xc9: {  	[tilespmem:s8], [sflag:$0x1] =	stream.linear.gather [hbm4b:s5+s8], $0x4E20, $0x38;
	[tilespmem:$0x1BA00] =	vst v63  }
.Ltmp9:
0xca: {  	_ = 	snop;
	(pc) =	sbr.rel .LBB2_9-.Ltmp9, $4  }
0xcb: {  	_ =	swait.ge [sflag:s21], $0x4E20  }
0xcc: {  	s5 =	sshll.u32 s14, $0x3;
	[sflag:s21] =	ssyncset.done $0x0  }
0xcd: {  	s5 =	sand.u32 $0x3FFFFFF0, s5;
	[sflag:s21] =	ssyncadd.s32 $0xFFFFB1E0  }
0xce: {  	s12 =	simm.s32 $0x0;
	v17 =	vld [tilespmem:s5+$0x13880]  }
.LBB2_11:
0xcf: {  	s12 =	sadd.s32 $0x280, s12  }
0xd0: {  	p0 =	sne.s32 s12, $0x13880  }
.Ltmp10:
0xd1: {  	_ = 	snop;
	(pc) =	sbr.rel @!p0 .LBB2_12-.Ltmp10, $2  }
0xd2: {  	_ =	sdelay $0x2  }
0xd3: {  	s8 =	sadd.s32 $0xA0, s8  }
.LBB2_9:
0xd4: {  	s13 =	sshra.s32 s12, $0x2  }
0xd5: {  	v18 =	vld [tilespmem:s13+$0x4E20]  }
0xd6: {  	v19 =	vld [tilespmem:s13+$0x4E30]  }
0xd7: {  	v20 =	vld [tilespmem:s13+$0x4E40]  }
0xd8: {  	v21 =	vld [tilespmem:s13+$0x4E50]  }
0xd9: {  	v22 =	vld [tilespmem:s13+$0x4E60]  }
0xda: {  	s5 =	sand.u32 $0x7FE0, s8;
	v23 =	vld [tilespmem:s13+$0x4E70]  }
0xdb: {  	v24 =	vld [tilespmem:s5+$0x4E80]  }
0xdc: {  	v25 =	vld [tilespmem:s13+$0x4E90]  }
0xdd: {  	v26 =	vld [tilespmem:s13+$0x4EA0]  }
0xde: {  	v27 =	vld [tilespmem:s13+$0x4EB0];
	_ =	sdelay $0x2  }
0xdf: {  	v22 =	vmax.f32 v18, v22  }
0xe0: {  	v19 =	vmax.f32 v19, v24;
	v22 =	vmax.f32 v22, v23  }
0xe1: {  	v20 =	vmax.f32 v20, v25;
	v21 =	vmax.f32 v21, v26;
	v22 =	vmax.f32 v22, v27  }
0xe2: {  	v63 =	vsub.f32 v16, v17;
	v20 =	vmax.f32 v20, v21;
	v19 =	vmax.f32 v22, v19  }
0xe3: {  	v19 =	vmax.f32 v19, v20  }
0xe4: {  	vm0 =	vge.f32 v19, v63  }
0xe5: {  	v20 =	vmpcnt.ones.xlane vm0;
	_ =	sdelay $0x1  }
0xe6: {  	(v2sf) =	vpush v20, $0x0;
	_ =	sdelay $0xe  }
0xe7: {  	s14 =	spop (v2sf)  }
0xe8: {  	p0 =	slt.s32 s14, $0x1  }
.Ltmp11:
0xe9: {  	_ = 	snop;
	(pc) =	sbr.rel @p0 .LBB2_11-.Ltmp11, $3  }
0xea: {  	_ = 	snop  }
0xeb: {  	v19 =	vadd.f32 v19, v17;
	_ =	sdelay $0x1  }
0xec: {  	v14 =	vmax.f32 v14, v19  }
0xed: {  	v16 =	vsub.f32 $0.0e+00, v14;
	_ =	sdelay $0x1  }
0xee: {  	(xrf0) =	vmax.scan.msk.f32 $0xffff, v16;
	_ =	sdelay $0x5  }
0xef: {  	v16, _, _ =	vpop (xrf0)  }
0xf0: {  	(v2sf) =	vpush v16, $0xF;
	_ =	sdelay $0xe  }
0xf1: {  	s5 =	spop (v2sf)  }
0xf2: {  	v16 =	vadd.f32 v18, v17;
	s14 =	ssub.f32 $0.0e+00, s5;
	_ =	sdelay $0x1  }
0xf3: {  	vm0 =	vge.f32 v16, s14  }
0xf4: {  	v18 =	vmpcnt.ones.xlane vm0  }
0xf5: {  	v19 =	vadd.s32 v3, v15  }
0xf6: {  	vm1 =	vlt.s32 v19, $0x3FFF;
	vm0 =	vgt.s32 v18, $0x0  }
0xf7: {  	v18 =	vnsel vm1, $0x3FFF, v19;
	_ =	sdelay $0x3  }
0xf8: {  	s5 =	sadd.s32 s8, s31  }
0xf9: {  	v19 =	vor.u32 s5, v3;
	[tilespmem:v18+s19+$0x0] =	vst.idx.msk vm0, v16  }
0xfa: {  	[tilespmem:v18+s20+$0x0] =	vst.idx.msk vm0, v19  }
0xfb: {  	v16 =	vld [tilespmem:s13+$0x4E30];
	_ =	sdelay $0x4  }
0xfc: {  	v16 =	vadd.f32 v16, v17;
	_ =	sdelay $0x1  }
0xfd: {  	v18 =	vsel vm0, $0x10, v4;
	vm10 =	vge.f32 v16, s14  }
0xfe: {  	v15 =	vadd.s32 v15, v18;
	v18 =	vmpcnt.ones.xlane vm10  }
0xff: {  	v19 =	vadd.s32 v3, v15  }
0x100: {  	vm11 =	vlt.s32 v19, $0x3FFF;
	vm0 =	vgt.s32 v18, $0x0  }
0x101: {  	v18 =	vnsel vm11, $0x3FFF, v19;
	_ =	sdelay $0x4  }
0x102: {  	v19 =	vor.u32 s5, v5;
	[tilespmem:v18+s19+$0x0] =	vst.idx.msk vm0, v16  }
0x103: {  	[tilespmem:v18+s20+$0x0] =	vst.idx.msk vm0, v19  }
0x104: {  	v16 =	vld [tilespmem:s13+$0x4E40];
	_ =	sdelay $0x4  }
0x105: {  	v16 =	vadd.f32 v16, v17;
	_ =	sdelay $0x1  }
0x106: {  	v18 =	vsel vm0, $0x10, v4;
	vm12 =	vge.f32 v16, s14  }
0x107: {  	v15 =	vadd.s32 v15, v18;
	v18 =	vmpcnt.ones.xlane vm12  }
0x108: {  	v19 =	vadd.s32 v3, v15  }
0x109: {  	vm13 =	vlt.s32 v19, $0x3FFF;
	vm0 =	vgt.s32 v18, $0x0  }
0x10a: {  	v18 =	vnsel vm13, $0x3FFF, v19;
	_ =	sdelay $0x4  }
0x10b: {  	v19 =	vadd.s32 s5, v6;
	[tilespmem:v18+s19+$0x0] =	vst.idx.msk vm0, v16  }
0x10c: {  	[tilespmem:v18+s20+$0x0] =	vst.idx.msk vm0, v19  }
0x10d: {  	v16 =	vld [tilespmem:s13+$0x4E50];
	_ =	sdelay $0x4  }
0x10e: {  	v16 =	vadd.f32 v16, v17;
	_ =	sdelay $0x1  }
0x10f: {  	v18 =	vsel vm0, $0x10, v4;
	vm14 =	vge.f32 v16, s14  }
0x110: {  	v15 =	vadd.s32 v15, v18;
	v18 =	vmpcnt.ones.xlane vm14  }
0x111: {  	v19 =	vadd.s32 v3, v15  }
0x112: {  	vm15 =	vlt.s32 v19, $0x3FFF;
	vm0 =	vgt.s32 v18, $0x0  }
0x113: {  	v18 =	vnsel vm15, $0x3FFF, v19;
	_ =	sdelay $0x4  }
0x114: {  	v19 =	vadd.s32 s5, v7;
	[tilespmem:v18+s19+$0x0] =	vst.idx.msk vm0, v16  }
0x115: {  	[tilespmem:v18+s20+$0x0] =	vst.idx.msk vm0, v19  }
0x116: {  	v16 =	vld [tilespmem:s13+$0x4E60];
	_ =	sdelay $0x4  }
0x117: {  	v16 =	vadd.f32 v16, v17;
	_ =	sdelay $0x1  }
0x118: {  	v18 =	vsel vm0, $0x10, v4;
	vm4 =	vge.f32 v16, s14  }
0x119: {  	v15 =	vadd.s32 v15, v18;
	v18 =	vmpcnt.ones.xlane vm4  }
0x11a: {  	v19 =	vadd.s32 v3, v15  }
0x11b: {  	vm5 =	vlt.s32 v19, $0x3FFF;
	vm0 =	vgt.s32 v18, $0x0  }
0x11c: {  	v18 =	vnsel vm5, $0x3FFF, v19;
	_ =	sdelay $0x4  }
0x11d: {  	v19 =	vadd.s32 s5, v8;
	[tilespmem:v18+s19+$0x0] =	vst.idx.msk vm0, v16  }
0x11e: {  	[tilespmem:v18+s20+$0x0] =	vst.idx.msk vm0, v19  }
0x11f: {  	v16 =	vld [tilespmem:s13+$0x4E70];
	_ =	sdelay $0x4  }
0x120: {  	v16 =	vadd.f32 v16, v17;
	_ =	sdelay $0x1  }
0x121: {  	v18 =	vsel vm0, $0x10, v4;
	vm6 =	vge.f32 v16, s14  }
0x122: {  	v15 =	vadd.s32 v15, v18;
	v18 =	vmpcnt.ones.xlane vm6  }
0x123: {  	v19 =	vadd.s32 v3, v15  }
0x124: {  	vm7 =	vlt.s32 v19, $0x3FFF;
	vm0 =	vgt.s32 v18, $0x0  }
0x125: {  	v18 =	vnsel vm7, $0x3FFF, v19;
	_ =	sdelay $0x4  }
0x126: {  	v19 =	vadd.s32 s5, v9;
	[tilespmem:v18+s19+$0x0] =	vst.idx.msk vm0, v16  }
0x127: {  	[tilespmem:v18+s20+$0x0] =	vst.idx.msk vm0, v19  }
0x128: {  	v16 =	vld [tilespmem:s13+$0x4E80];
	_ =	sdelay $0x4  }
0x129: {  	v16 =	vadd.f32 v16, v17;
	_ =	sdelay $0x1  }
0x12a: {  	v18 =	vsel vm0, $0x10, v4;
	vm8 =	vge.f32 v16, s14  }
0x12b: {  	v15 =	vadd.s32 v15, v18;
	v18 =	vmpcnt.ones.xlane vm8  }
0x12c: {  	v19 =	vadd.s32 v3, v15  }
0x12d: {  	vm9 =	vlt.s32 v19, $0x3FFF;
	vm0 =	vgt.s32 v18, $0x0  }
0x12e: {  	v18 =	vnsel vm9, $0x3FFF, v19;
	_ =	sdelay $0x4  }
0x12f: {  	v19 =	vadd.s32 s5, v10;
	[tilespmem:v18+s19+$0x0] =	vst.idx.msk vm0, v16  }
0x130: {  	[tilespmem:v18+s20+$0x0] =	vst.idx.msk vm0, v19  }
0x131: {  	v16 =	vld [tilespmem:s13+$0x4E90];
	_ =	sdelay $0x4  }
0x132: {  	v16 =	vadd.f32 v16, v17;
	_ =	sdelay $0x1  }
0x133: {  	v18 =	vsel vm0, $0x10, v4;
	vm10 =	vge.f32 v16, s14  }
0x134: {  	v15 =	vadd.s32 v15, v18;
	v18 =	vmpcnt.ones.xlane vm10  }
0x135: {  	v19 =	vadd.s32 v3, v15  }
0x136: {  	vm11 =	vlt.s32 v19, $0x3FFF;
	vm0 =	vgt.s32 v18, $0x0  }
0x137: {  	v18 =	vnsel vm11, $0x3FFF, v19;
	_ =	sdelay $0x4  }
0x138: {  	v19 =	vadd.s32 s5, v11;
	[tilespmem:v18+s19+$0x0] =	vst.idx.msk vm0, v16  }
0x139: {  	[tilespmem:v18+s20+$0x0] =	vst.idx.msk vm0, v19  }
0x13a: {  	v16 =	vld [tilespmem:s13+$0x4EA0];
	_ =	sdelay $0x4  }
0x13b: {  	v16 =	vadd.f32 v16, v17;
	_ =	sdelay $0x1  }
0x13c: {  	v18 =	vsel vm0, $0x10, v4;
	vm12 =	vge.f32 v16, s14  }
0x13d: {  	v15 =	vadd.s32 v15, v18;
	v18 =	vmpcnt.ones.xlane vm12  }
0x13e: {  	v19 =	vadd.s32 v3, v15  }
0x13f: {  	vm13 =	vlt.s32 v19, $0x3FFF;
	vm0 =	vgt.s32 v18, $0x0  }
0x140: {  	v18 =	vnsel vm13, $0x3FFF, v19;
	_ =	sdelay $0x4  }
0x141: {  	v19 =	vadd.s32 s5, v12;
	[tilespmem:v18+s19+$0x0] =	vst.idx.msk vm0, v16  }
0x142: {  	[tilespmem:v18+s20+$0x0] =	vst.idx.msk vm0, v19  }
0x143: {  	v16 =	vld [tilespmem:s13+$0x4EB0];
	_ =	sdelay $0x4  }
0x144: {  	v16 =	vadd.f32 v16, v17;
	_ =	sdelay $0x1  }
0x145: {  	v18 =	vsel vm0, $0x10, v4;
	vm14 =	vge.f32 v16, s14  }
0x146: {  	v15 =	vadd.s32 v15, v18;
	v18 =	vmpcnt.ones.xlane vm14  }
0x147: {  	v19 =	vadd.s32 v3, v15  }
0x148: {  	vm15 =	vlt.s32 v19, $0x3FFF;
	vm0 =	vgt.s32 v18, $0x0  }
0x149: {  	v18 =	vnsel vm15, $0x3FFF, v19;
	_ =	sdelay $0x1  }
.Ltmp12:
0x14a: {  	_ = 	snop;
	(pc) =	sbr.rel .LBB2_11-.Ltmp12, $3  }
0x14b: {  	_ =	sdelay $0x1  }
0x14c: {  	v19 =	vadd.s32 s5, v13;
	v20 =	vsel vm0, $0x10, v4;
	[tilespmem:v18+s19+$0x0] =	vst.idx.msk vm0, v16  }
0x14d: {  	v15 =	vadd.s32 v15, v20;
	v16 =	vmov s14;
	[tilespmem:v18+s20+$0x0] =	vst.idx.msk vm0, v19  }
.LBB2_12:
0x14e: {  	s5 =	sadd.s32 s6, s10  }
0x14f: {  	p0 =	slt.s32 s5, $0x18651E0  }
0x150: {  	s5 =	simm.s32 @!p0 $0x18651E0  }
0x151: {  	s8 =	sor.u32 $0x2, s7;
	s5 =	sshrl.u32 s5, $0x3  }
0x152: {  	s7 =	simm.s32 $0x0;
	s14 =	smulhi.u32 $0x66666667, s8;
	s5 =	sadd.s32 s4, s5  }
0x153: {  	[tilespmem:s22], [sflag:$0x2] =	stream.linear.gather [hbm4b:s5+s7], $0x4E20, $0x38;
	[tilespmem:$0x1BA00] =	vst v63  }
.Ltmp13:
0x154: {  	_ = 	snop;
	(pc) =	sbr.rel .LBB2_13-.Ltmp13, $4  }
0x155: {  	_ =	swait.ge [sflag:s23], $0x4E20  }
0x156: {  	s5 =	sshll.u32 s14, $0x3;
	[sflag:s23] =	ssyncset.done $0x0  }
0x157: {  	s5 =	sand.u32 $0x3FFFFFF0, s5;
	[sflag:s23] =	ssyncadd.s32 $0xFFFFB1E0  }
0x158: {  	s8 =	simm.s32 $0x0;
	v17 =	vld [tilespmem:s5+$0x13880]  }
.LBB2_15:
0x159: {  	s8 =	sadd.s32 $0x280, s8  }
0x15a: {  	p0 =	sne.s32 s8, $0x13880  }
.Ltmp14:
0x15b: {  	_ = 	snop;
	(pc) =	sbr.rel @!p0 .LBB2_16-.Ltmp14, $2  }
0x15c: {  	_ =	sdelay $0x2  }
0x15d: {  	s7 =	sadd.s32 $0xA0, s7  }
.LBB2_13:
0x15e: {  	s12 =	sshra.s32 s8, $0x2  }
0x15f: {  	v18 =	vld [tilespmem:s12+$0x9C40]  }
0x160: {  	v19 =	vld [tilespmem:s12+$0x9C50]  }
0x161: {  	v20 =	vld [tilespmem:s12+$0x9C60]  }
0x162: {  	s5 =	sand.u32 $0x7FE0, s7;
	v21 =	vld [tilespmem:s12+$0x9C70]  }
0x163: {  	v22 =	vld [tilespmem:s5+$0x9C80]  }
0x164: {  	v23 =	vld [tilespmem:s12+$0x9C90]  }
0x165: {  	v24 =	vld [tilespmem:s12+$0x9CA0]  }
0x166: {  	v25 =	vld [tilespmem:s12+$0x9CB0]  }
0x167: {  	v26 =	vld [tilespmem:s12+$0x9CC0]  }
0x168: {  	v27 =	vld [tilespmem:s12+$0x9CD0];
	_ =	sdelay $0x2  }
0x169: {  	v22 =	vmax.f32 v18, v22  }
0x16a: {  	v19 =	vmax.f32 v19, v24;
	v22 =	vmax.f32 v22, v23  }
0x16b: {  	v20 =	vmax.f32 v20, v25;
	v21 =	vmax.f32 v21, v26;
	v22 =	vmax.f32 v22, v27  }
0x16c: {  	v63 =	vsub.f32 v16, v17;
	v20 =	vmax.f32 v20, v21;
	v19 =	vmax.f32 v22, v19  }
0x16d: {  	v19 =	vmax.f32 v19, v20  }
0x16e: {  	vm0 =	vge.f32 v19, v63  }
0x16f: {  	v20 =	vmpcnt.ones.xlane vm0;
	_ =	sdelay $0x1  }
0x170: {  	(v2sf) =	vpush v20, $0x0;
	_ =	sdelay $0xe  }
0x171: {  	s14 =	spop (v2sf)  }
0x172: {  	p0 =	slt.s32 s14, $0x1  }
.Ltmp15:
0x173: {  	_ = 	snop;
	(pc) =	sbr.rel @p0 .LBB2_15-.Ltmp15, $3  }
0x174: {  	_ = 	snop  }
0x175: {  	v19 =	vadd.f32 v19, v17;
	_ =	sdelay $0x1  }
0x176: {  	v14 =	vmax.f32 v14, v19  }
0x177: {  	v16 =	vsub.f32 $0.0e+00, v14;
	_ =	sdelay $0x1  }
0x178: {  	(xrf0) =	vmax.scan.msk.f32 $0xffff, v16;
	_ =	sdelay $0x5  }
0x179: {  	v16, _, _ =	vpop (xrf0)  }
0x17a: {  	(v2sf) =	vpush v16, $0xF;
	_ =	sdelay $0xe  }
0x17b: {  	s5 =	spop (v2sf)  }
0x17c: {  	v16 =	vadd.f32 v18, v17;
	s13 =	ssub.f32 $0.0e+00, s5;
	_ =	sdelay $0x1  }
0x17d: {  	vm0 =	vge.f32 v16, s13  }
0x17e: {  	v18 =	vmpcnt.ones.xlane vm0  }
0x17f: {  	v19 =	vadd.s32 v3, v15  }
0x180: {  	vm1 =	vlt.s32 v19, $0x3FFF;
	vm0 =	vgt.s32 v18, $0x0  }
0x181: {  	v18 =	vnsel vm1, $0x3FFF, v19;
	_ =	sdelay $0x3  }
0x182: {  	s14 =	sadd.s32 s7, s0  }
0x183: {  	v19 =	vor.u32 s14, v3;
	[tilespmem:v18+s19+$0x0] =	vst.idx.msk vm0, v16  }
0x184: {  	[tilespmem:v18+s20+$0x0] =	vst.idx.msk vm0, v19  }
0x185: {  	v16 =	vld [tilespmem:s12+$0x9C50];
	_ =	sdelay $0x4  }
0x186: {  	v16 =	vadd.f32 v16, v17;
	_ =	sdelay $0x1  }
0x187: {  	v18 =	vsel vm0, $0x10, v4;
	vm10 =	vge.f32 v16, s13  }
0x188: {  	v15 =	vadd.s32 v15, v18;
	v18 =	vmpcnt.ones.xlane vm10  }
0x189: {  	v19 =	vadd.s32 v3, v15  }
0x18a: {  	vm11 =	vlt.s32 v19, $0x3FFF;
	vm0 =	vgt.s32 v18, $0x0  }
0x18b: {  	v18 =	vnsel vm11, $0x3FFF, v19;
	_ =	sdelay $0x4  }
0x18c: {  	v19 =	vor.u32 s14, v5;
	[tilespmem:v18+s19+$0x0] =	vst.idx.msk vm0, v16  }
0x18d: {  	[tilespmem:v18+s20+$0x0] =	vst.idx.msk vm0, v19  }
0x18e: {  	v16 =	vld [tilespmem:s12+$0x9C60];
	_ =	sdelay $0x4  }
0x18f: {  	v16 =	vadd.f32 v16, v17;
	_ =	sdelay $0x1  }
0x190: {  	v18 =	vsel vm0, $0x10, v4;
	vm12 =	vge.f32 v16, s13  }
0x191: {  	v15 =	vadd.s32 v15, v18;
	v18 =	vmpcnt.ones.xlane vm12  }
0x192: {  	v19 =	vadd.s32 v3, v15  }
0x193: {  	vm13 =	vlt.s32 v19, $0x3FFF;
	vm0 =	vgt.s32 v18, $0x0  }
0x194: {  	v18 =	vnsel vm13, $0x3FFF, v19;
	_ =	sdelay $0x4  }
0x195: {  	v19 =	vadd.s32 s14, v6;
	[tilespmem:v18+s19+$0x0] =	vst.idx.msk vm0, v16  }
0x196: {  	[tilespmem:v18+s20+$0x0] =	vst.idx.msk vm0, v19  }
0x197: {  	v16 =	vld [tilespmem:s12+$0x9C70];
	_ =	sdelay $0x4  }
0x198: {  	v16 =	vadd.f32 v16, v17;
	_ =	sdelay $0x1  }
0x199: {  	v18 =	vsel vm0, $0x10, v4;
	vm14 =	vge.f32 v16, s13  }
0x19a: {  	v15 =	vadd.s32 v15, v18;
	v18 =	vmpcnt.ones.xlane vm14  }
0x19b: {  	v19 =	vadd.s32 v3, v15  }
0x19c: {  	vm15 =	vlt.s32 v19, $0x3FFF;
	vm0 =	vgt.s32 v18, $0x0  }
0x19d: {  	v18 =	vnsel vm15, $0x3FFF, v19;
	_ =	sdelay $0x4  }
0x19e: {  	v19 =	vadd.s32 s14, v7;
	[tilespmem:v18+s19+$0x0] =	vst.idx.msk vm0, v16  }
0x19f: {  	[tilespmem:v18+s20+$0x0] =	vst.idx.msk vm0, v19  }
0x1a0: {  	v16 =	vld [tilespmem:s12+$0x9C80];
	_ =	sdelay $0x4  }
0x1a1: {  	v16 =	vadd.f32 v16, v17;
	_ =	sdelay $0x1  }
0x1a2: {  	v18 =	vsel vm0, $0x10, v4;
	vm4 =	vge.f32 v16, s13  }
0x1a3: {  	v15 =	vadd.s32 v15, v18;
	v18 =	vmpcnt.ones.xlane vm4  }
0x1a4: {  	v19 =	vadd.s32 v3, v15  }
0x1a5: {  	vm5 =	vlt.s32 v19, $0x3FFF;
	vm0 =	vgt.s32 v18, $0x0  }
0x1a6: {  	v18 =	vnsel vm5, $0x3FFF, v19;
	_ =	sdelay $0x4  }
0x1a7: {  	v19 =	vadd.s32 s14, v8;
	[tilespmem:v18+s19+$0x0] =	vst.idx.msk vm0, v16  }
0x1a8: {  	[tilespmem:v18+s20+$0x0] =	vst.idx.msk vm0, v19  }
0x1a9: {  	v16 =	vld [tilespmem:s12+$0x9C90];
	_ =	sdelay $0x4  }
0x1aa: {  	v16 =	vadd.f32 v16, v17;
	_ =	sdelay $0x1  }
0x1ab: {  	v18 =	vsel vm0, $0x10, v4;
	vm6 =	vge.f32 v16, s13  }
0x1ac: {  	v15 =	vadd.s32 v15, v18;
	v18 =	vmpcnt.ones.xlane vm6  }
0x1ad: {  	v19 =	vadd.s32 v3, v15  }
0x1ae: {  	vm7 =	vlt.s32 v19, $0x3FFF;
	vm0 =	vgt.s32 v18, $0x0  }
0x1af: {  	v18 =	vnsel vm7, $0x3FFF, v19;
	_ =	sdelay $0x4  }
0x1b0: {  	v19 =	vadd.s32 s14, v9;
	[tilespmem:v18+s19+$0x0] =	vst.idx.msk vm0, v16  }
0x1b1: {  	[tilespmem:v18+s20+$0x0] =	vst.idx.msk vm0, v19  }
0x1b2: {  	v16 =	vld [tilespmem:s12+$0x9CA0];
	_ =	sdelay $0x4  }
0x1b3: {  	v16 =	vadd.f32 v16, v17;
	_ =	sdelay $0x1  }
0x1b4: {  	v18 =	vsel vm0, $0x10, v4;
	vm8 =	vge.f32 v16, s13  }
0x1b5: {  	v15 =	vadd.s32 v15, v18;
	v18 =	vmpcnt.ones.xlane vm8  }
0x1b6: {  	v19 =	vadd.s32 v3, v15  }
0x1b7: {  	vm9 =	vlt.s32 v19, $0x3FFF;
	vm0 =	vgt.s32 v18, $0x0  }
0x1b8: {  	v18 =	vnsel vm9, $0x3FFF, v19;
	_ =	sdelay $0x4  }
0x1b9: {  	v19 =	vadd.s32 s14, v10;
	[tilespmem:v18+s19+$0x0] =	vst.idx.msk vm0, v16  }
0x1ba: {  	[tilespmem:v18+s20+$0x0] =	vst.idx.msk vm0, v19  }
0x1bb: {  	v16 =	vld [tilespmem:s12+$0x9CB0];
	_ =	sdelay $0x4  }
0x1bc: {  	v16 =	vadd.f32 v16, v17;
	_ =	sdelay $0x1  }
0x1bd: {  	v18 =	vsel vm0, $0x10, v4;
	vm10 =	vge.f32 v16, s13  }
0x1be: {  	v15 =	vadd.s32 v15, v18;
	v18 =	vmpcnt.ones.xlane vm10  }
0x1bf: {  	v19 =	vadd.s32 v3, v15  }
0x1c0: {  	vm11 =	vlt.s32 v19, $0x3FFF;
	vm0 =	vgt.s32 v18, $0x0  }
0x1c1: {  	v18 =	vnsel vm11, $0x3FFF, v19;
	_ =	sdelay $0x4  }
0x1c2: {  	v19 =	vadd.s32 s14, v11;
	[tilespmem:v18+s19+$0x0] =	vst.idx.msk vm0, v16  }
0x1c3: {  	[tilespmem:v18+s20+$0x0] =	vst.idx.msk vm0, v19  }
0x1c4: {  	v16 =	vld [tilespmem:s12+$0x9CC0];
	_ =	sdelay $0x4  }
0x1c5: {  	v16 =	vadd.f32 v16, v17;
	_ =	sdelay $0x1  }
0x1c6: {  	v18 =	vsel vm0, $0x10, v4;
	vm12 =	vge.f32 v16, s13  }
0x1c7: {  	v15 =	vadd.s32 v15, v18;
	v18 =	vmpcnt.ones.xlane vm12  }
0x1c8: {  	v19 =	vadd.s32 v3, v15  }
0x1c9: {  	vm13 =	vlt.s32 v19, $0x3FFF;
	vm0 =	vgt.s32 v18, $0x0  }
0x1ca: {  	v18 =	vnsel vm13, $0x3FFF, v19;
	_ =	sdelay $0x4  }
0x1cb: {  	v19 =	vadd.s32 s14, v12;
	[tilespmem:v18+s19+$0x0] =	vst.idx.msk vm0, v16  }
0x1cc: {  	[tilespmem:v18+s20+$0x0] =	vst.idx.msk vm0, v19  }
0x1cd: {  	v16 =	vld [tilespmem:s12+$0x9CD0];
	_ =	sdelay $0x4  }
0x1ce: {  	v16 =	vadd.f32 v16, v17;
	_ =	sdelay $0x1  }
0x1cf: {  	v18 =	vsel vm0, $0x10, v4;
	vm14 =	vge.f32 v16, s13  }
0x1d0: {  	v15 =	vadd.s32 v15, v18;
	v18 =	vmpcnt.ones.xlane vm14  }
0x1d1: {  	v19 =	vadd.s32 v3, v15  }
0x1d2: {  	vm15 =	vlt.s32 v19, $0x3FFF;
	vm0 =	vgt.s32 v18, $0x0  }
0x1d3: {  	v18 =	vnsel vm15, $0x3FFF, v19;
	_ =	sdelay $0x1  }
.Ltmp16:
0x1d4: {  	_ = 	snop;
	(pc) =	sbr.rel .LBB2_15-.Ltmp16, $3  }
0x1d5: {  	_ =	sdelay $0x1  }
0x1d6: {  	v19 =	vadd.s32 s14, v13;
	v20 =	vsel vm0, $0x10, v4;
	[tilespmem:v18+s19+$0x0] =	vst.idx.msk vm0, v16  }
0x1d7: {  	v15 =	vadd.s32 v15, v20;
	v16 =	vmov s13;
	[tilespmem:v18+s20+$0x0] =	vst.idx.msk vm0, v19  }
.LBB2_16:
0x1d8: {  	s5 =	sadd.s32 s6, s11  }
0x1d9: {  	p0 =	slt.s32 s5, $0x18651E0  }
0x1da: {  	s5 =	simm.s32 @!p0 $0x18651E0  }
0x1db: {  	s5 =	sshrl.u32 s5, $0x3  }
0x1dc: {  	s6 =	simm.s32 $0x0;
	s28 =	smulhi.u32 $0x66666667, s28;
	s5 =	sadd.s32 s4, s5  }
0x1dd: {  	[tilespmem:s24], [sflag:$0x3] =	stream.linear.gather [hbm4b:s5+s6], $0x4E20, $0x38;
	[tilespmem:$0x1BA00] =	vst v63  }
.Ltmp17:
0x1de: {  	_ = 	snop;
	(pc) =	sbr.rel .LBB2_17-.Ltmp17, $4  }
0x1df: {  	_ =	swait.ge [sflag:s25], $0x4E20  }
0x1e0: {  	s5 =	sshll.u32 s28, $0x3;
	[sflag:s25] =	ssyncset.done $0x0  }
0x1e1: {  	s5 =	sand.u32 $0x3FFFFFF0, s5;
	[sflag:s25] =	ssyncadd.s32 $0xFFFFB1E0  }
0x1e2: {  	s7 =	simm.s32 $0x0;
	v17 =	vld [tilespmem:s5+$0x13880]  }
.LBB2_19:
0x1e3: {  	s7 =	sadd.s32 $0x280, s7  }
0x1e4: {  	p0 =	sne.s32 s7, $0x13880  }
.Ltmp18:
0x1e5: {  	_ = 	snop;
	(pc) =	sbr.rel @!p0 .LBB2_20-.Ltmp18, $2  }
0x1e6: {  	_ =	sdelay $0x2  }
0x1e7: {  	s6 =	sadd.s32 $0xA0, s6  }
.LBB2_17:
0x1e8: {  	s8 =	sshra.s32 s7, $0x2  }
0x1e9: {  	v18 =	vld [tilespmem:s8+$0xEA60]  }
0x1ea: {  	s5 =	sand.u32 $0x7FE0, s6;
	v19 =	vld [tilespmem:s8+$0xEA70]  }
0x1eb: {  	v20 =	vld [tilespmem:s5+$0xEA80]  }
0x1ec: {  	v21 =	vld [tilespmem:s8+$0xEA90]  }
0x1ed: {  	v22 =	vld [tilespmem:s8+$0xEAA0]  }
0x1ee: {  	v23 =	vld [tilespmem:s8+$0xEAB0]  }
0x1ef: {  	v24 =	vld [tilespmem:s8+$0xEAC0]  }
0x1f0: {  	v25 =	vld [tilespmem:s8+$0xEAD0]  }
0x1f1: {  	v26 =	vld [tilespmem:s8+$0xEAE0]  }
0x1f2: {  	v27 =	vld [tilespmem:s8+$0xEAF0];
	_ =	sdelay $0x2  }
0x1f3: {  	v22 =	vmax.f32 v18, v22  }
0x1f4: {  	v19 =	vmax.f32 v19, v24;
	v22 =	vmax.f32 v22, v23  }
0x1f5: {  	v20 =	vmax.f32 v20, v25;
	v21 =	vmax.f32 v21, v26;
	v22 =	vmax.f32 v22, v27  }
0x1f6: {  	v63 =	vsub.f32 v16, v17;
	v20 =	vmax.f32 v20, v21;
	v19 =	vmax.f32 v22, v19  }
0x1f7: {  	v19 =	vmax.f32 v19, v20  }
0x1f8: {  	vm0 =	vge.f32 v19, v63  }
0x1f9: {  	v20 =	vmpcnt.ones.xlane vm0;
	_ =	sdelay $0x1  }
0x1fa: {  	(v2sf) =	vpush v20, $0x0;
	_ =	sdelay $0xe  }
0x1fb: {  	s28 =	spop (v2sf)  }
0x1fc: {  	p0 =	slt.s32 s28, $0x1  }
.Ltmp19:
0x1fd: {  	_ = 	snop;
	(pc) =	sbr.rel @p0 .LBB2_19-.Ltmp19, $3  }
0x1fe: {  	_ = 	snop  }
0x1ff: {  	v19 =	vadd.f32 v19, v17;
	_ =	sdelay $0x1  }
0x200: {  	v14 =	vmax.f32 v14, v19  }
0x201: {  	v16 =	vsub.f32 $0.0e+00, v14;
	_ =	sdelay $0x1  }
0x202: {  	(xrf0) =	vmax.scan.msk.f32 $0xffff, v16;
	_ =	sdelay $0x5  }
0x203: {  	v16, _, _ =	vpop (xrf0)  }
0x204: {  	(v2sf) =	vpush v16, $0xF;
	_ =	sdelay $0xe  }
0x205: {  	s5 =	spop (v2sf)  }
0x206: {  	v16 =	vadd.f32 v18, v17;
	s12 =	ssub.f32 $0.0e+00, s5;
	_ =	sdelay $0x1  }
0x207: {  	vm0 =	vge.f32 v16, s12  }
0x208: {  	v18 =	vmpcnt.ones.xlane vm0  }
0x209: {  	v19 =	vadd.s32 v3, v15  }
0x20a: {  	vm1 =	vlt.s32 v19, $0x3FFF;
	vm0 =	vgt.s32 v18, $0x0  }
0x20b: {  	v18 =	vnsel vm1, $0x3FFF, v19;
	_ =	sdelay $0x3  }
0x20c: {  	s28 =	sadd.s32 s6, s1  }
0x20d: {  	v19 =	vor.u32 s28, v3;
	[tilespmem:v18+s19+$0x0] =	vst.idx.msk vm0, v16  }
0x20e: {  	[tilespmem:v18+s20+$0x0] =	vst.idx.msk vm0, v19  }
0x20f: {  	v16 =	vld [tilespmem:s8+$0xEA70];
	_ =	sdelay $0x4  }
0x210: {  	v16 =	vadd.f32 v16, v17;
	_ =	sdelay $0x1  }
0x211: {  	v18 =	vsel vm0, $0x10, v4;
	vm10 =	vge.f32 v16, s12  }
0x212: {  	v15 =	vadd.s32 v15, v18;
	v18 =	vmpcnt.ones.xlane vm10  }
0x213: {  	v19 =	vadd.s32 v3, v15  }
0x214: {  	vm11 =	vlt.s32 v19, $0x3FFF;
	vm0 =	vgt.s32 v18, $0x0  }
0x215: {  	v18 =	vnsel vm11, $0x3FFF, v19;
	_ =	sdelay $0x4  }
0x216: {  	v19 =	vor.u32 s28, v5;
	[tilespmem:v18+s19+$0x0] =	vst.idx.msk vm0, v16  }
0x217: {  	[tilespmem:v18+s20+$0x0] =	vst.idx.msk vm0, v19  }
0x218: {  	v16 =	vld [tilespmem:s8+$0xEA80];
	_ =	sdelay $0x4  }
0x219: {  	v16 =	vadd.f32 v16, v17;
	_ =	sdelay $0x1  }
0x21a: {  	v18 =	vsel vm0, $0x10, v4;
	vm12 =	vge.f32 v16, s12  }
0x21b: {  	v15 =	vadd.s32 v15, v18;
	v18 =	vmpcnt.ones.xlane vm12  }
0x21c: {  	v19 =	vadd.s32 v3, v15  }
0x21d: {  	vm13 =	vlt.s32 v19, $0x3FFF;
	vm0 =	vgt.s32 v18, $0x0  }
0x21e: {  	v18 =	vnsel vm13, $0x3FFF, v19;
	_ =	sdelay $0x4  }
0x21f: {  	v19 =	vadd.s32 s28, v6;
	[tilespmem:v18+s19+$0x0] =	vst.idx.msk vm0, v16  }
0x220: {  	[tilespmem:v18+s20+$0x0] =	vst.idx.msk vm0, v19  }
0x221: {  	v16 =	vld [tilespmem:s8+$0xEA90];
	_ =	sdelay $0x4  }
0x222: {  	v16 =	vadd.f32 v16, v17;
	_ =	sdelay $0x1  }
0x223: {  	v18 =	vsel vm0, $0x10, v4;
	vm14 =	vge.f32 v16, s12  }
0x224: {  	v15 =	vadd.s32 v15, v18;
	v18 =	vmpcnt.ones.xlane vm14  }
0x225: {  	v19 =	vadd.s32 v3, v15  }
0x226: {  	vm15 =	vlt.s32 v19, $0x3FFF;
	vm0 =	vgt.s32 v18, $0x0  }
0x227: {  	v18 =	vnsel vm15, $0x3FFF, v19;
	_ =	sdelay $0x4  }
0x228: {  	v19 =	vadd.s32 s28, v7;
	[tilespmem:v18+s19+$0x0] =	vst.idx.msk vm0, v16  }
0x229: {  	[tilespmem:v18+s20+$0x0] =	vst.idx.msk vm0, v19  }
0x22a: {  	v16 =	vld [tilespmem:s8+$0xEAA0];
	_ =	sdelay $0x4  }
0x22b: {  	v16 =	vadd.f32 v16, v17;
	_ =	sdelay $0x1  }
0x22c: {  	v18 =	vsel vm0, $0x10, v4;
	vm4 =	vge.f32 v16, s12  }
0x22d: {  	v15 =	vadd.s32 v15, v18;
	v18 =	vmpcnt.ones.xlane vm4  }
0x22e: {  	v19 =	vadd.s32 v3, v15  }
0x22f: {  	vm5 =	vlt.s32 v19, $0x3FFF;
	vm0 =	vgt.s32 v18, $0x0  }
0x230: {  	v18 =	vnsel vm5, $0x3FFF, v19;
	_ =	sdelay $0x4  }
0x231: {  	v19 =	vadd.s32 s28, v8;
	[tilespmem:v18+s19+$0x0] =	vst.idx.msk vm0, v16  }
0x232: {  	[tilespmem:v18+s20+$0x0] =	vst.idx.msk vm0, v19  }
0x233: {  	v16 =	vld [tilespmem:s8+$0xEAB0];
	_ =	sdelay $0x4  }
0x234: {  	v16 =	vadd.f32 v16, v17;
	_ =	sdelay $0x1  }
0x235: {  	v18 =	vsel vm0, $0x10, v4;
	vm6 =	vge.f32 v16, s12  }
0x236: {  	v15 =	vadd.s32 v15, v18;
	v18 =	vmpcnt.ones.xlane vm6  }
0x237: {  	v19 =	vadd.s32 v3, v15  }
0x238: {  	vm7 =	vlt.s32 v19, $0x3FFF;
	vm0 =	vgt.s32 v18, $0x0  }
0x239: {  	v18 =	vnsel vm7, $0x3FFF, v19;
	_ =	sdelay $0x4  }
0x23a: {  	v19 =	vadd.s32 s28, v9;
	[tilespmem:v18+s19+$0x0] =	vst.idx.msk vm0, v16  }
0x23b: {  	[tilespmem:v18+s20+$0x0] =	vst.idx.msk vm0, v19  }
0x23c: {  	v16 =	vld [tilespmem:s8+$0xEAC0];
	_ =	sdelay $0x4  }
0x23d: {  	v16 =	vadd.f32 v16, v17;
	_ =	sdelay $0x1  }
0x23e: {  	v18 =	vsel vm0, $0x10, v4;
	vm8 =	vge.f32 v16, s12  }
0x23f: {  	v15 =	vadd.s32 v15, v18;
	v18 =	vmpcnt.ones.xlane vm8  }
0x240: {  	v19 =	vadd.s32 v3, v15  }
0x241: {  	vm9 =	vlt.s32 v19, $0x3FFF;
	vm0 =	vgt.s32 v18, $0x0  }
0x242: {  	v18 =	vnsel vm9, $0x3FFF, v19;
	_ =	sdelay $0x4  }
0x243: {  	v19 =	vadd.s32 s28, v10;
	[tilespmem:v18+s19+$0x0] =	vst.idx.msk vm0, v16  }
0x244: {  	[tilespmem:v18+s20+$0x0] =	vst.idx.msk vm0, v19  }
0x245: {  	v16 =	vld [tilespmem:s8+$0xEAD0];
	_ =	sdelay $0x4  }
0x246: {  	v16 =	vadd.f32 v16, v17;
	_ =	sdelay $0x1  }
0x247: {  	v18 =	vsel vm0, $0x10, v4;
	vm10 =	vge.f32 v16, s12  }
0x248: {  	v15 =	vadd.s32 v15, v18;
	v18 =	vmpcnt.ones.xlane vm10  }
0x249: {  	v19 =	vadd.s32 v3, v15  }
0x24a: {  	vm11 =	vlt.s32 v19, $0x3FFF;
	vm0 =	vgt.s32 v18, $0x0  }
0x24b: {  	v18 =	vnsel vm11, $0x3FFF, v19;
	_ =	sdelay $0x4  }
0x24c: {  	v19 =	vadd.s32 s28, v11;
	[tilespmem:v18+s19+$0x0] =	vst.idx.msk vm0, v16  }
0x24d: {  	[tilespmem:v18+s20+$0x0] =	vst.idx.msk vm0, v19  }
0x24e: {  	v16 =	vld [tilespmem:s8+$0xEAE0];
	_ =	sdelay $0x4  }
0x24f: {  	v16 =	vadd.f32 v16, v17;
	_ =	sdelay $0x1  }
0x250: {  	v18 =	vsel vm0, $0x10, v4;
	vm12 =	vge.f32 v16, s12  }
0x251: {  	v15 =	vadd.s32 v15, v18;
	v18 =	vmpcnt.ones.xlane vm12  }
0x252: {  	v19 =	vadd.s32 v3, v15  }
0x253: {  	vm13 =	vlt.s32 v19, $0x3FFF;
	vm0 =	vgt.s32 v18, $0x0  }
0x254: {  	v18 =	vnsel vm13, $0x3FFF, v19;
	_ =	sdelay $0x4  }
0x255: {  	v19 =	vadd.s32 s28, v12;
	[tilespmem:v18+s19+$0x0] =	vst.idx.msk vm0, v16  }
0x256: {  	[tilespmem:v18+s20+$0x0] =	vst.idx.msk vm0, v19  }
0x257: {  	v16 =	vld [tilespmem:s8+$0xEAF0];
	_ =	sdelay $0x4  }
0x258: {  	v16 =	vadd.f32 v16, v17;
	_ =	sdelay $0x1  }
0x259: {  	v18 =	vsel vm0, $0x10, v4;
	vm14 =	vge.f32 v16, s12  }
0x25a: {  	v15 =	vadd.s32 v15, v18;
	v18 =	vmpcnt.ones.xlane vm14  }
0x25b: {  	v19 =	vadd.s32 v3, v15  }
0x25c: {  	vm15 =	vlt.s32 v19, $0x3FFF;
	vm0 =	vgt.s32 v18, $0x0  }
0x25d: {  	v18 =	vnsel vm15, $0x3FFF, v19;
	_ =	sdelay $0x1  }
.Ltmp20:
0x25e: {  	_ = 	snop;
	(pc) =	sbr.rel .LBB2_19-.Ltmp20, $3  }
0x25f: {  	_ =	sdelay $0x1  }
0x260: {  	v19 =	vadd.s32 s28, v13;
	v20 =	vsel vm0, $0x10, v4;
	[tilespmem:v18+s19+$0x0] =	vst.idx.msk vm0, v16  }
0x261: {  	v15 =	vadd.s32 v15, v20;
	v16 =	vmov s12;
	[tilespmem:v18+s20+$0x0] =	vst.idx.msk vm0, v19  }
.LBB2_21:
0x262: {  	_ =	swait.ge [sflag:s18], $0x4E20  }
0x263: {  	[sflag:s18] =	ssyncset.done $0x0  }
0x264: {  	[sflag:s18] =	ssyncadd.s32 $0xFFFFB1E0  }
0x265: {  	_ =	swait.ge [sflag:s21], $0x4E20  }
0x266: {  	[sflag:s21] =	ssyncset.done $0x0  }
0x267: {  	v14 =	vsub.f32 $0.0e+00, v14;
	[sflag:s21] =	ssyncadd.s32 $0xFFFFB1E0  }
0x268: {  	_ =	swait.ge [sflag:s23], $0x4E20  }
0x269: {  	(xrf0) =	vmax.scan.msk.f32 $0xffff, v14;
	v14 =	vxor.u32 $0x80000000, v15  }
0x26a: {  	(xrf0) =	vmax.scan.msk.u32 $0xffff, v14;
	_ =	sdelay $0x4  }
0x26b: {  	v14, _, _ =	vpop (xrf0)  }
0x26c: {  	(v2sf) =	vpush v14, $0xF;
	v14, _, _ =	vpop (xrf0)  }
0x26d: {  	(v2sf) =	vpush v14, $0xF;
	_ =	sdelay $0xd  }
0x26e: {  	s0 =	spop (v2sf)  }
0x26f: {  	s1 =	spop (v2sf)  }
0x270: {  	s1 =	sadd.s32 $0x8000000F, s1  }
0x271: {  	s5 =	sand.u32 $0xF, s1  }
0x272: {  	s31 =	sshra.s32 s1, $0x1F;
	p1 =	slt.s32 s1, $0x1;
	p0 =	sne.s32 s5, $0x0  }
0x273: {  	s5 =	sshrl.u32 s31, $0x1C;
	p0 =	por !p1, !p0  }
0x274: {  	s1 =	sadd.s32 s5, s1;
	s5 =	simm.s32 $0x1;
	p0 =	por !p0, !p0  }
0x275: {  	s1 =	sshra.s32 s1, $0x4;
	s5 =	simm.s32 @!p0 $0x0  }
0x276: {  	s1 =	ssub.s32 s1, s5  }
0x277: {  	p0 =	slt.s32 s1, $0x1  }
.Ltmp21:
0x278: {  	_ = 	snop;
	(pc) =	sbr.rel @p0 .LBB2_22-.Ltmp21, $3  }
0x279: {  	_ =	sdelay $0x1  }
0x27a: {  	[sflag:s23] =	ssyncset.done $0x0  }
0x27b: {  	[sflag:s23] =	ssyncadd.s32 $0xFFFFB1E0  }
0x27c: {  	s1 =	smin.u32 s1, $0x400  }
0x27d: {  	p1 =	sne.s32 s1, $0x1  }
.Ltmp22:
0x27e: {  	_ = 	snop;
	(pc) =	sbr.rel @!p1 .LBB2_24-.Ltmp22, $4  }
0x27f: {  	_ = 	snop  }
0x280: {  	s0 =	ssub.f32 $0.0e+00, s0  }
0x281: {  	s5 =	simm.s32 $0x13900  }
0x282: {  	v18 =	vimm.s32 $0x0;
	p0 =	por $0x0, $0x0;
	v15 =	vld [tilespmem:s5+$0x0];
	s1 =	sadd.s32 $0xFFFFFFFF, s1;
	v14 =	vmov s0;
	s0 =	simm.s32 $0x17900  }
0x283: {  	_ =	sdelay $0x3  }
0x284: {  	vm0 =	vge.f32 v15, v14  }
0x285: {  	v16 =	vsel vm0, $0x1, v4  }
0x286: {  	(xrf0) =	vadd.scan.msk.s32 $0xffff, v16;
	_ =	sdelay $0x5  }
0x287: {  	v16, _, _ =	vpop (xrf0)  }
0x288: {  	v16 =	vadd.s32 v16, v18  }
0x289: {  	v16 =	vadd.s32 $0xFFFFFFFF, v16  }
0x28a: {  	vm1 =	vgt.s32 v16, $0x0  }
0x28b: {  	v16 =	vnsel vm1, $0x0, v16  }
0x28c: {  	v16 =	vmin.u32 v16, $0x3FFF  }
0x28d: {  	v19 =	vld [tilespmem:s0+$0x0];
	_ =	sdelay $0x1  }
0x28e: {  	p1 =	sne.s32 s1, $0x1  }
.Ltmp23:
0x28f: {  	_ = 	snop;
	(pc) =	sbr.rel @!p1 .LBB2_26-.Ltmp23, $4  }
0x290: {  	v17 =	vmpcnt.ones.xlane vm0;
	[tilespmem:v16+s19+$0x0] =	vst.idx.msk vm0, v15  }
0x291: {  	s5 =	simm.s32 $0x13910;
	[tilespmem:v16+s20+$0x0] =	vst.idx.msk vm0, v19  }
0x292: {  	v17 =	vadd.s32 v18, v17;
	v15 =	vld [tilespmem:s5+$0x0]  }
0x293: {  	s6 =	sadd.s32 $0xFFFFFFFF, s1;
	p0 =	por $0x1, $0x1;
	s1 =	simm.s32 $0x17900;
	v16 =	vmov v17  }
.LBB2_27:
0x294: {  	p1 =	sne.s32 s6, $0x1;
	_ =	sdelay $0x2  }
0x295: {  	vm0 =	vge.f32 v15, v14  }
0x296: {  	v18 =	vsel vm0, $0x1, v4;
	v19 =	vmpcnt.ones.xlane vm0  }
0x297: {  	(xrf0) =	vadd.scan.msk.s32 $0xffff, v18  }
0x298: {  	v17 =	vadd.s32 v17, v19;
	_ =	sdelay $0x4  }
0x299: {  	v18, _, _ =	vpop (xrf0)  }
0x29a: {  	v18 =	vadd.s32 v18, v16;
	v16 =	vmov v17  }
0x29b: {  	v18 =	vadd.s32 $0xFFFFFFFF, v18  }
0x29c: {  	vm1 =	vgt.s32 v18, $0x0  }
0x29d: {  	v18 =	vnsel vm1, $0x0, v18  }
0x29e: {  	s1 =	sadd.s32 $0x10, s1;
	v18 =	vmin.u32 v18, $0x3FFF  }
0x29f: {  	v19 =	vld [tilespmem:s1+$0x0];
	_ =	sdelay $0x2  }
.Ltmp24:
0x2a0: {  	(pc) =	sbr.rel @p1 .LBB2_27-.Ltmp24, $4  }
0x2a1: {  	[tilespmem:v18+s19+$0x0] =	vst.idx.msk vm0, v15  }
0x2a2: {  	s5 =	sadd.s32 $0x10, s5;
	[tilespmem:v18+s20+$0x0] =	vst.idx.msk vm0, v19  }
0x2a3: {  	v15 =	vld [tilespmem:s5+$0x0]  }
0x2a4: {  	s6 =	sadd.s32 $0xFFFFFFFF, s6  }
0x2a5: {  	v18 =	vmov v17  }
.LBB2_29:
0x2a6: {  	_ =	sdelay $0x1  }
0x2a7: {  	vm0 =	vge.f32 v15, v14  }
0x2a8: {  	v14 =	vsel vm0, $0x1, v4  }
0x2a9: {  	(xrf0) =	vadd.scan.msk.s32 $0xffff, v14;
	_ =	sdelay $0x5  }
0x2aa: {  	v14, _, _ =	vpop (xrf0)  }
0x2ab: {  	v14 =	vadd.s32 v14, v16  }
0x2ac: {  	v14 =	vadd.s32 $0xFFFFFFFF, v14  }
0x2ad: {  	vm1 =	vgt.s32 v14, $0x0  }
0x2ae: {  	s1 =	sadd.s32 @p0 $0x10, s1;
	v14 =	vnsel vm1, $0x0, v14  }
0x2af: {  	s0 =	smov.u32 @p0 s1;
	v63 =	vmin.u32 v14, $0x3FFF  }
0x2b0: {  	v17 =	vld [tilespmem:s0+$0x0]  }
.Ltmp25:
0x2b1: {  	_ = 	snop;
	(pc) =	sbr.rel .LBB2_30-.Ltmp25, $4  }
0x2b2: {  	_ = 	snop  }
0x2b3: {  	v14 =	vmpcnt.ones.xlane vm0  }
0x2b4: {  	[tilespmem:v63+s19+$0x0] =	vst.idx.msk vm0, v15  }
0x2b5: {  	v14 =	vadd.s32 v18, v14;
	[tilespmem:v63+s20+$0x0] =	vst.idx.msk vm0, v17  }
.LBB2_22:
0x2b6: {  	v14 =	vimm.s32 $0x0  }
.LBB2_30:
0x2b7: {  	v15 =	vxor.u32 $0x80000000, v14  }
0x2b8: {  	(xrf0) =	vmax.scan.msk.u32 $0xffff, v15;
	_ =	sdelay $0x5  }
0x2b9: {  	v15, _, _ =	vpop (xrf0)  }
0x2ba: {  	(v2sf) =	vpush v15, $0xF;
	_ =	sdelay $0xe  }
0x2bb: {  	s0 =	spop (v2sf)  }
0x2bc: {  	s0 =	sadd.s32 $0x8000000F, s0  }
0x2bd: {  	s1 =	sand.u32 $0xF, s0  }
0x2be: {  	s28 =	sshra.s32 s0, $0x1F;
	p1 =	slt.s32 s0, $0x1;
	p0 =	sne.s32 s1, $0x0  }
0x2bf: {  	s1 =	sshrl.u32 s28, $0x1C;
	p0 =	por !p1, !p0  }
0x2c0: {  	s0 =	sadd.s32 s1, s0;
	s1 =	simm.s32 $0x1;
	p0 =	por !p0, !p0  }
0x2c1: {  	s0 =	sshra.s32 s0, $0x4;
	s1 =	simm.s32 @!p0 $0x0  }
0x2c2: {  	s30 =	ssub.s32 s0, s1  }
0x2c3: {  	p1 =	slt.s32 s30, $0x400  }
0x2c4: {  	p0 =	slt.s32 s30, $0x1;
	s30 =	simm.s32 @!p1 $0x400  }
0x2c5: {  	v14 =	vadd.s32 v3, v14;
	s31 =	sshll.u32 s30, $0x4  }
0x2c6: {  	vm1 =	vlt.s32 v14, $0x3FFF;
	vm0 =	vlt.s32 v14, s31  }
0x2c7: {  	v14 =	vnsel vm1, $0x3FFF, v14  }
.Ltmp26:
0x2c8: {  	_ = 	snop;
	(pc) =	sbr.rel @p0 .LBB2_36-.Ltmp26, $3  }
0x2c9: {  	_ =	sdelay $0x1  }
0x2ca: {  	v15 =	vimm.f32 $-Inf;
	s0 =	simm.s32 $0x13900  }
0x2cb: {  	v16 =	vimm.s32 $0x1;
	v17 =	vimm.s32 $0x1;
	[tilespmem:v14+s0+$0x0] =	vst.idx.msk vm0, v15;
	v14 =	vmov v2  }
0x2cc: {  	p1 =	sne.s32 s30, $0x1  }
.Ltmp27:
0x2cd: {  	_ = 	snop;
	(pc) =	sbr.rel @!p1 .LBB2_33-.Ltmp27, $2  }
0x2ce: {  	_ =	sdelay $0x2  }
0x2cf: {  	s1 =	sadd.s32 $0xFFFFFFFF, s30;
	v14 =	vld [tilespmem:s0+$0x0]  }
.LBB2_32:
0x2d0: {  	p1 =	sne.s32 s1, $0x1  }
.Ltmp28:
0x2d1: {  	_ = 	snop;
	(pc) =	sbr.rel @p1 .LBB2_32-.Ltmp28, $3  }
0x2d2: {  	_ =	sdelay $0x1  }
0x2d3: {  	s1 =	sadd.s32 $0xFFFFFFFF, s1;
	s0 =	sadd.s32 $0x10, s0;
	v15 =	vmax.f32 v15, v14  }
0x2d4: {  	v14 =	vld [tilespmem:s0+$0x0]  }
.LBB2_33:
0x2d5: {  	_ =	sdelay $0x3  }
0x2d6: {  	v14 =	vmax.f32 v15, v14  }
0x2d7: {  	(xrf0) =	vmax.scan.msk.f32 $0xffff, v14;
	_ =	sdelay $0x2  }
0x2d8: {  	s0 =	simm.s32 $0x13900  }
0x2d9: {  	p1 =	sne.s32 s30, $0x1;
	v18 =	vld [tilespmem:s0+$0x0];
	s0 =	simm.s32 $0x17900  }
.Ltmp29:
0x2da: {  	v17 =	vld [tilespmem:s0+$0x0];
	(pc) =	sbr.rel @!p1 .LBB2_35-.Ltmp29, $3  }
0x2db: {  	v14, _, _ =	vpop (xrf0)  }
0x2dc: {  	v14 =	vbroadcast v14, $0xF;
	_ =	sdelay $0x1  }
0x2dd: {  	s1 =	sadd.s32 $0xFFFFFFFF, s30;
	s5 =	simm.s32 $0x13910;
	v15 =	vimm.s32 $0x7FFFFFFF;
	vm0 =	veq.f32 v18, v14  }
.LBB2_34:
0x2de: {  	v18 =	vld [tilespmem:s5+$0x0];
	p1 =	sne.s32 s1, $0x1;
	s1 =	sadd.s32 $0xFFFFFFFF, s1;
	v19 =	vnsel vm0, $0x7FFFFFFF, v17;
	s0 =	sadd.s32 $0x10, s0  }
.Ltmp30:
0x2df: {  	v17 =	vld [tilespmem:s0+$0x0];
	vm0 =	vlt.s32 v15, v19;
	(pc) =	sbr.rel @p1 .LBB2_34-.Ltmp30, $2  }
0x2e0: {  	v15 =	vsel vm0, v15, v19;
	_ =	sdelay $0x2  }
0x2e1: {  	s5 =	sadd.s32 $0x10, s5;
	vm0 =	veq.f32 v18, v14  }
.LBB2_35:
0x2e2: {  	v17 =	vnsel vm0, $0x7FFFFFFF, v17  }
0x2e3: {  	vm0 =	vlt.s32 v15, v17  }
0x2e4: {  	v15 =	vsel vm0, v15, v17  }
0x2e5: {  	v17 =	vsub.s32 $0x80000000, v15  }
.LBB2_36:
0x2e6: {  	(xrf0) =	vmax.scan.msk.u32 $0xffff, v17;
	_ =	sdelay $0x5  }
0x2e7: {  	v15, _, _ =	vpop (xrf0)  }
0x2e8: {  	(v2sf) =	vpush v15, $0xF;
	_ =	sdelay $0xc  }
.Ltmp31:
0x2e9: {  	_ = 	snop;
	(pc) =	sbr.rel @p0 .LBB2_44-.Ltmp31, $4  }
0x2ea: {  	_ = 	snop  }
0x2eb: {  	s0 =	spop (v2sf)  }
0x2ec: {  	s0 =	sxor.u32 $0x7FFFFFFF, s0  }
0x2ed: {  	v15 =	vmov v2;
	s0 =	sadd.s32 $0x1, s0  }
0x2ee: {  	p1 =	sne.s32 s30, $0x1  }
.Ltmp32:
0x2ef: {  	_ = 	snop;
	(pc) =	sbr.rel @!p1 .LBB2_39-.Ltmp32, $3  }
0x2f0: {  	_ =	sdelay $0x1  }
0x2f1: {  	s5 =	simm.s32 $0x17900  }
0x2f2: {  	v15 =	vmov s0;
	s1 =	simm.s32 $0x13900;
	s7 =	sadd.s32 $0xFFFFFFFF, s30;
	s6 =	simm.s32 $0x13900;
	v16 =	vld [tilespmem:s5+$0x0]  }
.LBB2_38:
0x2f3: {  	p2 =	sne.s32 s7, $0x1;
	v17 =	vld [tilespmem:s6+$0x0];
	_ =	sdelay $0x2  }
.Ltmp33:
0x2f4: {  	(pc) =	sbr.rel @p2 .LBB2_38-.Ltmp33, $4  }
0x2f5: {  	vm0 =	veq.s32 v16, v15  }
0x2f6: {  	v16 =	vsel vm0, $0xFF800000, v17  }
0x2f7: {  	s5 =	sadd.s32 $0x10, s5;
	[tilespmem:s6+$0x0] =	vst v16  }
0x2f8: {  	s7 =	sadd.s32 $0xFFFFFFFF, s7;
	s6 =	sadd.s32 $0x10, s6;
	v16 =	vld [tilespmem:s5+$0x0]  }
.LBB2_39:
0x2f9: {  	v17 =	vld [tilespmem:s6+$0x0];
	_ =	sdelay $0x2  }
.Ltmp34:
0x2fa: {  	_ = 	snop;
	(pc) =	sbr.rel @!p1 .LBB2_41-.Ltmp34, $4  }
0x2fb: {  	vm0 =	veq.s32 v16, v15  }
0x2fc: {  	v15 =	vsel vm0, $0xFF800000, v17  }
0x2fd: {  	[tilespmem:s6+$0x0] =	vst v15  }
0x2fe: {  	s5 =	sadd.s32 $0xFFFFFFFF, s30;
	v15 =	vimm.f32 $-Inf;
	v16 =	vld [tilespmem:s1+$0x0]  }
.LBB2_40:
0x2ff: {  	p2 =	sne.s32 s5, $0x1  }
.Ltmp35:
0x300: {  	_ = 	snop;
	(pc) =	sbr.rel @p2 .LBB2_40-.Ltmp35, $3  }
0x301: {  	_ =	sdelay $0x1  }
0x302: {  	s5 =	sadd.s32 $0xFFFFFFFF, s5;
	s1 =	sadd.s32 $0x10, s1;
	v15 =	vmax.f32 v15, v16  }
0x303: {  	v16 =	vld [tilespmem:s1+$0x0]  }
.LBB2_41:
0x304: {  	_ =	sdelay $0x3  }
0x305: {  	v15 =	vmax.f32 v15, v16  }
0x306: {  	(xrf0) =	vmax.scan.msk.f32 $0xffff, v15;
	_ =	sdelay $0x2  }
0x307: {  	s1 =	simm.s32 $0x13900  }
0x308: {  	v18 =	vld [tilespmem:s1+$0x0];
	s1 =	simm.s32 $0x17900  }
.Ltmp36:
0x309: {  	v17 =	vld [tilespmem:s1+$0x0];
	(pc) =	sbr.rel @!p1 .LBB2_43-.Ltmp36, $3  }
0x30a: {  	v15, _, _ =	vpop (xrf0)  }
0x30b: {  	v15 =	vbroadcast v15, $0xF;
	_ =	sdelay $0x1  }
0x30c: {  	s5 =	sadd.s32 $0xFFFFFFFF, s30;
	s6 =	simm.s32 $0x13910;
	v16 =	vimm.s32 $0x7FFFFFFF;
	vm0 =	veq.f32 v18, v15  }
.LBB2_42:
0x30d: {  	v18 =	vld [tilespmem:s6+$0x0];
	p1 =	sne.s32 s5, $0x1;
	s5 =	sadd.s32 $0xFFFFFFFF, s5;
	v19 =	vnsel vm0, $0x7FFFFFFF, v17;
	s1 =	sadd.s32 $0x10, s1  }
.Ltmp37:
0x30e: {  	v17 =	vld [tilespmem:s1+$0x0];
	vm0 =	vlt.s32 v16, v19;
	(pc) =	sbr.rel @p1 .LBB2_42-.Ltmp37, $2  }
0x30f: {  	v16 =	vsel vm0, v16, v19;
	_ =	sdelay $0x2  }
0x310: {  	s6 =	sadd.s32 $0x10, s6;
	vm0 =	veq.f32 v18, v15  }
.LBB2_43:
0x311: {  	v17 =	vnsel vm0, $0x7FFFFFFF, v17  }
0x312: {  	vm0 =	vlt.s32 v16, v17  }
0x313: {  	v16 =	vsel vm0, v16, v17  }
0x314: {  	v16 =	vsub.s32 $0x80000000, v16  }
.LBB2_44:
0x315: {  	(xrf0) =	vmax.scan.msk.u32 $0xffff, v16;
	_ =	sdelay $0x5  }
0x316: {  	v16, _, _ =	vpop (xrf0)  }
0x317: {  	(v2sf) =	vpush v16, $0xF;
	_ =	sdelay $0xd  }
.Ltmp38:
0x318: {  	_ = 	snop;
	(pc) =	sbr.rel @p0 .LBB2_162-.Ltmp38, $4  }
0x319: {  	s1 =	spop (v2sf)  }
0x31a: {  	s1 =	sxor.u32 $0x7FFFFFFF, s1  }
0x31b: {  	s1 =	sadd.s32 $0x1, s1  }
0x31c: {  	v16 =	vmov s1  }
0x31d: {  	p1 =	sne.s32 s30, $0x1  }
.Ltmp39:
0x31e: {  	_ = 	snop;
	(pc) =	sbr.rel @!p1 .LBB2_47-.Ltmp39, $3  }
0x31f: {  	_ =	sdelay $0x1  }
0x320: {  	s5 =	simm.s32 $0x17900  }
0x321: {  	s1 =	simm.s32 $0x13900;
	s7 =	sadd.s32 $0xFFFFFFFF, s30;
	s6 =	simm.s32 $0x13900;
	v17 =	vld [tilespmem:s5+$0x0]  }
.LBB2_46:
0x322: {  	p2 =	sne.s32 s7, $0x1;
	v18 =	vld [tilespmem:s6+$0x0];
	_ =	sdelay $0x2  }
.Ltmp40:
0x323: {  	(pc) =	sbr.rel @p2 .LBB2_46-.Ltmp40, $4  }
0x324: {  	vm0 =	veq.s32 v17, v16  }
0x325: {  	v17 =	vsel vm0, $0xFF800000, v18  }
0x326: {  	s5 =	sadd.s32 $0x10, s5;
	[tilespmem:s6+$0x0] =	vst v17  }
0x327: {  	s7 =	sadd.s32 $0xFFFFFFFF, s7;
	s6 =	sadd.s32 $0x10, s6;
	v17 =	vld [tilespmem:s5+$0x0]  }
.LBB2_47:
0x328: {  	v18 =	vld [tilespmem:s6+$0x0];
	_ =	sdelay $0x1  }
0x329: {  	p2 =	seq.s32 s30, $0x1  }
.Ltmp41:
0x32a: {  	_ = 	snop;
	(pc) =	sbr.rel @p2 .LBB2_49-.Ltmp41, $4  }
0x32b: {  	vm0 =	veq.s32 v17, v16  }
0x32c: {  	v17 =	vsel vm0, $0xFF800000, v18  }
0x32d: {  	vm15 =	vmmov $0x1;
	vm1 =	veq.s32 v3, $0x0;
	[tilespmem:s6+$0x0] =	vst v17  }
0x32e: {  	v14 =	vsel vm15, v14, v15;
	v15 =	vsel vm1, s0, v16;
	s0 =	sadd.s32 $0xFFFFFFFF, s30;
	v16 =	vimm.f32 $-Inf;
	v17 =	vld [tilespmem:s1+$0x0]  }
.LBB2_48:
0x32f: {  	p2 =	seq.s32 s0, $0x1  }
.Ltmp42:
0x330: {  	_ = 	snop;
	(pc) =	sbr.rel @!p2 .LBB2_48-.Ltmp42, $3  }
0x331: {  	_ =	sdelay $0x1  }
0x332: {  	s0 =	sadd.s32 $0xFFFFFFFF, s0;
	s1 =	sadd.s32 $0x10, s1;
	v16 =	vmax.f32 v16, v17  }
0x333: {  	v17 =	vld [tilespmem:s1+$0x0]  }
.LBB2_49:
0x334: {  	_ =	sdelay $0x3  }
0x335: {  	v16 =	vmax.f32 v16, v17  }
0x336: {  	(xrf0) =	vmax.scan.msk.f32 $0xffff, v16;
	_ =	sdelay $0x2  }
0x337: {  	s0 =	simm.s32 $0x13900  }
0x338: {  	v19 =	vld [tilespmem:s0+$0x0];
	s0 =	simm.s32 $0x17900  }
.Ltmp43:
0x339: {  	v18 =	vld [tilespmem:s0+$0x0];
	(pc) =	sbr.rel @!p1 .LBB2_51-.Ltmp43, $3  }
0x33a: {  	v16, _, _ =	vpop (xrf0)  }
0x33b: {  	v16 =	vbroadcast v16, $0xF;
	_ =	sdelay $0x1  }
0x33c: {  	s1 =	sadd.s32 $0xFFFFFFFF, s30;
	s5 =	simm.s32 $0x13910;
	v17 =	vimm.s32 $0x7FFFFFFF;
	vm0 =	veq.f32 v19, v16  }
.LBB2_50:
0x33d: {  	v19 =	vld [tilespmem:s5+$0x0];
	p1 =	sne.s32 s1, $0x1;
	s1 =	sadd.s32 $0xFFFFFFFF, s1;
	v20 =	vnsel vm0, $0x7FFFFFFF, v18;
	s0 =	sadd.s32 $0x10, s0  }
.Ltmp44:
0x33e: {  	v18 =	vld [tilespmem:s0+$0x0];
	vm0 =	vlt.s32 v17, v20;
	(pc) =	sbr.rel @p1 .LBB2_50-.Ltmp44, $2  }
0x33f: {  	v17 =	vsel vm0, v17, v20;
	_ =	sdelay $0x2  }
0x340: {  	s5 =	sadd.s32 $0x10, s5;
	vm0 =	veq.f32 v19, v16  }
.LBB2_51:
.Ltmp45:
0x341: {  	(pc) =	sbr.rel .LBB2_52-.Ltmp45, $4  }
0x342: {  	v18 =	vnsel vm0, $0x7FFFFFFF, v18  }
0x343: {  	vm0 =	vlt.s32 v17, v18  }
0x344: {  	v17 =	vsel vm0, v17, v18  }
0x345: {  	v17 =	vsub.s32 $0x80000000, v17  }
.LBB2_162:
0x346: {  	vm0 =	vmmov $0x1;
	vm1 =	veq.s32 v3, $0x0  }
0x347: {  	v17 =	vimm.s32 $0x1;
	v14 =	vsel vm0, v14, v15;
	v15 =	vsel vm1, s0, v16;
	v16 =	vmovc v2  }
.LBB2_52:
0x348: {  	(xrf0) =	vmax.scan.msk.u32 $0xffff, v17;
	_ =	sdelay $0x5  }
0x349: {  	v17, _, _ =	vpop (xrf0)  }
0x34a: {  	(v2sf) =	vpush v17, $0xF;
	_ =	sdelay $0xd  }
.Ltmp46:
0x34b: {  	_ = 	snop;
	(pc) =	sbr.rel @p0 .LBB2_163-.Ltmp46, $4  }
0x34c: {  	s0 =	spop (v2sf)  }
0x34d: {  	s0 =	sxor.u32 $0x7FFFFFFF, s0  }
0x34e: {  	s0 =	sadd.s32 $0x1, s0  }
0x34f: {  	v17 =	vmov s0  }
0x350: {  	p1 =	sne.s32 s30, $0x1  }
.Ltmp47:
0x351: {  	_ = 	snop;
	(pc) =	sbr.rel @!p1 .LBB2_55-.Ltmp47, $3  }
0x352: {  	_ =	sdelay $0x1  }
0x353: {  	s1 =	simm.s32 $0x17900  }
0x354: {  	s0 =	simm.s32 $0x13900;
	s6 =	sadd.s32 $0xFFFFFFFF, s30;
	s5 =	simm.s32 $0x13900;
	v18 =	vld [tilespmem:s1+$0x0]  }
.LBB2_54:
0x355: {  	p2 =	sne.s32 s6, $0x1;
	v19 =	vld [tilespmem:s5+$0x0];
	_ =	sdelay $0x2  }
.Ltmp48:
0x356: {  	(pc) =	sbr.rel @p2 .LBB2_54-.Ltmp48, $4  }
0x357: {  	vm0 =	veq.s32 v18, v17  }
0x358: {  	v18 =	vsel vm0, $0xFF800000, v19  }
0x359: {  	s1 =	sadd.s32 $0x10, s1;
	[tilespmem:s5+$0x0] =	vst v18  }
0x35a: {  	s6 =	sadd.s32 $0xFFFFFFFF, s6;
	s5 =	sadd.s32 $0x10, s5;
	v18 =	vld [tilespmem:s1+$0x0]  }
.LBB2_55:
0x35b: {  	v19 =	vld [tilespmem:s5+$0x0];
	_ =	sdelay $0x1  }
0x35c: {  	p2 =	seq.s32 s30, $0x1  }
.Ltmp49:
0x35d: {  	_ = 	snop;
	(pc) =	sbr.rel @p2 .LBB2_57-.Ltmp49, $4  }
0x35e: {  	vm0 =	veq.s32 v18, v17  }
0x35f: {  	v18 =	vsel vm0, $0xFF800000, v19  }
0x360: {  	vm15 =	vmmov $0x3;
	[tilespmem:s5+$0x0] =	vst v18  }
0x361: {  	s1 =	sadd.s32 $0xFFFFFFFF, s30;
	v14 =	vsel vm15, v14, v16;
	v15 =	vsel vm15, v15, v17;
	v16 =	vimm.f32 $-Inf;
	v17 =	vld [tilespmem:s0+$0x0]  }
.LBB2_56:
0x362: {  	p2 =	seq.s32 s1, $0x1  }
.Ltmp50:
0x363: {  	_ = 	snop;
	(pc) =	sbr.rel @!p2 .LBB2_56-.Ltmp50, $3  }
0x364: {  	_ =	sdelay $0x1  }
0x365: {  	s1 =	sadd.s32 $0xFFFFFFFF, s1;
	s0 =	sadd.s32 $0x10, s0;
	v16 =	vmax.f32 v16, v17  }
0x366: {  	v17 =	vld [tilespmem:s0+$0x0]  }
.LBB2_57:
0x367: {  	_ =	sdelay $0x3  }
0x368: {  	v16 =	vmax.f32 v16, v17  }
0x369: {  	(xrf0) =	vmax.scan.msk.f32 $0xffff, v16;
	_ =	sdelay $0x2  }
0x36a: {  	s0 =	simm.s32 $0x13900  }
0x36b: {  	v19 =	vld [tilespmem:s0+$0x0];
	s0 =	simm.s32 $0x17900  }
.Ltmp51:
0x36c: {  	v18 =	vld [tilespmem:s0+$0x0];
	(pc) =	sbr.rel @!p1 .LBB2_59-.Ltmp51, $3  }
0x36d: {  	v16, _, _ =	vpop (xrf0)  }
0x36e: {  	v16 =	vbroadcast v16, $0xF;
	_ =	sdelay $0x1  }
0x36f: {  	s1 =	sadd.s32 $0xFFFFFFFF, s30;
	s5 =	simm.s32 $0x13910;
	v17 =	vimm.s32 $0x7FFFFFFF;
	vm0 =	veq.f32 v19, v16  }
.LBB2_58:
0x370: {  	v19 =	vld [tilespmem:s5+$0x0];
	p1 =	sne.s32 s1, $0x1;
	s1 =	sadd.s32 $0xFFFFFFFF, s1;
	v20 =	vnsel vm0, $0x7FFFFFFF, v18;
	s0 =	sadd.s32 $0x10, s0  }
.Ltmp52:
0x371: {  	v18 =	vld [tilespmem:s0+$0x0];
	vm0 =	vlt.s32 v17, v20;
	(pc) =	sbr.rel @p1 .LBB2_58-.Ltmp52, $2  }
0x372: {  	v17 =	vsel vm0, v17, v20;
	_ =	sdelay $0x2  }
0x373: {  	s5 =	sadd.s32 $0x10, s5;
	vm0 =	veq.f32 v19, v16  }
.LBB2_59:
.Ltmp53:
0x374: {  	(pc) =	sbr.rel .LBB2_60-.Ltmp53, $4  }
0x375: {  	v18 =	vnsel vm0, $0x7FFFFFFF, v18  }
0x376: {  	vm0 =	vlt.s32 v17, v18  }
0x377: {  	v17 =	vsel vm0, v17, v18  }
0x378: {  	v17 =	vsub.s32 $0x80000000, v17  }
.LBB2_163:
0x379: {  	vm0 =	vmmov $0x3  }
0x37a: {  	v14 =	vsel vm0, v14, v16;
	v15 =	vsel vm0, v15, v17;
	v17 =	vimm.s32 $0x1;
	v16 =	vmovc v2  }
.LBB2_60:
0x37b: {  	(xrf0) =	vmax.scan.msk.u32 $0xffff, v17;
	_ =	sdelay $0x5  }
0x37c: {  	v17, _, _ =	vpop (xrf0)  }
0x37d: {  	(v2sf) =	vpush v17, $0xF;
	_ =	sdelay $0xd  }
.Ltmp54:
0x37e: {  	_ = 	snop;
	(pc) =	sbr.rel @p0 .LBB2_164-.Ltmp54, $4  }
0x37f: {  	s0 =	spop (v2sf)  }
0x380: {  	s0 =	sxor.u32 $0x7FFFFFFF, s0  }
0x381: {  	s0 =	sadd.s32 $0x1, s0  }
0x382: {  	v17 =	vmov s0  }
0x383: {  	p1 =	sne.s32 s30, $0x1  }
.Ltmp55:
0x384: {  	_ = 	snop;
	(pc) =	sbr.rel @!p1 .LBB2_63-.Ltmp55, $3  }
0x385: {  	_ =	sdelay $0x1  }
0x386: {  	s1 =	simm.s32 $0x17900  }
0x387: {  	s0 =	simm.s32 $0x13900;
	s6 =	sadd.s32 $0xFFFFFFFF, s30;
	s5 =	simm.s32 $0x13900;
	v18 =	vld [tilespmem:s1+$0x0]  }
.LBB2_62:
0x388: {  	p2 =	sne.s32 s6, $0x1;
	v19 =	vld [tilespmem:s5+$0x0];
	_ =	sdelay $0x2  }
.Ltmp56:
0x389: {  	(pc) =	sbr.rel @p2 .LBB2_62-.Ltmp56, $4  }
0x38a: {  	vm0 =	veq.s32 v18, v17  }
0x38b: {  	v18 =	vsel vm0, $0xFF800000, v19  }
0x38c: {  	s1 =	sadd.s32 $0x10, s1;
	[tilespmem:s5+$0x0] =	vst v18  }
0x38d: {  	s6 =	sadd.s32 $0xFFFFFFFF, s6;
	s5 =	sadd.s32 $0x10, s5;
	v18 =	vld [tilespmem:s1+$0x0]  }
.LBB2_63:
0x38e: {  	v19 =	vld [tilespmem:s5+$0x0];
	_ =	sdelay $0x1  }
0x38f: {  	p2 =	seq.s32 s30, $0x1  }
.Ltmp57:
0x390: {  	_ = 	snop;
	(pc) =	sbr.rel @p2 .LBB2_65-.Ltmp57, $4  }
0x391: {  	vm0 =	veq.s32 v18, v17  }
0x392: {  	v18 =	vsel vm0, $0xFF800000, v19  }
0x393: {  	vm15 =	vmmov $0x7;
	[tilespmem:s5+$0x0] =	vst v18  }
0x394: {  	s1 =	sadd.s32 $0xFFFFFFFF, s30;
	v14 =	vsel vm15, v14, v16;
	v15 =	vsel vm15, v15, v17;
	v16 =	vimm.f32 $-Inf;
	v17 =	vld [tilespmem:s0+$0x0]  }
.LBB2_64:
0x395: {  	p2 =	seq.s32 s1, $0x1  }
.Ltmp58:
0x396: {  	_ = 	snop;
	(pc) =	sbr.rel @!p2 .LBB2_64-.Ltmp58, $3  }
0x397: {  	_ =	sdelay $0x1  }
0x398: {  	s1 =	sadd.s32 $0xFFFFFFFF, s1;
	s0 =	sadd.s32 $0x10, s0;
	v16 =	vmax.f32 v16, v17  }
0x399: {  	v17 =	vld [tilespmem:s0+$0x0]  }
.LBB2_65:
0x39a: {  	_ =	sdelay $0x3  }
0x39b: {  	v16 =	vmax.f32 v16, v17  }
0x39c: {  	(xrf0) =	vmax.scan.msk.f32 $0xffff, v16;
	_ =	sdelay $0x2  }
0x39d: {  	s0 =	simm.s32 $0x13900  }
0x39e: {  	v19 =	vld [tilespmem:s0+$0x0];
	s0 =	simm.s32 $0x17900  }
.Ltmp59:
0x39f: {  	v18 =	vld [tilespmem:s0+$0x0];
	(pc) =	sbr.rel @!p1 .LBB2_67-.Ltmp59, $3  }
0x3a0: {  	v16, _, _ =	vpop (xrf0)  }
0x3a1: {  	v16 =	vbroadcast v16, $0xF;
	_ =	sdelay $0x1  }
0x3a2: {  	s1 =	sadd.s32 $0xFFFFFFFF, s30;
	s5 =	simm.s32 $0x13910;
	v17 =	vimm.s32 $0x7FFFFFFF;
	vm0 =	veq.f32 v19, v16  }
.LBB2_66:
0x3a3: {  	v19 =	vld [tilespmem:s5+$0x0];
	p1 =	sne.s32 s1, $0x1;
	s1 =	sadd.s32 $0xFFFFFFFF, s1;
	v20 =	vnsel vm0, $0x7FFFFFFF, v18;
	s0 =	sadd.s32 $0x10, s0  }
.Ltmp60:
0x3a4: {  	v18 =	vld [tilespmem:s0+$0x0];
	vm0 =	vlt.s32 v17, v20;
	(pc) =	sbr.rel @p1 .LBB2_66-.Ltmp60, $2  }
0x3a5: {  	v17 =	vsel vm0, v17, v20;
	_ =	sdelay $0x2  }
0x3a6: {  	s5 =	sadd.s32 $0x10, s5;
	vm0 =	veq.f32 v19, v16  }
.LBB2_67:
.Ltmp61:
0x3a7: {  	(pc) =	sbr.rel .LBB2_68-.Ltmp61, $4  }
0x3a8: {  	v18 =	vnsel vm0, $0x7FFFFFFF, v18  }
0x3a9: {  	vm0 =	vlt.s32 v17, v18  }
0x3aa: {  	v17 =	vsel vm0, v17, v18  }
0x3ab: {  	v17 =	vsub.s32 $0x80000000, v17  }
.LBB2_164:
0x3ac: {  	vm0 =	vmmov $0x7  }
0x3ad: {  	v14 =	vsel vm0, v14, v16;
	v15 =	vsel vm0, v15, v17;
	v17 =	vimm.s32 $0x1;
	v16 =	vmovc v2  }
.LBB2_68:
0x3ae: {  	(xrf0) =	vmax.scan.msk.u32 $0xffff, v17;
	_ =	sdelay $0x5  }
0x3af: {  	v17, _, _ =	vpop (xrf0)  }
0x3b0: {  	(v2sf) =	vpush v17, $0xF;
	_ =	sdelay $0xd  }
.Ltmp62:
0x3b1: {  	_ = 	snop;
	(pc) =	sbr.rel @p0 .LBB2_165-.Ltmp62, $4  }
0x3b2: {  	s0 =	spop (v2sf)  }
0x3b3: {  	s0 =	sxor.u32 $0x7FFFFFFF, s0  }
0x3b4: {  	s0 =	sadd.s32 $0x1, s0  }
0x3b5: {  	v17 =	vmov s0  }
0x3b6: {  	p1 =	sne.s32 s30, $0x1  }
.Ltmp63:
0x3b7: {  	_ = 	snop;
	(pc) =	sbr.rel @!p1 .LBB2_71-.Ltmp63, $3  }
0x3b8: {  	_ =	sdelay $0x1  }
0x3b9: {  	s1 =	simm.s32 $0x17900  }
0x3ba: {  	s0 =	simm.s32 $0x13900;
	s6 =	sadd.s32 $0xFFFFFFFF, s30;
	s5 =	simm.s32 $0x13900;
	v18 =	vld [tilespmem:s1+$0x0]  }
.LBB2_70:
0x3bb: {  	p2 =	sne.s32 s6, $0x1;
	v19 =	vld [tilespmem:s5+$0x0];
	_ =	sdelay $0x2  }
.Ltmp64:
0x3bc: {  	(pc) =	sbr.rel @p2 .LBB2_70-.Ltmp64, $4  }
0x3bd: {  	vm0 =	veq.s32 v18, v17  }
0x3be: {  	v18 =	vsel vm0, $0xFF800000, v19  }
0x3bf: {  	s1 =	sadd.s32 $0x10, s1;
	[tilespmem:s5+$0x0] =	vst v18  }
0x3c0: {  	s6 =	sadd.s32 $0xFFFFFFFF, s6;
	s5 =	sadd.s32 $0x10, s5;
	v18 =	vld [tilespmem:s1+$0x0]  }
.LBB2_71:
0x3c1: {  	v19 =	vld [tilespmem:s5+$0x0];
	_ =	sdelay $0x1  }
0x3c2: {  	p2 =	seq.s32 s30, $0x1  }
.Ltmp65:
0x3c3: {  	_ = 	snop;
	(pc) =	sbr.rel @p2 .LBB2_73-.Ltmp65, $4  }
0x3c4: {  	vm0 =	veq.s32 v18, v17  }
0x3c5: {  	v18 =	vsel vm0, $0xFF800000, v19  }
0x3c6: {  	vm15 =	vmmov $0xf;
	[tilespmem:s5+$0x0] =	vst v18  }
0x3c7: {  	s1 =	sadd.s32 $0xFFFFFFFF, s30;
	v14 =	vsel vm15, v14, v16;
	v15 =	vsel vm15, v15, v17;
	v16 =	vimm.f32 $-Inf;
	v17 =	vld [tilespmem:s0+$0x0]  }
.LBB2_72:
0x3c8: {  	p2 =	seq.s32 s1, $0x1  }
.Ltmp66:
0x3c9: {  	_ = 	snop;
	(pc) =	sbr.rel @!p2 .LBB2_72-.Ltmp66, $3  }
0x3ca: {  	_ =	sdelay $0x1  }
0x3cb: {  	s1 =	sadd.s32 $0xFFFFFFFF, s1;
	s0 =	sadd.s32 $0x10, s0;
	v16 =	vmax.f32 v16, v17  }
0x3cc: {  	v17 =	vld [tilespmem:s0+$0x0]  }
.LBB2_73:
0x3cd: {  	_ =	sdelay $0x3  }
0x3ce: {  	v16 =	vmax.f32 v16, v17  }
0x3cf: {  	(xrf0) =	vmax.scan.msk.f32 $0xffff, v16;
	_ =	sdelay $0x2  }
0x3d0: {  	s0 =	simm.s32 $0x13900  }
0x3d1: {  	v19 =	vld [tilespmem:s0+$0x0];
	s0 =	simm.s32 $0x17900  }
.Ltmp67:
0x3d2: {  	v18 =	vld [tilespmem:s0+$0x0];
	(pc) =	sbr.rel @!p1 .LBB2_75-.Ltmp67, $3  }
0x3d3: {  	v16, _, _ =	vpop (xrf0)  }
0x3d4: {  	v16 =	vbroadcast v16, $0xF;
	_ =	sdelay $0x1  }
0x3d5: {  	s1 =	sadd.s32 $0xFFFFFFFF, s30;
	s5 =	simm.s32 $0x13910;
	v17 =	vimm.s32 $0x7FFFFFFF;
	vm0 =	veq.f32 v19, v16  }
.LBB2_74:
0x3d6: {  	v19 =	vld [tilespmem:s5+$0x0];
	p1 =	sne.s32 s1, $0x1;
	s1 =	sadd.s32 $0xFFFFFFFF, s1;
	v20 =	vnsel vm0, $0x7FFFFFFF, v18;
	s0 =	sadd.s32 $0x10, s0  }
.Ltmp68:
0x3d7: {  	v18 =	vld [tilespmem:s0+$0x0];
	vm0 =	vlt.s32 v17, v20;
	(pc) =	sbr.rel @p1 .LBB2_74-.Ltmp68, $2  }
0x3d8: {  	v17 =	vsel vm0, v17, v20;
	_ =	sdelay $0x2  }
0x3d9: {  	s5 =	sadd.s32 $0x10, s5;
	vm0 =	veq.f32 v19, v16  }
.LBB2_75:
.Ltmp69:
0x3da: {  	(pc) =	sbr.rel .LBB2_76-.Ltmp69, $4  }
0x3db: {  	v18 =	vnsel vm0, $0x7FFFFFFF, v18  }
0x3dc: {  	vm0 =	vlt.s32 v17, v18  }
0x3dd: {  	v17 =	vsel vm0, v17, v18  }
0x3de: {  	v17 =	vsub.s32 $0x80000000, v17  }
.LBB2_165:
0x3df: {  	vm0 =	vmmov $0xf  }
0x3e0: {  	v14 =	vsel vm0, v14, v16;
	v15 =	vsel vm0, v15, v17;
	v17 =	vimm.s32 $0x1;
	v16 =	vmovc v2  }
.LBB2_76:
0x3e1: {  	(xrf0) =	vmax.scan.msk.u32 $0xffff, v17;
	_ =	sdelay $0x5  }
0x3e2: {  	v17, _, _ =	vpop (xrf0)  }
0x3e3: {  	(v2sf) =	vpush v17, $0xF;
	_ =	sdelay $0xd  }
.Ltmp70:
0x3e4: {  	_ = 	snop;
	(pc) =	sbr.rel @p0 .LBB2_166-.Ltmp70, $4  }
0x3e5: {  	s0 =	spop (v2sf)  }
0x3e6: {  	s0 =	sxor.u32 $0x7FFFFFFF, s0  }
0x3e7: {  	s0 =	sadd.s32 $0x1, s0  }
0x3e8: {  	v17 =	vmov s0  }
0x3e9: {  	p1 =	sne.s32 s30, $0x1  }
.Ltmp71:
0x3ea: {  	_ = 	snop;
	(pc) =	sbr.rel @!p1 .LBB2_79-.Ltmp71, $3  }
0x3eb: {  	_ =	sdelay $0x1  }
0x3ec: {  	s1 =	simm.s32 $0x17900  }
0x3ed: {  	s0 =	simm.s32 $0x13900;
	s6 =	sadd.s32 $0xFFFFFFFF, s30;
	s5 =	simm.s32 $0x13900;
	v18 =	vld [tilespmem:s1+$0x0]  }
.LBB2_78:
0x3ee: {  	p2 =	sne.s32 s6, $0x1;
	v19 =	vld [tilespmem:s5+$0x0];
	_ =	sdelay $0x2  }
.Ltmp72:
0x3ef: {  	(pc) =	sbr.rel @p2 .LBB2_78-.Ltmp72, $4  }
0x3f0: {  	vm0 =	veq.s32 v18, v17  }
0x3f1: {  	v18 =	vsel vm0, $0xFF800000, v19  }
0x3f2: {  	s1 =	sadd.s32 $0x10, s1;
	[tilespmem:s5+$0x0] =	vst v18  }
0x3f3: {  	s6 =	sadd.s32 $0xFFFFFFFF, s6;
	s5 =	sadd.s32 $0x10, s5;
	v18 =	vld [tilespmem:s1+$0x0]  }
.LBB2_79:
0x3f4: {  	v19 =	vld [tilespmem:s5+$0x0];
	_ =	sdelay $0x1  }
0x3f5: {  	p2 =	seq.s32 s30, $0x1  }
.Ltmp73:
0x3f6: {  	_ = 	snop;
	(pc) =	sbr.rel @p2 .LBB2_81-.Ltmp73, $4  }
0x3f7: {  	vm0 =	veq.s32 v18, v17  }
0x3f8: {  	v18 =	vsel vm0, $0xFF800000, v19  }
0x3f9: {  	vm15 =	vmmov $0x1f;
	[tilespmem:s5+$0x0] =	vst v18  }
0x3fa: {  	s1 =	sadd.s32 $0xFFFFFFFF, s30;
	v14 =	vsel vm15, v14, v16;
	v15 =	vsel vm15, v15, v17;
	v16 =	vimm.f32 $-Inf;
	v17 =	vld [tilespmem:s0+$0x0]  }
.LBB2_80:
0x3fb: {  	p2 =	seq.s32 s1, $0x1  }
.Ltmp74:
0x3fc: {  	_ = 	snop;
	(pc) =	sbr.rel @!p2 .LBB2_80-.Ltmp74, $3  }
0x3fd: {  	_ =	sdelay $0x1  }
0x3fe: {  	s1 =	sadd.s32 $0xFFFFFFFF, s1;
	s0 =	sadd.s32 $0x10, s0;
	v16 =	vmax.f32 v16, v17  }
0x3ff: {  	v17 =	vld [tilespmem:s0+$0x0]  }
.LBB2_81:
0x400: {  	_ =	sdelay $0x3  }
0x401: {  	v16 =	vmax.f32 v16, v17  }
0x402: {  	(xrf0) =	vmax.scan.msk.f32 $0xffff, v16;
	_ =	sdelay $0x2  }
0x403: {  	s0 =	simm.s32 $0x13900  }
0x404: {  	v19 =	vld [tilespmem:s0+$0x0];
	s0 =	simm.s32 $0x17900  }
.Ltmp75:
0x405: {  	v18 =	vld [tilespmem:s0+$0x0];
	(pc) =	sbr.rel @!p1 .LBB2_83-.Ltmp75, $3  }
0x406: {  	v16, _, _ =	vpop (xrf0)  }
0x407: {  	v16 =	vbroadcast v16, $0xF;
	_ =	sdelay $0x1  }
0x408: {  	s1 =	sadd.s32 $0xFFFFFFFF, s30;
	s5 =	simm.s32 $0x13910;
	v17 =	vimm.s32 $0x7FFFFFFF;
	vm0 =	veq.f32 v19, v16  }
.LBB2_82:
0x409: {  	v19 =	vld [tilespmem:s5+$0x0];
	p1 =	sne.s32 s1, $0x1;
	s1 =	sadd.s32 $0xFFFFFFFF, s1;
	v20 =	vnsel vm0, $0x7FFFFFFF, v18;
	s0 =	sadd.s32 $0x10, s0  }
.Ltmp76:
0x40a: {  	v18 =	vld [tilespmem:s0+$0x0];
	vm0 =	vlt.s32 v17, v20;
	(pc) =	sbr.rel @p1 .LBB2_82-.Ltmp76, $2  }
0x40b: {  	v17 =	vsel vm0, v17, v20;
	_ =	sdelay $0x2  }
0x40c: {  	s5 =	sadd.s32 $0x10, s5;
	vm0 =	veq.f32 v19, v16  }
.LBB2_83:
.Ltmp77:
0x40d: {  	(pc) =	sbr.rel .LBB2_84-.Ltmp77, $4  }
0x40e: {  	v18 =	vnsel vm0, $0x7FFFFFFF, v18  }
0x40f: {  	vm0 =	vlt.s32 v17, v18  }
0x410: {  	v17 =	vsel vm0, v17, v18  }
0x411: {  	v17 =	vsub.s32 $0x80000000, v17  }
.LBB2_166:
0x412: {  	vm0 =	vmmov $0x1f  }
0x413: {  	v14 =	vsel vm0, v14, v16;
	v15 =	vsel vm0, v15, v17;
	v17 =	vimm.s32 $0x1;
	v16 =	vmovc v2  }
.LBB2_84:
0x414: {  	(xrf0) =	vmax.scan.msk.u32 $0xffff, v17;
	_ =	sdelay $0x5  }
0x415: {  	v17, _, _ =	vpop (xrf0)  }
0x416: {  	(v2sf) =	vpush v17, $0xF;
	_ =	sdelay $0xd  }
.Ltmp78:
0x417: {  	_ = 	snop;
	(pc) =	sbr.rel @p0 .LBB2_167-.Ltmp78, $4  }
0x418: {  	s0 =	spop (v2sf)  }
0x419: {  	s0 =	sxor.u32 $0x7FFFFFFF, s0  }
0x41a: {  	s0 =	sadd.s32 $0x1, s0  }
0x41b: {  	v17 =	vmov s0  }
0x41c: {  	p1 =	sne.s32 s30, $0x1  }
.Ltmp79:
0x41d: {  	_ = 	snop;
	(pc) =	sbr.rel @!p1 .LBB2_87-.Ltmp79, $3  }
0x41e: {  	_ =	sdelay $0x1  }
0x41f: {  	s1 =	simm.s32 $0x17900  }
0x420: {  	s0 =	simm.s32 $0x13900;
	s6 =	sadd.s32 $0xFFFFFFFF, s30;
	s5 =	simm.s32 $0x13900;
	v18 =	vld [tilespmem:s1+$0x0]  }
.LBB2_86:
0x421: {  	p2 =	sne.s32 s6, $0x1;
	v19 =	vld [tilespmem:s5+$0x0];
	_ =	sdelay $0x2  }
.Ltmp80:
0x422: {  	(pc) =	sbr.rel @p2 .LBB2_86-.Ltmp80, $4  }
0x423: {  	vm0 =	veq.s32 v18, v17  }
0x424: {  	v18 =	vsel vm0, $0xFF800000, v19  }
0x425: {  	s1 =	sadd.s32 $0x10, s1;
	[tilespmem:s5+$0x0] =	vst v18  }
0x426: {  	s6 =	sadd.s32 $0xFFFFFFFF, s6;
	s5 =	sadd.s32 $0x10, s5;
	v18 =	vld [tilespmem:s1+$0x0]  }
.LBB2_87:
0x427: {  	v19 =	vld [tilespmem:s5+$0x0];
	_ =	sdelay $0x1  }
0x428: {  	p2 =	seq.s32 s30, $0x1  }
.Ltmp81:
0x429: {  	_ = 	snop;
	(pc) =	sbr.rel @p2 .LBB2_89-.Ltmp81, $4  }
0x42a: {  	vm0 =	veq.s32 v18, v17  }
0x42b: {  	v18 =	vsel vm0, $0xFF800000, v19  }
0x42c: {  	vm15 =	vmmov $0x3f;
	[tilespmem:s5+$0x0] =	vst v18  }
0x42d: {  	s1 =	sadd.s32 $0xFFFFFFFF, s30;
	v14 =	vsel vm15, v14, v16;
	v15 =	vsel vm15, v15, v17;
	v16 =	vimm.f32 $-Inf;
	v17 =	vld [tilespmem:s0+$0x0]  }
.LBB2_88:
0x42e: {  	p2 =	seq.s32 s1, $0x1  }
.Ltmp82:
0x42f: {  	_ = 	snop;
	(pc) =	sbr.rel @!p2 .LBB2_88-.Ltmp82, $3  }
0x430: {  	_ =	sdelay $0x1  }
0x431: {  	s1 =	sadd.s32 $0xFFFFFFFF, s1;
	s0 =	sadd.s32 $0x10, s0;
	v16 =	vmax.f32 v16, v17  }
0x432: {  	v17 =	vld [tilespmem:s0+$0x0]  }
.LBB2_89:
0x433: {  	_ =	sdelay $0x3  }
0x434: {  	v16 =	vmax.f32 v16, v17  }
0x435: {  	(xrf0) =	vmax.scan.msk.f32 $0xffff, v16;
	_ =	sdelay $0x2  }
0x436: {  	s0 =	simm.s32 $0x13900  }
0x437: {  	v19 =	vld [tilespmem:s0+$0x0];
	s0 =	simm.s32 $0x17900  }
.Ltmp83:
0x438: {  	v18 =	vld [tilespmem:s0+$0x0];
	(pc) =	sbr.rel @!p1 .LBB2_91-.Ltmp83, $3  }
0x439: {  	v16, _, _ =	vpop (xrf0)  }
0x43a: {  	v16 =	vbroadcast v16, $0xF;
	_ =	sdelay $0x1  }
0x43b: {  	s1 =	sadd.s32 $0xFFFFFFFF, s30;
	s5 =	simm.s32 $0x13910;
	v17 =	vimm.s32 $0x7FFFFFFF;
	vm0 =	veq.f32 v19, v16  }
.LBB2_90:
0x43c: {  	v19 =	vld [tilespmem:s5+$0x0];
	p1 =	sne.s32 s1, $0x1;
	s1 =	sadd.s32 $0xFFFFFFFF, s1;
	v20 =	vnsel vm0, $0x7FFFFFFF, v18;
	s0 =	sadd.s32 $0x10, s0  }
.Ltmp84:
0x43d: {  	v18 =	vld [tilespmem:s0+$0x0];
	vm0 =	vlt.s32 v17, v20;
	(pc) =	sbr.rel @p1 .LBB2_90-.Ltmp84, $2  }
0x43e: {  	v17 =	vsel vm0, v17, v20;
	_ =	sdelay $0x2  }
0x43f: {  	s5 =	sadd.s32 $0x10, s5;
	vm0 =	veq.f32 v19, v16  }
.LBB2_91:
.Ltmp85:
0x440: {  	(pc) =	sbr.rel .LBB2_92-.Ltmp85, $4  }
0x441: {  	v18 =	vnsel vm0, $0x7FFFFFFF, v18  }
0x442: {  	vm0 =	vlt.s32 v17, v18  }
0x443: {  	v17 =	vsel vm0, v17, v18  }
0x444: {  	v17 =	vsub.s32 $0x80000000, v17  }
.LBB2_167:
0x445: {  	vm0 =	vmmov $0x3f  }
0x446: {  	v14 =	vsel vm0, v14, v16;
	v15 =	vsel vm0, v15, v17;
	v17 =	vimm.s32 $0x1;
	v16 =	vmovc v2  }
.LBB2_92:
0x447: {  	(xrf0) =	vmax.scan.msk.u32 $0xffff, v17;
	_ =	sdelay $0x5  }
0x448: {  	v17, _, _ =	vpop (xrf0)  }
0x449: {  	(v2sf) =	vpush v17, $0xF;
	_ =	sdelay $0xd  }
.Ltmp86:
0x44a: {  	_ = 	snop;
	(pc) =	sbr.rel @p0 .LBB2_168-.Ltmp86, $4  }
0x44b: {  	s0 =	spop (v2sf)  }
0x44c: {  	s0 =	sxor.u32 $0x7FFFFFFF, s0  }
0x44d: {  	s0 =	sadd.s32 $0x1, s0  }
0x44e: {  	v17 =	vmov s0  }
0x44f: {  	p1 =	sne.s32 s30, $0x1  }
.Ltmp87:
0x450: {  	_ = 	snop;
	(pc) =	sbr.rel @!p1 .LBB2_95-.Ltmp87, $3  }
0x451: {  	_ =	sdelay $0x1  }
0x452: {  	s1 =	simm.s32 $0x17900  }
0x453: {  	s0 =	simm.s32 $0x13900;
	s6 =	sadd.s32 $0xFFFFFFFF, s30;
	s5 =	simm.s32 $0x13900;
	v18 =	vld [tilespmem:s1+$0x0]  }
.LBB2_94:
0x454: {  	p2 =	sne.s32 s6, $0x1;
	v19 =	vld [tilespmem:s5+$0x0];
	_ =	sdelay $0x2  }
.Ltmp88:
0x455: {  	(pc) =	sbr.rel @p2 .LBB2_94-.Ltmp88, $4  }
0x456: {  	vm0 =	veq.s32 v18, v17  }
0x457: {  	v18 =	vsel vm0, $0xFF800000, v19  }
0x458: {  	s1 =	sadd.s32 $0x10, s1;
	[tilespmem:s5+$0x0] =	vst v18  }
0x459: {  	s6 =	sadd.s32 $0xFFFFFFFF, s6;
	s5 =	sadd.s32 $0x10, s5;
	v18 =	vld [tilespmem:s1+$0x0]  }
.LBB2_95:
0x45a: {  	v19 =	vld [tilespmem:s5+$0x0];
	_ =	sdelay $0x1  }
0x45b: {  	p2 =	seq.s32 s30, $0x1  }
.Ltmp89:
0x45c: {  	_ = 	snop;
	(pc) =	sbr.rel @p2 .LBB2_97-.Ltmp89, $4  }
0x45d: {  	vm0 =	veq.s32 v18, v17  }
0x45e: {  	v18 =	vsel vm0, $0xFF800000, v19  }
0x45f: {  	vm15 =	vmmov $0x7f;
	[tilespmem:s5+$0x0] =	vst v18  }
0x460: {  	s1 =	sadd.s32 $0xFFFFFFFF, s30;
	v14 =	vsel vm15, v14, v16;
	v15 =	vsel vm15, v15, v17;
	v16 =	vimm.f32 $-Inf;
	v17 =	vld [tilespmem:s0+$0x0]  }
.LBB2_96:
0x461: {  	p2 =	seq.s32 s1, $0x1  }
.Ltmp90:
0x462: {  	_ = 	snop;
	(pc) =	sbr.rel @!p2 .LBB2_96-.Ltmp90, $3  }
0x463: {  	_ =	sdelay $0x1  }
0x464: {  	s1 =	sadd.s32 $0xFFFFFFFF, s1;
	s0 =	sadd.s32 $0x10, s0;
	v16 =	vmax.f32 v16, v17  }
0x465: {  	v17 =	vld [tilespmem:s0+$0x0]  }
.LBB2_97:
0x466: {  	_ =	sdelay $0x3  }
0x467: {  	v16 =	vmax.f32 v16, v17  }
0x468: {  	(xrf0) =	vmax.scan.msk.f32 $0xffff, v16;
	_ =	sdelay $0x2  }
0x469: {  	s0 =	simm.s32 $0x13900  }
0x46a: {  	v19 =	vld [tilespmem:s0+$0x0];
	s0 =	simm.s32 $0x17900  }
.Ltmp91:
0x46b: {  	v18 =	vld [tilespmem:s0+$0x0];
	(pc) =	sbr.rel @!p1 .LBB2_99-.Ltmp91, $3  }
0x46c: {  	v16, _, _ =	vpop (xrf0)  }
0x46d: {  	v16 =	vbroadcast v16, $0xF;
	_ =	sdelay $0x1  }
0x46e: {  	s1 =	sadd.s32 $0xFFFFFFFF, s30;
	s5 =	simm.s32 $0x13910;
	v17 =	vimm.s32 $0x7FFFFFFF;
	vm0 =	veq.f32 v19, v16  }
.LBB2_98:
0x46f: {  	v19 =	vld [tilespmem:s5+$0x0];
	p1 =	sne.s32 s1, $0x1;
	s1 =	sadd.s32 $0xFFFFFFFF, s1;
	v20 =	vnsel vm0, $0x7FFFFFFF, v18;
	s0 =	sadd.s32 $0x10, s0  }
.Ltmp92:
0x470: {  	v18 =	vld [tilespmem:s0+$0x0];
	vm0 =	vlt.s32 v17, v20;
	(pc) =	sbr.rel @p1 .LBB2_98-.Ltmp92, $2  }
0x471: {  	v17 =	vsel vm0, v17, v20;
	_ =	sdelay $0x2  }
0x472: {  	s5 =	sadd.s32 $0x10, s5;
	vm0 =	veq.f32 v19, v16  }
.LBB2_99:
.Ltmp93:
0x473: {  	(pc) =	sbr.rel .LBB2_100-.Ltmp93, $4  }
0x474: {  	v18 =	vnsel vm0, $0x7FFFFFFF, v18  }
0x475: {  	vm0 =	vlt.s32 v17, v18  }
0x476: {  	v17 =	vsel vm0, v17, v18  }
0x477: {  	v17 =	vsub.s32 $0x80000000, v17  }
.LBB2_168:
0x478: {  	vm0 =	vmmov $0x7f  }
0x479: {  	v14 =	vsel vm0, v14, v16;
	v15 =	vsel vm0, v15, v17;
	v17 =	vimm.s32 $0x1;
	v16 =	vmovc v2  }
.LBB2_100:
0x47a: {  	(xrf0) =	vmax.scan.msk.u32 $0xffff, v17;
	_ =	sdelay $0x5  }
0x47b: {  	v17, _, _ =	vpop (xrf0)  }
0x47c: {  	(v2sf) =	vpush v17, $0xF;
	_ =	sdelay $0xd  }
.Ltmp94:
0x47d: {  	_ = 	snop;
	(pc) =	sbr.rel @p0 .LBB2_169-.Ltmp94, $4  }
0x47e: {  	s0 =	spop (v2sf)  }
0x47f: {  	s0 =	sxor.u32 $0x7FFFFFFF, s0  }
0x480: {  	s0 =	sadd.s32 $0x1, s0  }
0x481: {  	v17 =	vmov s0  }
0x482: {  	p1 =	sne.s32 s30, $0x1  }
.Ltmp95:
0x483: {  	_ = 	snop;
	(pc) =	sbr.rel @!p1 .LBB2_103-.Ltmp95, $3  }
0x484: {  	_ =	sdelay $0x1  }
0x485: {  	s1 =	simm.s32 $0x17900  }
0x486: {  	s0 =	simm.s32 $0x13900;
	s6 =	sadd.s32 $0xFFFFFFFF, s30;
	s5 =	simm.s32 $0x13900;
	v18 =	vld [tilespmem:s1+$0x0]  }
.LBB2_102:
0x487: {  	p2 =	sne.s32 s6, $0x1;
	v19 =	vld [tilespmem:s5+$0x0];
	_ =	sdelay $0x2  }
.Ltmp96:
0x488: {  	(pc) =	sbr.rel @p2 .LBB2_102-.Ltmp96, $4  }
0x489: {  	vm0 =	veq.s32 v18, v17  }
0x48a: {  	v18 =	vsel vm0, $0xFF800000, v19  }
0x48b: {  	s1 =	sadd.s32 $0x10, s1;
	[tilespmem:s5+$0x0] =	vst v18  }
0x48c: {  	s6 =	sadd.s32 $0xFFFFFFFF, s6;
	s5 =	sadd.s32 $0x10, s5;
	v18 =	vld [tilespmem:s1+$0x0]  }
.LBB2_103:
0x48d: {  	v19 =	vld [tilespmem:s5+$0x0];
	_ =	sdelay $0x1  }
0x48e: {  	p2 =	seq.s32 s30, $0x1  }
.Ltmp97:
0x48f: {  	_ = 	snop;
	(pc) =	sbr.rel @p2 .LBB2_105-.Ltmp97, $4  }
0x490: {  	vm0 =	veq.s32 v18, v17  }
0x491: {  	v18 =	vsel vm0, $0xFF800000, v19  }
0x492: {  	vm15 =	vmmov $0xff;
	[tilespmem:s5+$0x0] =	vst v18  }
0x493: {  	s1 =	sadd.s32 $0xFFFFFFFF, s30;
	v14 =	vsel vm15, v14, v16;
	v15 =	vsel vm15, v15, v17;
	v16 =	vimm.f32 $-Inf;
	v17 =	vld [tilespmem:s0+$0x0]  }
.LBB2_104:
0x494: {  	p2 =	seq.s32 s1, $0x1  }
.Ltmp98:
0x495: {  	_ = 	snop;
	(pc) =	sbr.rel @!p2 .LBB2_104-.Ltmp98, $3  }
0x496: {  	_ =	sdelay $0x1  }
0x497: {  	s1 =	sadd.s32 $0xFFFFFFFF, s1;
	s0 =	sadd.s32 $0x10, s0;
	v16 =	vmax.f32 v16, v17  }
0x498: {  	v17 =	vld [tilespmem:s0+$0x0]  }
.LBB2_105:
0x499: {  	_ =	sdelay $0x3  }
0x49a: {  	v16 =	vmax.f32 v16, v17  }
0x49b: {  	(xrf0) =	vmax.scan.msk.f32 $0xffff, v16;
	_ =	sdelay $0x2  }
0x49c: {  	s0 =	simm.s32 $0x13900  }
0x49d: {  	v19 =	vld [tilespmem:s0+$0x0];
	s0 =	simm.s32 $0x17900  }
.Ltmp99:
0x49e: {  	v18 =	vld [tilespmem:s0+$0x0];
	(pc) =	sbr.rel @!p1 .LBB2_107-.Ltmp99, $3  }
0x49f: {  	v16, _, _ =	vpop (xrf0)  }
0x4a0: {  	v16 =	vbroadcast v16, $0xF;
	_ =	sdelay $0x1  }
0x4a1: {  	s1 =	sadd.s32 $0xFFFFFFFF, s30;
	s5 =	simm.s32 $0x13910;
	v17 =	vimm.s32 $0x7FFFFFFF;
	vm0 =	veq.f32 v19, v16  }
.LBB2_106:
0x4a2: {  	v19 =	vld [tilespmem:s5+$0x0];
	p1 =	sne.s32 s1, $0x1;
	s1 =	sadd.s32 $0xFFFFFFFF, s1;
	v20 =	vnsel vm0, $0x7FFFFFFF, v18;
	s0 =	sadd.s32 $0x10, s0  }
.Ltmp100:
0x4a3: {  	v18 =	vld [tilespmem:s0+$0x0];
	vm0 =	vlt.s32 v17, v20;
	(pc) =	sbr.rel @p1 .LBB2_106-.Ltmp100, $2  }
0x4a4: {  	v17 =	vsel vm0, v17, v20;
	_ =	sdelay $0x2  }
0x4a5: {  	s5 =	sadd.s32 $0x10, s5;
	vm0 =	veq.f32 v19, v16  }
.LBB2_107:
.Ltmp101:
0x4a6: {  	(pc) =	sbr.rel .LBB2_108-.Ltmp101, $4  }
0x4a7: {  	v18 =	vnsel vm0, $0x7FFFFFFF, v18  }
0x4a8: {  	vm0 =	vlt.s32 v17, v18  }
0x4a9: {  	v17 =	vsel vm0, v17, v18  }
0x4aa: {  	v17 =	vsub.s32 $0x80000000, v17  }
.LBB2_169:
0x4ab: {  	vm0 =	vmmov $0xff  }
0x4ac: {  	v14 =	vsel vm0, v14, v16;
	v15 =	vsel vm0, v15, v17;
	v17 =	vimm.s32 $0x1;
	v16 =	vmovc v2  }
.LBB2_108:
0x4ad: {  	(xrf0) =	vmax.scan.msk.u32 $0xffff, v17;
	_ =	sdelay $0x5  }
0x4ae: {  	v17, _, _ =	vpop (xrf0)  }
0x4af: {  	(v2sf) =	vpush v17, $0xF;
	_ =	sdelay $0xd  }
.Ltmp102:
0x4b0: {  	_ = 	snop;
	(pc) =	sbr.rel @p0 .LBB2_170-.Ltmp102, $4  }
0x4b1: {  	s0 =	spop (v2sf)  }
0x4b2: {  	s0 =	sxor.u32 $0x7FFFFFFF, s0  }
0x4b3: {  	s0 =	sadd.s32 $0x1, s0  }
0x4b4: {  	v17 =	vmov s0  }
0x4b5: {  	p1 =	sne.s32 s30, $0x1  }
.Ltmp103:
0x4b6: {  	_ = 	snop;
	(pc) =	sbr.rel @!p1 .LBB2_111-.Ltmp103, $3  }
0x4b7: {  	_ =	sdelay $0x1  }
0x4b8: {  	s1 =	simm.s32 $0x17900  }
0x4b9: {  	s0 =	simm.s32 $0x13900;
	s6 =	sadd.s32 $0xFFFFFFFF, s30;
	s5 =	simm.s32 $0x13900;
	v18 =	vld [tilespmem:s1+$0x0]  }
.LBB2_110:
0x4ba: {  	p2 =	sne.s32 s6, $0x1;
	v19 =	vld [tilespmem:s5+$0x0];
	_ =	sdelay $0x2  }
.Ltmp104:
0x4bb: {  	(pc) =	sbr.rel @p2 .LBB2_110-.Ltmp104, $4  }
0x4bc: {  	vm0 =	veq.s32 v18, v17  }
0x4bd: {  	v18 =	vsel vm0, $0xFF800000, v19  }
0x4be: {  	s1 =	sadd.s32 $0x10, s1;
	[tilespmem:s5+$0x0] =	vst v18  }
0x4bf: {  	s6 =	sadd.s32 $0xFFFFFFFF, s6;
	s5 =	sadd.s32 $0x10, s5;
	v18 =	vld [tilespmem:s1+$0x0]  }
.LBB2_111:
0x4c0: {  	v19 =	vld [tilespmem:s5+$0x0];
	_ =	sdelay $0x1  }
0x4c1: {  	p2 =	seq.s32 s30, $0x1  }
.Ltmp105:
0x4c2: {  	_ = 	snop;
	(pc) =	sbr.rel @p2 .LBB2_113-.Ltmp105, $4  }
0x4c3: {  	vm0 =	veq.s32 v18, v17  }
0x4c4: {  	v18 =	vsel vm0, $0xFF800000, v19  }
0x4c5: {  	vm15 =	vmmov $0x1ff;
	[tilespmem:s5+$0x0] =	vst v18  }
0x4c6: {  	s1 =	sadd.s32 $0xFFFFFFFF, s30;
	v14 =	vsel vm15, v14, v16;
	v15 =	vsel vm15, v15, v17;
	v16 =	vimm.f32 $-Inf;
	v17 =	vld [tilespmem:s0+$0x0]  }
.LBB2_112:
0x4c7: {  	p2 =	seq.s32 s1, $0x1  }
.Ltmp106:
0x4c8: {  	_ = 	snop;
	(pc) =	sbr.rel @!p2 .LBB2_112-.Ltmp106, $3  }
0x4c9: {  	_ =	sdelay $0x1  }
0x4ca: {  	s1 =	sadd.s32 $0xFFFFFFFF, s1;
	s0 =	sadd.s32 $0x10, s0;
	v16 =	vmax.f32 v16, v17  }
0x4cb: {  	v17 =	vld [tilespmem:s0+$0x0]  }
.LBB2_113:
0x4cc: {  	_ =	sdelay $0x3  }
0x4cd: {  	v16 =	vmax.f32 v16, v17  }
0x4ce: {  	(xrf0) =	vmax.scan.msk.f32 $0xffff, v16;
	_ =	sdelay $0x2  }
0x4cf: {  	s0 =	simm.s32 $0x13900  }
0x4d0: {  	v19 =	vld [tilespmem:s0+$0x0];
	s0 =	simm.s32 $0x17900  }
.Ltmp107:
0x4d1: {  	v18 =	vld [tilespmem:s0+$0x0];
	(pc) =	sbr.rel @!p1 .LBB2_115-.Ltmp107, $3  }
0x4d2: {  	v16, _, _ =	vpop (xrf0)  }
0x4d3: {  	v16 =	vbroadcast v16, $0xF;
	_ =	sdelay $0x1  }
0x4d4: {  	s1 =	sadd.s32 $0xFFFFFFFF, s30;
	s5 =	simm.s32 $0x13910;
	v17 =	vimm.s32 $0x7FFFFFFF;
	vm0 =	veq.f32 v19, v16  }
.LBB2_114:
0x4d5: {  	v19 =	vld [tilespmem:s5+$0x0];
	p1 =	sne.s32 s1, $0x1;
	s1 =	sadd.s32 $0xFFFFFFFF, s1;
	v20 =	vnsel vm0, $0x7FFFFFFF, v18;
	s0 =	sadd.s32 $0x10, s0  }
.Ltmp108:
0x4d6: {  	v18 =	vld [tilespmem:s0+$0x0];
	vm0 =	vlt.s32 v17, v20;
	(pc) =	sbr.rel @p1 .LBB2_114-.Ltmp108, $2  }
0x4d7: {  	v17 =	vsel vm0, v17, v20;
	_ =	sdelay $0x2  }
0x4d8: {  	s5 =	sadd.s32 $0x10, s5;
	vm0 =	veq.f32 v19, v16  }
.LBB2_115:
.Ltmp109:
0x4d9: {  	(pc) =	sbr.rel .LBB2_116-.Ltmp109, $4  }
0x4da: {  	v18 =	vnsel vm0, $0x7FFFFFFF, v18  }
0x4db: {  	vm0 =	vlt.s32 v17, v18  }
0x4dc: {  	v17 =	vsel vm0, v17, v18  }
0x4dd: {  	v17 =	vsub.s32 $0x80000000, v17  }
.LBB2_170:
0x4de: {  	vm0 =	vmmov $0x1ff  }
0x4df: {  	v14 =	vsel vm0, v14, v16;
	v15 =	vsel vm0, v15, v17;
	v17 =	vimm.s32 $0x1;
	v16 =	vmovc v2  }
.LBB2_116:
0x4e0: {  	(xrf0) =	vmax.scan.msk.u32 $0xffff, v17;
	_ =	sdelay $0x5  }
0x4e1: {  	v17, _, _ =	vpop (xrf0)  }
0x4e2: {  	(v2sf) =	vpush v17, $0xF;
	_ =	sdelay $0xd  }
.Ltmp110:
0x4e3: {  	_ = 	snop;
	(pc) =	sbr.rel @p0 .LBB2_171-.Ltmp110, $4  }
0x4e4: {  	s0 =	spop (v2sf)  }
0x4e5: {  	s0 =	sxor.u32 $0x7FFFFFFF, s0  }
0x4e6: {  	s0 =	sadd.s32 $0x1, s0  }
0x4e7: {  	v17 =	vmov s0  }
0x4e8: {  	p1 =	sne.s32 s30, $0x1  }
.Ltmp111:
0x4e9: {  	_ = 	snop;
	(pc) =	sbr.rel @!p1 .LBB2_119-.Ltmp111, $3  }
0x4ea: {  	_ =	sdelay $0x1  }
0x4eb: {  	s1 =	simm.s32 $0x17900  }
0x4ec: {  	s0 =	simm.s32 $0x13900;
	s6 =	sadd.s32 $0xFFFFFFFF, s30;
	s5 =	simm.s32 $0x13900;
	v18 =	vld [tilespmem:s1+$0x0]  }
.LBB2_118:
0x4ed: {  	p2 =	sne.s32 s6, $0x1;
	v19 =	vld [tilespmem:s5+$0x0];
	_ =	sdelay $0x2  }
.Ltmp112:
0x4ee: {  	(pc) =	sbr.rel @p2 .LBB2_118-.Ltmp112, $4  }
0x4ef: {  	vm0 =	veq.s32 v18, v17  }
0x4f0: {  	v18 =	vsel vm0, $0xFF800000, v19  }
0x4f1: {  	s1 =	sadd.s32 $0x10, s1;
	[tilespmem:s5+$0x0] =	vst v18  }
0x4f2: {  	s6 =	sadd.s32 $0xFFFFFFFF, s6;
	s5 =	sadd.s32 $0x10, s5;
	v18 =	vld [tilespmem:s1+$0x0]  }
.LBB2_119:
0x4f3: {  	v19 =	vld [tilespmem:s5+$0x0];
	_ =	sdelay $0x1  }
0x4f4: {  	p2 =	seq.s32 s30, $0x1  }
.Ltmp113:
0x4f5: {  	_ = 	snop;
	(pc) =	sbr.rel @p2 .LBB2_121-.Ltmp113, $4  }
0x4f6: {  	vm0 =	veq.s32 v18, v17  }
0x4f7: {  	v18 =	vsel vm0, $0xFF800000, v19  }
0x4f8: {  	vm15 =	vmmov $0x3ff;
	[tilespmem:s5+$0x0] =	vst v18  }
0x4f9: {  	s1 =	sadd.s32 $0xFFFFFFFF, s30;
	v14 =	vsel vm15, v14, v16;
	v15 =	vsel vm15, v15, v17;
	v16 =	vimm.f32 $-Inf;
	v17 =	vld [tilespmem:s0+$0x0]  }
.LBB2_120:
0x4fa: {  	p2 =	seq.s32 s1, $0x1  }
.Ltmp114:
0x4fb: {  	_ = 	snop;
	(pc) =	sbr.rel @!p2 .LBB2_120-.Ltmp114, $3  }
0x4fc: {  	_ =	sdelay $0x1  }
0x4fd: {  	s1 =	sadd.s32 $0xFFFFFFFF, s1;
	s0 =	sadd.s32 $0x10, s0;
	v16 =	vmax.f32 v16, v17  }
0x4fe: {  	v17 =	vld [tilespmem:s0+$0x0]  }
.LBB2_121:
0x4ff: {  	_ =	sdelay $0x3  }
0x500: {  	v16 =	vmax.f32 v16, v17  }
0x501: {  	(xrf0) =	vmax.scan.msk.f32 $0xffff, v16;
	_ =	sdelay $0x2  }
0x502: {  	s0 =	simm.s32 $0x13900  }
0x503: {  	v19 =	vld [tilespmem:s0+$0x0];
	s0 =	simm.s32 $0x17900  }
.Ltmp115:
0x504: {  	v18 =	vld [tilespmem:s0+$0x0];
	(pc) =	sbr.rel @!p1 .LBB2_123-.Ltmp115, $3  }
0x505: {  	v16, _, _ =	vpop (xrf0)  }
0x506: {  	v16 =	vbroadcast v16, $0xF;
	_ =	sdelay $0x1  }
0x507: {  	s1 =	sadd.s32 $0xFFFFFFFF, s30;
	s5 =	simm.s32 $0x13910;
	v17 =	vimm.s32 $0x7FFFFFFF;
	vm0 =	veq.f32 v19, v16  }
.LBB2_122:
0x508: {  	v19 =	vld [tilespmem:s5+$0x0];
	p1 =	sne.s32 s1, $0x1;
	s1 =	sadd.s32 $0xFFFFFFFF, s1;
	v20 =	vnsel vm0, $0x7FFFFFFF, v18;
	s0 =	sadd.s32 $0x10, s0  }
.Ltmp116:
0x509: {  	v18 =	vld [tilespmem:s0+$0x0];
	vm0 =	vlt.s32 v17, v20;
	(pc) =	sbr.rel @p1 .LBB2_122-.Ltmp116, $2  }
0x50a: {  	v17 =	vsel vm0, v17, v20;
	_ =	sdelay $0x2  }
0x50b: {  	s5 =	sadd.s32 $0x10, s5;
	vm0 =	veq.f32 v19, v16  }
.LBB2_123:
.Ltmp117:
0x50c: {  	(pc) =	sbr.rel .LBB2_124-.Ltmp117, $4  }
0x50d: {  	v18 =	vnsel vm0, $0x7FFFFFFF, v18  }
0x50e: {  	vm0 =	vlt.s32 v17, v18  }
0x50f: {  	v17 =	vsel vm0, v17, v18  }
0x510: {  	v17 =	vsub.s32 $0x80000000, v17  }
.LBB2_171:
0x511: {  	vm0 =	vmmov $0x3ff  }
0x512: {  	v14 =	vsel vm0, v14, v16;
	v15 =	vsel vm0, v15, v17;
	v17 =	vimm.s32 $0x1;
	v16 =	vmovc v2  }
.LBB2_124:
0x513: {  	(xrf0) =	vmax.scan.msk.u32 $0xffff, v17;
	_ =	sdelay $0x5  }
0x514: {  	v17, _, _ =	vpop (xrf0)  }
0x515: {  	(v2sf) =	vpush v17, $0xF;
	_ =	sdelay $0xd  }
.Ltmp118:
0x516: {  	_ = 	snop;
	(pc) =	sbr.rel @p0 .LBB2_172-.Ltmp118, $4  }
0x517: {  	s0 =	spop (v2sf)  }
0x518: {  	s0 =	sxor.u32 $0x7FFFFFFF, s0  }
0x519: {  	s0 =	sadd.s32 $0x1, s0  }
0x51a: {  	v17 =	vmov s0  }
0x51b: {  	p1 =	sne.s32 s30, $0x1  }
.Ltmp119:
0x51c: {  	_ = 	snop;
	(pc) =	sbr.rel @!p1 .LBB2_127-.Ltmp119, $3  }
0x51d: {  	_ =	sdelay $0x1  }
0x51e: {  	s1 =	simm.s32 $0x17900  }
0x51f: {  	s0 =	simm.s32 $0x13900;
	s6 =	sadd.s32 $0xFFFFFFFF, s30;
	s5 =	simm.s32 $0x13900;
	v18 =	vld [tilespmem:s1+$0x0]  }
.LBB2_126:
0x520: {  	p2 =	sne.s32 s6, $0x1;
	v19 =	vld [tilespmem:s5+$0x0];
	_ =	sdelay $0x2  }
.Ltmp120:
0x521: {  	(pc) =	sbr.rel @p2 .LBB2_126-.Ltmp120, $4  }
0x522: {  	vm0 =	veq.s32 v18, v17  }
0x523: {  	v18 =	vsel vm0, $0xFF800000, v19  }
0x524: {  	s1 =	sadd.s32 $0x10, s1;
	[tilespmem:s5+$0x0] =	vst v18  }
0x525: {  	s6 =	sadd.s32 $0xFFFFFFFF, s6;
	s5 =	sadd.s32 $0x10, s5;
	v18 =	vld [tilespmem:s1+$0x0]  }
.LBB2_127:
0x526: {  	v19 =	vld [tilespmem:s5+$0x0];
	_ =	sdelay $0x1  }
0x527: {  	p2 =	seq.s32 s30, $0x1  }
.Ltmp121:
0x528: {  	_ = 	snop;
	(pc) =	sbr.rel @p2 .LBB2_129-.Ltmp121, $4  }
0x529: {  	vm0 =	veq.s32 v18, v17  }
0x52a: {  	v18 =	vsel vm0, $0xFF800000, v19  }
0x52b: {  	vm15 =	vmmov $0x7ff;
	[tilespmem:s5+$0x0] =	vst v18  }
0x52c: {  	s1 =	sadd.s32 $0xFFFFFFFF, s30;
	v14 =	vsel vm15, v14, v16;
	v15 =	vsel vm15, v15, v17;
	v16 =	vimm.f32 $-Inf;
	v17 =	vld [tilespmem:s0+$0x0]  }
.LBB2_128:
0x52d: {  	p2 =	seq.s32 s1, $0x1  }
.Ltmp122:
0x52e: {  	_ = 	snop;
	(pc) =	sbr.rel @!p2 .LBB2_128-.Ltmp122, $3  }
0x52f: {  	_ =	sdelay $0x1  }
0x530: {  	s1 =	sadd.s32 $0xFFFFFFFF, s1;
	s0 =	sadd.s32 $0x10, s0;
	v16 =	vmax.f32 v16, v17  }
0x531: {  	v17 =	vld [tilespmem:s0+$0x0]  }
.LBB2_129:
0x532: {  	_ =	sdelay $0x3  }
0x533: {  	v16 =	vmax.f32 v16, v17  }
0x534: {  	(xrf0) =	vmax.scan.msk.f32 $0xffff, v16;
	_ =	sdelay $0x2  }
0x535: {  	s0 =	simm.s32 $0x13900  }
0x536: {  	v19 =	vld [tilespmem:s0+$0x0];
	s0 =	simm.s32 $0x17900  }
.Ltmp123:
0x537: {  	v18 =	vld [tilespmem:s0+$0x0];
	(pc) =	sbr.rel @!p1 .LBB2_131-.Ltmp123, $3  }
0x538: {  	v16, _, _ =	vpop (xrf0)  }
0x539: {  	v16 =	vbroadcast v16, $0xF;
	_ =	sdelay $0x1  }
0x53a: {  	s1 =	sadd.s32 $0xFFFFFFFF, s30;
	s5 =	simm.s32 $0x13910;
	v17 =	vimm.s32 $0x7FFFFFFF;
	vm0 =	veq.f32 v19, v16  }
.LBB2_130:
0x53b: {  	v19 =	vld [tilespmem:s5+$0x0];
	p1 =	sne.s32 s1, $0x1;
	s1 =	sadd.s32 $0xFFFFFFFF, s1;
	v20 =	vnsel vm0, $0x7FFFFFFF, v18;
	s0 =	sadd.s32 $0x10, s0  }
.Ltmp124:
0x53c: {  	v18 =	vld [tilespmem:s0+$0x0];
	vm0 =	vlt.s32 v17, v20;
	(pc) =	sbr.rel @p1 .LBB2_130-.Ltmp124, $2  }
0x53d: {  	v17 =	vsel vm0, v17, v20;
	_ =	sdelay $0x2  }
0x53e: {  	s5 =	sadd.s32 $0x10, s5;
	vm0 =	veq.f32 v19, v16  }
.LBB2_131:
.Ltmp125:
0x53f: {  	(pc) =	sbr.rel .LBB2_132-.Ltmp125, $4  }
0x540: {  	v18 =	vnsel vm0, $0x7FFFFFFF, v18  }
0x541: {  	vm0 =	vlt.s32 v17, v18  }
0x542: {  	v17 =	vsel vm0, v17, v18  }
0x543: {  	v17 =	vsub.s32 $0x80000000, v17  }
.LBB2_172:
0x544: {  	vm0 =	vmmov $0x7ff  }
0x545: {  	v14 =	vsel vm0, v14, v16;
	v15 =	vsel vm0, v15, v17;
	v17 =	vimm.s32 $0x1;
	v16 =	vmovc v2  }
.LBB2_132:
0x546: {  	(xrf0) =	vmax.scan.msk.u32 $0xffff, v17;
	_ =	sdelay $0x5  }
0x547: {  	v17, _, _ =	vpop (xrf0)  }
0x548: {  	(v2sf) =	vpush v17, $0xF;
	_ =	sdelay $0xd  }
.Ltmp126:
0x549: {  	_ = 	snop;
	(pc) =	sbr.rel @p0 .LBB2_173-.Ltmp126, $4  }
0x54a: {  	s0 =	spop (v2sf)  }
0x54b: {  	s0 =	sxor.u32 $0x7FFFFFFF, s0  }
0x54c: {  	s0 =	sadd.s32 $0x1, s0  }
0x54d: {  	v17 =	vmov s0  }
0x54e: {  	p1 =	sne.s32 s30, $0x1  }
.Ltmp127:
0x54f: {  	_ = 	snop;
	(pc) =	sbr.rel @!p1 .LBB2_135-.Ltmp127, $3  }
0x550: {  	_ =	sdelay $0x1  }
0x551: {  	s1 =	simm.s32 $0x17900  }
0x552: {  	s0 =	simm.s32 $0x13900;
	s6 =	sadd.s32 $0xFFFFFFFF, s30;
	s5 =	simm.s32 $0x13900;
	v18 =	vld [tilespmem:s1+$0x0]  }
.LBB2_134:
0x553: {  	p2 =	sne.s32 s6, $0x1;
	v19 =	vld [tilespmem:s5+$0x0];
	_ =	sdelay $0x2  }
.Ltmp128:
0x554: {  	(pc) =	sbr.rel @p2 .LBB2_134-.Ltmp128, $4  }
0x555: {  	vm0 =	veq.s32 v18, v17  }
0x556: {  	v18 =	vsel vm0, $0xFF800000, v19  }
0x557: {  	s1 =	sadd.s32 $0x10, s1;
	[tilespmem:s5+$0x0] =	vst v18  }
0x558: {  	s6 =	sadd.s32 $0xFFFFFFFF, s6;
	s5 =	sadd.s32 $0x10, s5;
	v18 =	vld [tilespmem:s1+$0x0]  }
.LBB2_135:
0x559: {  	v19 =	vld [tilespmem:s5+$0x0];
	_ =	sdelay $0x1  }
0x55a: {  	p2 =	seq.s32 s30, $0x1  }
.Ltmp129:
0x55b: {  	_ = 	snop;
	(pc) =	sbr.rel @p2 .LBB2_137-.Ltmp129, $4  }
0x55c: {  	vm0 =	veq.s32 v18, v17  }
0x55d: {  	v18 =	vsel vm0, $0xFF800000, v19  }
0x55e: {  	vm15 =	vmmov $0xfff;
	[tilespmem:s5+$0x0] =	vst v18  }
0x55f: {  	s1 =	sadd.s32 $0xFFFFFFFF, s30;
	v14 =	vsel vm15, v14, v16;
	v15 =	vsel vm15, v15, v17;
	v16 =	vimm.f32 $-Inf;
	v17 =	vld [tilespmem:s0+$0x0]  }
.LBB2_136:
0x560: {  	p2 =	seq.s32 s1, $0x1  }
.Ltmp130:
0x561: {  	_ = 	snop;
	(pc) =	sbr.rel @!p2 .LBB2_136-.Ltmp130, $3  }
0x562: {  	_ =	sdelay $0x1  }
0x563: {  	s1 =	sadd.s32 $0xFFFFFFFF, s1;
	s0 =	sadd.s32 $0x10, s0;
	v16 =	vmax.f32 v16, v17  }
0x564: {  	v17 =	vld [tilespmem:s0+$0x0]  }
.LBB2_137:
0x565: {  	_ =	sdelay $0x3  }
0x566: {  	v16 =	vmax.f32 v16, v17  }
0x567: {  	(xrf0) =	vmax.scan.msk.f32 $0xffff, v16;
	_ =	sdelay $0x2  }
0x568: {  	s0 =	simm.s32 $0x13900  }
0x569: {  	v19 =	vld [tilespmem:s0+$0x0];
	s0 =	simm.s32 $0x17900  }
.Ltmp131:
0x56a: {  	v18 =	vld [tilespmem:s0+$0x0];
	(pc) =	sbr.rel @!p1 .LBB2_139-.Ltmp131, $3  }
0x56b: {  	v16, _, _ =	vpop (xrf0)  }
0x56c: {  	v16 =	vbroadcast v16, $0xF;
	_ =	sdelay $0x1  }
0x56d: {  	s1 =	sadd.s32 $0xFFFFFFFF, s30;
	s5 =	simm.s32 $0x13910;
	v17 =	vimm.s32 $0x7FFFFFFF;
	vm0 =	veq.f32 v19, v16  }
.LBB2_138:
0x56e: {  	v19 =	vld [tilespmem:s5+$0x0];
	p1 =	sne.s32 s1, $0x1;
	s1 =	sadd.s32 $0xFFFFFFFF, s1;
	v20 =	vnsel vm0, $0x7FFFFFFF, v18;
	s0 =	sadd.s32 $0x10, s0  }
.Ltmp132:
0x56f: {  	v18 =	vld [tilespmem:s0+$0x0];
	vm0 =	vlt.s32 v17, v20;
	(pc) =	sbr.rel @p1 .LBB2_138-.Ltmp132, $2  }
0x570: {  	v17 =	vsel vm0, v17, v20;
	_ =	sdelay $0x2  }
0x571: {  	s5 =	sadd.s32 $0x10, s5;
	vm0 =	veq.f32 v19, v16  }
.LBB2_139:
.Ltmp133:
0x572: {  	(pc) =	sbr.rel .LBB2_140-.Ltmp133, $4  }
0x573: {  	v18 =	vnsel vm0, $0x7FFFFFFF, v18  }
0x574: {  	vm0 =	vlt.s32 v17, v18  }
0x575: {  	v17 =	vsel vm0, v17, v18  }
0x576: {  	v17 =	vsub.s32 $0x80000000, v17  }
.LBB2_173:
0x577: {  	vm0 =	vmmov $0xfff  }
0x578: {  	v14 =	vsel vm0, v14, v16;
	v15 =	vsel vm0, v15, v17;
	v17 =	vimm.s32 $0x1;
	v16 =	vmovc v2  }
.LBB2_140:
0x579: {  	(xrf0) =	vmax.scan.msk.u32 $0xffff, v17;
	_ =	sdelay $0x5  }
0x57a: {  	v17, _, _ =	vpop (xrf0)  }
0x57b: {  	(v2sf) =	vpush v17, $0xF;
	_ =	sdelay $0xd  }
.Ltmp134:
0x57c: {  	_ = 	snop;
	(pc) =	sbr.rel @p0 .LBB2_174-.Ltmp134, $4  }
0x57d: {  	s0 =	spop (v2sf)  }
0x57e: {  	s0 =	sxor.u32 $0x7FFFFFFF, s0  }
0x57f: {  	s0 =	sadd.s32 $0x1, s0  }
0x580: {  	v17 =	vmov s0  }
0x581: {  	p1 =	sne.s32 s30, $0x1  }
.Ltmp135:
0x582: {  	_ = 	snop;
	(pc) =	sbr.rel @!p1 .LBB2_143-.Ltmp135, $3  }
0x583: {  	_ =	sdelay $0x1  }
0x584: {  	s1 =	simm.s32 $0x17900  }
0x585: {  	s0 =	simm.s32 $0x13900;
	s6 =	sadd.s32 $0xFFFFFFFF, s30;
	s5 =	simm.s32 $0x13900;
	v18 =	vld [tilespmem:s1+$0x0]  }
.LBB2_142:
0x586: {  	p2 =	sne.s32 s6, $0x1;
	v19 =	vld [tilespmem:s5+$0x0];
	_ =	sdelay $0x2  }
.Ltmp136:
0x587: {  	(pc) =	sbr.rel @p2 .LBB2_142-.Ltmp136, $4  }
0x588: {  	vm0 =	veq.s32 v18, v17  }
0x589: {  	v18 =	vsel vm0, $0xFF800000, v19  }
0x58a: {  	s1 =	sadd.s32 $0x10, s1;
	[tilespmem:s5+$0x0] =	vst v18  }
0x58b: {  	s6 =	sadd.s32 $0xFFFFFFFF, s6;
	s5 =	sadd.s32 $0x10, s5;
	v18 =	vld [tilespmem:s1+$0x0]  }
.LBB2_143:
0x58c: {  	v19 =	vld [tilespmem:s5+$0x0];
	_ =	sdelay $0x1  }
0x58d: {  	p2 =	seq.s32 s30, $0x1  }
.Ltmp137:
0x58e: {  	_ = 	snop;
	(pc) =	sbr.rel @p2 .LBB2_145-.Ltmp137, $4  }
0x58f: {  	vm0 =	veq.s32 v18, v17  }
0x590: {  	v18 =	vsel vm0, $0xFF800000, v19  }
0x591: {  	vm15 =	vmmov $0x1fff;
	[tilespmem:s5+$0x0] =	vst v18  }
0x592: {  	s1 =	sadd.s32 $0xFFFFFFFF, s30;
	v14 =	vsel vm15, v14, v16;
	v15 =	vsel vm15, v15, v17;
	v16 =	vimm.f32 $-Inf;
	v17 =	vld [tilespmem:s0+$0x0]  }
.LBB2_144:
0x593: {  	p2 =	seq.s32 s1, $0x1  }
.Ltmp138:
0x594: {  	_ = 	snop;
	(pc) =	sbr.rel @!p2 .LBB2_144-.Ltmp138, $3  }
0x595: {  	_ =	sdelay $0x1  }
0x596: {  	s1 =	sadd.s32 $0xFFFFFFFF, s1;
	s0 =	sadd.s32 $0x10, s0;
	v16 =	vmax.f32 v16, v17  }
0x597: {  	v17 =	vld [tilespmem:s0+$0x0]  }
.LBB2_145:
0x598: {  	_ =	sdelay $0x3  }
0x599: {  	v16 =	vmax.f32 v16, v17  }
0x59a: {  	(xrf0) =	vmax.scan.msk.f32 $0xffff, v16;
	_ =	sdelay $0x2  }
0x59b: {  	s0 =	simm.s32 $0x13900  }
0x59c: {  	v19 =	vld [tilespmem:s0+$0x0];
	s0 =	simm.s32 $0x17900  }
.Ltmp139:
0x59d: {  	v18 =	vld [tilespmem:s0+$0x0];
	(pc) =	sbr.rel @!p1 .LBB2_147-.Ltmp139, $3  }
0x59e: {  	v16, _, _ =	vpop (xrf0)  }
0x59f: {  	v16 =	vbroadcast v16, $0xF;
	_ =	sdelay $0x1  }
0x5a0: {  	s1 =	sadd.s32 $0xFFFFFFFF, s30;
	s5 =	simm.s32 $0x13910;
	v17 =	vimm.s32 $0x7FFFFFFF;
	vm0 =	veq.f32 v19, v16  }
.LBB2_146:
0x5a1: {  	v19 =	vld [tilespmem:s5+$0x0];
	p1 =	sne.s32 s1, $0x1;
	s1 =	sadd.s32 $0xFFFFFFFF, s1;
	v20 =	vnsel vm0, $0x7FFFFFFF, v18;
	s0 =	sadd.s32 $0x10, s0  }
.Ltmp140:
0x5a2: {  	v18 =	vld [tilespmem:s0+$0x0];
	vm0 =	vlt.s32 v17, v20;
	(pc) =	sbr.rel @p1 .LBB2_146-.Ltmp140, $2  }
0x5a3: {  	v17 =	vsel vm0, v17, v20;
	_ =	sdelay $0x2  }
0x5a4: {  	s5 =	sadd.s32 $0x10, s5;
	vm0 =	veq.f32 v19, v16  }
.LBB2_147:
.Ltmp141:
0x5a5: {  	(pc) =	sbr.rel .LBB2_148-.Ltmp141, $4  }
0x5a6: {  	v18 =	vnsel vm0, $0x7FFFFFFF, v18  }
0x5a7: {  	vm0 =	vlt.s32 v17, v18  }
0x5a8: {  	v17 =	vsel vm0, v17, v18  }
0x5a9: {  	v17 =	vsub.s32 $0x80000000, v17  }
.LBB2_174:
0x5aa: {  	vm0 =	vmmov $0x1fff  }
0x5ab: {  	v14 =	vsel vm0, v14, v16;
	v15 =	vsel vm0, v15, v17;
	v17 =	vimm.s32 $0x1;
	v16 =	vmovc v2  }
.LBB2_148:
0x5ac: {  	(xrf0) =	vmax.scan.msk.u32 $0xffff, v17;
	_ =	sdelay $0x5  }
0x5ad: {  	v17, _, _ =	vpop (xrf0)  }
0x5ae: {  	(v2sf) =	vpush v17, $0xF;
	_ =	sdelay $0xd  }
.Ltmp142:
0x5af: {  	_ = 	snop;
	(pc) =	sbr.rel @p0 .LBB2_175-.Ltmp142, $4  }
0x5b0: {  	s0 =	spop (v2sf)  }
0x5b1: {  	s0 =	sxor.u32 $0x7FFFFFFF, s0  }
0x5b2: {  	s0 =	sadd.s32 $0x1, s0  }
0x5b3: {  	v17 =	vmov s0  }
0x5b4: {  	p1 =	sne.s32 s30, $0x1  }
.Ltmp143:
0x5b5: {  	_ = 	snop;
	(pc) =	sbr.rel @!p1 .LBB2_151-.Ltmp143, $3  }
0x5b6: {  	_ =	sdelay $0x1  }
0x5b7: {  	s1 =	simm.s32 $0x17900  }
0x5b8: {  	s0 =	simm.s32 $0x13900;
	s6 =	sadd.s32 $0xFFFFFFFF, s30;
	s5 =	simm.s32 $0x13900;
	v18 =	vld [tilespmem:s1+$0x0]  }
.LBB2_150:
0x5b9: {  	p2 =	sne.s32 s6, $0x1;
	v19 =	vld [tilespmem:s5+$0x0];
	_ =	sdelay $0x2  }
.Ltmp144:
0x5ba: {  	(pc) =	sbr.rel @p2 .LBB2_150-.Ltmp144, $4  }
0x5bb: {  	vm0 =	veq.s32 v18, v17  }
0x5bc: {  	v18 =	vsel vm0, $0xFF800000, v19  }
0x5bd: {  	s1 =	sadd.s32 $0x10, s1;
	[tilespmem:s5+$0x0] =	vst v18  }
0x5be: {  	s6 =	sadd.s32 $0xFFFFFFFF, s6;
	s5 =	sadd.s32 $0x10, s5;
	v18 =	vld [tilespmem:s1+$0x0]  }
.LBB2_151:
0x5bf: {  	v19 =	vld [tilespmem:s5+$0x0];
	_ =	sdelay $0x1  }
0x5c0: {  	p2 =	seq.s32 s30, $0x1  }
.Ltmp145:
0x5c1: {  	_ = 	snop;
	(pc) =	sbr.rel @p2 .LBB2_153-.Ltmp145, $4  }
0x5c2: {  	vm0 =	veq.s32 v18, v17  }
0x5c3: {  	v18 =	vsel vm0, $0xFF800000, v19  }
0x5c4: {  	vm15 =	vmmov $0x3fff;
	[tilespmem:s5+$0x0] =	vst v18  }
0x5c5: {  	s1 =	sadd.s32 $0xFFFFFFFF, s30;
	v14 =	vsel vm15, v14, v16;
	v15 =	vsel vm15, v15, v17;
	v16 =	vimm.f32 $-Inf;
	v17 =	vld [tilespmem:s0+$0x0]  }
.LBB2_152:
0x5c6: {  	p2 =	seq.s32 s1, $0x1  }
.Ltmp146:
0x5c7: {  	_ = 	snop;
	(pc) =	sbr.rel @!p2 .LBB2_152-.Ltmp146, $3  }
0x5c8: {  	_ =	sdelay $0x1  }
0x5c9: {  	s1 =	sadd.s32 $0xFFFFFFFF, s1;
	s0 =	sadd.s32 $0x10, s0;
	v16 =	vmax.f32 v16, v17  }
0x5ca: {  	v17 =	vld [tilespmem:s0+$0x0]  }
.LBB2_153:
0x5cb: {  	_ =	sdelay $0x3  }
0x5cc: {  	v16 =	vmax.f32 v16, v17  }
0x5cd: {  	(xrf0) =	vmax.scan.msk.f32 $0xffff, v16;
	_ =	sdelay $0x2  }
0x5ce: {  	s0 =	simm.s32 $0x13900  }
0x5cf: {  	v20 =	vld [tilespmem:s0+$0x0];
	s0 =	simm.s32 $0x17900  }
.Ltmp147:
0x5d0: {  	v19 =	vld [tilespmem:s0+$0x0];
	(pc) =	sbr.rel @!p1 .LBB2_155-.Ltmp147, $3  }
0x5d1: {  	v16, _, _ =	vpop (xrf0)  }
0x5d2: {  	v18 =	vbroadcast v16, $0xF;
	_ =	sdelay $0x1  }
0x5d3: {  	s1 =	sadd.s32 $0xFFFFFFFF, s30;
	s5 =	simm.s32 $0x13910;
	v17 =	vimm.s32 $0x7FFFFFFF;
	vm0 =	veq.f32 v20, v18  }
.LBB2_154:
0x5d4: {  	v20 =	vld [tilespmem:s5+$0x0];
	p1 =	sne.s32 s1, $0x1;
	s1 =	sadd.s32 $0xFFFFFFFF, s1;
	v21 =	vnsel vm0, $0x7FFFFFFF, v19;
	s0 =	sadd.s32 $0x10, s0  }
.Ltmp148:
0x5d5: {  	v19 =	vld [tilespmem:s0+$0x0];
	vm0 =	vlt.s32 v17, v21;
	(pc) =	sbr.rel @p1 .LBB2_154-.Ltmp148, $2  }
0x5d6: {  	v17 =	vsel vm0, v17, v21;
	_ =	sdelay $0x2  }
0x5d7: {  	s5 =	sadd.s32 $0x10, s5;
	vm0 =	veq.f32 v20, v18  }
.LBB2_155:
.Ltmp149:
0x5d8: {  	(pc) =	sbr.rel .LBB2_156-.Ltmp149, $4  }
0x5d9: {  	v18 =	vnsel vm0, $0x7FFFFFFF, v19  }
0x5da: {  	vm0 =	vlt.s32 v17, v18  }
0x5db: {  	v17 =	vsel vm0, v17, v18  }
0x5dc: {  	v17 =	vsub.s32 $0x80000000, v17  }
.LBB2_175:
0x5dd: {  	vm0 =	vmmov $0x3fff  }
0x5de: {  	v14 =	vsel vm0, v14, v16;
	v15 =	vsel vm0, v15, v17;
	v17 =	vimm.s32 $0x1;
	v16 =	vmovc v1  }
.LBB2_156:
0x5df: {  	(xrf0) =	vmax.scan.msk.u32 $0xffff, v17;
	_ =	sdelay $0x5  }
0x5e0: {  	v17, _, _ =	vpop (xrf0)  }
0x5e1: {  	(v2sf) =	vpush v17, $0xF;
	_ =	sdelay $0xd  }
.Ltmp150:
0x5e2: {  	_ = 	snop;
	(pc) =	sbr.rel @p0 .LBB2_160-.Ltmp150, $4  }
0x5e3: {  	s0 =	spop (v2sf)  }
0x5e4: {  	s0 =	sxor.u32 $0x7FFFFFFF, s0  }
0x5e5: {  	s0 =	sadd.s32 $0x1, s0  }
0x5e6: {  	v17 =	vmov s0  }
0x5e7: {  	p0 =	sne.s32 s30, $0x1  }
.Ltmp151:
0x5e8: {  	_ = 	snop;
	(pc) =	sbr.rel @!p0 .LBB2_159-.Ltmp151, $3  }
0x5e9: {  	_ =	sdelay $0x1  }
0x5ea: {  	s1 =	simm.s32 $0x17900  }
0x5eb: {  	s0 =	simm.s32 $0x13900;
	s5 =	sadd.s32 $0xFFFFFFFF, s30;
	v18 =	vld [tilespmem:s1+$0x0]  }
.LBB2_158:
0x5ec: {  	p0 =	sne.s32 s5, $0x1;
	v19 =	vld [tilespmem:s0+$0x0];
	_ =	sdelay $0x2  }
.Ltmp152:
0x5ed: {  	(pc) =	sbr.rel @p0 .LBB2_158-.Ltmp152, $4  }
0x5ee: {  	vm0 =	veq.s32 v18, v17  }
0x5ef: {  	v18 =	vsel vm0, $0xFF800000, v19  }
0x5f0: {  	s1 =	sadd.s32 $0x10, s1;
	[tilespmem:s0+$0x0] =	vst v18  }
0x5f1: {  	s5 =	sadd.s32 $0xFFFFFFFF, s5;
	s0 =	sadd.s32 $0x10, s0;
	v18 =	vld [tilespmem:s1+$0x0]  }
.Ltmp153:
0x5f2: {  	_ = 	snop;
	(pc) =	sbr.rel .LBB2_159-.Ltmp153, $1  }
0x5f3: {  	_ =	sdelay $0x3  }
.LBB2_24:
.Ltmp154:
0x5f4: {  	(pc) =	sbr.rel .LBB2_29-.Ltmp154, $2  }
0x5f5: {  	_ =	sdelay $0x2  }
0x5f6: {  	v16 =	vimm.s32 $0x0;
	s1 =	simm.s32 $0x17900  }
.LBB2_26:
.Ltmp155:
0x5f7: {  	(pc) =	sbr.rel .LBB2_29-.Ltmp155, $2  }
0x5f8: {  	_ =	sdelay $0x2  }
0x5f9: {  	v18 =	vmov v17;
	v16 =	vmov v17;
	s1 =	simm.s32 $0x17900  }
.LBB2_161:
0x5fa: {  	_ =	sfence.sel $0x180000  }
0x5fb: {  	[bflag:$0x0] =	sbarrier.arrive $0xFFFF  }
0x5fc: {  	_ =	strace $0x90000047  }
0x5fd: {  	s0 =	stileid.u32;
	[bflag:$0x2] =	sbarrier.arrive $0xFFFF  }
0x5fe: {  	p0 =	sne.s32 s0, $0x0;
	s0 =	rddreg [dreg:$0x1]  }
0x5ff: {  	s0 =	sadd.s32 @!p0 $0x100000, s0  }
0x600: {  	[sflag:s0] =	ssyncadd.tile.s32 @!p0 $0x1;
	_ =	shalt  }
.Lfunc_end2:
_tile_overlayer_lowered:
.L_overlay_start_2:
0x601: {  	(tag) =	ssettag $0x2  }
0x602: {  	s0 =	rddreg [dreg:$0x0];
	s2 =	stileid.u32  }
0x603: {  	s1 =	rddreg [dreg:$0x1];
	p0 =	sne.s32 s2, $0x0  }
0x604: {  	s3 =	rddreg [dreg:$0x2];
	[bflag:$0x3] =	sbarrier.arrive $0xFFFF;
	s2 =	simm.s32 @!p0 $0x1C05  }
0x605: {  	[timem:s3], [sflag:s2] =	dma.local @!p0 [hbm:s0], s1  }
0x606: {  	s0 =	simm.s32 @!p0 $0x5  }
0x607: {  	_ =	swait.ge @!p0 [sflag:s0], s1  }
0x608: {  	s1 =	ssub.s32 @!p0 $0x0, s1;
	[sflag:s0] =	ssyncset.done @!p0 $0x0  }
0x609: {  	[sflag:s0] =	ssyncadd.s32 @!p0 s1  }
0x60a: {  	[bflag:$0x3] =	sbarrier.arrive $0xFFFF  }
0x60b: {  	_ =	shalt  }

</sc_bundles>
